<compile_context>
chip_gen: v7x
topology: tpu7x:2x2x1
jax: 0.10.2.dev20260603
libtpu: 0.0.44.dev20260713+nightly
codegen_flags: <defaults>
</compile_context>

<pallas_src>
import functools

import jax
import jax.numpy as jnp
from jax import lax
from jax.experimental import pallas as pl
from jax.experimental.pallas import tpu as pltpu
from jax.experimental.pallas import tpu_sc as plsc

_BINS = 100
_L = 16
_NC = 2
_NS = 16
_NW = _NC * _NS

_P = 512
_PLANES = 96
_PPT = _PLANES // _NW
_CR = 64
_CPP = _P // _CR
_NCH = _PPT * _CPP
_VPR = _P // _L
_GRP = 16
_TBINS = _BINS + 1

_mesh = plsc.VectorSubcoreMesh(core_axis_name="c", subcore_axis_name="s")
_cparams = pltpu.CompilerParams(
    needs_layout_passes=False, use_tc_tiling_on_sc=True
)


def _wid():
    return lax.axis_index("s") * _NC + lax.axis_index("c")


def _start(src, pb, j, slotbuf, sem):
    plane = pb + (j >> 3)
    r0 = (j & 7) * _CR
    pltpu.async_copy(src.at[plane, pl.ds(r0, _CR)], slotbuf, sem)


def _wait(src, slotbuf, sem):
    pltpu.make_async_copy(src.at[0, pl.ds(0, _CR)], slotbuf, sem).wait()


def _pipeline(src, pb, buf, sem0, sem1, compute, init_carry):
    _start(src, pb, 0, buf.at[0], sem0)

    def pair_body(j, carry):
        _wait(src, buf.at[0], sem0)
        _start(src, pb, 2 * j + 1, buf.at[1], sem1)
        carry = compute(buf.at[0], carry)
        _wait(src, buf.at[1], sem1)

        @pl.when(j < _NCH // 2 - 1)
        def _():
            _start(src, pb, 2 * j + 2, buf.at[0], sem0)

        return compute(buf.at[1], carry)

    return lax.fori_loop(0, _NCH // 2, pair_body, init_carry, unroll=False)


_MMROWS = _PLANES * _P
_MMBLK = 1024
_MMG = _MMROWS // _MMBLK


def _minmax_tc_body(p_ref, t_ref, mn_ref, mx_ref):
    i = pl.program_id(0)
    y_mn = jnp.minimum(jnp.min(p_ref[...]), jnp.min(t_ref[...]))
    y_mx = jnp.maximum(jnp.max(p_ref[...]), jnp.max(t_ref[...]))

    @pl.when(i == 0)
    def _():
        mn_ref[0, 0] = y_mn
        mx_ref[0, 0] = y_mx

    @pl.when(i > 0)
    def _():
        mn_ref[0, 0] = jnp.minimum(mn_ref[0, 0], y_mn)
        mx_ref[0, 0] = jnp.maximum(mx_ref[0, 0], y_mx)


_minmax_tc = pl.pallas_call(
    _minmax_tc_body,
    grid=(_MMG,),
    in_specs=[
        pl.BlockSpec((_MMBLK, _P), lambda i: (i, 0)),
        pl.BlockSpec((_MMBLK, _P), lambda i: (i, 0)),
    ],
    out_specs=[
        pl.BlockSpec((1, 1), lambda i: (0, 0), memory_space=pltpu.SMEM),
        pl.BlockSpec((1, 1), lambda i: (0, 0), memory_space=pltpu.SMEM),
    ],
    out_shape=[
        jax.ShapeDtypeStruct((1, 1), jnp.float32),
        jax.ShapeDtypeStruct((1, 1), jnp.float32),
    ],
)


@functools.partial(
    pl.kernel,
    mesh=_mesh,
    out_type=jax.ShapeDtypeStruct((_NW, _TBINS * _L), jnp.float32),
    scratch_types=[
        pltpu.VMEM((2, _CR, _P), jnp.float32),
        pltpu.VMEM((_TBINS * _L,), jnp.float32),
        pltpu.VMEM((2 * _L,), jnp.float32),
        pltpu.SemaphoreType.DMA,
        pltpu.SemaphoreType.DMA,
    ],
    compiler_params=_cparams,
)
def _hist_k(p_hbm, t_hbm, par_hbm, out, buf, hist, par, sem0, sem1):
    w = _wid()
    pb = w * _PPT
    pltpu.sync_copy(par_hbm, par)
    lo = par[pl.ds(0, _L)]
    width = par[pl.ds(_L, _L)]
    lane = lax.iota(jnp.int32, _L)

    def zero_body(i, _):
        hist[pl.ds(i * _L, _L)] = jnp.zeros((_L,), jnp.float32)
        return 0

    lax.fori_loop(0, _TBINS, zero_body, 0)

    def make_compute(sign):
        valv = jnp.full((_L,), sign, jnp.float32)

        def compute(slab, carry):
            @plsc.parallel_loop(0, _CR, 1, unroll=1)
            def row_body(r):
                for g in range(_VPR // _GRP):
                    xs = [
                        slab[r, pl.ds((g * _GRP + u) * _L, _L)]
                        for u in range(_GRP)
                    ]
                    ss = [(x - lo) / width * 100.0 for x in xs]
                    idxs = [s.astype(jnp.int32) for s in ss]
                    addrs = [v * _L + lane for v in idxs]
                    masks = [x >= lo for x in xs]
                    for u in range(_GRP):
                        plsc.addupdate_scatter(
                            hist, [addrs[u]], valv, mask=masks[u]
                        )

            return carry

        return compute

    _pipeline(p_hbm, pb, buf, sem0, sem1, make_compute(1.0), 0)
    _pipeline(t_hbm, pb, buf, sem0, sem1, make_compute(-1.0), 0)
    pltpu.sync_copy(hist, out.at[w])


def kernel(prediction, target):
    p = prediction.reshape(_PLANES, _P, _P)
    t = target.reshape(_PLANES, _P, _P)
    mn, mx = _minmax_tc(
        prediction.reshape(_MMROWS, _P), target.reshape(_MMROWS, _P)
    )
    lo = mn[0, 0] + 0.1
    width = mx[0, 0] - lo
    params = jnp.concatenate(
        [jnp.full((_L,), lo, jnp.float32), jnp.full((_L,), width, jnp.float32)]
    )
    parts = _hist_k(p, t, params)
    diff = parts.reshape(_NW, _TBINS, _L).sum(axis=(0, 2))
    diff = diff[:_BINS].at[_BINS - 1].add(diff[_BINS])
    return jnp.mean(jnp.abs(diff))

# --- scband reference (transcript-rebuilt; emitter-appended) ---
"""Pipeline reference for scband-hist-loss-24515673325744 (READ-ONLY COPY).

The authoritative reference and input builder live on the scoring server;
editing this copy changes nothing except your own understanding.
"""

import jax, jax.numpy as jnp
import numpy as np

BINS = 100

def _histc(img, lo, hi, bins):
    # torch.histc semantics: elements in [lo, hi] counted, linear binning,
    # rightmost bin inclusive of hi; out-of-range elements ignored.
    width = hi - lo
    scaled = (img - lo) / width * bins
    idx = jnp.floor(scaled).astype(jnp.int32)
    idx = jnp.where(img >= hi, bins - 1, idx)
    valid = (img >= lo) & (img <= hi)
    idx = jnp.clip(idx, 0, bins - 1)
    counts = jnp.zeros((bins,), jnp.float32).at[idx.ravel()].add(valid.astype(jnp.float32).ravel())
    return counts

def setup_inputs(seed: int = 0):
    key = jax.random.key(seed)
    k1, k2 = jax.random.split(key)
    prediction = jax.random.normal(k1, (32, 3, 512, 512), dtype=jnp.float32)
    target = jax.random.normal(k2, (32, 3, 512, 512), dtype=jnp.float32)
    return {"prediction": prediction, "target": target}

def reference(prediction, target):
    # _min_max: python floats in torch -> constants w.r.t. grad
    minv = jax.lax.stop_gradient(jnp.minimum(prediction.min(), target.min()))
    maxv = jax.lax.stop_gradient(jnp.maximum(prediction.max(), target.max()))
    lo = minv + 0.1
    # forward detaches both inputs before histogramming
    histc_p = _histc(jax.lax.stop_gradient(prediction), lo, maxv, BINS)
    histc_t = _histc(jax.lax.stop_gradient(target), lo, maxv, BINS)
    # nn.L1Loss(reduction='mean')
    loss = jnp.mean(jnp.abs(histc_p - histc_t))
    return loss

if __name__ == "__main__":
    import jax
    _d = setup_inputs()
    print(jax.jit(kernel)(*tuple(_d.values())))

</pallas_src>

<mosaic_0001>
#map = affine_map<(d0, d1) -> (0, 0, 0)>
#map1 = affine_map<(d0, d1) -> (0)>
#map2 = affine_map<(d0, d1) -> (0, 0)>
module attributes {stable_mosaic.version = 14 : i64} {
  func.func @_hist_k(%arg0: i32, %arg1: i32, %arg2: memref<96x512x512xf32, #tpu.memory_space<hbm>>, %arg3: memref<96x512x512xf32, #tpu.memory_space<hbm>>, %arg4: memref<32xf32, #tpu.memory_space<hbm>>, %arg5: memref<32x1616xf32, #tpu.memory_space<hbm>>, %arg6: memref<2x64x512xf32, #tpu.memory_space<vmem>>, %arg7: memref<1616xf32, #tpu.memory_space<vmem>>, %arg8: memref<32xf32, #tpu.memory_space<vmem>>, %arg9: memref<!tpu.dma_semaphore, #tpu.memory_space<semaphore_mem>>, %arg10: memref<!tpu.dma_semaphore, #tpu.memory_space<semaphore_mem>>) attributes {dimension_semantics = [#tpu.dimension_semantics<core_parallel>, #tpu.dimension_semantics<subcore_parallel>], iteration_bounds = array<i64: 2, 16>, scalar_prefetch = 0 : i64, scratch_operands = 5 : i64, tpu.core_type = #tpu.core_type<sc_vector_subcore>, window_params = [{transform_indices = #map}, {transform_indices = #map}, {transform_indices = #map1}, {transform_indices = #map2}]} {
    %mul3A = arith.constant 2 : i32
    %mul3A_0 = arith.muli %arg1, %mul3A : i32
    %add3A = arith.addi %mul3A_0, %arg0 : i32
    %mul3A_1 = arith.constant 3 : i32
    %mul3A_2 = arith.muli %add3A, %mul3A_1 : i32
    "tpu.region"() ({
      %run_scoped3A = tpu.sem_alloc : memref<!tpu.dma_semaphore, #tpu.memory_space<semaphore_mem>>
      tpu.enqueue_dma source(%arg4 : memref<32xf32, #tpu.memory_space<hbm>>) target(%arg8 : memref<32xf32, #tpu.memory_space<vmem>>) target_semaphore(%run_scoped3A : memref<!tpu.dma_semaphore, #tpu.memory_space<semaphore_mem>>)
      tpu.wait_dma2 semaphore(%run_scoped3A : memref<!tpu.dma_semaphore, #tpu.memory_space<semaphore_mem>>) src(%arg4 : memref<32xf32, #tpu.memory_space<hbm>>) dst(%arg8 : memref<32xf32, #tpu.memory_space<vmem>>)
      tpu.yield
    }) : () -> ()
    %get3A = arith.constant 0 : index
    %get3A_3 = tpu.vector_load %arg8[%get3A] {strides = array<i32>} : memref<32xf32, #tpu.memory_space<vmem>>, vector<16xf32>,
    %get3A_4 = arith.constant 16 : index
    %get3A_5 = tpu.vector_load %arg8[%get3A_4] {strides = array<i32>} : memref<32xf32, #tpu.memory_space<vmem>>, vector<16xf32>,
    %iota3A = tpu.iota {dimensions = array<i32: 0>} : vector<16xi32>
    %scan3A = arith.constant 0 : i32
    %scan3A_6 = arith.constant 0 : i32
    %scan3A_7 = arith.constant 101 : i32
    %scan3A_8 = arith.addi %scan3A_6, %scan3A_7 : i32
    %scan3A_9 = arith.constant 1 : i32
    %scan3A_10 = scf.for %scan3A_64 = %scan3A_6 to %scan3A_8 step %scan3A_9 iter_args(%scan3A_65 = %scan3A) -> (i32)  : i32 {
      %broadcast_in_dim3A_66 = arith.constant 0.000000e+00 : f32
      %broadcast_in_dim3A_67 = vector.broadcast %broadcast_in_dim3A_66 : f32 to vector<16xf32>
      %mul3A_68 = arith.constant 16 : i32
      %mul3A_69 = arith.muli %scan3A_64, %mul3A_68 : i32
      %swap3A = arith.index_cast %mul3A_69 : i32 to index
      %swap3A_70 = tpu.vector_load %arg7[%swap3A] {strides = array<i32>} : memref<1616xf32, #tpu.memory_space<vmem>>, vector<16xf32>,
      tpu.vector_store %arg7[%swap3A], %broadcast_in_dim3A_67 {strides = array<i32>} : memref<1616xf32, #tpu.memory_space<vmem>>, vector<16xf32>,
      %scan3A_71 = arith.constant 0 : i32
      scf.yield %scan3A_71 : i32
    }
    %scan3A_11 = arith.constant 101 : i32
    %broadcast_in_dim3A = arith.constant 1.000000e+00 : f32
    %broadcast_in_dim3A_12 = vector.broadcast %broadcast_in_dim3A : f32 to vector<16xf32>
    %add3A_13 = arith.constant 0 : i32
    %add3A_14 = arith.addi %mul3A_2, %add3A_13 : i32
    %dma_start3A = arith.constant 0 : i32
    %dma_start3A_15 = arith.constant 0 : i32
    %dma_start3A_16 = arith.constant 0 : i32
    %dma_start3A_17 = tpu.memref_slice %arg6[%dma_start3A, %dma_start3A_15, %dma_start3A_16] : memref<2x64x512xf32, #tpu.memory_space<vmem>> -> memref<1x64x512xf32, #tpu.memory_space<vmem>>
    %dma_start3A_18 = tpu.memref_squeeze %dma_start3A_17 : memref<1x64x512xf32, #tpu.memory_space<vmem>> -> memref<64x512xf32, #tpu.memory_space<vmem>>
    %dma_start3A_19 = arith.constant 0 : i32
    %dma_start3A_20 = arith.constant 0 : i32
    %dma_start3A_21 = tpu.memref_slice %arg2[%add3A_14, %dma_start3A_19, %dma_start3A_20] : memref<96x512x512xf32, #tpu.memory_space<hbm>> -> memref<1x64x512xf32, #tpu.memory_space<hbm>>
    %dma_start3A_22 = tpu.memref_squeeze %dma_start3A_21 : memref<1x64x512xf32, #tpu.memory_space<hbm>> -> memref<64x512xf32, #tpu.memory_space<hbm>>
    %dma_start3A_23 = arith.constant 0 : i32
    %dma_start3A_24 = arith.constant 0 : i32
    %dma_start3A_25 = tpu.memref_slice %arg6[%dma_start3A, %dma_start3A_23, %dma_start3A_24] : memref<2x64x512xf32, #tpu.memory_space<vmem>> -> memref<1x64x512xf32, #tpu.memory_space<vmem>>
    %dma_start3A_26 = tpu.memref_squeeze %dma_start3A_25 : memref<1x64x512xf32, #tpu.memory_space<vmem>> -> memref<64x512xf32, #tpu.memory_space<vmem>>
    %dma_start3A_27 = arith.constant 0 : i32
    %dma_start3A_28 = arith.constant 0 : i32
    %dma_start3A_29 = tpu.memref_slice %arg2[%add3A_14, %dma_start3A_27, %dma_start3A_28] : memref<96x512x512xf32, #tpu.memory_space<hbm>> -> memref<1x64x512xf32, #tpu.memory_space<hbm>>
    %dma_start3A_30 = tpu.memref_squeeze %dma_start3A_29 : memref<1x64x512xf32, #tpu.memory_space<hbm>> -> memref<64x512xf32, #tpu.memory_space<hbm>>
    tpu.enqueue_dma source(%dma_start3A_30 : memref<64x512xf32, #tpu.memory_space<hbm>>) target(%dma_start3A_26 : memref<64x512xf32, #tpu.memory_space<vmem>>) target_semaphore(%arg9 : memref<!tpu.dma_semaphore, #tpu.memory_space<semaphore_mem>>)
    %scan3A_31 = arith.constant 0 : i32
    %scan3A_32 = arith.constant 0 : i32
    %scan3A_33 = arith.constant 12 : i32
    %scan3A_34 = arith.addi %scan3A_32, %scan3A_33 : i32
    %scan3A_35 = arith.constant 1 : i32
    scf.for %scan3A_64 = %scan3A_32 to %scan3A_34 step %scan3A_35  : i32 {
      %dma_wait3A = arith.constant 0 : i32
      %dma_wait3A_65 = arith.constant 0 : i32
      %dma_wait3A_66 = arith.constant 0 : i32
      %dma_wait3A_67 = arith.constant 0 : i32
      %dma_wait3A_68 = tpu.memref_slice %arg6[%dma_wait3A_65, %dma_wait3A_66, %dma_wait3A_67] : memref<2x64x512xf32, #tpu.memory_space<vmem>> -> memref<1x64x512xf32, #tpu.memory_space<vmem>>
      %dma_wait3A_69 = tpu.memref_squeeze %dma_wait3A_68 : memref<1x64x512xf32, #tpu.memory_space<vmem>> -> memref<64x512xf32, #tpu.memory_space<vmem>>
      %dma_wait3A_70 = arith.constant 0 : i32
      %dma_wait3A_71 = arith.constant 0 : i32
      %dma_wait3A_72 = tpu.memref_slice %arg2[%dma_wait3A, %dma_wait3A_70, %dma_wait3A_71] : memref<96x512x512xf32, #tpu.memory_space<hbm>> -> memref<1x64x512xf32, #tpu.memory_space<hbm>>
      %dma_wait3A_73 = tpu.memref_squeeze %dma_wait3A_72 : memref<1x64x512xf32, #tpu.memory_space<hbm>> -> memref<64x512xf32, #tpu.memory_space<hbm>>
      %dma_wait3A_74 = arith.constant 0 : i32
      %dma_wait3A_75 = arith.constant 0 : i32
      %dma_wait3A_76 = tpu.memref_slice %arg6[%dma_wait3A_65, %dma_wait3A_74, %dma_wait3A_75] : memref<2x64x512xf32, #tpu.memory_space<vmem>> -> memref<1x64x512xf32, #tpu.memory_space<vmem>>
      %dma_wait3A_77 = tpu.memref_squeeze %dma_wait3A_76 : memref<1x64x512xf32, #tpu.memory_space<vmem>> -> memref<64x512xf32, #tpu.memory_space<vmem>>
      %dma_wait3A_78 = arith.constant 0 : i32
      %dma_wait3A_79 = arith.constant 0 : i32
      %dma_wait3A_80 = tpu.memref_slice %arg2[%dma_wait3A, %dma_wait3A_78, %dma_wait3A_79] : memref<96x512x512xf32, #tpu.memory_space<hbm>> -> memref<1x64x512xf32, #tpu.memory_space<hbm>>
      %dma_wait3A_81 = tpu.memref_squeeze %dma_wait3A_80 : memref<1x64x512xf32, #tpu.memory_space<hbm>> -> memref<64x512xf32, #tpu.memory_space<hbm>>
      tpu.wait_dma2 semaphore(%arg9 : memref<!tpu.dma_semaphore, #tpu.memory_space<semaphore_mem>>) src(%dma_wait3A_81 : memref<64x512xf32, #tpu.memory_space<hbm>>) dst(%dma_wait3A_77 : memref<64x512xf32, #tpu.memory_space<vmem>>)
      %mul3A_82 = arith.constant 2 : i32
      %mul3A_83 = arith.muli %mul3A_82, %scan3A_64 : i32
      %add3A_84 = arith.constant 1 : i32
      %add3A_85 = arith.addi %mul3A_83, %add3A_84 : i32
      %shift_right_arithmetic3A = arith.constant 3 : i32
      %shift_right_arithmetic3A_86 = arith.shrsi %add3A_85, %shift_right_arithmetic3A : i32
      %add3A_87 = arith.addi %mul3A_2, %shift_right_arithmetic3A_86 : i32
      %and3A = arith.constant 7 : i32
      %and3A_88 = arith.andi %add3A_85, %and3A : i32
      %mul3A_89 = arith.constant 64 : i32
      %mul3A_90 = arith.muli %and3A_88, %mul3A_89 : i32
      %dma_start3A_91 = arith.constant 1 : i32
      %dma_start3A_92 = arith.constant 0 : i32
      %dma_start3A_93 = arith.constant 0 : i32
      %dma_start3A_94 = tpu.memref_slice %arg6[%dma_start3A_91, %dma_start3A_92, %dma_start3A_93] : memref<2x64x512xf32, #tpu.memory_space<vmem>> -> memref<1x64x512xf32, #tpu.memory_space<vmem>>
      %dma_start3A_95 = tpu.memref_squeeze %dma_start3A_94 : memref<1x64x512xf32, #tpu.memory_space<vmem>> -> memref<64x512xf32, #tpu.memory_space<vmem>>
      %dma_start3A_96 = arith.constant 0 : i32
      %dma_start3A_97 = tpu.memref_slice %arg2[%add3A_87, %mul3A_90, %dma_start3A_96] : memref<96x512x512xf32, #tpu.memory_space<hbm>> -> memref<1x64x512xf32, #tpu.memory_space<hbm>>
      %dma_start3A_98 = tpu.memref_squeeze %dma_start3A_97 : memref<1x64x512xf32, #tpu.memory_space<hbm>> -> memref<64x512xf32, #tpu.memory_space<hbm>>
      %dma_start3A_99 = arith.constant 0 : i32
      %dma_start3A_100 = arith.constant 0 : i32
      %dma_start3A_101 = tpu.memref_slice %arg6[%dma_start3A_91, %dma_start3A_99, %dma_start3A_100] : memref<2x64x512xf32, #tpu.memory_space<vmem>> -> memref<1x64x512xf32, #tpu.memory_space<vmem>>
      %dma_start3A_102 = tpu.memref_squeeze %dma_start3A_101 : memref<1x64x512xf32, #tpu.memory_space<vmem>> -> memref<64x512xf32, #tpu.memory_space<vmem>>
      %dma_start3A_103 = arith.constant 0 : i32
      %dma_start3A_104 = tpu.memref_slice %arg2[%add3A_87, %mul3A_90, %dma_start3A_103] : memref<96x512x512xf32, #tpu.memory_space<hbm>> -> memref<1x64x512xf32, #tpu.memory_space<hbm>>
      %dma_start3A_105 = tpu.memref_squeeze %dma_start3A_104 : memref<1x64x512xf32, #tpu.memory_space<hbm>> -> memref<64x512xf32, #tpu.memory_space<hbm>>
      tpu.enqueue_dma source(%dma_start3A_105 : memref<64x512xf32, #tpu.memory_space<hbm>>) target(%dma_start3A_102 : memref<64x512xf32, #tpu.memory_space<vmem>>) target_semaphore(%arg10 : memref<!tpu.dma_semaphore, #tpu.memory_space<semaphore_mem>>)
      %parallel_loop3A = arith.constant 0 : i32
      %parallel_loop3A_106 = arith.constant 64 : i32
      %parallel_loop3A_107 = arith.constant 1 : i32
      %parallel_loop3A_108 = arith.constant 0 : i32
      scf.for %parallel_loop3A_133 = %parallel_loop3A to %parallel_loop3A_106 step %parallel_loop3A_107  : i32 {
        %parallel_loop3A_134 = arith.constant 0 : i32
        %parallel_loop3A_135 = arith.constant 0 : i32
        %parallel_loop3A_136 = tpu.memref_slice %arg6[%parallel_loop3A_108, %parallel_loop3A_134, %parallel_loop3A_135] : memref<2x64x512xf32, #tpu.memory_space<vmem>> -> memref<1x64x512xf32, #tpu.memory_space<vmem>>
        %parallel_loop3A_137 = tpu.memref_squeeze %parallel_loop3A_136 : memref<1x64x512xf32, #tpu.memory_space<vmem>> -> memref<64x512xf32, #tpu.memory_space<vmem>>
        %parallel_loop3A_138 = arith.index_cast %parallel_loop3A_133 : i32 to index
        %parallel_loop3A_139 = arith.constant 0 : index
        %parallel_loop3A_140 = tpu.vector_load %parallel_loop3A_137[%parallel_loop3A_138, %parallel_loop3A_139] {strides = array<i32>} : memref<64x512xf32, #tpu.memory_space<vmem>>, vector<16xf32>,
        %parallel_loop3A_141 = arith.constant 0 : i32
        %parallel_loop3A_142 = arith.constant 0 : i32
        %parallel_loop3A_143 = tpu.memref_slice %arg6[%parallel_loop3A_108, %parallel_loop3A_141, %parallel_loop3A_142] : memref<2x64x512xf32, #tpu.memory_space<vmem>> -> memref<1x64x512xf32, #tpu.memory_space<vmem>>
        %parallel_loop3A_144 = tpu.memref_squeeze %parallel_loop3A_143 : memref<1x64x512xf32, #tpu.memory_space<vmem>> -> memref<64x512xf32, #tpu.memory_space<vmem>>
        %parallel_loop3A_145 = arith.index_cast %parallel_loop3A_133 : i32 to index
        %parallel_loop3A_146 = arith.constant 16 : index
        %parallel_loop3A_147 = tpu.vector_load %parallel_loop3A_144[%parallel_loop3A_145, %parallel_loop3A_146] {strides = array<i32>} : memref<64x512xf32, #tpu.memory_space<vmem>>, vector<16xf32>,
        %parallel_loop3A_148 = arith.constant 0 : i32
        %parallel_loop3A_149 = arith.constant 0 : i32
        %parallel_loop3A_150 = tpu.memref_slice %arg6[%parallel_loop3A_108, %parallel_loop3A_148, %parallel_loop3A_149] : memref<2x64x512xf32, #tpu.memory_space<vmem>> -> memref<1x64x512xf32, #tpu.memory_space<vmem>>
        %parallel_loop3A_151 = tpu.memref_squeeze %parallel_loop3A_150 : memref<1x64x512xf32, #tpu.memory_space<vmem>> -> memref<64x512xf32, #tpu.memory_space<vmem>>
        %parallel_loop3A_152 = arith.index_cast %parallel_loop3A_133 : i32 to index
        %parallel_loop3A_153 = arith.constant 32 : index
        %parallel_loop3A_154 = tpu.vector_load %parallel_loop3A_151[%parallel_loop3A_152, %parallel_loop3A_153] {strides = array<i32>} : memref<64x512xf32, #tpu.memory_space<vmem>>, vector<16xf32>,
        %parallel_loop3A_155 = arith.constant 0 : i32
        %parallel_loop3A_156 = arith.constant 0 : i32
        %parallel_loop3A_157 = tpu.memref_slice %arg6[%parallel_loop3A_108, %parallel_loop3A_155, %parallel_loop3A_156] : memref<2x64x512xf32, #tpu.memory_space<vmem>> -> memref<1x64x512xf32, #tpu.memory_space<vmem>>
        %parallel_loop3A_158 = tpu.memref_squeeze %parallel_loop3A_157 : memref<1x64x512xf32, #tpu.memory_space<vmem>> -> memref<64x512xf32, #tpu.memory_space<vmem>>
        %parallel_loop3A_159 = arith.index_cast %parallel_loop3A_133 : i32 to index
        %parallel_loop3A_160 = arith.constant 48 : index
        %parallel_loop3A_161 = tpu.vector_load %parallel_loop3A_158[%parallel_loop3A_159, %parallel_loop3A_160] {strides = array<i32>} : memref<64x512xf32, #tpu.memory_space<vmem>>, vector<16xf32>,
        %parallel_loop3A_162 = arith.constant 0 : i32
        %parallel_loop3A_163 = arith.constant 0 : i32
        %parallel_loop3A_164 = tpu.memref_slice %arg6[%parallel_loop3A_108, %parallel_loop3A_162, %parallel_loop3A_163] : memref<2x64x512xf32, #tpu.memory_space<vmem>> -> memref<1x64x512xf32, #tpu.memory_space<vmem>>
        %parallel_loop3A_165 = tpu.memref_squeeze %parallel_loop3A_164 : memref<1x64x512xf32, #tpu.memory_space<vmem>> -> memref<64x512xf32, #tpu.memory_space<vmem>>
        %parallel_loop3A_166 = arith.index_cast %parallel_loop3A_133 : i32 to index
        %parallel_loop3A_167 = arith.constant 64 : index
        %parallel_loop3A_168 = tpu.vector_load %parallel_loop3A_165[%parallel_loop3A_166, %parallel_loop3A_167] {strides = array<i32>} : memref<64x512xf32, #tpu.memory_space<vmem>>, vector<16xf32>,
        %parallel_loop3A_169 = arith.constant 0 : i32
        %parallel_loop3A_170 = arith.constant 0 : i32
        %parallel_loop3A_171 = tpu.memref_slice %arg6[%parallel_loop3A_108, %parallel_loop3A_169, %parallel_loop3A_170] : memref<2x64x512xf32, #tpu.memory_space<vmem>> -> memref<1x64x512xf32, #tpu.memory_space<vmem>>
        %parallel_loop3A_172 = tpu.memref_squeeze %parallel_loop3A_171 : memref<1x64x512xf32, #tpu.memory_space<vmem>> -> memref<64x512xf32, #tpu.memory_space<vmem>>
        %parallel_loop3A_173 = arith.index_cast %parallel_loop3A_133 : i32 to index
        %parallel_loop3A_174 = arith.constant 80 : index
        %parallel_loop3A_175 = tpu.vector_load %parallel_loop3A_172[%parallel_loop3A_173, %parallel_loop3A_174] {strides = array<i32>} : memref<64x512xf32, #tpu.memory_space<vmem>>, vector<16xf32>,
        %parallel_loop3A_176 = arith.constant 0 : i32
        %parallel_loop3A_177 = arith.constant 0 : i32
        %parallel_loop3A_178 = tpu.memref_slice %arg6[%parallel_loop3A_108, %parallel_loop3A_176, %parallel_loop3A_177] : memref<2x64x512xf32, #tpu.memory_space<vmem>> -> memref<1x64x512xf32, #tpu.memory_space<vmem>>
        %parallel_loop3A_179 = tpu.memref_squeeze %parallel_loop3A_178 : memref<1x64x512xf32, #tpu.memory_space<vmem>> -> memref<64x512xf32, #tpu.memory_space<vmem>>
        %parallel_loop3A_180 = arith.index_cast %parallel_loop3A_133 : i32 to index
        %parallel_loop3A_181 = arith.constant 96 : index
        %parallel_loop3A_182 = tpu.vector_load %parallel_loop3A_179[%parallel_loop3A_180, %parallel_loop3A_181] {strides = array<i32>} : memref<64x512xf32, #tpu.memory_space<vmem>>, vector<16xf32>,
        %parallel_loop3A_183 = arith.constant 0 : i32
        %parallel_loop3A_184 = arith.constant 0 : i32
        %parallel_loop3A_185 = tpu.memref_slice %arg6[%parallel_loop3A_108, %parallel_loop3A_183, %parallel_loop3A_184] : memref<2x64x512xf32, #tpu.memory_space<vmem>> -> memref<1x64x512xf32, #tpu.memory_space<vmem>>
        %parallel_loop3A_186 = tpu.memref_squeeze %parallel_loop3A_185 : memref<1x64x512xf32, #tpu.memory_space<vmem>> -> memref<64x512xf32, #tpu.memory_space<vmem>>
        %parallel_loop3A_187 = arith.index_cast %parallel_loop3A_133 : i32 to index
        %parallel_loop3A_188 = arith.constant 112 : index
        %parallel_loop3A_189 = tpu.vector_load %parallel_loop3A_186[%parallel_loop3A_187, %parallel_loop3A_188] {strides = array<i32>} : memref<64x512xf32, #tpu.memory_space<vmem>>, vector<16xf32>,
        %parallel_loop3A_190 = arith.constant 0 : i32
        %parallel_loop3A_191 = arith.constant 0 : i32
        %parallel_loop3A_192 = tpu.memref_slice %arg6[%parallel_loop3A_108, %parallel_loop3A_190, %parallel_loop3A_191] : memref<2x64x512xf32, #tpu.memory_space<vmem>> -> memref<1x64x512xf32, #tpu.memory_space<vmem>>
        %parallel_loop3A_193 = tpu.memref_squeeze %parallel_loop3A_192 : memref<1x64x512xf32, #tpu.memory_space<vmem>> -> memref<64x512xf32, #tpu.memory_space<vmem>>
        %parallel_loop3A_194 = arith.index_cast %parallel_loop3A_133 : i32 to index
        %parallel_loop3A_195 = arith.constant 128 : index
        %parallel_loop3A_196 = tpu.vector_load %parallel_loop3A_193[%parallel_loop3A_194, %parallel_loop3A_195] {strides = array<i32>} : memref<64x512xf32, #tpu.memory_space<vmem>>, vector<16xf32>,
        %parallel_loop3A_197 = arith.constant 0 : i32
        %parallel_loop3A_198 = arith.constant 0 : i32
        %parallel_loop3A_199 = tpu.memref_slice %arg6[%parallel_loop3A_108, %parallel_loop3A_197, %parallel_loop3A_198] : memref<2x64x512xf32, #tpu.memory_space<vmem>> -> memref<1x64x512xf32, #tpu.memory_space<vmem>>
        %parallel_loop3A_200 = tpu.memref_squeeze %parallel_loop3A_199 : memref<1x64x512xf32, #tpu.memory_space<vmem>> -> memref<64x512xf32, #tpu.memory_space<vmem>>
        %parallel_loop3A_201 = arith.index_cast %parallel_loop3A_133 : i32 to index
        %parallel_loop3A_202 = arith.constant 144 : index
        %parallel_loop3A_203 = tpu.vector_load %parallel_loop3A_200[%parallel_loop3A_201, %parallel_loop3A_202] {strides = array<i32>} : memref<64x512xf32, #tpu.memory_space<vmem>>, vector<16xf32>,
        %parallel_loop3A_204 = arith.constant 0 : i32
        %parallel_loop3A_205 = arith.constant 0 : i32
        %parallel_loop3A_206 = tpu.memref_slice %arg6[%parallel_loop3A_108, %parallel_loop3A_204, %parallel_loop3A_205] : memref<2x64x512xf32, #tpu.memory_space<vmem>> -> memref<1x64x512xf32, #tpu.memory_space<vmem>>
        %parallel_loop3A_207 = tpu.memref_squeeze %parallel_loop3A_206 : memref<1x64x512xf32, #tpu.memory_space<vmem>> -> memref<64x512xf32, #tpu.memory_space<vmem>>
        %parallel_loop3A_208 = arith.index_cast %parallel_loop3A_133 : i32 to index
        %parallel_loop3A_209 = arith.constant 160 : index
        %parallel_loop3A_210 = tpu.vector_load %parallel_loop3A_207[%parallel_loop3A_208, %parallel_loop3A_209] {strides = array<i32>} : memref<64x512xf32, #tpu.memory_space<vmem>>, vector<16xf32>,
        %parallel_loop3A_211 = arith.constant 0 : i32
        %parallel_loop3A_212 = arith.constant 0 : i32
        %parallel_loop3A_213 = tpu.memref_slice %arg6[%parallel_loop3A_108, %parallel_loop3A_211, %parallel_loop3A_212] : memref<2x64x512xf32, #tpu.memory_space<vmem>> -> memref<1x64x512xf32, #tpu.memory_space<vmem>>
        %parallel_loop3A_214 = tpu.memref_squeeze %parallel_loop3A_213 : memref<1x64x512xf32, #tpu.memory_space<vmem>> -> memref<64x512xf32, #tpu.memory_space<vmem>>
        %parallel_loop3A_215 = arith.index_cast %parallel_loop3A_133 : i32 to index
        %parallel_loop3A_216 = arith.constant 176 : index
        %parallel_loop3A_217 = tpu.vector_load %parallel_loop3A_214[%parallel_loop3A_215, %parallel_loop3A_216] {strides = array<i32>} : memref<64x512xf32, #tpu.memory_space<vmem>>, vector<16xf32>,
        %parallel_loop3A_218 = arith.constant 0 : i32
        %parallel_loop3A_219 = arith.constant 0 : i32
        %parallel_loop3A_220 = tpu.memref_slice %arg6[%parallel_loop3A_108, %parallel_loop3A_218, %parallel_loop3A_219] : memref<2x64x512xf32, #tpu.memory_space<vmem>> -> memref<1x64x512xf32, #tpu.memory_space<vmem>>
        %parallel_loop3A_221 = tpu.memref_squeeze %parallel_loop3A_220 : memref<1x64x512xf32, #tpu.memory_space<vmem>> -> memref<64x512xf32, #tpu.memory_space<vmem>>
        %parallel_loop3A_222 = arith.index_cast %parallel_loop3A_133 : i32 to index
        %parallel_loop3A_223 = arith.constant 192 : index
        %parallel_loop3A_224 = tpu.vector_load %parallel_loop3A_221[%parallel_loop3A_222, %parallel_loop3A_223] {strides = array<i32>} : memref<64x512xf32, #tpu.memory_space<vmem>>, vector<16xf32>,
        %parallel_loop3A_225 = arith.constant 0 : i32
        %parallel_loop3A_226 = arith.constant 0 : i32
        %parallel_loop3A_227 = tpu.memref_slice %arg6[%parallel_loop3A_108, %parallel_loop3A_225, %parallel_loop3A_226] : memref<2x64x512xf32, #tpu.memory_space<vmem>> -> memref<1x64x512xf32, #tpu.memory_space<vmem>>
        %parallel_loop3A_228 = tpu.memref_squeeze %parallel_loop3A_227 : memref<1x64x512xf32, #tpu.memory_space<vmem>> -> memref<64x512xf32, #tpu.memory_space<vmem>>
        %parallel_loop3A_229 = arith.index_cast %parallel_loop3A_133 : i32 to index
        %parallel_loop3A_230 = arith.constant 208 : index
        %parallel_loop3A_231 = tpu.vector_load %parallel_loop3A_228[%parallel_loop3A_229, %parallel_loop3A_230] {strides = array<i32>} : memref<64x512xf32, #tpu.memory_space<vmem>>, vector<16xf32>,
        %parallel_loop3A_232 = arith.constant 0 : i32
        %parallel_loop3A_233 = arith.constant 0 : i32
        %parallel_loop3A_234 = tpu.memref_slice %arg6[%parallel_loop3A_108, %parallel_loop3A_232, %parallel_loop3A_233] : memref<2x64x512xf32, #tpu.memory_space<vmem>> -> memref<1x64x512xf32, #tpu.memory_space<vmem>>
        %parallel_loop3A_235 = tpu.memref_squeeze %parallel_loop3A_234 : memref<1x64x512xf32, #tpu.memory_space<vmem>> -> memref<64x512xf32, #tpu.memory_space<vmem>>
        %parallel_loop3A_236 = arith.index_cast %parallel_loop3A_133 : i32 to index
        %parallel_loop3A_237 = arith.constant 224 : index
        %parallel_loop3A_238 = tpu.vector_load %parallel_loop3A_235[%parallel_loop3A_236, %parallel_loop3A_237] {strides = array<i32>} : memref<64x512xf32, #tpu.memory_space<vmem>>, vector<16xf32>,
        %parallel_loop3A_239 = arith.constant 0 : i32
        %parallel_loop3A_240 = arith.constant 0 : i32
        %parallel_loop3A_241 = tpu.memref_slice %arg6[%parallel_loop3A_108, %parallel_loop3A_239, %parallel_loop3A_240] : memref<2x64x512xf32, #tpu.memory_space<vmem>> -> memref<1x64x512xf32, #tpu.memory_space<vmem>>
        %parallel_loop3A_242 = tpu.memref_squeeze %parallel_loop3A_241 : memref<1x64x512xf32, #tpu.memory_space<vmem>> -> memref<64x512xf32, #tpu.memory_space<vmem>>
        %parallel_loop3A_243 = arith.index_cast %parallel_loop3A_133 : i32 to index
        %parallel_loop3A_244 = arith.constant 240 : index
        %parallel_loop3A_245 = tpu.vector_load %parallel_loop3A_242[%parallel_loop3A_243, %parallel_loop3A_244] {strides = array<i32>} : memref<64x512xf32, #tpu.memory_space<vmem>>, vector<16xf32>,
        %parallel_loop3A_246 = arith.subf %parallel_loop3A_140, %get3A_3 : vector<16xf32>
        %parallel_loop3A_247 = arith.divf %parallel_loop3A_246, %get3A_5 : vector<16xf32>
        %parallel_loop3A_248 = arith.constant 1.000000e+02 : f32
        %parallel_loop3A_249 = vector.broadcast %parallel_loop3A_248 : f32 to vector<16xf32>
        %parallel_loop3A_250 = arith.mulf %parallel_loop3A_247, %parallel_loop3A_249 : vector<16xf32>
        %parallel_loop3A_251 = arith.subf %parallel_loop3A_147, %get3A_3 : vector<16xf32>
        %parallel_loop3A_252 = arith.divf %parallel_loop3A_251, %get3A_5 : vector<16xf32>
        %parallel_loop3A_253 = arith.constant 1.000000e+02 : f32
        %parallel_loop3A_254 = vector.broadcast %parallel_loop3A_253 : f32 to vector<16xf32>
        %parallel_loop3A_255 = arith.mulf %parallel_loop3A_252, %parallel_loop3A_254 : vector<16xf32>
        %parallel_loop3A_256 = arith.subf %parallel_loop3A_154, %get3A_3 : vector<16xf32>
        %parallel_loop3A_257 = arith.divf %parallel_loop3A_256, %get3A_5 : vector<16xf32>
        %parallel_loop3A_258 = arith.constant 1.000000e+02 : f32
        %parallel_loop3A_259 = vector.broadcast %parallel_loop3A_258 : f32 to vector<16xf32>
        %parallel_loop3A_260 = arith.mulf %parallel_loop3A_257, %parallel_loop3A_259 : vector<16xf32>
        %parallel_loop3A_261 = arith.subf %parallel_loop3A_161, %get3A_3 : vector<16xf32>
        %parallel_loop3A_262 = arith.divf %parallel_loop3A_261, %get3A_5 : vector<16xf32>
        %parallel_loop3A_263 = arith.constant 1.000000e+02 : f32
        %parallel_loop3A_264 = vector.broadcast %parallel_loop3A_263 : f32 to vector<16xf32>
        %parallel_loop3A_265 = arith.mulf %parallel_loop3A_262, %parallel_loop3A_264 : vector<16xf32>
        %parallel_loop3A_266 = arith.subf %parallel_loop3A_168, %get3A_3 : vector<16xf32>
        %parallel_loop3A_267 = arith.divf %parallel_loop3A_266, %get3A_5 : vector<16xf32>
        %parallel_loop3A_268 = arith.constant 1.000000e+02 : f32
        %parallel_loop3A_269 = vector.broadcast %parallel_loop3A_268 : f32 to vector<16xf32>
        %parallel_loop3A_270 = arith.mulf %parallel_loop3A_267, %parallel_loop3A_269 : vector<16xf32>
        %parallel_loop3A_271 = arith.subf %parallel_loop3A_175, %get3A_3 : vector<16xf32>
        %parallel_loop3A_272 = arith.divf %parallel_loop3A_271, %get3A_5 : vector<16xf32>
        %parallel_loop3A_273 = arith.constant 1.000000e+02 : f32
        %parallel_loop3A_274 = vector.broadcast %parallel_loop3A_273 : f32 to vector<16xf32>
        %parallel_loop3A_275 = arith.mulf %parallel_loop3A_272, %parallel_loop3A_274 : vector<16xf32>
        %parallel_loop3A_276 = arith.subf %parallel_loop3A_182, %get3A_3 : vector<16xf32>
        %parallel_loop3A_277 = arith.divf %parallel_loop3A_276, %get3A_5 : vector<16xf32>
        %parallel_loop3A_278 = arith.constant 1.000000e+02 : f32
        %parallel_loop3A_279 = vector.broadcast %parallel_loop3A_278 : f32 to vector<16xf32>
        %parallel_loop3A_280 = arith.mulf %parallel_loop3A_277, %parallel_loop3A_279 : vector<16xf32>
        %parallel_loop3A_281 = arith.subf %parallel_loop3A_189, %get3A_3 : vector<16xf32>
        %parallel_loop3A_282 = arith.divf %parallel_loop3A_281, %get3A_5 : vector<16xf32>
        %parallel_loop3A_283 = arith.constant 1.000000e+02 : f32
        %parallel_loop3A_284 = vector.broadcast %parallel_loop3A_283 : f32 to vector<16xf32>
        %parallel_loop3A_285 = arith.mulf %parallel_loop3A_282, %parallel_loop3A_284 : vector<16xf32>
        %parallel_loop3A_286 = arith.subf %parallel_loop3A_196, %get3A_3 : vector<16xf32>
        %parallel_loop3A_287 = arith.divf %parallel_loop3A_286, %get3A_5 : vector<16xf32>
        %parallel_loop3A_288 = arith.constant 1.000000e+02 : f32
        %parallel_loop3A_289 = vector.broadcast %parallel_loop3A_288 : f32 to vector<16xf32>
        %parallel_loop3A_290 = arith.mulf %parallel_loop3A_287, %parallel_loop3A_289 : vector<16xf32>
        %parallel_loop3A_291 = arith.subf %parallel_loop3A_203, %get3A_3 : vector<16xf32>
        %parallel_loop3A_292 = arith.divf %parallel_loop3A_291, %get3A_5 : vector<16xf32>
        %parallel_loop3A_293 = arith.constant 1.000000e+02 : f32
        %parallel_loop3A_294 = vector.broadcast %parallel_loop3A_293 : f32 to vector<16xf32>
        %parallel_loop3A_295 = arith.mulf %parallel_loop3A_292, %parallel_loop3A_294 : vector<16xf32>
        %parallel_loop3A_296 = arith.subf %parallel_loop3A_210, %get3A_3 : vector<16xf32>
        %parallel_loop3A_297 = arith.divf %parallel_loop3A_296, %get3A_5 : vector<16xf32>
        %parallel_loop3A_298 = arith.constant 1.000000e+02 : f32
        %parallel_loop3A_299 = vector.broadcast %parallel_loop3A_298 : f32 to vector<16xf32>
        %parallel_loop3A_300 = arith.mulf %parallel_loop3A_297, %parallel_loop3A_299 : vector<16xf32>
        %parallel_loop3A_301 = arith.subf %parallel_loop3A_217, %get3A_3 : vector<16xf32>
        %parallel_loop3A_302 = arith.divf %parallel_loop3A_301, %get3A_5 : vector<16xf32>
        %parallel_loop3A_303 = arith.constant 1.000000e+02 : f32
        %parallel_loop3A_304 = vector.broadcast %parallel_loop3A_303 : f32 to vector<16xf32>
        %parallel_loop3A_305 = arith.mulf %parallel_loop3A_302, %parallel_loop3A_304 : vector<16xf32>
        %parallel_loop3A_306 = arith.subf %parallel_loop3A_224, %get3A_3 : vector<16xf32>
        %parallel_loop3A_307 = arith.divf %parallel_loop3A_306, %get3A_5 : vector<16xf32>
        %parallel_loop3A_308 = arith.constant 1.000000e+02 : f32
        %parallel_loop3A_309 = vector.broadcast %parallel_loop3A_308 : f32 to vector<16xf32>
        %parallel_loop3A_310 = arith.mulf %parallel_loop3A_307, %parallel_loop3A_309 : vector<16xf32>
        %parallel_loop3A_311 = arith.subf %parallel_loop3A_231, %get3A_3 : vector<16xf32>
        %parallel_loop3A_312 = arith.divf %parallel_loop3A_311, %get3A_5 : vector<16xf32>
        %parallel_loop3A_313 = arith.constant 1.000000e+02 : f32
        %parallel_loop3A_314 = vector.broadcast %parallel_loop3A_313 : f32 to vector<16xf32>
        %parallel_loop3A_315 = arith.mulf %parallel_loop3A_312, %parallel_loop3A_314 : vector<16xf32>
        %parallel_loop3A_316 = arith.subf %parallel_loop3A_238, %get3A_3 : vector<16xf32>
        %parallel_loop3A_317 = arith.divf %parallel_loop3A_316, %get3A_5 : vector<16xf32>
        %parallel_loop3A_318 = arith.constant 1.000000e+02 : f32
        %parallel_loop3A_319 = vector.broadcast %parallel_loop3A_318 : f32 to vector<16xf32>
        %parallel_loop3A_320 = arith.mulf %parallel_loop3A_317, %parallel_loop3A_319 : vector<16xf32>
        %parallel_loop3A_321 = arith.subf %parallel_loop3A_245, %get3A_3 : vector<16xf32>
        %parallel_loop3A_322 = arith.divf %parallel_loop3A_321, %get3A_5 : vector<16xf32>
        %parallel_loop3A_323 = arith.constant 1.000000e+02 : f32
        %parallel_loop3A_324 = vector.broadcast %parallel_loop3A_323 : f32 to vector<16xf32>
        %parallel_loop3A_325 = arith.mulf %parallel_loop3A_322, %parallel_loop3A_324 : vector<16xf32>
        %parallel_loop3A_326 = arith.fptosi %parallel_loop3A_250 : vector<16xf32> to vector<16xi32>
        %parallel_loop3A_327 = arith.fptosi %parallel_loop3A_255 : vector<16xf32> to vector<16xi32>
        %parallel_loop3A_328 = arith.fptosi %parallel_loop3A_260 : vector<16xf32> to vector<16xi32>
        %parallel_loop3A_329 = arith.fptosi %parallel_loop3A_265 : vector<16xf32> to vector<16xi32>
        %parallel_loop3A_330 = arith.fptosi %parallel_loop3A_270 : vector<16xf32> to vector<16xi32>
        %parallel_loop3A_331 = arith.fptosi %parallel_loop3A_275 : vector<16xf32> to vector<16xi32>
        %parallel_loop3A_332 = arith.fptosi %parallel_loop3A_280 : vector<16xf32> to vector<16xi32>
        %parallel_loop3A_333 = arith.fptosi %parallel_loop3A_285 : vector<16xf32> to vector<16xi32>
        %parallel_loop3A_334 = arith.fptosi %parallel_loop3A_290 : vector<16xf32> to vector<16xi32>
        %parallel_loop3A_335 = arith.fptosi %parallel_loop3A_295 : vector<16xf32> to vector<16xi32>
        %parallel_loop3A_336 = arith.fptosi %parallel_loop3A_300 : vector<16xf32> to vector<16xi32>
        %parallel_loop3A_337 = arith.fptosi %parallel_loop3A_305 : vector<16xf32> to vector<16xi32>
        %parallel_loop3A_338 = arith.fptosi %parallel_loop3A_310 : vector<16xf32> to vector<16xi32>
        %parallel_loop3A_339 = arith.fptosi %parallel_loop3A_315 : vector<16xf32> to vector<16xi32>
        %parallel_loop3A_340 = arith.fptosi %parallel_loop3A_320 : vector<16xf32> to vector<16xi32>
        %parallel_loop3A_341 = arith.fptosi %parallel_loop3A_325 : vector<16xf32> to vector<16xi32>
        %parallel_loop3A_342 = arith.constant 16 : i32
        %parallel_loop3A_343 = vector.broadcast %parallel_loop3A_342 : i32 to vector<16xi32>
        %parallel_loop3A_344 = arith.muli %parallel_loop3A_326, %parallel_loop3A_343 : vector<16xi32>
        %parallel_loop3A_345 = arith.addi %parallel_loop3A_344, %iota3A : vector<16xi32>
        %parallel_loop3A_346 = arith.constant 16 : i32
        %parallel_loop3A_347 = vector.broadcast %parallel_loop3A_346 : i32 to vector<16xi32>
        %parallel_loop3A_348 = arith.muli %parallel_loop3A_327, %parallel_loop3A_347 : vector<16xi32>
        %parallel_loop3A_349 = arith.addi %parallel_loop3A_348, %iota3A : vector<16xi32>
        %parallel_loop3A_350 = arith.constant 16 : i32
        %parallel_loop3A_351 = vector.broadcast %parallel_loop3A_350 : i32 to vector<16xi32>
        %parallel_loop3A_352 = arith.muli %parallel_loop3A_328, %parallel_loop3A_351 : vector<16xi32>
        %parallel_loop3A_353 = arith.addi %parallel_loop3A_352, %iota3A : vector<16xi32>
        %parallel_loop3A_354 = arith.constant 16 : i32
        %parallel_loop3A_355 = vector.broadcast %parallel_loop3A_354 : i32 to vector<16xi32>
        %parallel_loop3A_356 = arith.muli %parallel_loop3A_329, %parallel_loop3A_355 : vector<16xi32>
        %parallel_loop3A_357 = arith.addi %parallel_loop3A_356, %iota3A : vector<16xi32>
        %parallel_loop3A_358 = arith.constant 16 : i32
        %parallel_loop3A_359 = vector.broadcast %parallel_loop3A_358 : i32 to vector<16xi32>
        %parallel_loop3A_360 = arith.muli %parallel_loop3A_330, %parallel_loop3A_359 : vector<16xi32>
        %parallel_loop3A_361 = arith.addi %parallel_loop3A_360, %iota3A : vector<16xi32>
        %parallel_loop3A_362 = arith.constant 16 : i32
        %parallel_loop3A_363 = vector.broadcast %parallel_loop3A_362 : i32 to vector<16xi32>
        %parallel_loop3A_364 = arith.muli %parallel_loop3A_331, %parallel_loop3A_363 : vector<16xi32>
        %parallel_loop3A_365 = arith.addi %parallel_loop3A_364, %iota3A : vector<16xi32>
        %parallel_loop3A_366 = arith.constant 16 : i32
        %parallel_loop3A_367 = vector.broadcast %parallel_loop3A_366 : i32 to vector<16xi32>
        %parallel_loop3A_368 = arith.muli %parallel_loop3A_332, %parallel_loop3A_367 : vector<16xi32>
        %parallel_loop3A_369 = arith.addi %parallel_loop3A_368, %iota3A : vector<16xi32>
        %parallel_loop3A_370 = arith.constant 16 : i32
        %parallel_loop3A_371 = vector.broadcast %parallel_loop3A_370 : i32 to vector<16xi32>
        %parallel_loop3A_372 = arith.muli %parallel_loop3A_333, %parallel_loop3A_371 : vector<16xi32>
        %parallel_loop3A_373 = arith.addi %parallel_loop3A_372, %iota3A : vector<16xi32>
        %parallel_loop3A_374 = arith.constant 16 : i32
        %parallel_loop3A_375 = vector.broadcast %parallel_loop3A_374 : i32 to vector<16xi32>
        %parallel_loop3A_376 = arith.muli %parallel_loop3A_334, %parallel_loop3A_375 : vector<16xi32>
        %parallel_loop3A_377 = arith.addi %parallel_loop3A_376, %iota3A : vector<16xi32>
        %parallel_loop3A_378 = arith.constant 16 : i32
        %parallel_loop3A_379 = vector.broadcast %parallel_loop3A_378 : i32 to vector<16xi32>
        %parallel_loop3A_380 = arith.muli %parallel_loop3A_335, %parallel_loop3A_379 : vector<16xi32>
        %parallel_loop3A_381 = arith.addi %parallel_loop3A_380, %iota3A : vector<16xi32>
        %parallel_loop3A_382 = arith.constant 16 : i32
        %parallel_loop3A_383 = vector.broadcast %parallel_loop3A_382 : i32 to vector<16xi32>
        %parallel_loop3A_384 = arith.muli %parallel_loop3A_336, %parallel_loop3A_383 : vector<16xi32>
        %parallel_loop3A_385 = arith.addi %parallel_loop3A_384, %iota3A : vector<16xi32>
        %parallel_loop3A_386 = arith.constant 16 : i32
        %parallel_loop3A_387 = vector.broadcast %parallel_loop3A_386 : i32 to vector<16xi32>
        %parallel_loop3A_388 = arith.muli %parallel_loop3A_337, %parallel_loop3A_387 : vector<16xi32>
        %parallel_loop3A_389 = arith.addi %parallel_loop3A_388, %iota3A : vector<16xi32>
        %parallel_loop3A_390 = arith.constant 16 : i32
        %parallel_loop3A_391 = vector.broadcast %parallel_loop3A_390 : i32 to vector<16xi32>
        %parallel_loop3A_392 = arith.muli %parallel_loop3A_338, %parallel_loop3A_391 : vector<16xi32>
        %parallel_loop3A_393 = arith.addi %parallel_loop3A_392, %iota3A : vector<16xi32>
        %parallel_loop3A_394 = arith.constant 16 : i32
        %parallel_loop3A_395 = vector.broadcast %parallel_loop3A_394 : i32 to vector<16xi32>
        %parallel_loop3A_396 = arith.muli %parallel_loop3A_339, %parallel_loop3A_395 : vector<16xi32>
        %parallel_loop3A_397 = arith.addi %parallel_loop3A_396, %iota3A : vector<16xi32>
        %parallel_loop3A_398 = arith.constant 16 : i32
        %parallel_loop3A_399 = vector.broadcast %parallel_loop3A_398 : i32 to vector<16xi32>
        %parallel_loop3A_400 = arith.muli %parallel_loop3A_340, %parallel_loop3A_399 : vector<16xi32>
        %parallel_loop3A_401 = arith.addi %parallel_loop3A_400, %iota3A : vector<16xi32>
        %parallel_loop3A_402 = arith.constant 16 : i32
        %parallel_loop3A_403 = vector.broadcast %parallel_loop3A_402 : i32 to vector<16xi32>
        %parallel_loop3A_404 = arith.muli %parallel_loop3A_341, %parallel_loop3A_403 : vector<16xi32>
        %parallel_loop3A_405 = arith.addi %parallel_loop3A_404, %iota3A : vector<16xi32>
        %parallel_loop3A_406 = arith.cmpf oge, %parallel_loop3A_140, %get3A_3 : vector<16xf32>
        %parallel_loop3A_407 = arith.cmpf oge, %parallel_loop3A_147, %get3A_3 : vector<16xf32>
        %parallel_loop3A_408 = arith.cmpf oge, %parallel_loop3A_154, %get3A_3 : vector<16xf32>
        %parallel_loop3A_409 = arith.cmpf oge, %parallel_loop3A_161, %get3A_3 : vector<16xf32>
        %parallel_loop3A_410 = arith.cmpf oge, %parallel_loop3A_168, %get3A_3 : vector<16xf32>
        %parallel_loop3A_411 = arith.cmpf oge, %parallel_loop3A_175, %get3A_3 : vector<16xf32>
        %parallel_loop3A_412 = arith.cmpf oge, %parallel_loop3A_182, %get3A_3 : vector<16xf32>
        %parallel_loop3A_413 = arith.cmpf oge, %parallel_loop3A_189, %get3A_3 : vector<16xf32>
        %parallel_loop3A_414 = arith.cmpf oge, %parallel_loop3A_196, %get3A_3 : vector<16xf32>
        %parallel_loop3A_415 = arith.cmpf oge, %parallel_loop3A_203, %get3A_3 : vector<16xf32>
        %parallel_loop3A_416 = arith.cmpf oge, %parallel_loop3A_210, %get3A_3 : vector<16xf32>
        %parallel_loop3A_417 = arith.cmpf oge, %parallel_loop3A_217, %get3A_3 : vector<16xf32>
        %parallel_loop3A_418 = arith.cmpf oge, %parallel_loop3A_224, %get3A_3 : vector<16xf32>
        %parallel_loop3A_419 = arith.cmpf oge, %parallel_loop3A_231, %get3A_3 : vector<16xf32>
        %parallel_loop3A_420 = arith.cmpf oge, %parallel_loop3A_238, %get3A_3 : vector<16xf32>
        %parallel_loop3A_421 = arith.cmpf oge, %parallel_loop3A_245, %get3A_3 : vector<16xf32>
        tpu.vector_store_idx %arg7[%parallel_loop3A_345], %broadcast_in_dim3A_12 masked %parallel_loop3A_406 {add = true} : memref<1616xf32, #tpu.memory_space<vmem>>[vector<16xi32>], vector<16xf32>, vector<16xi1>
        tpu.vector_store_idx %arg7[%parallel_loop3A_349], %broadcast_in_dim3A_12 masked %parallel_loop3A_407 {add = true} : memref<1616xf32, #tpu.memory_space<vmem>>[vector<16xi32>], vector<16xf32>, vector<16xi1>
        tpu.vector_store_idx %arg7[%parallel_loop3A_353], %broadcast_in_dim3A_12 masked %parallel_loop3A_408 {add = true} : memref<1616xf32, #tpu.memory_space<vmem>>[vector<16xi32>], vector<16xf32>, vector<16xi1>
        tpu.vector_store_idx %arg7[%parallel_loop3A_357], %broadcast_in_dim3A_12 masked %parallel_loop3A_409 {add = true} : memref<1616xf32, #tpu.memory_space<vmem>>[vector<16xi32>], vector<16xf32>, vector<16xi1>
        tpu.vector_store_idx %arg7[%parallel_loop3A_361], %broadcast_in_dim3A_12 masked %parallel_loop3A_410 {add = true} : memref<1616xf32, #tpu.memory_space<vmem>>[vector<16xi32>], vector<16xf32>, vector<16xi1>
        tpu.vector_store_idx %arg7[%parallel_loop3A_365], %broadcast_in_dim3A_12 masked %parallel_loop3A_411 {add = true} : memref<1616xf32, #tpu.memory_space<vmem>>[vector<16xi32>], vector<16xf32>, vector<16xi1>
        tpu.vector_store_idx %arg7[%parallel_loop3A_369], %broadcast_in_dim3A_12 masked %parallel_loop3A_412 {add = true} : memref<1616xf32, #tpu.memory_space<vmem>>[vector<16xi32>], vector<16xf32>, vector<16xi1>
        tpu.vector_store_idx %arg7[%parallel_loop3A_373], %broadcast_in_dim3A_12 masked %parallel_loop3A_413 {add = true} : memref<1616xf32, #tpu.memory_space<vmem>>[vector<16xi32>], vector<16xf32>, vector<16xi1>
        tpu.vector_store_idx %arg7[%parallel_loop3A_377], %broadcast_in_dim3A_12 masked %parallel_loop3A_414 {add = true} : memref<1616xf32, #tpu.memory_space<vmem>>[vector<16xi32>], vector<16xf32>, vector<16xi1>
        tpu.vector_store_idx %arg7[%parallel_loop3A_381], %broadcast_in_dim3A_12 masked %parallel_loop3A_415 {add = true} : memref<1616xf32, #tpu.memory_space<vmem>>[vector<16xi32>], vector<16xf32>, vector<16xi1>
        tpu.vector_store_idx %arg7[%parallel_loop3A_385], %broadcast_in_dim3A_12 masked %parallel_loop3A_416 {add = true} : memref<1616xf32, #tpu.memory_space<vmem>>[vector<16xi32>], vector<16xf32>, vector<16xi1>
        tpu.vector_store_idx %arg7[%parallel_loop3A_389], %broadcast_in_dim3A_12 masked %parallel_loop3A_417 {add = true} : memref<1616xf32, #tpu.memory_space<vmem>>[vector<16xi32>], vector<16xf32>, vector<16xi1>
        tpu.vector_store_idx %arg7[%parallel_loop3A_393], %broadcast_in_dim3A_12 masked %parallel_loop3A_418 {add = true} : memref<1616xf32, #tpu.memory_space<vmem>>[vector<16xi32>], vector<16xf32>, vector<16xi1>
        tpu.vector_store_idx %arg7[%parallel_loop3A_397], %broadcast_in_dim3A_12 masked %parallel_loop3A_419 {add = true} : memref<1616xf32, #tpu.memory_space<vmem>>[vector<16xi32>], vector<16xf32>, vector<16xi1>
        tpu.vector_store_idx %arg7[%parallel_loop3A_401], %broadcast_in_dim3A_12 masked %parallel_loop3A_420 {add = true} : memref<1616xf32, #tpu.memory_space<vmem>>[vector<16xi32>], vector<16xf32>, vector<16xi1>
        tpu.vector_store_idx %arg7[%parallel_loop3A_405], %broadcast_in_dim3A_12 masked %parallel_loop3A_421 {add = true} : memref<1616xf32, #tpu.memory_space<vmem>>[vector<16xi32>], vector<16xf32>, vector<16xi1>
        %parallel_loop3A_422 = arith.constant 0 : i32
        %parallel_loop3A_423 = arith.constant 0 : i32
        %parallel_loop3A_424 = tpu.memref_slice %arg6[%parallel_loop3A_108, %parallel_loop3A_422, %parallel_loop3A_423] : memref<2x64x512xf32, #tpu.memory_space<vmem>> -> memref<1x64x512xf32, #tpu.memory_space<vmem>>
        %parallel_loop3A_425 = tpu.memref_squeeze %parallel_loop3A_424 : memref<1x64x512xf32, #tpu.memory_space<vmem>> -> memref<64x512xf32, #tpu.memory_space<vmem>>
        %parallel_loop3A_426 = arith.index_cast %parallel_loop3A_133 : i32 to index
        %parallel_loop3A_427 = arith.constant 256 : index
        %parallel_loop3A_428 = tpu.vector_load %parallel_loop3A_425[%parallel_loop3A_426, %parallel_loop3A_427] {strides = array<i32>} : memref<64x512xf32, #tpu.memory_space<vmem>>, vector<16xf32>,
        %parallel_loop3A_429 = arith.constant 0 : i32
        %parallel_loop3A_430 = arith.constant 0 : i32
        %parallel_loop3A_431 = tpu.memref_slice %arg6[%parallel_loop3A_108, %parallel_loop3A_429, %parallel_loop3A_430] : memref<2x64x512xf32, #tpu.memory_space<vmem>> -> memref<1x64x512xf32, #tpu.memory_space<vmem>>
        %parallel_loop3A_432 = tpu.memref_squeeze %parallel_loop3A_431 : memref<1x64x512xf32, #tpu.memory_space<vmem>> -> memref<64x512xf32, #tpu.memory_space<vmem>>
        %parallel_loop3A_433 = arith.index_cast %parallel_loop3A_133 : i32 to index
        %parallel_loop3A_434 = arith.constant 272 : index
        %parallel_loop3A_435 = tpu.vector_load %parallel_loop3A_432[%parallel_loop3A_433, %parallel_loop3A_434] {strides = array<i32>} : memref<64x512xf32, #tpu.memory_space<vmem>>, vector<16xf32>,
        %parallel_loop3A_436 = arith.constant 0 : i32
        %parallel_loop3A_437 = arith.constant 0 : i32
        %parallel_loop3A_438 = tpu.memref_slice %arg6[%parallel_loop3A_108, %parallel_loop3A_436, %parallel_loop3A_437] : memref<2x64x512xf32, #tpu.memory_space<vmem>> -> memref<1x64x512xf32, #tpu.memory_space<vmem>>
        %parallel_loop3A_439 = tpu.memref_squeeze %parallel_loop3A_438 : memref<1x64x512xf32, #tpu.memory_space<vmem>> -> memref<64x512xf32, #tpu.memory_space<vmem>>
        %parallel_loop3A_440 = arith.index_cast %parallel_loop3A_133 : i32 to index
        %parallel_loop3A_441 = arith.constant 288 : index
        %parallel_loop3A_442 = tpu.vector_load %parallel_loop3A_439[%parallel_loop3A_440, %parallel_loop3A_441] {strides = array<i32>} : memref<64x512xf32, #tpu.memory_space<vmem>>, vector<16xf32>,
        %parallel_loop3A_443 = arith.constant 0 : i32
        %parallel_loop3A_444 = arith.constant 0 : i32
        %parallel_loop3A_445 = tpu.memref_slice %arg6[%parallel_loop3A_108, %parallel_loop3A_443, %parallel_loop3A_444] : memref<2x64x512xf32, #tpu.memory_space<vmem>> -> memref<1x64x512xf32, #tpu.memory_space<vmem>>
        %parallel_loop3A_446 = tpu.memref_squeeze %parallel_loop3A_445 : memref<1x64x512xf32, #tpu.memory_space<vmem>> -> memref<64x512xf32, #tpu.memory_space<vmem>>
        %parallel_loop3A_447 = arith.index_cast %parallel_loop3A_133 : i32 to index
        %parallel_loop3A_448 = arith.constant 304 : index
        %parallel_loop3A_449 = tpu.vector_load %parallel_loop3A_446[%parallel_loop3A_447, %parallel_loop3A_448] {strides = array<i32>} : memref<64x512xf32, #tpu.memory_space<vmem>>, vector<16xf32>,
        %parallel_loop3A_450 = arith.constant 0 : i32
        %parallel_loop3A_451 = arith.constant 0 : i32
        %parallel_loop3A_452 = tpu.memref_slice %arg6[%parallel_loop3A_108, %parallel_loop3A_450, %parallel_loop3A_451] : memref<2x64x512xf32, #tpu.memory_space<vmem>> -> memref<1x64x512xf32, #tpu.memory_space<vmem>>
        %parallel_loop3A_453 = tpu.memref_squeeze %parallel_loop3A_452 : memref<1x64x512xf32, #tpu.memory_space<vmem>> -> memref<64x512xf32, #tpu.memory_space<vmem>>
        %parallel_loop3A_454 = arith.index_cast %parallel_loop3A_133 : i32 to index
        %parallel_loop3A_455 = arith.constant 320 : index
        %parallel_loop3A_456 = tpu.vector_load %parallel_loop3A_453[%parallel_loop3A_454, %parallel_loop3A_455] {strides = array<i32>} : memref<64x512xf32, #tpu.memory_space<vmem>>, vector<16xf32>,
        %parallel_loop3A_457 = arith.constant 0 : i32
        %parallel_loop3A_458 = arith.constant 0 : i32
        %parallel_loop3A_459 = tpu.memref_slice %arg6[%parallel_loop3A_108, %parallel_loop3A_457, %parallel_loop3A_458] : memref<2x64x512xf32, #tpu.memory_space<vmem>> -> memref<1x64x512xf32, #tpu.memory_space<vmem>>
        %parallel_loop3A_460 = tpu.memref_squeeze %parallel_loop3A_459 : memref<1x64x512xf32, #tpu.memory_space<vmem>> -> memref<64x512xf32, #tpu.memory_space<vmem>>
        %parallel_loop3A_461 = arith.index_cast %parallel_loop3A_133 : i32 to index
        %parallel_loop3A_462 = arith.constant 336 : index
        %parallel_loop3A_463 = tpu.vector_load %parallel_loop3A_460[%parallel_loop3A_461, %parallel_loop3A_462] {strides = array<i32>} : memref<64x512xf32, #tpu.memory_space<vmem>>, vector<16xf32>,
        %parallel_loop3A_464 = arith.constant 0 : i32
        %parallel_loop3A_465 = arith.constant 0 : i32
        %parallel_loop3A_466 = tpu.memref_slice %arg6[%parallel_loop3A_108, %parallel_loop3A_464, %parallel_loop3A_465] : memref<2x64x512xf32, #tpu.memory_space<vmem>> -> memref<1x64x512xf32, #tpu.memory_space<vmem>>
        %parallel_loop3A_467 = tpu.memref_squeeze %parallel_loop3A_466 : memref<1x64x512xf32, #tpu.memory_space<vmem>> -> memref<64x512xf32, #tpu.memory_space<vmem>>
        %parallel_loop3A_468 = arith.index_cast %parallel_loop3A_133 : i32 to index
        %parallel_loop3A_469 = arith.constant 352 : index
        %parallel_loop3A_470 = tpu.vector_load %parallel_loop3A_467[%parallel_loop3A_468, %parallel_loop3A_469] {strides = array<i32>} : memref<64x512xf32, #tpu.memory_space<vmem>>, vector<16xf32>,
        %parallel_loop3A_471 = arith.constant 0 : i32
        %parallel_loop3A_472 = arith.constant 0 : i32
        %parallel_loop3A_473 = tpu.memref_slice %arg6[%parallel_loop3A_108, %parallel_loop3A_471, %parallel_loop3A_472] : memref<2x64x512xf32, #tpu.memory_space<vmem>> -> memref<1x64x512xf32, #tpu.memory_space<vmem>>
        %parallel_loop3A_474 = tpu.memref_squeeze %parallel_loop3A_473 : memref<1x64x512xf32, #tpu.memory_space<vmem>> -> memref<64x512xf32, #tpu.memory_space<vmem>>
        %parallel_loop3A_475 = arith.index_cast %parallel_loop3A_133 : i32 to index
        %parallel_loop3A_476 = arith.constant 368 : index
        %parallel_loop3A_477 = tpu.vector_load %parallel_loop3A_474[%parallel_loop3A_475, %parallel_loop3A_476] {strides = array<i32>} : memref<64x512xf32, #tpu.memory_space<vmem>>, vector<16xf32>,
        %parallel_loop3A_478 = arith.constant 0 : i32
        %parallel_loop3A_479 = arith.constant 0 : i32
        %parallel_loop3A_480 = tpu.memref_slice %arg6[%parallel_loop3A_108, %parallel_loop3A_478, %parallel_loop3A_479] : memref<2x64x512xf32, #tpu.memory_space<vmem>> -> memref<1x64x512xf32, #tpu.memory_space<vmem>>
        %parallel_loop3A_481 = tpu.memref_squeeze %parallel_loop3A_480 : memref<1x64x512xf32, #tpu.memory_space<vmem>> -> memref<64x512xf32, #tpu.memory_space<vmem>>
        %parallel_loop3A_482 = arith.index_cast %parallel_loop3A_133 : i32 to index
        %parallel_loop3A_483 = arith.constant 384 : index
        %parallel_loop3A_484 = tpu.vector_load %parallel_loop3A_481[%parallel_loop3A_482, %parallel_loop3A_483] {strides = array<i32>} : memref<64x512xf32, #tpu.memory_space<vmem>>, vector<16xf32>,
        %parallel_loop3A_485 = arith.constant 0 : i32
        %parallel_loop3A_486 = arith.constant 0 : i32
        %parallel_loop3A_487 = tpu.memref_slice %arg6[%parallel_loop3A_108, %parallel_loop3A_485, %parallel_loop3A_486] : memref<2x64x512xf32, #tpu.memory_space<vmem>> -> memref<1x64x512xf32, #tpu.memory_space<vmem>>
        %parallel_loop3A_488 = tpu.memref_squeeze %parallel_loop3A_487 : memref<1x64x512xf32, #tpu.memory_space<vmem>> -> memref<64x512xf32, #tpu.memory_space<vmem>>
        %parallel_loop3A_489 = arith.index_cast %parallel_loop3A_133 : i32 to index
        %parallel_loop3A_490 = arith.constant 400 : index
        %parallel_loop3A_491 = tpu.vector_load %parallel_loop3A_488[%parallel_loop3A_489, %parallel_loop3A_490] {strides = array<i32>} : memref<64x512xf32, #tpu.memory_space<vmem>>, vector<16xf32>,
        %parallel_loop3A_492 = arith.constant 0 : i32
        %parallel_loop3A_493 = arith.constant 0 : i32
        %parallel_loop3A_494 = tpu.memref_slice %arg6[%parallel_loop3A_108, %parallel_loop3A_492, %parallel_loop3A_493] : memref<2x64x512xf32, #tpu.memory_space<vmem>> -> memref<1x64x512xf32, #tpu.memory_space<vmem>>
        %parallel_loop3A_495 = tpu.memref_squeeze %parallel_loop3A_494 : memref<1x64x512xf32, #tpu.memory_space<vmem>> -> memref<64x512xf32, #tpu.memory_space<vmem>>
        %parallel_loop3A_496 = arith.index_cast %parallel_loop3A_133 : i32 to index
        %parallel_loop3A_497 = arith.constant 416 : index
        %parallel_loop3A_498 = tpu.vector_load %parallel_loop3A_495[%parallel_loop3A_496, %parallel_loop3A_497] {strides = array<i32>} : memref<64x512xf32, #tpu.memory_space<vmem>>, vector<16xf32>,
        %parallel_loop3A_499 = arith.constant 0 : i32
        %parallel_loop3A_500 = arith.constant 0 : i32
        %parallel_loop3A_501 = tpu.memref_slice %arg6[%parallel_loop3A_108, %parallel_loop3A_499, %parallel_loop3A_500] : memref<2x64x512xf32, #tpu.memory_space<vmem>> -> memref<1x64x512xf32, #tpu.memory_space<vmem>>
        %parallel_loop3A_502 = tpu.memref_squeeze %parallel_loop3A_501 : memref<1x64x512xf32, #tpu.memory_space<vmem>> -> memref<64x512xf32, #tpu.memory_space<vmem>>
        %parallel_loop3A_503 = arith.index_cast %parallel_loop3A_133 : i32 to index
        %parallel_loop3A_504 = arith.constant 432 : index
        %parallel_loop3A_505 = tpu.vector_load %parallel_loop3A_502[%parallel_loop3A_503, %parallel_loop3A_504] {strides = array<i32>} : memref<64x512xf32, #tpu.memory_space<vmem>>, vector<16xf32>,
        %parallel_loop3A_506 = arith.constant 0 : i32
        %parallel_loop3A_507 = arith.constant 0 : i32
        %parallel_loop3A_508 = tpu.memref_slice %arg6[%parallel_loop3A_108, %parallel_loop3A_506, %parallel_loop3A_507] : memref<2x64x512xf32, #tpu.memory_space<vmem>> -> memref<1x64x512xf32, #tpu.memory_space<vmem>>
        %parallel_loop3A_509 = tpu.memref_squeeze %parallel_loop3A_508 : memref<1x64x512xf32, #tpu.memory_space<vmem>> -> memref<64x512xf32, #tpu.memory_space<vmem>>
        %parallel_loop3A_510 = arith.index_cast %parallel_loop3A_133 : i32 to index
        %parallel_loop3A_511 = arith.constant 448 : index
        %parallel_loop3A_512 = tpu.vector_load %parallel_loop3A_509[%parallel_loop3A_510, %parallel_loop3A_511] {strides = array<i32>} : memref<64x512xf32, #tpu.memory_space<vmem>>, vector<16xf32>,
        %parallel_loop3A_513 = arith.constant 0 : i32
        %parallel_loop3A_514 = arith.constant 0 : i32
        %parallel_loop3A_515 = tpu.memref_slice %arg6[%parallel_loop3A_108, %parallel_loop3A_513, %parallel_loop3A_514] : memref<2x64x512xf32, #tpu.memory_space<vmem>> -> memref<1x64x512xf32, #tpu.memory_space<vmem>>
        %parallel_loop3A_516 = tpu.memref_squeeze %parallel_loop3A_515 : memref<1x64x512xf32, #tpu.memory_space<vmem>> -> memref<64x512xf32, #tpu.memory_space<vmem>>
        %parallel_loop3A_517 = arith.index_cast %parallel_loop3A_133 : i32 to index
        %parallel_loop3A_518 = arith.constant 464 : index
        %parallel_loop3A_519 = tpu.vector_load %parallel_loop3A_516[%parallel_loop3A_517, %parallel_loop3A_518] {strides = array<i32>} : memref<64x512xf32, #tpu.memory_space<vmem>>, vector<16xf32>,
        %parallel_loop3A_520 = arith.constant 0 : i32
        %parallel_loop3A_521 = arith.constant 0 : i32
        %parallel_loop3A_522 = tpu.memref_slice %arg6[%parallel_loop3A_108, %parallel_loop3A_520, %parallel_loop3A_521] : memref<2x64x512xf32, #tpu.memory_space<vmem>> -> memref<1x64x512xf32, #tpu.memory_space<vmem>>
        %parallel_loop3A_523 = tpu.memref_squeeze %parallel_loop3A_522 : memref<1x64x512xf32, #tpu.memory_space<vmem>> -> memref<64x512xf32, #tpu.memory_space<vmem>>
        %parallel_loop3A_524 = arith.index_cast %parallel_loop3A_133 : i32 to index
        %parallel_loop3A_525 = arith.constant 480 : index
        %parallel_loop3A_526 = tpu.vector_load %parallel_loop3A_523[%parallel_loop3A_524, %parallel_loop3A_525] {strides = array<i32>} : memref<64x512xf32, #tpu.memory_space<vmem>>, vector<16xf32>,
        %parallel_loop3A_527 = arith.constant 0 : i32
        %parallel_loop3A_528 = arith.constant 0 : i32
        %parallel_loop3A_529 = tpu.memref_slice %arg6[%parallel_loop3A_108, %parallel_loop3A_527, %parallel_loop3A_528] : memref<2x64x512xf32, #tpu.memory_space<vmem>> -> memref<1x64x512xf32, #tpu.memory_space<vmem>>
        %parallel_loop3A_530 = tpu.memref_squeeze %parallel_loop3A_529 : memref<1x64x512xf32, #tpu.memory_space<vmem>> -> memref<64x512xf32, #tpu.memory_space<vmem>>
        %parallel_loop3A_531 = arith.index_cast %parallel_loop3A_133 : i32 to index
        %parallel_loop3A_532 = arith.constant 496 : index
        %parallel_loop3A_533 = tpu.vector_load %parallel_loop3A_530[%parallel_loop3A_531, %parallel_loop3A_532] {strides = array<i32>} : memref<64x512xf32, #tpu.memory_space<vmem>>, vector<16xf32>,
        %parallel_loop3A_534 = arith.subf %parallel_loop3A_428, %get3A_3 : vector<16xf32>
        %parallel_loop3A_535 = arith.divf %parallel_loop3A_534, %get3A_5 : vector<16xf32>
        %parallel_loop3A_536 = arith.constant 1.000000e+02 : f32
        %parallel_loop3A_537 = vector.broadcast %parallel_loop3A_536 : f32 to vector<16xf32>
        %parallel_loop3A_538 = arith.mulf %parallel_loop3A_535, %parallel_loop3A_537 : vector<16xf32>
        %parallel_loop3A_539 = arith.subf %parallel_loop3A_435, %get3A_3 : vector<16xf32>
        %parallel_loop3A_540 = arith.divf %parallel_loop3A_539, %get3A_5 : vector<16xf32>
        %parallel_loop3A_541 = arith.constant 1.000000e+02 : f32
        %parallel_loop3A_542 = vector.broadcast %parallel_loop3A_541 : f32 to vector<16xf32>
        %parallel_loop3A_543 = arith.mulf %parallel_loop3A_540, %parallel_loop3A_542 : vector<16xf32>
        %parallel_loop3A_544 = arith.subf %parallel_loop3A_442, %get3A_3 : vector<16xf32>
        %parallel_loop3A_545 = arith.divf %parallel_loop3A_544, %get3A_5 : vector<16xf32>
        %parallel_loop3A_546 = arith.constant 1.000000e+02 : f32
        %parallel_loop3A_547 = vector.broadcast %parallel_loop3A_546 : f32 to vector<16xf32>
        %parallel_loop3A_548 = arith.mulf %parallel_loop3A_545, %parallel_loop3A_547 : vector<16xf32>
        %parallel_loop3A_549 = arith.subf %parallel_loop3A_449, %get3A_3 : vector<16xf32>
        %parallel_loop3A_550 = arith.divf %parallel_loop3A_549, %get3A_5 : vector<16xf32>
        %parallel_loop3A_551 = arith.constant 1.000000e+02 : f32
        %parallel_loop3A_552 = vector.broadcast %parallel_loop3A_551 : f32 to vector<16xf32>
        %parallel_loop3A_553 = arith.mulf %parallel_loop3A_550, %parallel_loop3A_552 : vector<16xf32>
        %parallel_loop3A_554 = arith.subf %parallel_loop3A_456, %get3A_3 : vector<16xf32>
        %parallel_loop3A_555 = arith.divf %parallel_loop3A_554, %get3A_5 : vector<16xf32>
        %parallel_loop3A_556 = arith.constant 1.000000e+02 : f32
        %parallel_loop3A_557 = vector.broadcast %parallel_loop3A_556 : f32 to vector<16xf32>
        %parallel_loop3A_558 = arith.mulf %parallel_loop3A_555, %parallel_loop3A_557 : vector<16xf32>
        %parallel_loop3A_559 = arith.subf %parallel_loop3A_463, %get3A_3 : vector<16xf32>
        %parallel_loop3A_560 = arith.divf %parallel_loop3A_559, %get3A_5 : vector<16xf32>
        %parallel_loop3A_561 = arith.constant 1.000000e+02 : f32
        %parallel_loop3A_562 = vector.broadcast %parallel_loop3A_561 : f32 to vector<16xf32>
        %parallel_loop3A_563 = arith.mulf %parallel_loop3A_560, %parallel_loop3A_562 : vector<16xf32>
        %parallel_loop3A_564 = arith.subf %parallel_loop3A_470, %get3A_3 : vector<16xf32>
        %parallel_loop3A_565 = arith.divf %parallel_loop3A_564, %get3A_5 : vector<16xf32>
        %parallel_loop3A_566 = arith.constant 1.000000e+02 : f32
        %parallel_loop3A_567 = vector.broadcast %parallel_loop3A_566 : f32 to vector<16xf32>
        %parallel_loop3A_568 = arith.mulf %parallel_loop3A_565, %parallel_loop3A_567 : vector<16xf32>
        %parallel_loop3A_569 = arith.subf %parallel_loop3A_477, %get3A_3 : vector<16xf32>
        %parallel_loop3A_570 = arith.divf %parallel_loop3A_569, %get3A_5 : vector<16xf32>
        %parallel_loop3A_571 = arith.constant 1.000000e+02 : f32
        %parallel_loop3A_572 = vector.broadcast %parallel_loop3A_571 : f32 to vector<16xf32>
        %parallel_loop3A_573 = arith.mulf %parallel_loop3A_570, %parallel_loop3A_572 : vector<16xf32>
        %parallel_loop3A_574 = arith.subf %parallel_loop3A_484, %get3A_3 : vector<16xf32>
        %parallel_loop3A_575 = arith.divf %parallel_loop3A_574, %get3A_5 : vector<16xf32>
        %parallel_loop3A_576 = arith.constant 1.000000e+02 : f32
        %parallel_loop3A_577 = vector.broadcast %parallel_loop3A_576 : f32 to vector<16xf32>
        %parallel_loop3A_578 = arith.mulf %parallel_loop3A_575, %parallel_loop3A_577 : vector<16xf32>
        %parallel_loop3A_579 = arith.subf %parallel_loop3A_491, %get3A_3 : vector<16xf32>
        %parallel_loop3A_580 = arith.divf %parallel_loop3A_579, %get3A_5 : vector<16xf32>
        %parallel_loop3A_581 = arith.constant 1.000000e+02 : f32
        %parallel_loop3A_582 = vector.broadcast %parallel_loop3A_581 : f32 to vector<16xf32>
        %parallel_loop3A_583 = arith.mulf %parallel_loop3A_580, %parallel_loop3A_582 : vector<16xf32>
        %parallel_loop3A_584 = arith.subf %parallel_loop3A_498, %get3A_3 : vector<16xf32>
        %parallel_loop3A_585 = arith.divf %parallel_loop3A_584, %get3A_5 : vector<16xf32>
        %parallel_loop3A_586 = arith.constant 1.000000e+02 : f32
        %parallel_loop3A_587 = vector.broadcast %parallel_loop3A_586 : f32 to vector<16xf32>
        %parallel_loop3A_588 = arith.mulf %parallel_loop3A_585, %parallel_loop3A_587 : vector<16xf32>
        %parallel_loop3A_589 = arith.subf %parallel_loop3A_505, %get3A_3 : vector<16xf32>
        %parallel_loop3A_590 = arith.divf %parallel_loop3A_589, %get3A_5 : vector<16xf32>
        %parallel_loop3A_591 = arith.constant 1.000000e+02 : f32
        %parallel_loop3A_592 = vector.broadcast %parallel_loop3A_591 : f32 to vector<16xf32>
        %parallel_loop3A_593 = arith.mulf %parallel_loop3A_590, %parallel_loop3A_592 : vector<16xf32>
        %parallel_loop3A_594 = arith.subf %parallel_loop3A_512, %get3A_3 : vector<16xf32>
        %parallel_loop3A_595 = arith.divf %parallel_loop3A_594, %get3A_5 : vector<16xf32>
        %parallel_loop3A_596 = arith.constant 1.000000e+02 : f32
        %parallel_loop3A_597 = vector.broadcast %parallel_loop3A_596 : f32 to vector<16xf32>
        %parallel_loop3A_598 = arith.mulf %parallel_loop3A_595, %parallel_loop3A_597 : vector<16xf32>
        %parallel_loop3A_599 = arith.subf %parallel_loop3A_519, %get3A_3 : vector<16xf32>
        %parallel_loop3A_600 = arith.divf %parallel_loop3A_599, %get3A_5 : vector<16xf32>
        %parallel_loop3A_601 = arith.constant 1.000000e+02 : f32
        %parallel_loop3A_602 = vector.broadcast %parallel_loop3A_601 : f32 to vector<16xf32>
        %parallel_loop3A_603 = arith.mulf %parallel_loop3A_600, %parallel_loop3A_602 : vector<16xf32>
        %parallel_loop3A_604 = arith.subf %parallel_loop3A_526, %get3A_3 : vector<16xf32>
        %parallel_loop3A_605 = arith.divf %parallel_loop3A_604, %get3A_5 : vector<16xf32>
        %parallel_loop3A_606 = arith.constant 1.000000e+02 : f32
        %parallel_loop3A_607 = vector.broadcast %parallel_loop3A_606 : f32 to vector<16xf32>
        %parallel_loop3A_608 = arith.mulf %parallel_loop3A_605, %parallel_loop3A_607 : vector<16xf32>
        %parallel_loop3A_609 = arith.subf %parallel_loop3A_533, %get3A_3 : vector<16xf32>
        %parallel_loop3A_610 = arith.divf %parallel_loop3A_609, %get3A_5 : vector<16xf32>
        %parallel_loop3A_611 = arith.constant 1.000000e+02 : f32
        %parallel_loop3A_612 = vector.broadcast %parallel_loop3A_611 : f32 to vector<16xf32>
        %parallel_loop3A_613 = arith.mulf %parallel_loop3A_610, %parallel_loop3A_612 : vector<16xf32>
        %parallel_loop3A_614 = arith.fptosi %parallel_loop3A_538 : vector<16xf32> to vector<16xi32>
        %parallel_loop3A_615 = arith.fptosi %parallel_loop3A_543 : vector<16xf32> to vector<16xi32>
        %parallel_loop3A_616 = arith.fptosi %parallel_loop3A_548 : vector<16xf32> to vector<16xi32>
        %parallel_loop3A_617 = arith.fptosi %parallel_loop3A_553 : vector<16xf32> to vector<16xi32>
        %parallel_loop3A_618 = arith.fptosi %parallel_loop3A_558 : vector<16xf32> to vector<16xi32>
        %parallel_loop3A_619 = arith.fptosi %parallel_loop3A_563 : vector<16xf32> to vector<16xi32>
        %parallel_loop3A_620 = arith.fptosi %parallel_loop3A_568 : vector<16xf32> to vector<16xi32>
        %parallel_loop3A_621 = arith.fptosi %parallel_loop3A_573 : vector<16xf32> to vector<16xi32>
        %parallel_loop3A_622 = arith.fptosi %parallel_loop3A_578 : vector<16xf32> to vector<16xi32>
        %parallel_loop3A_623 = arith.fptosi %parallel_loop3A_583 : vector<16xf32> to vector<16xi32>
        %parallel_loop3A_624 = arith.fptosi %parallel_loop3A_588 : vector<16xf32> to vector<16xi32>
        %parallel_loop3A_625 = arith.fptosi %parallel_loop3A_593 : vector<16xf32> to vector<16xi32>
        %parallel_loop3A_626 = arith.fptosi %parallel_loop3A_598 : vector<16xf32> to vector<16xi32>
        %parallel_loop3A_627 = arith.fptosi %parallel_loop3A_603 : vector<16xf32> to vector<16xi32>
        %parallel_loop3A_628 = arith.fptosi %parallel_loop3A_608 : vector<16xf32> to vector<16xi32>
        %parallel_loop3A_629 = arith.fptosi %parallel_loop3A_613 : vector<16xf32> to vector<16xi32>
        %parallel_loop3A_630 = arith.constant 16 : i32
        %parallel_loop3A_631 = vector.broadcast %parallel_loop3A_630 : i32 to vector<16xi32>
        %parallel_loop3A_632 = arith.muli %parallel_loop3A_614, %parallel_loop3A_631 : vector<16xi32>
        %parallel_loop3A_633 = arith.addi %parallel_loop3A_632, %iota3A : vector<16xi32>
        %parallel_loop3A_634 = arith.constant 16 : i32
        %parallel_loop3A_635 = vector.broadcast %parallel_loop3A_634 : i32 to vector<16xi32>
        %parallel_loop3A_636 = arith.muli %parallel_loop3A_615, %parallel_loop3A_635 : vector<16xi32>
        %parallel_loop3A_637 = arith.addi %parallel_loop3A_636, %iota3A : vector<16xi32>
        %parallel_loop3A_638 = arith.constant 16 : i32
        %parallel_loop3A_639 = vector.broadcast %parallel_loop3A_638 : i32 to vector<16xi32>
        %parallel_loop3A_640 = arith.muli %parallel_loop3A_616, %parallel_loop3A_639 : vector<16xi32>
        %parallel_loop3A_641 = arith.addi %parallel_loop3A_640, %iota3A : vector<16xi32>
        %parallel_loop3A_642 = arith.constant 16 : i32
        %parallel_loop3A_643 = vector.broadcast %parallel_loop3A_642 : i32 to vector<16xi32>
        %parallel_loop3A_644 = arith.muli %parallel_loop3A_617, %parallel_loop3A_643 : vector<16xi32>
        %parallel_loop3A_645 = arith.addi %parallel_loop3A_644, %iota3A : vector<16xi32>
        %parallel_loop3A_646 = arith.constant 16 : i32
        %parallel_loop3A_647 = vector.broadcast %parallel_loop3A_646 : i32 to vector<16xi32>
        %parallel_loop3A_648 = arith.muli %parallel_loop3A_618, %parallel_loop3A_647 : vector<16xi32>
        %parallel_loop3A_649 = arith.addi %parallel_loop3A_648, %iota3A : vector<16xi32>
        %parallel_loop3A_650 = arith.constant 16 : i32
        %parallel_loop3A_651 = vector.broadcast %parallel_loop3A_650 : i32 to vector<16xi32>
        %parallel_loop3A_652 = arith.muli %parallel_loop3A_619, %parallel_loop3A_651 : vector<16xi32>
        %parallel_loop3A_653 = arith.addi %parallel_loop3A_652, %iota3A : vector<16xi32>
        %parallel_loop3A_654 = arith.constant 16 : i32
        %parallel_loop3A_655 = vector.broadcast %parallel_loop3A_654 : i32 to vector<16xi32>
        %parallel_loop3A_656 = arith.muli %parallel_loop3A_620, %parallel_loop3A_655 : vector<16xi32>
        %parallel_loop3A_657 = arith.addi %parallel_loop3A_656, %iota3A : vector<16xi32>
        %parallel_loop3A_658 = arith.constant 16 : i32
        %parallel_loop3A_659 = vector.broadcast %parallel_loop3A_658 : i32 to vector<16xi32>
        %parallel_loop3A_660 = arith.muli %parallel_loop3A_621, %parallel_loop3A_659 : vector<16xi32>
        %parallel_loop3A_661 = arith.addi %parallel_loop3A_660, %iota3A : vector<16xi32>
        %parallel_loop3A_662 = arith.constant 16 : i32
        %parallel_loop3A_663 = vector.broadcast %parallel_loop3A_662 : i32 to vector<16xi32>
        %parallel_loop3A_664 = arith.muli %parallel_loop3A_622, %parallel_loop3A_663 : vector<16xi32>
        %parallel_loop3A_665 = arith.addi %parallel_loop3A_664, %iota3A : vector<16xi32>
        %parallel_loop3A_666 = arith.constant 16 : i32
        %parallel_loop3A_667 = vector.broadcast %parallel_loop3A_666 : i32 to vector<16xi32>
        %parallel_loop3A_668 = arith.muli %parallel_loop3A_623, %parallel_loop3A_667 : vector<16xi32>
        %parallel_loop3A_669 = arith.addi %parallel_loop3A_668, %iota3A : vector<16xi32>
        %parallel_loop3A_670 = arith.constant 16 : i32
        %parallel_loop3A_671 = vector.broadcast %parallel_loop3A_670 : i32 to vector<16xi32>
        %parallel_loop3A_672 = arith.muli %parallel_loop3A_624, %parallel_loop3A_671 : vector<16xi32>
        %parallel_loop3A_673 = arith.addi %parallel_loop3A_672, %iota3A : vector<16xi32>
        %parallel_loop3A_674 = arith.constant 16 : i32
        %parallel_loop3A_675 = vector.broadcast %parallel_loop3A_674 : i32 to vector<16xi32>
        %parallel_loop3A_676 = arith.muli %parallel_loop3A_625, %parallel_loop3A_675 : vector<16xi32>
        %parallel_loop3A_677 = arith.addi %parallel_loop3A_676, %iota3A : vector<16xi32>
        %parallel_loop3A_678 = arith.constant 16 : i32
        %parallel_loop3A_679 = vector.broadcast %parallel_loop3A_678 : i32 to vector<16xi32>
        %parallel_loop3A_680 = arith.muli %parallel_loop3A_626, %parallel_loop3A_679 : vector<16xi32>
        %parallel_loop3A_681 = arith.addi %parallel_loop3A_680, %iota3A : vector<16xi32>
        %parallel_loop3A_682 = arith.constant 16 : i32
        %parallel_loop3A_683 = vector.broadcast %parallel_loop3A_682 : i32 to vector<16xi32>
        %parallel_loop3A_684 = arith.muli %parallel_loop3A_627, %parallel_loop3A_683 : vector<16xi32>
        %parallel_loop3A_685 = arith.addi %parallel_loop3A_684, %iota3A : vector<16xi32>
        %parallel_loop3A_686 = arith.constant 16 : i32
        %parallel_loop3A_687 = vector.broadcast %parallel_loop3A_686 : i32 to vector<16xi32>
        %parallel_loop3A_688 = arith.muli %parallel_loop3A_628, %parallel_loop3A_687 : vector<16xi32>
        %parallel_loop3A_689 = arith.addi %parallel_loop3A_688, %iota3A : vector<16xi32>
        %parallel_loop3A_690 = arith.constant 16 : i32
        %parallel_loop3A_691 = vector.broadcast %parallel_loop3A_690 : i32 to vector<16xi32>
        %parallel_loop3A_692 = arith.muli %parallel_loop3A_629, %parallel_loop3A_691 : vector<16xi32>
        %parallel_loop3A_693 = arith.addi %parallel_loop3A_692, %iota3A : vector<16xi32>
        %parallel_loop3A_694 = arith.cmpf oge, %parallel_loop3A_428, %get3A_3 : vector<16xf32>
        %parallel_loop3A_695 = arith.cmpf oge, %parallel_loop3A_435, %get3A_3 : vector<16xf32>
        %parallel_loop3A_696 = arith.cmpf oge, %parallel_loop3A_442, %get3A_3 : vector<16xf32>
        %parallel_loop3A_697 = arith.cmpf oge, %parallel_loop3A_449, %get3A_3 : vector<16xf32>
        %parallel_loop3A_698 = arith.cmpf oge, %parallel_loop3A_456, %get3A_3 : vector<16xf32>
        %parallel_loop3A_699 = arith.cmpf oge, %parallel_loop3A_463, %get3A_3 : vector<16xf32>
        %parallel_loop3A_700 = arith.cmpf oge, %parallel_loop3A_470, %get3A_3 : vector<16xf32>
        %parallel_loop3A_701 = arith.cmpf oge, %parallel_loop3A_477, %get3A_3 : vector<16xf32>
        %parallel_loop3A_702 = arith.cmpf oge, %parallel_loop3A_484, %get3A_3 : vector<16xf32>
        %parallel_loop3A_703 = arith.cmpf oge, %parallel_loop3A_491, %get3A_3 : vector<16xf32>
        %parallel_loop3A_704 = arith.cmpf oge, %parallel_loop3A_498, %get3A_3 : vector<16xf32>
        %parallel_loop3A_705 = arith.cmpf oge, %parallel_loop3A_505, %get3A_3 : vector<16xf32>
        %parallel_loop3A_706 = arith.cmpf oge, %parallel_loop3A_512, %get3A_3 : vector<16xf32>
        %parallel_loop3A_707 = arith.cmpf oge, %parallel_loop3A_519, %get3A_3 : vector<16xf32>
        %parallel_loop3A_708 = arith.cmpf oge, %parallel_loop3A_526, %get3A_3 : vector<16xf32>
        %parallel_loop3A_709 = arith.cmpf oge, %parallel_loop3A_533, %get3A_3 : vector<16xf32>
        tpu.vector_store_idx %arg7[%parallel_loop3A_633], %broadcast_in_dim3A_12 masked %parallel_loop3A_694 {add = true} : memref<1616xf32, #tpu.memory_space<vmem>>[vector<16xi32>], vector<16xf32>, vector<16xi1>
        tpu.vector_store_idx %arg7[%parallel_loop3A_637], %broadcast_in_dim3A_12 masked %parallel_loop3A_695 {add = true} : memref<1616xf32, #tpu.memory_space<vmem>>[vector<16xi32>], vector<16xf32>, vector<16xi1>
        tpu.vector_store_idx %arg7[%parallel_loop3A_641], %broadcast_in_dim3A_12 masked %parallel_loop3A_696 {add = true} : memref<1616xf32, #tpu.memory_space<vmem>>[vector<16xi32>], vector<16xf32>, vector<16xi1>
        tpu.vector_store_idx %arg7[%parallel_loop3A_645], %broadcast_in_dim3A_12 masked %parallel_loop3A_697 {add = true} : memref<1616xf32, #tpu.memory_space<vmem>>[vector<16xi32>], vector<16xf32>, vector<16xi1>
        tpu.vector_store_idx %arg7[%parallel_loop3A_649], %broadcast_in_dim3A_12 masked %parallel_loop3A_698 {add = true} : memref<1616xf32, #tpu.memory_space<vmem>>[vector<16xi32>], vector<16xf32>, vector<16xi1>
        tpu.vector_store_idx %arg7[%parallel_loop3A_653], %broadcast_in_dim3A_12 masked %parallel_loop3A_699 {add = true} : memref<1616xf32, #tpu.memory_space<vmem>>[vector<16xi32>], vector<16xf32>, vector<16xi1>
        tpu.vector_store_idx %arg7[%parallel_loop3A_657], %broadcast_in_dim3A_12 masked %parallel_loop3A_700 {add = true} : memref<1616xf32, #tpu.memory_space<vmem>>[vector<16xi32>], vector<16xf32>, vector<16xi1>
        tpu.vector_store_idx %arg7[%parallel_loop3A_661], %broadcast_in_dim3A_12 masked %parallel_loop3A_701 {add = true} : memref<1616xf32, #tpu.memory_space<vmem>>[vector<16xi32>], vector<16xf32>, vector<16xi1>
        tpu.vector_store_idx %arg7[%parallel_loop3A_665], %broadcast_in_dim3A_12 masked %parallel_loop3A_702 {add = true} : memref<1616xf32, #tpu.memory_space<vmem>>[vector<16xi32>], vector<16xf32>, vector<16xi1>
        tpu.vector_store_idx %arg7[%parallel_loop3A_669], %broadcast_in_dim3A_12 masked %parallel_loop3A_703 {add = true} : memref<1616xf32, #tpu.memory_space<vmem>>[vector<16xi32>], vector<16xf32>, vector<16xi1>
        tpu.vector_store_idx %arg7[%parallel_loop3A_673], %broadcast_in_dim3A_12 masked %parallel_loop3A_704 {add = true} : memref<1616xf32, #tpu.memory_space<vmem>>[vector<16xi32>], vector<16xf32>, vector<16xi1>
        tpu.vector_store_idx %arg7[%parallel_loop3A_677], %broadcast_in_dim3A_12 masked %parallel_loop3A_705 {add = true} : memref<1616xf32, #tpu.memory_space<vmem>>[vector<16xi32>], vector<16xf32>, vector<16xi1>
        tpu.vector_store_idx %arg7[%parallel_loop3A_681], %broadcast_in_dim3A_12 masked %parallel_loop3A_706 {add = true} : memref<1616xf32, #tpu.memory_space<vmem>>[vector<16xi32>], vector<16xf32>, vector<16xi1>
        tpu.vector_store_idx %arg7[%parallel_loop3A_685], %broadcast_in_dim3A_12 masked %parallel_loop3A_707 {add = true} : memref<1616xf32, #tpu.memory_space<vmem>>[vector<16xi32>], vector<16xf32>, vector<16xi1>
        tpu.vector_store_idx %arg7[%parallel_loop3A_689], %broadcast_in_dim3A_12 masked %parallel_loop3A_708 {add = true} : memref<1616xf32, #tpu.memory_space<vmem>>[vector<16xi32>], vector<16xf32>, vector<16xi1>
        tpu.vector_store_idx %arg7[%parallel_loop3A_693], %broadcast_in_dim3A_12 masked %parallel_loop3A_709 {add = true} : memref<1616xf32, #tpu.memory_space<vmem>>[vector<16xi32>], vector<16xf32>, vector<16xi1>
      } {sc.loop_unroll_factor = 1 : i64, sc.parallel_access}
      %dma_wait3A_109 = arith.constant 0 : i32
      %dma_wait3A_110 = arith.constant 1 : i32
      %dma_wait3A_111 = arith.constant 0 : i32
      %dma_wait3A_112 = arith.constant 0 : i32
      %dma_wait3A_113 = tpu.memref_slice %arg6[%dma_wait3A_110, %dma_wait3A_111, %dma_wait3A_112] : memref<2x64x512xf32, #tpu.memory_space<vmem>> -> memref<1x64x512xf32, #tpu.memory_space<vmem>>
      %dma_wait3A_114 = tpu.memref_squeeze %dma_wait3A_113 : memref<1x64x512xf32, #tpu.memory_space<vmem>> -> memref<64x512xf32, #tpu.memory_space<vmem>>
      %dma_wait3A_115 = arith.constant 0 : i32
      %dma_wait3A_116 = arith.constant 0 : i32
      %dma_wait3A_117 = tpu.memref_slice %arg2[%dma_wait3A_109, %dma_wait3A_115, %dma_wait3A_116] : memref<96x512x512xf32, #tpu.memory_space<hbm>> -> memref<1x64x512xf32, #tpu.memory_space<hbm>>
      %dma_wait3A_118 = tpu.memref_squeeze %dma_wait3A_117 : memref<1x64x512xf32, #tpu.memory_space<hbm>> -> memref<64x512xf32, #tpu.memory_space<hbm>>
      %dma_wait3A_119 = arith.constant 0 : i32
      %dma_wait3A_120 = arith.constant 0 : i32
      %dma_wait3A_121 = tpu.memref_slice %arg6[%dma_wait3A_110, %dma_wait3A_119, %dma_wait3A_120] : memref<2x64x512xf32, #tpu.memory_space<vmem>> -> memref<1x64x512xf32, #tpu.memory_space<vmem>>
      %dma_wait3A_122 = tpu.memref_squeeze %dma_wait3A_121 : memref<1x64x512xf32, #tpu.memory_space<vmem>> -> memref<64x512xf32, #tpu.memory_space<vmem>>
      %dma_wait3A_123 = arith.constant 0 : i32
      %dma_wait3A_124 = arith.constant 0 : i32
      %dma_wait3A_125 = tpu.memref_slice %arg2[%dma_wait3A_109, %dma_wait3A_123, %dma_wait3A_124] : memref<96x512x512xf32, #tpu.memory_space<hbm>> -> memref<1x64x512xf32, #tpu.memory_space<hbm>>
      %dma_wait3A_126 = tpu.memref_squeeze %dma_wait3A_125 : memref<1x64x512xf32, #tpu.memory_space<hbm>> -> memref<64x512xf32, #tpu.memory_space<hbm>>
      tpu.wait_dma2 semaphore(%arg10 : memref<!tpu.dma_semaphore, #tpu.memory_space<semaphore_mem>>) src(%dma_wait3A_126 : memref<64x512xf32, #tpu.memory_space<hbm>>) dst(%dma_wait3A_122 : memref<64x512xf32, #tpu.memory_space<vmem>>)
      %lt3A = arith.constant 11 : i32
      %lt3A_127 = arith.cmpi slt, %scan3A_64, %lt3A : i32
      %convert_element_type3A = arith.extui %lt3A_127 : i1 to i32
      %cond3A = arith.constant 0 : i32
      %cond3A_128 = arith.cmpi ne, %convert_element_type3A, %cond3A : i32
      scf.if %cond3A_128 {
        %mul3A_133 = arith.constant 2 : i32
        %mul3A_134 = arith.muli %mul3A_133, %scan3A_64 : i32
        %add3A_135 = arith.constant 2 : i32
        %add3A_136 = arith.addi %mul3A_134, %add3A_135 : i32
        %shift_right_arithmetic3A_137 = arith.constant 3 : i32
        %shift_right_arithmetic3A_138 = arith.shrsi %add3A_136, %shift_right_arithmetic3A_137 : i32
        %add3A_139 = arith.addi %mul3A_2, %shift_right_arithmetic3A_138 : i32
        %and3A_140 = arith.constant 7 : i32
        %and3A_141 = arith.andi %add3A_136, %and3A_140 : i32
        %mul3A_142 = arith.constant 64 : i32
        %mul3A_143 = arith.muli %and3A_141, %mul3A_142 : i32
        %dma_start3A_144 = arith.constant 0 : i32
        %dma_start3A_145 = arith.constant 0 : i32
        %dma_start3A_146 = arith.constant 0 : i32
        %dma_start3A_147 = tpu.memref_slice %arg6[%dma_start3A_144, %dma_start3A_145, %dma_start3A_146] : memref<2x64x512xf32, #tpu.memory_space<vmem>> -> memref<1x64x512xf32, #tpu.memory_space<vmem>>
        %dma_start3A_148 = tpu.memref_squeeze %dma_start3A_147 : memref<1x64x512xf32, #tpu.memory_space<vmem>> -> memref<64x512xf32, #tpu.memory_space<vmem>>
        %dma_start3A_149 = arith.constant 0 : i32
        %dma_start3A_150 = tpu.memref_slice %arg2[%add3A_139, %mul3A_143, %dma_start3A_149] : memref<96x512x512xf32, #tpu.memory_space<hbm>> -> memref<1x64x512xf32, #tpu.memory_space<hbm>>
        %dma_start3A_151 = tpu.memref_squeeze %dma_start3A_150 : memref<1x64x512xf32, #tpu.memory_space<hbm>> -> memref<64x512xf32, #tpu.memory_space<hbm>>
        %dma_start3A_152 = arith.constant 0 : i32
        %dma_start3A_153 = arith.constant 0 : i32
        %dma_start3A_154 = tpu.memref_slice %arg6[%dma_start3A_144, %dma_start3A_152, %dma_start3A_153] : memref<2x64x512xf32, #tpu.memory_space<vmem>> -> memref<1x64x512xf32, #tpu.memory_space<vmem>>
        %dma_start3A_155 = tpu.memref_squeeze %dma_start3A_154 : memref<1x64x512xf32, #tpu.memory_space<vmem>> -> memref<64x512xf32, #tpu.memory_space<vmem>>
        %dma_start3A_156 = arith.constant 0 : i32
        %dma_start3A_157 = tpu.memref_slice %arg2[%add3A_139, %mul3A_143, %dma_start3A_156] : memref<96x512x512xf32, #tpu.memory_space<hbm>> -> memref<1x64x512xf32, #tpu.memory_space<hbm>>
        %dma_start3A_158 = tpu.memref_squeeze %dma_start3A_157 : memref<1x64x512xf32, #tpu.memory_space<hbm>> -> memref<64x512xf32, #tpu.memory_space<hbm>>
        tpu.enqueue_dma source(%dma_start3A_158 : memref<64x512xf32, #tpu.memory_space<hbm>>) target(%dma_start3A_155 : memref<64x512xf32, #tpu.memory_space<vmem>>) target_semaphore(%arg9 : memref<!tpu.dma_semaphore, #tpu.memory_space<semaphore_mem>>)
      } else {
      }
      %parallel_loop3A_129 = arith.constant 0 : i32
      %parallel_loop3A_130 = arith.constant 64 : i32
      %parallel_loop3A_131 = arith.constant 1 : i32
      %parallel_loop3A_132 = arith.constant 1 : i32
      scf.for %parallel_loop3A_133 = %parallel_loop3A_129 to %parallel_loop3A_130 step %parallel_loop3A_131  : i32 {
        %parallel_loop3A_134 = arith.constant 0 : i32
        %parallel_loop3A_135 = arith.constant 0 : i32
        %parallel_loop3A_136 = tpu.memref_slice %arg6[%parallel_loop3A_132, %parallel_loop3A_134, %parallel_loop3A_135] : memref<2x64x512xf32, #tpu.memory_space<vmem>> -> memref<1x64x512xf32, #tpu.memory_space<vmem>>
        %parallel_loop3A_137 = tpu.memref_squeeze %parallel_loop3A_136 : memref<1x64x512xf32, #tpu.memory_space<vmem>> -> memref<64x512xf32, #tpu.memory_space<vmem>>
        %parallel_loop3A_138 = arith.index_cast %parallel_loop3A_133 : i32 to index
        %parallel_loop3A_139 = arith.constant 0 : index
        %parallel_loop3A_140 = tpu.vector_load %parallel_loop3A_137[%parallel_loop3A_138, %parallel_loop3A_139] {strides = array<i32>} : memref<64x512xf32, #tpu.memory_space<vmem>>, vector<16xf32>,
        %parallel_loop3A_141 = arith.constant 0 : i32
        %parallel_loop3A_142 = arith.constant 0 : i32
        %parallel_loop3A_143 = tpu.memref_slice %arg6[%parallel_loop3A_132, %parallel_loop3A_141, %parallel_loop3A_142] : memref<2x64x512xf32, #tpu.memory_space<vmem>> -> memref<1x64x512xf32, #tpu.memory_space<vmem>>
        %parallel_loop3A_144 = tpu.memref_squeeze %parallel_loop3A_143 : memref<1x64x512xf32, #tpu.memory_space<vmem>> -> memref<64x512xf32, #tpu.memory_space<vmem>>
        %parallel_loop3A_145 = arith.index_cast %parallel_loop3A_133 : i32 to index
        %parallel_loop3A_146 = arith.constant 16 : index
        %parallel_loop3A_147 = tpu.vector_load %parallel_loop3A_144[%parallel_loop3A_145, %parallel_loop3A_146] {strides = array<i32>} : memref<64x512xf32, #tpu.memory_space<vmem>>, vector<16xf32>,
        %parallel_loop3A_148 = arith.constant 0 : i32
        %parallel_loop3A_149 = arith.constant 0 : i32
        %parallel_loop3A_150 = tpu.memref_slice %arg6[%parallel_loop3A_132, %parallel_loop3A_148, %parallel_loop3A_149] : memref<2x64x512xf32, #tpu.memory_space<vmem>> -> memref<1x64x512xf32, #tpu.memory_space<vmem>>
        %parallel_loop3A_151 = tpu.memref_squeeze %parallel_loop3A_150 : memref<1x64x512xf32, #tpu.memory_space<vmem>> -> memref<64x512xf32, #tpu.memory_space<vmem>>
        %parallel_loop3A_152 = arith.index_cast %parallel_loop3A_133 : i32 to index
        %parallel_loop3A_153 = arith.constant 32 : index
        %parallel_loop3A_154 = tpu.vector_load %parallel_loop3A_151[%parallel_loop3A_152, %parallel_loop3A_153] {strides = array<i32>} : memref<64x512xf32, #tpu.memory_space<vmem>>, vector<16xf32>,
        %parallel_loop3A_155 = arith.constant 0 : i32
        %parallel_loop3A_156 = arith.constant 0 : i32
        %parallel_loop3A_157 = tpu.memref_slice %arg6[%parallel_loop3A_132, %parallel_loop3A_155, %parallel_loop3A_156] : memref<2x64x512xf32, #tpu.memory_space<vmem>> -> memref<1x64x512xf32, #tpu.memory_space<vmem>>
        %parallel_loop3A_158 = tpu.memref_squeeze %parallel_loop3A_157 : memref<1x64x512xf32, #tpu.memory_space<vmem>> -> memref<64x512xf32, #tpu.memory_space<vmem>>
        %parallel_loop3A_159 = arith.index_cast %parallel_loop3A_133 : i32 to index
        %parallel_loop3A_160 = arith.constant 48 : index
        %parallel_loop3A_161 = tpu.vector_load %parallel_loop3A_158[%parallel_loop3A_159, %parallel_loop3A_160] {strides = array<i32>} : memref<64x512xf32, #tpu.memory_space<vmem>>, vector<16xf32>,
        %parallel_loop3A_162 = arith.constant 0 : i32
        %parallel_loop3A_163 = arith.constant 0 : i32
        %parallel_loop3A_164 = tpu.memref_slice %arg6[%parallel_loop3A_132, %parallel_loop3A_162, %parallel_loop3A_163] : memref<2x64x512xf32, #tpu.memory_space<vmem>> -> memref<1x64x512xf32, #tpu.memory_space<vmem>>
        %parallel_loop3A_165 = tpu.memref_squeeze %parallel_loop3A_164 : memref<1x64x512xf32, #tpu.memory_space<vmem>> -> memref<64x512xf32, #tpu.memory_space<vmem>>
        %parallel_loop3A_166 = arith.index_cast %parallel_loop3A_133 : i32 to index
        %parallel_loop3A_167 = arith.constant 64 : index
        %parallel_loop3A_168 = tpu.vector_load %parallel_loop3A_165[%parallel_loop3A_166, %parallel_loop3A_167] {strides = array<i32>} : memref<64x512xf32, #tpu.memory_space<vmem>>, vector<16xf32>,
        %parallel_loop3A_169 = arith.constant 0 : i32
        %parallel_loop3A_170 = arith.constant 0 : i32
        %parallel_loop3A_171 = tpu.memref_slice %arg6[%parallel_loop3A_132, %parallel_loop3A_169, %parallel_loop3A_170] : memref<2x64x512xf32, #tpu.memory_space<vmem>> -> memref<1x64x512xf32, #tpu.memory_space<vmem>>
        %parallel_loop3A_172 = tpu.memref_squeeze %parallel_loop3A_171 : memref<1x64x512xf32, #tpu.memory_space<vmem>> -> memref<64x512xf32, #tpu.memory_space<vmem>>
        %parallel_loop3A_173 = arith.index_cast %parallel_loop3A_133 : i32 to index
        %parallel_loop3A_174 = arith.constant 80 : index
        %parallel_loop3A_175 = tpu.vector_load %parallel_loop3A_172[%parallel_loop3A_173, %parallel_loop3A_174] {strides = array<i32>} : memref<64x512xf32, #tpu.memory_space<vmem>>, vector<16xf32>,
        %parallel_loop3A_176 = arith.constant 0 : i32
        %parallel_loop3A_177 = arith.constant 0 : i32
        %parallel_loop3A_178 = tpu.memref_slice %arg6[%parallel_loop3A_132, %parallel_loop3A_176, %parallel_loop3A_177] : memref<2x64x512xf32, #tpu.memory_space<vmem>> -> memref<1x64x512xf32, #tpu.memory_space<vmem>>
        %parallel_loop3A_179 = tpu.memref_squeeze %parallel_loop3A_178 : memref<1x64x512xf32, #tpu.memory_space<vmem>> -> memref<64x512xf32, #tpu.memory_space<vmem>>
        %parallel_loop3A_180 = arith.index_cast %parallel_loop3A_133 : i32 to index
        %parallel_loop3A_181 = arith.constant 96 : index
        %parallel_loop3A_182 = tpu.vector_load %parallel_loop3A_179[%parallel_loop3A_180, %parallel_loop3A_181] {strides = array<i32>} : memref<64x512xf32, #tpu.memory_space<vmem>>, vector<16xf32>,
        %parallel_loop3A_183 = arith.constant 0 : i32
        %parallel_loop3A_184 = arith.constant 0 : i32
        %parallel_loop3A_185 = tpu.memref_slice %arg6[%parallel_loop3A_132, %parallel_loop3A_183, %parallel_loop3A_184] : memref<2x64x512xf32, #tpu.memory_space<vmem>> -> memref<1x64x512xf32, #tpu.memory_space<vmem>>
        %parallel_loop3A_186 = tpu.memref_squeeze %parallel_loop3A_185 : memref<1x64x512xf32, #tpu.memory_space<vmem>> -> memref<64x512xf32, #tpu.memory_space<vmem>>
        %parallel_loop3A_187 = arith.index_cast %parallel_loop3A_133 : i32 to index
        %parallel_loop3A_188 = arith.constant 112 : index
        %parallel_loop3A_189 = tpu.vector_load %parallel_loop3A_186[%parallel_loop3A_187, %parallel_loop3A_188] {strides = array<i32>} : memref<64x512xf32, #tpu.memory_space<vmem>>, vector<16xf32>,
        %parallel_loop3A_190 = arith.constant 0 : i32
        %parallel_loop3A_191 = arith.constant 0 : i32
        %parallel_loop3A_192 = tpu.memref_slice %arg6[%parallel_loop3A_132, %parallel_loop3A_190, %parallel_loop3A_191] : memref<2x64x512xf32, #tpu.memory_space<vmem>> -> memref<1x64x512xf32, #tpu.memory_space<vmem>>
        %parallel_loop3A_193 = tpu.memref_squeeze %parallel_loop3A_192 : memref<1x64x512xf32, #tpu.memory_space<vmem>> -> memref<64x512xf32, #tpu.memory_space<vmem>>
        %parallel_loop3A_194 = arith.index_cast %parallel_loop3A_133 : i32 to index
        %parallel_loop3A_195 = arith.constant 128 : index
        %parallel_loop3A_196 = tpu.vector_load %parallel_loop3A_193[%parallel_loop3A_194, %parallel_loop3A_195] {strides = array<i32>} : memref<64x512xf32, #tpu.memory_space<vmem>>, vector<16xf32>,
        %parallel_loop3A_197 = arith.constant 0 : i32
        %parallel_loop3A_198 = arith.constant 0 : i32
        %parallel_loop3A_199 = tpu.memref_slice %arg6[%parallel_loop3A_132, %parallel_loop3A_197, %parallel_loop3A_198] : memref<2x64x512xf32, #tpu.memory_space<vmem>> -> memref<1x64x512xf32, #tpu.memory_space<vmem>>
        %parallel_loop3A_200 = tpu.memref_squeeze %parallel_loop3A_199 : memref<1x64x512xf32, #tpu.memory_space<vmem>> -> memref<64x512xf32, #tpu.memory_space<vmem>>
        %parallel_loop3A_201 = arith.index_cast %parallel_loop3A_133 : i32 to index
        %parallel_loop3A_202 = arith.constant 144 : index
        %parallel_loop3A_203 = tpu.vector_load %parallel_loop3A_200[%parallel_loop3A_201, %parallel_loop3A_202] {strides = array<i32>} : memref<64x512xf32, #tpu.memory_space<vmem>>, vector<16xf32>,
        %parallel_loop3A_204 = arith.constant 0 : i32
        %parallel_loop3A_205 = arith.constant 0 : i32
        %parallel_loop3A_206 = tpu.memref_slice %arg6[%parallel_loop3A_132, %parallel_loop3A_204, %parallel_loop3A_205] : memref<2x64x512xf32, #tpu.memory_space<vmem>> -> memref<1x64x512xf32, #tpu.memory_space<vmem>>
        %parallel_loop3A_207 = tpu.memref_squeeze %parallel_loop3A_206 : memref<1x64x512xf32, #tpu.memory_space<vmem>> -> memref<64x512xf32, #tpu.memory_space<vmem>>
        %parallel_loop3A_208 = arith.index_cast %parallel_loop3A_133 : i32 to index
        %parallel_loop3A_209 = arith.constant 160 : index
        %parallel_loop3A_210 = tpu.vector_load %parallel_loop3A_207[%parallel_loop3A_208, %parallel_loop3A_209] {strides = array<i32>} : memref<64x512xf32, #tpu.memory_space<vmem>>, vector<16xf32>,
        %parallel_loop3A_211 = arith.constant 0 : i32
        %parallel_loop3A_212 = arith.constant 0 : i32
        %parallel_loop3A_213 = tpu.memref_slice %arg6[%parallel_loop3A_132, %parallel_loop3A_211, %parallel_loop3A_212] : memref<2x64x512xf32, #tpu.memory_space<vmem>> -> memref<1x64x512xf32, #tpu.memory_space<vmem>>
        %parallel_loop3A_214 = tpu.memref_squeeze %parallel_loop3A_213 : memref<1x64x512xf32, #tpu.memory_space<vmem>> -> memref<64x512xf32, #tpu.memory_space<vmem>>
        %parallel_loop3A_215 = arith.index_cast %parallel_loop3A_133 : i32 to index
        %parallel_loop3A_216 = arith.constant 176 : index
        %parallel_loop3A_217 = tpu.vector_load %parallel_loop3A_214[%parallel_loop3A_215, %parallel_loop3A_216] {strides = array<i32>} : memref<64x512xf32, #tpu.memory_space<vmem>>, vector<16xf32>,
        %parallel_loop3A_218 = arith.constant 0 : i32
        %parallel_loop3A_219 = arith.constant 0 : i32
        %parallel_loop3A_220 = tpu.memref_slice %arg6[%parallel_loop3A_132, %parallel_loop3A_218, %parallel_loop3A_219] : memref<2x64x512xf32, #tpu.memory_space<vmem>> -> memref<1x64x512xf32, #tpu.memory_space<vmem>>
        %parallel_loop3A_221 = tpu.memref_squeeze %parallel_loop3A_220 : memref<1x64x512xf32, #tpu.memory_space<vmem>> -> memref<64x512xf32, #tpu.memory_space<vmem>>
        %parallel_loop3A_222 = arith.index_cast %parallel_loop3A_133 : i32 to index
        %parallel_loop3A_223 = arith.constant 192 : index
        %parallel_loop3A_224 = tpu.vector_load %parallel_loop3A_221[%parallel_loop3A_222, %parallel_loop3A_223] {strides = array<i32>} : memref<64x512xf32, #tpu.memory_space<vmem>>, vector<16xf32>,
        %parallel_loop3A_225 = arith.constant 0 : i32
        %parallel_loop3A_226 = arith.constant 0 : i32
        %parallel_loop3A_227 = tpu.memref_slice %arg6[%parallel_loop3A_132, %parallel_loop3A_225, %parallel_loop3A_226] : memref<2x64x512xf32, #tpu.memory_space<vmem>> -> memref<1x64x512xf32, #tpu.memory_space<vmem>>
        %parallel_loop3A_228 = tpu.memref_squeeze %parallel_loop3A_227 : memref<1x64x512xf32, #tpu.memory_space<vmem>> -> memref<64x512xf32, #tpu.memory_space<vmem>>
        %parallel_loop3A_229 = arith.index_cast %parallel_loop3A_133 : i32 to index
        %parallel_loop3A_230 = arith.constant 208 : index
        %parallel_loop3A_231 = tpu.vector_load %parallel_loop3A_228[%parallel_loop3A_229, %parallel_loop3A_230] {strides = array<i32>} : memref<64x512xf32, #tpu.memory_space<vmem>>, vector<16xf32>,
        %parallel_loop3A_232 = arith.constant 0 : i32
        %parallel_loop3A_233 = arith.constant 0 : i32
        %parallel_loop3A_234 = tpu.memref_slice %arg6[%parallel_loop3A_132, %parallel_loop3A_232, %parallel_loop3A_233] : memref<2x64x512xf32, #tpu.memory_space<vmem>> -> memref<1x64x512xf32, #tpu.memory_space<vmem>>
        %parallel_loop3A_235 = tpu.memref_squeeze %parallel_loop3A_234 : memref<1x64x512xf32, #tpu.memory_space<vmem>> -> memref<64x512xf32, #tpu.memory_space<vmem>>
        %parallel_loop3A_236 = arith.index_cast %parallel_loop3A_133 : i32 to index
        %parallel_loop3A_237 = arith.constant 224 : index
        %parallel_loop3A_238 = tpu.vector_load %parallel_loop3A_235[%parallel_loop3A_236, %parallel_loop3A_237] {strides = array<i32>} : memref<64x512xf32, #tpu.memory_space<vmem>>, vector<16xf32>,
        %parallel_loop3A_239 = arith.constant 0 : i32
        %parallel_loop3A_240 = arith.constant 0 : i32
        %parallel_loop3A_241 = tpu.memref_slice %arg6[%parallel_loop3A_132, %parallel_loop3A_239, %parallel_loop3A_240] : memref<2x64x512xf32, #tpu.memory_space<vmem>> -> memref<1x64x512xf32, #tpu.memory_space<vmem>>
        %parallel_loop3A_242 = tpu.memref_squeeze %parallel_loop3A_241 : memref<1x64x512xf32, #tpu.memory_space<vmem>> -> memref<64x512xf32, #tpu.memory_space<vmem>>
        %parallel_loop3A_243 = arith.index_cast %parallel_loop3A_133 : i32 to index
        %parallel_loop3A_244 = arith.constant 240 : index
        %parallel_loop3A_245 = tpu.vector_load %parallel_loop3A_242[%parallel_loop3A_243, %parallel_loop3A_244] {strides = array<i32>} : memref<64x512xf32, #tpu.memory_space<vmem>>, vector<16xf32>,
        %parallel_loop3A_246 = arith.subf %parallel_loop3A_140, %get3A_3 : vector<16xf32>
        %parallel_loop3A_247 = arith.divf %parallel_loop3A_246, %get3A_5 : vector<16xf32>
        %parallel_loop3A_248 = arith.constant 1.000000e+02 : f32
        %parallel_loop3A_249 = vector.broadcast %parallel_loop3A_248 : f32 to vector<16xf32>
        %parallel_loop3A_250 = arith.mulf %parallel_loop3A_247, %parallel_loop3A_249 : vector<16xf32>
        %parallel_loop3A_251 = arith.subf %parallel_loop3A_147, %get3A_3 : vector<16xf32>
        %parallel_loop3A_252 = arith.divf %parallel_loop3A_251, %get3A_5 : vector<16xf32>
        %parallel_loop3A_253 = arith.constant 1.000000e+02 : f32
        %parallel_loop3A_254 = vector.broadcast %parallel_loop3A_253 : f32 to vector<16xf32>
        %parallel_loop3A_255 = arith.mulf %parallel_loop3A_252, %parallel_loop3A_254 : vector<16xf32>
        %parallel_loop3A_256 = arith.subf %parallel_loop3A_154, %get3A_3 : vector<16xf32>
        %parallel_loop3A_257 = arith.divf %parallel_loop3A_256, %get3A_5 : vector<16xf32>
        %parallel_loop3A_258 = arith.constant 1.000000e+02 : f32
        %parallel_loop3A_259 = vector.broadcast %parallel_loop3A_258 : f32 to vector<16xf32>
        %parallel_loop3A_260 = arith.mulf %parallel_loop3A_257, %parallel_loop3A_259 : vector<16xf32>
        %parallel_loop3A_261 = arith.subf %parallel_loop3A_161, %get3A_3 : vector<16xf32>
        %parallel_loop3A_262 = arith.divf %parallel_loop3A_261, %get3A_5 : vector<16xf32>
        %parallel_loop3A_263 = arith.constant 1.000000e+02 : f32
        %parallel_loop3A_264 = vector.broadcast %parallel_loop3A_263 : f32 to vector<16xf32>
        %parallel_loop3A_265 = arith.mulf %parallel_loop3A_262, %parallel_loop3A_264 : vector<16xf32>
        %parallel_loop3A_266 = arith.subf %parallel_loop3A_168, %get3A_3 : vector<16xf32>
        %parallel_loop3A_267 = arith.divf %parallel_loop3A_266, %get3A_5 : vector<16xf32>
        %parallel_loop3A_268 = arith.constant 1.000000e+02 : f32
        %parallel_loop3A_269 = vector.broadcast %parallel_loop3A_268 : f32 to vector<16xf32>
        %parallel_loop3A_270 = arith.mulf %parallel_loop3A_267, %parallel_loop3A_269 : vector<16xf32>
        %parallel_loop3A_271 = arith.subf %parallel_loop3A_175, %get3A_3 : vector<16xf32>
        %parallel_loop3A_272 = arith.divf %parallel_loop3A_271, %get3A_5 : vector<16xf32>
        %parallel_loop3A_273 = arith.constant 1.000000e+02 : f32
        %parallel_loop3A_274 = vector.broadcast %parallel_loop3A_273 : f32 to vector<16xf32>
        %parallel_loop3A_275 = arith.mulf %parallel_loop3A_272, %parallel_loop3A_274 : vector<16xf32>
        %parallel_loop3A_276 = arith.subf %parallel_loop3A_182, %get3A_3 : vector<16xf32>
        %parallel_loop3A_277 = arith.divf %parallel_loop3A_276, %get3A_5 : vector<16xf32>
        %parallel_loop3A_278 = arith.constant 1.000000e+02 : f32
        %parallel_loop3A_279 = vector.broadcast %parallel_loop3A_278 : f32 to vector<16xf32>
        %parallel_loop3A_280 = arith.mulf %parallel_loop3A_277, %parallel_loop3A_279 : vector<16xf32>
        %parallel_loop3A_281 = arith.subf %parallel_loop3A_189, %get3A_3 : vector<16xf32>
        %parallel_loop3A_282 = arith.divf %parallel_loop3A_281, %get3A_5 : vector<16xf32>
        %parallel_loop3A_283 = arith.constant 1.000000e+02 : f32
        %parallel_loop3A_284 = vector.broadcast %parallel_loop3A_283 : f32 to vector<16xf32>
        %parallel_loop3A_285 = arith.mulf %parallel_loop3A_282, %parallel_loop3A_284 : vector<16xf32>
        %parallel_loop3A_286 = arith.subf %parallel_loop3A_196, %get3A_3 : vector<16xf32>
        %parallel_loop3A_287 = arith.divf %parallel_loop3A_286, %get3A_5 : vector<16xf32>
        %parallel_loop3A_288 = arith.constant 1.000000e+02 : f32
        %parallel_loop3A_289 = vector.broadcast %parallel_loop3A_288 : f32 to vector<16xf32>
        %parallel_loop3A_290 = arith.mulf %parallel_loop3A_287, %parallel_loop3A_289 : vector<16xf32>
        %parallel_loop3A_291 = arith.subf %parallel_loop3A_203, %get3A_3 : vector<16xf32>
        %parallel_loop3A_292 = arith.divf %parallel_loop3A_291, %get3A_5 : vector<16xf32>
        %parallel_loop3A_293 = arith.constant 1.000000e+02 : f32
        %parallel_loop3A_294 = vector.broadcast %parallel_loop3A_293 : f32 to vector<16xf32>
        %parallel_loop3A_295 = arith.mulf %parallel_loop3A_292, %parallel_loop3A_294 : vector<16xf32>
        %parallel_loop3A_296 = arith.subf %parallel_loop3A_210, %get3A_3 : vector<16xf32>
        %parallel_loop3A_297 = arith.divf %parallel_loop3A_296, %get3A_5 : vector<16xf32>
        %parallel_loop3A_298 = arith.constant 1.000000e+02 : f32
        %parallel_loop3A_299 = vector.broadcast %parallel_loop3A_298 : f32 to vector<16xf32>
        %parallel_loop3A_300 = arith.mulf %parallel_loop3A_297, %parallel_loop3A_299 : vector<16xf32>
        %parallel_loop3A_301 = arith.subf %parallel_loop3A_217, %get3A_3 : vector<16xf32>
        %parallel_loop3A_302 = arith.divf %parallel_loop3A_301, %get3A_5 : vector<16xf32>
        %parallel_loop3A_303 = arith.constant 1.000000e+02 : f32
        %parallel_loop3A_304 = vector.broadcast %parallel_loop3A_303 : f32 to vector<16xf32>
        %parallel_loop3A_305 = arith.mulf %parallel_loop3A_302, %parallel_loop3A_304 : vector<16xf32>
        %parallel_loop3A_306 = arith.subf %parallel_loop3A_224, %get3A_3 : vector<16xf32>
        %parallel_loop3A_307 = arith.divf %parallel_loop3A_306, %get3A_5 : vector<16xf32>
        %parallel_loop3A_308 = arith.constant 1.000000e+02 : f32
        %parallel_loop3A_309 = vector.broadcast %parallel_loop3A_308 : f32 to vector<16xf32>
        %parallel_loop3A_310 = arith.mulf %parallel_loop3A_307, %parallel_loop3A_309 : vector<16xf32>
        %parallel_loop3A_311 = arith.subf %parallel_loop3A_231, %get3A_3 : vector<16xf32>
        %parallel_loop3A_312 = arith.divf %parallel_loop3A_311, %get3A_5 : vector<16xf32>
        %parallel_loop3A_313 = arith.constant 1.000000e+02 : f32
        %parallel_loop3A_314 = vector.broadcast %parallel_loop3A_313 : f32 to vector<16xf32>
        %parallel_loop3A_315 = arith.mulf %parallel_loop3A_312, %parallel_loop3A_314 : vector<16xf32>
        %parallel_loop3A_316 = arith.subf %parallel_loop3A_238, %get3A_3 : vector<16xf32>
        %parallel_loop3A_317 = arith.divf %parallel_loop3A_316, %get3A_5 : vector<16xf32>
        %parallel_loop3A_318 = arith.constant 1.000000e+02 : f32
        %parallel_loop3A_319 = vector.broadcast %parallel_loop3A_318 : f32 to vector<16xf32>
        %parallel_loop3A_320 = arith.mulf %parallel_loop3A_317, %parallel_loop3A_319 : vector<16xf32>
        %parallel_loop3A_321 = arith.subf %parallel_loop3A_245, %get3A_3 : vector<16xf32>
        %parallel_loop3A_322 = arith.divf %parallel_loop3A_321, %get3A_5 : vector<16xf32>
        %parallel_loop3A_323 = arith.constant 1.000000e+02 : f32
        %parallel_loop3A_324 = vector.broadcast %parallel_loop3A_323 : f32 to vector<16xf32>
        %parallel_loop3A_325 = arith.mulf %parallel_loop3A_322, %parallel_loop3A_324 : vector<16xf32>
        %parallel_loop3A_326 = arith.fptosi %parallel_loop3A_250 : vector<16xf32> to vector<16xi32>
        %parallel_loop3A_327 = arith.fptosi %parallel_loop3A_255 : vector<16xf32> to vector<16xi32>
        %parallel_loop3A_328 = arith.fptosi %parallel_loop3A_260 : vector<16xf32> to vector<16xi32>
        %parallel_loop3A_329 = arith.fptosi %parallel_loop3A_265 : vector<16xf32> to vector<16xi32>
        %parallel_loop3A_330 = arith.fptosi %parallel_loop3A_270 : vector<16xf32> to vector<16xi32>
        %parallel_loop3A_331 = arith.fptosi %parallel_loop3A_275 : vector<16xf32> to vector<16xi32>
        %parallel_loop3A_332 = arith.fptosi %parallel_loop3A_280 : vector<16xf32> to vector<16xi32>
        %parallel_loop3A_333 = arith.fptosi %parallel_loop3A_285 : vector<16xf32> to vector<16xi32>
        %parallel_loop3A_334 = arith.fptosi %parallel_loop3A_290 : vector<16xf32> to vector<16xi32>
        %parallel_loop3A_335 = arith.fptosi %parallel_loop3A_295 : vector<16xf32> to vector<16xi32>
        %parallel_loop3A_336 = arith.fptosi %parallel_loop3A_300 : vector<16xf32> to vector<16xi32>
        %parallel_loop3A_337 = arith.fptosi %parallel_loop3A_305 : vector<16xf32> to vector<16xi32>
        %parallel_loop3A_338 = arith.fptosi %parallel_loop3A_310 : vector<16xf32> to vector<16xi32>
        %parallel_loop3A_339 = arith.fptosi %parallel_loop3A_315 : vector<16xf32> to vector<16xi32>
        %parallel_loop3A_340 = arith.fptosi %parallel_loop3A_320 : vector<16xf32> to vector<16xi32>
        %parallel_loop3A_341 = arith.fptosi %parallel_loop3A_325 : vector<16xf32> to vector<16xi32>
        %parallel_loop3A_342 = arith.constant 16 : i32
        %parallel_loop3A_343 = vector.broadcast %parallel_loop3A_342 : i32 to vector<16xi32>
        %parallel_loop3A_344 = arith.muli %parallel_loop3A_326, %parallel_loop3A_343 : vector<16xi32>
        %parallel_loop3A_345 = arith.addi %parallel_loop3A_344, %iota3A : vector<16xi32>
        %parallel_loop3A_346 = arith.constant 16 : i32
        %parallel_loop3A_347 = vector.broadcast %parallel_loop3A_346 : i32 to vector<16xi32>
        %parallel_loop3A_348 = arith.muli %parallel_loop3A_327, %parallel_loop3A_347 : vector<16xi32>
        %parallel_loop3A_349 = arith.addi %parallel_loop3A_348, %iota3A : vector<16xi32>
        %parallel_loop3A_350 = arith.constant 16 : i32
        %parallel_loop3A_351 = vector.broadcast %parallel_loop3A_350 : i32 to vector<16xi32>
        %parallel_loop3A_352 = arith.muli %parallel_loop3A_328, %parallel_loop3A_351 : vector<16xi32>
        %parallel_loop3A_353 = arith.addi %parallel_loop3A_352, %iota3A : vector<16xi32>
        %parallel_loop3A_354 = arith.constant 16 : i32
        %parallel_loop3A_355 = vector.broadcast %parallel_loop3A_354 : i32 to vector<16xi32>
        %parallel_loop3A_356 = arith.muli %parallel_loop3A_329, %parallel_loop3A_355 : vector<16xi32>
        %parallel_loop3A_357 = arith.addi %parallel_loop3A_356, %iota3A : vector<16xi32>
        %parallel_loop3A_358 = arith.constant 16 : i32
        %parallel_loop3A_359 = vector.broadcast %parallel_loop3A_358 : i32 to vector<16xi32>
        %parallel_loop3A_360 = arith.muli %parallel_loop3A_330, %parallel_loop3A_359 : vector<16xi32>
        %parallel_loop3A_361 = arith.addi %parallel_loop3A_360, %iota3A : vector<16xi32>
        %parallel_loop3A_362 = arith.constant 16 : i32
        %parallel_loop3A_363 = vector.broadcast %parallel_loop3A_362 : i32 to vector<16xi32>
        %parallel_loop3A_364 = arith.muli %parallel_loop3A_331, %parallel_loop3A_363 : vector<16xi32>
        %parallel_loop3A_365 = arith.addi %parallel_loop3A_364, %iota3A : vector<16xi32>
        %parallel_loop3A_366 = arith.constant 16 : i32
        %parallel_loop3A_367 = vector.broadcast %parallel_loop3A_366 : i32 to vector<16xi32>
        %parallel_loop3A_368 = arith.muli %parallel_loop3A_332, %parallel_loop3A_367 : vector<16xi32>
        %parallel_loop3A_369 = arith.addi %parallel_loop3A_368, %iota3A : vector<16xi32>
        %parallel_loop3A_370 = arith.constant 16 : i32
        %parallel_loop3A_371 = vector.broadcast %parallel_loop3A_370 : i32 to vector<16xi32>
        %parallel_loop3A_372 = arith.muli %parallel_loop3A_333, %parallel_loop3A_371 : vector<16xi32>
        %parallel_loop3A_373 = arith.addi %parallel_loop3A_372, %iota3A : vector<16xi32>
        %parallel_loop3A_374 = arith.constant 16 : i32
        %parallel_loop3A_375 = vector.broadcast %parallel_loop3A_374 : i32 to vector<16xi32>
        %parallel_loop3A_376 = arith.muli %parallel_loop3A_334, %parallel_loop3A_375 : vector<16xi32>
        %parallel_loop3A_377 = arith.addi %parallel_loop3A_376, %iota3A : vector<16xi32>
        %parallel_loop3A_378 = arith.constant 16 : i32
        %parallel_loop3A_379 = vector.broadcast %parallel_loop3A_378 : i32 to vector<16xi32>
        %parallel_loop3A_380 = arith.muli %parallel_loop3A_335, %parallel_loop3A_379 : vector<16xi32>
        %parallel_loop3A_381 = arith.addi %parallel_loop3A_380, %iota3A : vector<16xi32>
        %parallel_loop3A_382 = arith.constant 16 : i32
        %parallel_loop3A_383 = vector.broadcast %parallel_loop3A_382 : i32 to vector<16xi32>
        %parallel_loop3A_384 = arith.muli %parallel_loop3A_336, %parallel_loop3A_383 : vector<16xi32>
        %parallel_loop3A_385 = arith.addi %parallel_loop3A_384, %iota3A : vector<16xi32>
        %parallel_loop3A_386 = arith.constant 16 : i32
        %parallel_loop3A_387 = vector.broadcast %parallel_loop3A_386 : i32 to vector<16xi32>
        %parallel_loop3A_388 = arith.muli %parallel_loop3A_337, %parallel_loop3A_387 : vector<16xi32>
        %parallel_loop3A_389 = arith.addi %parallel_loop3A_388, %iota3A : vector<16xi32>
        %parallel_loop3A_390 = arith.constant 16 : i32
        %parallel_loop3A_391 = vector.broadcast %parallel_loop3A_390 : i32 to vector<16xi32>
        %parallel_loop3A_392 = arith.muli %parallel_loop3A_338, %parallel_loop3A_391 : vector<16xi32>
        %parallel_loop3A_393 = arith.addi %parallel_loop3A_392, %iota3A : vector<16xi32>
        %parallel_loop3A_394 = arith.constant 16 : i32
        %parallel_loop3A_395 = vector.broadcast %parallel_loop3A_394 : i32 to vector<16xi32>
        %parallel_loop3A_396 = arith.muli %parallel_loop3A_339, %parallel_loop3A_395 : vector<16xi32>
        %parallel_loop3A_397 = arith.addi %parallel_loop3A_396, %iota3A : vector<16xi32>
        %parallel_loop3A_398 = arith.constant 16 : i32
        %parallel_loop3A_399 = vector.broadcast %parallel_loop3A_398 : i32 to vector<16xi32>
        %parallel_loop3A_400 = arith.muli %parallel_loop3A_340, %parallel_loop3A_399 : vector<16xi32>
        %parallel_loop3A_401 = arith.addi %parallel_loop3A_400, %iota3A : vector<16xi32>
        %parallel_loop3A_402 = arith.constant 16 : i32
        %parallel_loop3A_403 = vector.broadcast %parallel_loop3A_402 : i32 to vector<16xi32>
        %parallel_loop3A_404 = arith.muli %parallel_loop3A_341, %parallel_loop3A_403 : vector<16xi32>
        %parallel_loop3A_405 = arith.addi %parallel_loop3A_404, %iota3A : vector<16xi32>
        %parallel_loop3A_406 = arith.cmpf oge, %parallel_loop3A_140, %get3A_3 : vector<16xf32>
        %parallel_loop3A_407 = arith.cmpf oge, %parallel_loop3A_147, %get3A_3 : vector<16xf32>
        %parallel_loop3A_408 = arith.cmpf oge, %parallel_loop3A_154, %get3A_3 : vector<16xf32>
        %parallel_loop3A_409 = arith.cmpf oge, %parallel_loop3A_161, %get3A_3 : vector<16xf32>
        %parallel_loop3A_410 = arith.cmpf oge, %parallel_loop3A_168, %get3A_3 : vector<16xf32>
        %parallel_loop3A_411 = arith.cmpf oge, %parallel_loop3A_175, %get3A_3 : vector<16xf32>
        %parallel_loop3A_412 = arith.cmpf oge, %parallel_loop3A_182, %get3A_3 : vector<16xf32>
        %parallel_loop3A_413 = arith.cmpf oge, %parallel_loop3A_189, %get3A_3 : vector<16xf32>
        %parallel_loop3A_414 = arith.cmpf oge, %parallel_loop3A_196, %get3A_3 : vector<16xf32>
        %parallel_loop3A_415 = arith.cmpf oge, %parallel_loop3A_203, %get3A_3 : vector<16xf32>
        %parallel_loop3A_416 = arith.cmpf oge, %parallel_loop3A_210, %get3A_3 : vector<16xf32>
        %parallel_loop3A_417 = arith.cmpf oge, %parallel_loop3A_217, %get3A_3 : vector<16xf32>
        %parallel_loop3A_418 = arith.cmpf oge, %parallel_loop3A_224, %get3A_3 : vector<16xf32>
        %parallel_loop3A_419 = arith.cmpf oge, %parallel_loop3A_231, %get3A_3 : vector<16xf32>
        %parallel_loop3A_420 = arith.cmpf oge, %parallel_loop3A_238, %get3A_3 : vector<16xf32>
        %parallel_loop3A_421 = arith.cmpf oge, %parallel_loop3A_245, %get3A_3 : vector<16xf32>
        tpu.vector_store_idx %arg7[%parallel_loop3A_345], %broadcast_in_dim3A_12 masked %parallel_loop3A_406 {add = true} : memref<1616xf32, #tpu.memory_space<vmem>>[vector<16xi32>], vector<16xf32>, vector<16xi1>
        tpu.vector_store_idx %arg7[%parallel_loop3A_349], %broadcast_in_dim3A_12 masked %parallel_loop3A_407 {add = true} : memref<1616xf32, #tpu.memory_space<vmem>>[vector<16xi32>], vector<16xf32>, vector<16xi1>
        tpu.vector_store_idx %arg7[%parallel_loop3A_353], %broadcast_in_dim3A_12 masked %parallel_loop3A_408 {add = true} : memref<1616xf32, #tpu.memory_space<vmem>>[vector<16xi32>], vector<16xf32>, vector<16xi1>
        tpu.vector_store_idx %arg7[%parallel_loop3A_357], %broadcast_in_dim3A_12 masked %parallel_loop3A_409 {add = true} : memref<1616xf32, #tpu.memory_space<vmem>>[vector<16xi32>], vector<16xf32>, vector<16xi1>
        tpu.vector_store_idx %arg7[%parallel_loop3A_361], %broadcast_in_dim3A_12 masked %parallel_loop3A_410 {add = true} : memref<1616xf32, #tpu.memory_space<vmem>>[vector<16xi32>], vector<16xf32>, vector<16xi1>
        tpu.vector_store_idx %arg7[%parallel_loop3A_365], %broadcast_in_dim3A_12 masked %parallel_loop3A_411 {add = true} : memref<1616xf32, #tpu.memory_space<vmem>>[vector<16xi32>], vector<16xf32>, vector<16xi1>
        tpu.vector_store_idx %arg7[%parallel_loop3A_369], %broadcast_in_dim3A_12 masked %parallel_loop3A_412 {add = true} : memref<1616xf32, #tpu.memory_space<vmem>>[vector<16xi32>], vector<16xf32>, vector<16xi1>
        tpu.vector_store_idx %arg7[%parallel_loop3A_373], %broadcast_in_dim3A_12 masked %parallel_loop3A_413 {add = true} : memref<1616xf32, #tpu.memory_space<vmem>>[vector<16xi32>], vector<16xf32>, vector<16xi1>
        tpu.vector_store_idx %arg7[%parallel_loop3A_377], %broadcast_in_dim3A_12 masked %parallel_loop3A_414 {add = true} : memref<1616xf32, #tpu.memory_space<vmem>>[vector<16xi32>], vector<16xf32>, vector<16xi1>
        tpu.vector_store_idx %arg7[%parallel_loop3A_381], %broadcast_in_dim3A_12 masked %parallel_loop3A_415 {add = true} : memref<1616xf32, #tpu.memory_space<vmem>>[vector<16xi32>], vector<16xf32>, vector<16xi1>
        tpu.vector_store_idx %arg7[%parallel_loop3A_385], %broadcast_in_dim3A_12 masked %parallel_loop3A_416 {add = true} : memref<1616xf32, #tpu.memory_space<vmem>>[vector<16xi32>], vector<16xf32>, vector<16xi1>
        tpu.vector_store_idx %arg7[%parallel_loop3A_389], %broadcast_in_dim3A_12 masked %parallel_loop3A_417 {add = true} : memref<1616xf32, #tpu.memory_space<vmem>>[vector<16xi32>], vector<16xf32>, vector<16xi1>
        tpu.vector_store_idx %arg7[%parallel_loop3A_393], %broadcast_in_dim3A_12 masked %parallel_loop3A_418 {add = true} : memref<1616xf32, #tpu.memory_space<vmem>>[vector<16xi32>], vector<16xf32>, vector<16xi1>
        tpu.vector_store_idx %arg7[%parallel_loop3A_397], %broadcast_in_dim3A_12 masked %parallel_loop3A_419 {add = true} : memref<1616xf32, #tpu.memory_space<vmem>>[vector<16xi32>], vector<16xf32>, vector<16xi1>
        tpu.vector_store_idx %arg7[%parallel_loop3A_401], %broadcast_in_dim3A_12 masked %parallel_loop3A_420 {add = true} : memref<1616xf32, #tpu.memory_space<vmem>>[vector<16xi32>], vector<16xf32>, vector<16xi1>
        tpu.vector_store_idx %arg7[%parallel_loop3A_405], %broadcast_in_dim3A_12 masked %parallel_loop3A_421 {add = true} : memref<1616xf32, #tpu.memory_space<vmem>>[vector<16xi32>], vector<16xf32>, vector<16xi1>
        %parallel_loop3A_422 = arith.constant 0 : i32
        %parallel_loop3A_423 = arith.constant 0 : i32
        %parallel_loop3A_424 = tpu.memref_slice %arg6[%parallel_loop3A_132, %parallel_loop3A_422, %parallel_loop3A_423] : memref<2x64x512xf32, #tpu.memory_space<vmem>> -> memref<1x64x512xf32, #tpu.memory_space<vmem>>
        %parallel_loop3A_425 = tpu.memref_squeeze %parallel_loop3A_424 : memref<1x64x512xf32, #tpu.memory_space<vmem>> -> memref<64x512xf32, #tpu.memory_space<vmem>>
        %parallel_loop3A_426 = arith.index_cast %parallel_loop3A_133 : i32 to index
        %parallel_loop3A_427 = arith.constant 256 : index
        %parallel_loop3A_428 = tpu.vector_load %parallel_loop3A_425[%parallel_loop3A_426, %parallel_loop3A_427] {strides = array<i32>} : memref<64x512xf32, #tpu.memory_space<vmem>>, vector<16xf32>,
        %parallel_loop3A_429 = arith.constant 0 : i32
        %parallel_loop3A_430 = arith.constant 0 : i32
        %parallel_loop3A_431 = tpu.memref_slice %arg6[%parallel_loop3A_132, %parallel_loop3A_429, %parallel_loop3A_430] : memref<2x64x512xf32, #tpu.memory_space<vmem>> -> memref<1x64x512xf32, #tpu.memory_space<vmem>>
        %parallel_loop3A_432 = tpu.memref_squeeze %parallel_loop3A_431 : memref<1x64x512xf32, #tpu.memory_space<vmem>> -> memref<64x512xf32, #tpu.memory_space<vmem>>
        %parallel_loop3A_433 = arith.index_cast %parallel_loop3A_133 : i32 to index
        %parallel_loop3A_434 = arith.constant 272 : index
        %parallel_loop3A_435 = tpu.vector_load %parallel_loop3A_432[%parallel_loop3A_433, %parallel_loop3A_434] {strides = array<i32>} : memref<64x512xf32, #tpu.memory_space<vmem>>, vector<16xf32>,
        %parallel_loop3A_436 = arith.constant 0 : i32
        %parallel_loop3A_437 = arith.constant 0 : i32
        %parallel_loop3A_438 = tpu.memref_slice %arg6[%parallel_loop3A_132, %parallel_loop3A_436, %parallel_loop3A_437] : memref<2x64x512xf32, #tpu.memory_space<vmem>> -> memref<1x64x512xf32, #tpu.memory_space<vmem>>
        %parallel_loop3A_439 = tpu.memref_squeeze %parallel_loop3A_438 : memref<1x64x512xf32, #tpu.memory_space<vmem>> -> memref<64x512xf32, #tpu.memory_space<vmem>>
        %parallel_loop3A_440 = arith.index_cast %parallel_loop3A_133 : i32 to index
        %parallel_loop3A_441 = arith.constant 288 : index
        %parallel_loop3A_442 = tpu.vector_load %parallel_loop3A_439[%parallel_loop3A_440, %parallel_loop3A_441] {strides = array<i32>} : memref<64x512xf32, #tpu.memory_space<vmem>>, vector<16xf32>,
        %parallel_loop3A_443 = arith.constant 0 : i32
        %parallel_loop3A_444 = arith.constant 0 : i32
        %parallel_loop3A_445 = tpu.memref_slice %arg6[%parallel_loop3A_132, %parallel_loop3A_443, %parallel_loop3A_444] : memref<2x64x512xf32, #tpu.memory_space<vmem>> -> memref<1x64x512xf32, #tpu.memory_space<vmem>>
        %parallel_loop3A_446 = tpu.memref_squeeze %parallel_loop3A_445 : memref<1x64x512xf32, #tpu.memory_space<vmem>> -> memref<64x512xf32, #tpu.memory_space<vmem>>
        %parallel_loop3A_447 = arith.index_cast %parallel_loop3A_133 : i32 to index
        %parallel_loop3A_448 = arith.constant 304 : index
        %parallel_loop3A_449 = tpu.vector_load %parallel_loop3A_446[%parallel_loop3A_447, %parallel_loop3A_448] {strides = array<i32>} : memref<64x512xf32, #tpu.memory_space<vmem>>, vector<16xf32>,
        %parallel_loop3A_450 = arith.constant 0 : i32
        %parallel_loop3A_451 = arith.constant 0 : i32
        %parallel_loop3A_452 = tpu.memref_slice %arg6[%parallel_loop3A_132, %parallel_loop3A_450, %parallel_loop3A_451] : memref<2x64x512xf32, #tpu.memory_space<vmem>> -> memref<1x64x512xf32, #tpu.memory_space<vmem>>
        %parallel_loop3A_453 = tpu.memref_squeeze %parallel_loop3A_452 : memref<1x64x512xf32, #tpu.memory_space<vmem>> -> memref<64x512xf32, #tpu.memory_space<vmem>>
        %parallel_loop3A_454 = arith.index_cast %parallel_loop3A_133 : i32 to index
        %parallel_loop3A_455 = arith.constant 320 : index
        %parallel_loop3A_456 = tpu.vector_load %parallel_loop3A_453[%parallel_loop3A_454, %parallel_loop3A_455] {strides = array<i32>} : memref<64x512xf32, #tpu.memory_space<vmem>>, vector<16xf32>,
        %parallel_loop3A_457 = arith.constant 0 : i32
        %parallel_loop3A_458 = arith.constant 0 : i32
        %parallel_loop3A_459 = tpu.memref_slice %arg6[%parallel_loop3A_132, %parallel_loop3A_457, %parallel_loop3A_458] : memref<2x64x512xf32, #tpu.memory_space<vmem>> -> memref<1x64x512xf32, #tpu.memory_space<vmem>>
        %parallel_loop3A_460 = tpu.memref_squeeze %parallel_loop3A_459 : memref<1x64x512xf32, #tpu.memory_space<vmem>> -> memref<64x512xf32, #tpu.memory_space<vmem>>
        %parallel_loop3A_461 = arith.index_cast %parallel_loop3A_133 : i32 to index
        %parallel_loop3A_462 = arith.constant 336 : index
        %parallel_loop3A_463 = tpu.vector_load %parallel_loop3A_460[%parallel_loop3A_461, %parallel_loop3A_462] {strides = array<i32>} : memref<64x512xf32, #tpu.memory_space<vmem>>, vector<16xf32>,
        %parallel_loop3A_464 = arith.constant 0 : i32
        %parallel_loop3A_465 = arith.constant 0 : i32
        %parallel_loop3A_466 = tpu.memref_slice %arg6[%parallel_loop3A_132, %parallel_loop3A_464, %parallel_loop3A_465] : memref<2x64x512xf32, #tpu.memory_space<vmem>> -> memref<1x64x512xf32, #tpu.memory_space<vmem>>
        %parallel_loop3A_467 = tpu.memref_squeeze %parallel_loop3A_466 : memref<1x64x512xf32, #tpu.memory_space<vmem>> -> memref<64x512xf32, #tpu.memory_space<vmem>>
        %parallel_loop3A_468 = arith.index_cast %parallel_loop3A_133 : i32 to index
        %parallel_loop3A_469 = arith.constant 352 : index
        %parallel_loop3A_470 = tpu.vector_load %parallel_loop3A_467[%parallel_loop3A_468, %parallel_loop3A_469] {strides = array<i32>} : memref<64x512xf32, #tpu.memory_space<vmem>>, vector<16xf32>,
        %parallel_loop3A_471 = arith.constant 0 : i32
        %parallel_loop3A_472 = arith.constant 0 : i32
        %parallel_loop3A_473 = tpu.memref_slice %arg6[%parallel_loop3A_132, %parallel_loop3A_471, %parallel_loop3A_472] : memref<2x64x512xf32, #tpu.memory_space<vmem>> -> memref<1x64x512xf32, #tpu.memory_space<vmem>>
        %parallel_loop3A_474 = tpu.memref_squeeze %parallel_loop3A_473 : memref<1x64x512xf32, #tpu.memory_space<vmem>> -> memref<64x512xf32, #tpu.memory_space<vmem>>
        %parallel_loop3A_475 = arith.index_cast %parallel_loop3A_133 : i32 to index
        %parallel_loop3A_476 = arith.constant 368 : index
        %parallel_loop3A_477 = tpu.vector_load %parallel_loop3A_474[%parallel_loop3A_475, %parallel_loop3A_476] {strides = array<i32>} : memref<64x512xf32, #tpu.memory_space<vmem>>, vector<16xf32>,
        %parallel_loop3A_478 = arith.constant 0 : i32
        %parallel_loop3A_479 = arith.constant 0 : i32
        %parallel_loop3A_480 = tpu.memref_slice %arg6[%parallel_loop3A_132, %parallel_loop3A_478, %parallel_loop3A_479] : memref<2x64x512xf32, #tpu.memory_space<vmem>> -> memref<1x64x512xf32, #tpu.memory_space<vmem>>
        %parallel_loop3A_481 = tpu.memref_squeeze %parallel_loop3A_480 : memref<1x64x512xf32, #tpu.memory_space<vmem>> -> memref<64x512xf32, #tpu.memory_space<vmem>>
        %parallel_loop3A_482 = arith.index_cast %parallel_loop3A_133 : i32 to index
        %parallel_loop3A_483 = arith.constant 384 : index
        %parallel_loop3A_484 = tpu.vector_load %parallel_loop3A_481[%parallel_loop3A_482, %parallel_loop3A_483] {strides = array<i32>} : memref<64x512xf32, #tpu.memory_space<vmem>>, vector<16xf32>,
        %parallel_loop3A_485 = arith.constant 0 : i32
        %parallel_loop3A_486 = arith.constant 0 : i32
        %parallel_loop3A_487 = tpu.memref_slice %arg6[%parallel_loop3A_132, %parallel_loop3A_485, %parallel_loop3A_486] : memref<2x64x512xf32, #tpu.memory_space<vmem>> -> memref<1x64x512xf32, #tpu.memory_space<vmem>>
        %parallel_loop3A_488 = tpu.memref_squeeze %parallel_loop3A_487 : memref<1x64x512xf32, #tpu.memory_space<vmem>> -> memref<64x512xf32, #tpu.memory_space<vmem>>
        %parallel_loop3A_489 = arith.index_cast %parallel_loop3A_133 : i32 to index
        %parallel_loop3A_490 = arith.constant 400 : index
        %parallel_loop3A_491 = tpu.vector_load %parallel_loop3A_488[%parallel_loop3A_489, %parallel_loop3A_490] {strides = array<i32>} : memref<64x512xf32, #tpu.memory_space<vmem>>, vector<16xf32>,
        %parallel_loop3A_492 = arith.constant 0 : i32
        %parallel_loop3A_493 = arith.constant 0 : i32
        %parallel_loop3A_494 = tpu.memref_slice %arg6[%parallel_loop3A_132, %parallel_loop3A_492, %parallel_loop3A_493] : memref<2x64x512xf32, #tpu.memory_space<vmem>> -> memref<1x64x512xf32, #tpu.memory_space<vmem>>
        %parallel_loop3A_495 = tpu.memref_squeeze %parallel_loop3A_494 : memref<1x64x512xf32, #tpu.memory_space<vmem>> -> memref<64x512xf32, #tpu.memory_space<vmem>>
        %parallel_loop3A_496 = arith.index_cast %parallel_loop3A_133 : i32 to index
        %parallel_loop3A_497 = arith.constant 416 : index
        %parallel_loop3A_498 = tpu.vector_load %parallel_loop3A_495[%parallel_loop3A_496, %parallel_loop3A_497] {strides = array<i32>} : memref<64x512xf32, #tpu.memory_space<vmem>>, vector<16xf32>,
        %parallel_loop3A_499 = arith.constant 0 : i32
        %parallel_loop3A_500 = arith.constant 0 : i32
        %parallel_loop3A_501 = tpu.memref_slice %arg6[%parallel_loop3A_132, %parallel_loop3A_499, %parallel_loop3A_500] : memref<2x64x512xf32, #tpu.memory_space<vmem>> -> memref<1x64x512xf32, #tpu.memory_space<vmem>>
        %parallel_loop3A_502 = tpu.memref_squeeze %parallel_loop3A_501 : memref<1x64x512xf32, #tpu.memory_space<vmem>> -> memref<64x512xf32, #tpu.memory_space<vmem>>
        %parallel_loop3A_503 = arith.index_cast %parallel_loop3A_133 : i32 to index
        %parallel_loop3A_504 = arith.constant 432 : index
        %parallel_loop3A_505 = tpu.vector_load %parallel_loop3A_502[%parallel_loop3A_503, %parallel_loop3A_504] {strides = array<i32>} : memref<64x512xf32, #tpu.memory_space<vmem>>, vector<16xf32>,
        %parallel_loop3A_506 = arith.constant 0 : i32
        %parallel_loop3A_507 = arith.constant 0 : i32
        %parallel_loop3A_508 = tpu.memref_slice %arg6[%parallel_loop3A_132, %parallel_loop3A_506, %parallel_loop3A_507] : memref<2x64x512xf32, #tpu.memory_space<vmem>> -> memref<1x64x512xf32, #tpu.memory_space<vmem>>
        %parallel_loop3A_509 = tpu.memref_squeeze %parallel_loop3A_508 : memref<1x64x512xf32, #tpu.memory_space<vmem>> -> memref<64x512xf32, #tpu.memory_space<vmem>>
        %parallel_loop3A_510 = arith.index_cast %parallel_loop3A_133 : i32 to index
        %parallel_loop3A_511 = arith.constant 448 : index
        %parallel_loop3A_512 = tpu.vector_load %parallel_loop3A_509[%parallel_loop3A_510, %parallel_loop3A_511] {strides = array<i32>} : memref<64x512xf32, #tpu.memory_space<vmem>>, vector<16xf32>,
        %parallel_loop3A_513 = arith.constant 0 : i32
        %parallel_loop3A_514 = arith.constant 0 : i32
        %parallel_loop3A_515 = tpu.memref_slice %arg6[%parallel_loop3A_132, %parallel_loop3A_513, %parallel_loop3A_514] : memref<2x64x512xf32, #tpu.memory_space<vmem>> -> memref<1x64x512xf32, #tpu.memory_space<vmem>>
        %parallel_loop3A_516 = tpu.memref_squeeze %parallel_loop3A_515 : memref<1x64x512xf32, #tpu.memory_space<vmem>> -> memref<64x512xf32, #tpu.memory_space<vmem>>
        %parallel_loop3A_517 = arith.index_cast %parallel_loop3A_133 : i32 to index
        %parallel_loop3A_518 = arith.constant 464 : index
        %parallel_loop3A_519 = tpu.vector_load %parallel_loop3A_516[%parallel_loop3A_517, %parallel_loop3A_518] {strides = array<i32>} : memref<64x512xf32, #tpu.memory_space<vmem>>, vector<16xf32>,
        %parallel_loop3A_520 = arith.constant 0 : i32
        %parallel_loop3A_521 = arith.constant 0 : i32
        %parallel_loop3A_522 = tpu.memref_slice %arg6[%parallel_loop3A_132, %parallel_loop3A_520, %parallel_loop3A_521] : memref<2x64x512xf32, #tpu.memory_space<vmem>> -> memref<1x64x512xf32, #tpu.memory_space<vmem>>
        %parallel_loop3A_523 = tpu.memref_squeeze %parallel_loop3A_522 : memref<1x64x512xf32, #tpu.memory_space<vmem>> -> memref<64x512xf32, #tpu.memory_space<vmem>>
        %parallel_loop3A_524 = arith.index_cast %parallel_loop3A_133 : i32 to index
        %parallel_loop3A_525 = arith.constant 480 : index
        %parallel_loop3A_526 = tpu.vector_load %parallel_loop3A_523[%parallel_loop3A_524, %parallel_loop3A_525] {strides = array<i32>} : memref<64x512xf32, #tpu.memory_space<vmem>>, vector<16xf32>,
        %parallel_loop3A_527 = arith.constant 0 : i32
        %parallel_loop3A_528 = arith.constant 0 : i32
        %parallel_loop3A_529 = tpu.memref_slice %arg6[%parallel_loop3A_132, %parallel_loop3A_527, %parallel_loop3A_528] : memref<2x64x512xf32, #tpu.memory_space<vmem>> -> memref<1x64x512xf32, #tpu.memory_space<vmem>>
        %parallel_loop3A_530 = tpu.memref_squeeze %parallel_loop3A_529 : memref<1x64x512xf32, #tpu.memory_space<vmem>> -> memref<64x512xf32, #tpu.memory_space<vmem>>
        %parallel_loop3A_531 = arith.index_cast %parallel_loop3A_133 : i32 to index
        %parallel_loop3A_532 = arith.constant 496 : index
        %parallel_loop3A_533 = tpu.vector_load %parallel_loop3A_530[%parallel_loop3A_531, %parallel_loop3A_532] {strides = array<i32>} : memref<64x512xf32, #tpu.memory_space<vmem>>, vector<16xf32>,
        %parallel_loop3A_534 = arith.subf %parallel_loop3A_428, %get3A_3 : vector<16xf32>
        %parallel_loop3A_535 = arith.divf %parallel_loop3A_534, %get3A_5 : vector<16xf32>
        %parallel_loop3A_536 = arith.constant 1.000000e+02 : f32
        %parallel_loop3A_537 = vector.broadcast %parallel_loop3A_536 : f32 to vector<16xf32>
        %parallel_loop3A_538 = arith.mulf %parallel_loop3A_535, %parallel_loop3A_537 : vector<16xf32>
        %parallel_loop3A_539 = arith.subf %parallel_loop3A_435, %get3A_3 : vector<16xf32>
        %parallel_loop3A_540 = arith.divf %parallel_loop3A_539, %get3A_5 : vector<16xf32>
        %parallel_loop3A_541 = arith.constant 1.000000e+02 : f32
        %parallel_loop3A_542 = vector.broadcast %parallel_loop3A_541 : f32 to vector<16xf32>
        %parallel_loop3A_543 = arith.mulf %parallel_loop3A_540, %parallel_loop3A_542 : vector<16xf32>
        %parallel_loop3A_544 = arith.subf %parallel_loop3A_442, %get3A_3 : vector<16xf32>
        %parallel_loop3A_545 = arith.divf %parallel_loop3A_544, %get3A_5 : vector<16xf32>
        %parallel_loop3A_546 = arith.constant 1.000000e+02 : f32
        %parallel_loop3A_547 = vector.broadcast %parallel_loop3A_546 : f32 to vector<16xf32>
        %parallel_loop3A_548 = arith.mulf %parallel_loop3A_545, %parallel_loop3A_547 : vector<16xf32>
        %parallel_loop3A_549 = arith.subf %parallel_loop3A_449, %get3A_3 : vector<16xf32>
        %parallel_loop3A_550 = arith.divf %parallel_loop3A_549, %get3A_5 : vector<16xf32>
        %parallel_loop3A_551 = arith.constant 1.000000e+02 : f32
        %parallel_loop3A_552 = vector.broadcast %parallel_loop3A_551 : f32 to vector<16xf32>
        %parallel_loop3A_553 = arith.mulf %parallel_loop3A_550, %parallel_loop3A_552 : vector<16xf32>
        %parallel_loop3A_554 = arith.subf %parallel_loop3A_456, %get3A_3 : vector<16xf32>
        %parallel_loop3A_555 = arith.divf %parallel_loop3A_554, %get3A_5 : vector<16xf32>
        %parallel_loop3A_556 = arith.constant 1.000000e+02 : f32
        %parallel_loop3A_557 = vector.broadcast %parallel_loop3A_556 : f32 to vector<16xf32>
        %parallel_loop3A_558 = arith.mulf %parallel_loop3A_555, %parallel_loop3A_557 : vector<16xf32>
        %parallel_loop3A_559 = arith.subf %parallel_loop3A_463, %get3A_3 : vector<16xf32>
        %parallel_loop3A_560 = arith.divf %parallel_loop3A_559, %get3A_5 : vector<16xf32>
        %parallel_loop3A_561 = arith.constant 1.000000e+02 : f32
        %parallel_loop3A_562 = vector.broadcast %parallel_loop3A_561 : f32 to vector<16xf32>
        %parallel_loop3A_563 = arith.mulf %parallel_loop3A_560, %parallel_loop3A_562 : vector<16xf32>
        %parallel_loop3A_564 = arith.subf %parallel_loop3A_470, %get3A_3 : vector<16xf32>
        %parallel_loop3A_565 = arith.divf %parallel_loop3A_564, %get3A_5 : vector<16xf32>
        %parallel_loop3A_566 = arith.constant 1.000000e+02 : f32
        %parallel_loop3A_567 = vector.broadcast %parallel_loop3A_566 : f32 to vector<16xf32>
        %parallel_loop3A_568 = arith.mulf %parallel_loop3A_565, %parallel_loop3A_567 : vector<16xf32>
        %parallel_loop3A_569 = arith.subf %parallel_loop3A_477, %get3A_3 : vector<16xf32>
        %parallel_loop3A_570 = arith.divf %parallel_loop3A_569, %get3A_5 : vector<16xf32>
        %parallel_loop3A_571 = arith.constant 1.000000e+02 : f32
        %parallel_loop3A_572 = vector.broadcast %parallel_loop3A_571 : f32 to vector<16xf32>
        %parallel_loop3A_573 = arith.mulf %parallel_loop3A_570, %parallel_loop3A_572 : vector<16xf32>
        %parallel_loop3A_574 = arith.subf %parallel_loop3A_484, %get3A_3 : vector<16xf32>
        %parallel_loop3A_575 = arith.divf %parallel_loop3A_574, %get3A_5 : vector<16xf32>
        %parallel_loop3A_576 = arith.constant 1.000000e+02 : f32
        %parallel_loop3A_577 = vector.broadcast %parallel_loop3A_576 : f32 to vector<16xf32>
        %parallel_loop3A_578 = arith.mulf %parallel_loop3A_575, %parallel_loop3A_577 : vector<16xf32>
        %parallel_loop3A_579 = arith.subf %parallel_loop3A_491, %get3A_3 : vector<16xf32>
        %parallel_loop3A_580 = arith.divf %parallel_loop3A_579, %get3A_5 : vector<16xf32>
        %parallel_loop3A_581 = arith.constant 1.000000e+02 : f32
        %parallel_loop3A_582 = vector.broadcast %parallel_loop3A_581 : f32 to vector<16xf32>
        %parallel_loop3A_583 = arith.mulf %parallel_loop3A_580, %parallel_loop3A_582 : vector<16xf32>
        %parallel_loop3A_584 = arith.subf %parallel_loop3A_498, %get3A_3 : vector<16xf32>
        %parallel_loop3A_585 = arith.divf %parallel_loop3A_584, %get3A_5 : vector<16xf32>
        %parallel_loop3A_586 = arith.constant 1.000000e+02 : f32
        %parallel_loop3A_587 = vector.broadcast %parallel_loop3A_586 : f32 to vector<16xf32>
        %parallel_loop3A_588 = arith.mulf %parallel_loop3A_585, %parallel_loop3A_587 : vector<16xf32>
        %parallel_loop3A_589 = arith.subf %parallel_loop3A_505, %get3A_3 : vector<16xf32>
        %parallel_loop3A_590 = arith.divf %parallel_loop3A_589, %get3A_5 : vector<16xf32>
        %parallel_loop3A_591 = arith.constant 1.000000e+02 : f32
        %parallel_loop3A_592 = vector.broadcast %parallel_loop3A_591 : f32 to vector<16xf32>
        %parallel_loop3A_593 = arith.mulf %parallel_loop3A_590, %parallel_loop3A_592 : vector<16xf32>
        %parallel_loop3A_594 = arith.subf %parallel_loop3A_512, %get3A_3 : vector<16xf32>
        %parallel_loop3A_595 = arith.divf %parallel_loop3A_594, %get3A_5 : vector<16xf32>
        %parallel_loop3A_596 = arith.constant 1.000000e+02 : f32
        %parallel_loop3A_597 = vector.broadcast %parallel_loop3A_596 : f32 to vector<16xf32>
        %parallel_loop3A_598 = arith.mulf %parallel_loop3A_595, %parallel_loop3A_597 : vector<16xf32>
        %parallel_loop3A_599 = arith.subf %parallel_loop3A_519, %get3A_3 : vector<16xf32>
        %parallel_loop3A_600 = arith.divf %parallel_loop3A_599, %get3A_5 : vector<16xf32>
        %parallel_loop3A_601 = arith.constant 1.000000e+02 : f32
        %parallel_loop3A_602 = vector.broadcast %parallel_loop3A_601 : f32 to vector<16xf32>
        %parallel_loop3A_603 = arith.mulf %parallel_loop3A_600, %parallel_loop3A_602 : vector<16xf32>
        %parallel_loop3A_604 = arith.subf %parallel_loop3A_526, %get3A_3 : vector<16xf32>
        %parallel_loop3A_605 = arith.divf %parallel_loop3A_604, %get3A_5 : vector<16xf32>
        %parallel_loop3A_606 = arith.constant 1.000000e+02 : f32
        %parallel_loop3A_607 = vector.broadcast %parallel_loop3A_606 : f32 to vector<16xf32>
        %parallel_loop3A_608 = arith.mulf %parallel_loop3A_605, %parallel_loop3A_607 : vector<16xf32>
        %parallel_loop3A_609 = arith.subf %parallel_loop3A_533, %get3A_3 : vector<16xf32>
        %parallel_loop3A_610 = arith.divf %parallel_loop3A_609, %get3A_5 : vector<16xf32>
        %parallel_loop3A_611 = arith.constant 1.000000e+02 : f32
        %parallel_loop3A_612 = vector.broadcast %parallel_loop3A_611 : f32 to vector<16xf32>
        %parallel_loop3A_613 = arith.mulf %parallel_loop3A_610, %parallel_loop3A_612 : vector<16xf32>
        %parallel_loop3A_614 = arith.fptosi %parallel_loop3A_538 : vector<16xf32> to vector<16xi32>
        %parallel_loop3A_615 = arith.fptosi %parallel_loop3A_543 : vector<16xf32> to vector<16xi32>
        %parallel_loop3A_616 = arith.fptosi %parallel_loop3A_548 : vector<16xf32> to vector<16xi32>
        %parallel_loop3A_617 = arith.fptosi %parallel_loop3A_553 : vector<16xf32> to vector<16xi32>
        %parallel_loop3A_618 = arith.fptosi %parallel_loop3A_558 : vector<16xf32> to vector<16xi32>
        %parallel_loop3A_619 = arith.fptosi %parallel_loop3A_563 : vector<16xf32> to vector<16xi32>
        %parallel_loop3A_620 = arith.fptosi %parallel_loop3A_568 : vector<16xf32> to vector<16xi32>
        %parallel_loop3A_621 = arith.fptosi %parallel_loop3A_573 : vector<16xf32> to vector<16xi32>
        %parallel_loop3A_622 = arith.fptosi %parallel_loop3A_578 : vector<16xf32> to vector<16xi32>
        %parallel_loop3A_623 = arith.fptosi %parallel_loop3A_583 : vector<16xf32> to vector<16xi32>
        %parallel_loop3A_624 = arith.fptosi %parallel_loop3A_588 : vector<16xf32> to vector<16xi32>
        %parallel_loop3A_625 = arith.fptosi %parallel_loop3A_593 : vector<16xf32> to vector<16xi32>
        %parallel_loop3A_626 = arith.fptosi %parallel_loop3A_598 : vector<16xf32> to vector<16xi32>
        %parallel_loop3A_627 = arith.fptosi %parallel_loop3A_603 : vector<16xf32> to vector<16xi32>
        %parallel_loop3A_628 = arith.fptosi %parallel_loop3A_608 : vector<16xf32> to vector<16xi32>
        %parallel_loop3A_629 = arith.fptosi %parallel_loop3A_613 : vector<16xf32> to vector<16xi32>
        %parallel_loop3A_630 = arith.constant 16 : i32
        %parallel_loop3A_631 = vector.broadcast %parallel_loop3A_630 : i32 to vector<16xi32>
        %parallel_loop3A_632 = arith.muli %parallel_loop3A_614, %parallel_loop3A_631 : vector<16xi32>
        %parallel_loop3A_633 = arith.addi %parallel_loop3A_632, %iota3A : vector<16xi32>
        %parallel_loop3A_634 = arith.constant 16 : i32
        %parallel_loop3A_635 = vector.broadcast %parallel_loop3A_634 : i32 to vector<16xi32>
        %parallel_loop3A_636 = arith.muli %parallel_loop3A_615, %parallel_loop3A_635 : vector<16xi32>
        %parallel_loop3A_637 = arith.addi %parallel_loop3A_636, %iota3A : vector<16xi32>
        %parallel_loop3A_638 = arith.constant 16 : i32
        %parallel_loop3A_639 = vector.broadcast %parallel_loop3A_638 : i32 to vector<16xi32>
        %parallel_loop3A_640 = arith.muli %parallel_loop3A_616, %parallel_loop3A_639 : vector<16xi32>
        %parallel_loop3A_641 = arith.addi %parallel_loop3A_640, %iota3A : vector<16xi32>
        %parallel_loop3A_642 = arith.constant 16 : i32
        %parallel_loop3A_643 = vector.broadcast %parallel_loop3A_642 : i32 to vector<16xi32>
        %parallel_loop3A_644 = arith.muli %parallel_loop3A_617, %parallel_loop3A_643 : vector<16xi32>
        %parallel_loop3A_645 = arith.addi %parallel_loop3A_644, %iota3A : vector<16xi32>
        %parallel_loop3A_646 = arith.constant 16 : i32
        %parallel_loop3A_647 = vector.broadcast %parallel_loop3A_646 : i32 to vector<16xi32>
        %parallel_loop3A_648 = arith.muli %parallel_loop3A_618, %parallel_loop3A_647 : vector<16xi32>
        %parallel_loop3A_649 = arith.addi %parallel_loop3A_648, %iota3A : vector<16xi32>
        %parallel_loop3A_650 = arith.constant 16 : i32
        %parallel_loop3A_651 = vector.broadcast %parallel_loop3A_650 : i32 to vector<16xi32>
        %parallel_loop3A_652 = arith.muli %parallel_loop3A_619, %parallel_loop3A_651 : vector<16xi32>
        %parallel_loop3A_653 = arith.addi %parallel_loop3A_652, %iota3A : vector<16xi32>
        %parallel_loop3A_654 = arith.constant 16 : i32
        %parallel_loop3A_655 = vector.broadcast %parallel_loop3A_654 : i32 to vector<16xi32>
        %parallel_loop3A_656 = arith.muli %parallel_loop3A_620, %parallel_loop3A_655 : vector<16xi32>
        %parallel_loop3A_657 = arith.addi %parallel_loop3A_656, %iota3A : vector<16xi32>
        %parallel_loop3A_658 = arith.constant 16 : i32
        %parallel_loop3A_659 = vector.broadcast %parallel_loop3A_658 : i32 to vector<16xi32>
        %parallel_loop3A_660 = arith.muli %parallel_loop3A_621, %parallel_loop3A_659 : vector<16xi32>
        %parallel_loop3A_661 = arith.addi %parallel_loop3A_660, %iota3A : vector<16xi32>
        %parallel_loop3A_662 = arith.constant 16 : i32
        %parallel_loop3A_663 = vector.broadcast %parallel_loop3A_662 : i32 to vector<16xi32>
        %parallel_loop3A_664 = arith.muli %parallel_loop3A_622, %parallel_loop3A_663 : vector<16xi32>
        %parallel_loop3A_665 = arith.addi %parallel_loop3A_664, %iota3A : vector<16xi32>
        %parallel_loop3A_666 = arith.constant 16 : i32
        %parallel_loop3A_667 = vector.broadcast %parallel_loop3A_666 : i32 to vector<16xi32>
        %parallel_loop3A_668 = arith.muli %parallel_loop3A_623, %parallel_loop3A_667 : vector<16xi32>
        %parallel_loop3A_669 = arith.addi %parallel_loop3A_668, %iota3A : vector<16xi32>
        %parallel_loop3A_670 = arith.constant 16 : i32
        %parallel_loop3A_671 = vector.broadcast %parallel_loop3A_670 : i32 to vector<16xi32>
        %parallel_loop3A_672 = arith.muli %parallel_loop3A_624, %parallel_loop3A_671 : vector<16xi32>
        %parallel_loop3A_673 = arith.addi %parallel_loop3A_672, %iota3A : vector<16xi32>
        %parallel_loop3A_674 = arith.constant 16 : i32
        %parallel_loop3A_675 = vector.broadcast %parallel_loop3A_674 : i32 to vector<16xi32>
        %parallel_loop3A_676 = arith.muli %parallel_loop3A_625, %parallel_loop3A_675 : vector<16xi32>
        %parallel_loop3A_677 = arith.addi %parallel_loop3A_676, %iota3A : vector<16xi32>
        %parallel_loop3A_678 = arith.constant 16 : i32
        %parallel_loop3A_679 = vector.broadcast %parallel_loop3A_678 : i32 to vector<16xi32>
        %parallel_loop3A_680 = arith.muli %parallel_loop3A_626, %parallel_loop3A_679 : vector<16xi32>
        %parallel_loop3A_681 = arith.addi %parallel_loop3A_680, %iota3A : vector<16xi32>
        %parallel_loop3A_682 = arith.constant 16 : i32
        %parallel_loop3A_683 = vector.broadcast %parallel_loop3A_682 : i32 to vector<16xi32>
        %parallel_loop3A_684 = arith.muli %parallel_loop3A_627, %parallel_loop3A_683 : vector<16xi32>
        %parallel_loop3A_685 = arith.addi %parallel_loop3A_684, %iota3A : vector<16xi32>
        %parallel_loop3A_686 = arith.constant 16 : i32
        %parallel_loop3A_687 = vector.broadcast %parallel_loop3A_686 : i32 to vector<16xi32>
        %parallel_loop3A_688 = arith.muli %parallel_loop3A_628, %parallel_loop3A_687 : vector<16xi32>
        %parallel_loop3A_689 = arith.addi %parallel_loop3A_688, %iota3A : vector<16xi32>
        %parallel_loop3A_690 = arith.constant 16 : i32
        %parallel_loop3A_691 = vector.broadcast %parallel_loop3A_690 : i32 to vector<16xi32>
        %parallel_loop3A_692 = arith.muli %parallel_loop3A_629, %parallel_loop3A_691 : vector<16xi32>
        %parallel_loop3A_693 = arith.addi %parallel_loop3A_692, %iota3A : vector<16xi32>
        %parallel_loop3A_694 = arith.cmpf oge, %parallel_loop3A_428, %get3A_3 : vector<16xf32>
        %parallel_loop3A_695 = arith.cmpf oge, %parallel_loop3A_435, %get3A_3 : vector<16xf32>
        %parallel_loop3A_696 = arith.cmpf oge, %parallel_loop3A_442, %get3A_3 : vector<16xf32>
        %parallel_loop3A_697 = arith.cmpf oge, %parallel_loop3A_449, %get3A_3 : vector<16xf32>
        %parallel_loop3A_698 = arith.cmpf oge, %parallel_loop3A_456, %get3A_3 : vector<16xf32>
        %parallel_loop3A_699 = arith.cmpf oge, %parallel_loop3A_463, %get3A_3 : vector<16xf32>
        %parallel_loop3A_700 = arith.cmpf oge, %parallel_loop3A_470, %get3A_3 : vector<16xf32>
        %parallel_loop3A_701 = arith.cmpf oge, %parallel_loop3A_477, %get3A_3 : vector<16xf32>
        %parallel_loop3A_702 = arith.cmpf oge, %parallel_loop3A_484, %get3A_3 : vector<16xf32>
        %parallel_loop3A_703 = arith.cmpf oge, %parallel_loop3A_491, %get3A_3 : vector<16xf32>
        %parallel_loop3A_704 = arith.cmpf oge, %parallel_loop3A_498, %get3A_3 : vector<16xf32>
        %parallel_loop3A_705 = arith.cmpf oge, %parallel_loop3A_505, %get3A_3 : vector<16xf32>
        %parallel_loop3A_706 = arith.cmpf oge, %parallel_loop3A_512, %get3A_3 : vector<16xf32>
        %parallel_loop3A_707 = arith.cmpf oge, %parallel_loop3A_519, %get3A_3 : vector<16xf32>
        %parallel_loop3A_708 = arith.cmpf oge, %parallel_loop3A_526, %get3A_3 : vector<16xf32>
        %parallel_loop3A_709 = arith.cmpf oge, %parallel_loop3A_533, %get3A_3 : vector<16xf32>
        tpu.vector_store_idx %arg7[%parallel_loop3A_633], %broadcast_in_dim3A_12 masked %parallel_loop3A_694 {add = true} : memref<1616xf32, #tpu.memory_space<vmem>>[vector<16xi32>], vector<16xf32>, vector<16xi1>
        tpu.vector_store_idx %arg7[%parallel_loop3A_637], %broadcast_in_dim3A_12 masked %parallel_loop3A_695 {add = true} : memref<1616xf32, #tpu.memory_space<vmem>>[vector<16xi32>], vector<16xf32>, vector<16xi1>
        tpu.vector_store_idx %arg7[%parallel_loop3A_641], %broadcast_in_dim3A_12 masked %parallel_loop3A_696 {add = true} : memref<1616xf32, #tpu.memory_space<vmem>>[vector<16xi32>], vector<16xf32>, vector<16xi1>
        tpu.vector_store_idx %arg7[%parallel_loop3A_645], %broadcast_in_dim3A_12 masked %parallel_loop3A_697 {add = true} : memref<1616xf32, #tpu.memory_space<vmem>>[vector<16xi32>], vector<16xf32>, vector<16xi1>
        tpu.vector_store_idx %arg7[%parallel_loop3A_649], %broadcast_in_dim3A_12 masked %parallel_loop3A_698 {add = true} : memref<1616xf32, #tpu.memory_space<vmem>>[vector<16xi32>], vector<16xf32>, vector<16xi1>
        tpu.vector_store_idx %arg7[%parallel_loop3A_653], %broadcast_in_dim3A_12 masked %parallel_loop3A_699 {add = true} : memref<1616xf32, #tpu.memory_space<vmem>>[vector<16xi32>], vector<16xf32>, vector<16xi1>
        tpu.vector_store_idx %arg7[%parallel_loop3A_657], %broadcast_in_dim3A_12 masked %parallel_loop3A_700 {add = true} : memref<1616xf32, #tpu.memory_space<vmem>>[vector<16xi32>], vector<16xf32>, vector<16xi1>
        tpu.vector_store_idx %arg7[%parallel_loop3A_661], %broadcast_in_dim3A_12 masked %parallel_loop3A_701 {add = true} : memref<1616xf32, #tpu.memory_space<vmem>>[vector<16xi32>], vector<16xf32>, vector<16xi1>
        tpu.vector_store_idx %arg7[%parallel_loop3A_665], %broadcast_in_dim3A_12 masked %parallel_loop3A_702 {add = true} : memref<1616xf32, #tpu.memory_space<vmem>>[vector<16xi32>], vector<16xf32>, vector<16xi1>
        tpu.vector_store_idx %arg7[%parallel_loop3A_669], %broadcast_in_dim3A_12 masked %parallel_loop3A_703 {add = true} : memref<1616xf32, #tpu.memory_space<vmem>>[vector<16xi32>], vector<16xf32>, vector<16xi1>
        tpu.vector_store_idx %arg7[%parallel_loop3A_673], %broadcast_in_dim3A_12 masked %parallel_loop3A_704 {add = true} : memref<1616xf32, #tpu.memory_space<vmem>>[vector<16xi32>], vector<16xf32>, vector<16xi1>
        tpu.vector_store_idx %arg7[%parallel_loop3A_677], %broadcast_in_dim3A_12 masked %parallel_loop3A_705 {add = true} : memref<1616xf32, #tpu.memory_space<vmem>>[vector<16xi32>], vector<16xf32>, vector<16xi1>
        tpu.vector_store_idx %arg7[%parallel_loop3A_681], %broadcast_in_dim3A_12 masked %parallel_loop3A_706 {add = true} : memref<1616xf32, #tpu.memory_space<vmem>>[vector<16xi32>], vector<16xf32>, vector<16xi1>
        tpu.vector_store_idx %arg7[%parallel_loop3A_685], %broadcast_in_dim3A_12 masked %parallel_loop3A_707 {add = true} : memref<1616xf32, #tpu.memory_space<vmem>>[vector<16xi32>], vector<16xf32>, vector<16xi1>
        tpu.vector_store_idx %arg7[%parallel_loop3A_689], %broadcast_in_dim3A_12 masked %parallel_loop3A_708 {add = true} : memref<1616xf32, #tpu.memory_space<vmem>>[vector<16xi32>], vector<16xf32>, vector<16xi1>
        tpu.vector_store_idx %arg7[%parallel_loop3A_693], %broadcast_in_dim3A_12 masked %parallel_loop3A_709 {add = true} : memref<1616xf32, #tpu.memory_space<vmem>>[vector<16xi32>], vector<16xf32>, vector<16xi1>
      } {sc.loop_unroll_factor = 1 : i64, sc.parallel_access}
    }
    %scan3A_36 = arith.constant 12 : i32
    %broadcast_in_dim3A_37 = arith.constant -1.000000e+00 : f32
    %broadcast_in_dim3A_38 = vector.broadcast %broadcast_in_dim3A_37 : f32 to vector<16xf32>
    %add3A_39 = arith.constant 0 : i32
    %add3A_40 = arith.addi %mul3A_2, %add3A_39 : i32
    %dma_start3A_41 = arith.constant 0 : i32
    %dma_start3A_42 = arith.constant 0 : i32
    %dma_start3A_43 = arith.constant 0 : i32
    %dma_start3A_44 = tpu.memref_slice %arg6[%dma_start3A_41, %dma_start3A_42, %dma_start3A_43] : memref<2x64x512xf32, #tpu.memory_space<vmem>> -> memref<1x64x512xf32, #tpu.memory_space<vmem>>
    %dma_start3A_45 = tpu.memref_squeeze %dma_start3A_44 : memref<1x64x512xf32, #tpu.memory_space<vmem>> -> memref<64x512xf32, #tpu.memory_space<vmem>>
    %dma_start3A_46 = arith.constant 0 : i32
    %dma_start3A_47 = arith.constant 0 : i32
    %dma_start3A_48 = tpu.memref_slice %arg3[%add3A_40, %dma_start3A_46, %dma_start3A_47] : memref<96x512x512xf32, #tpu.memory_space<hbm>> -> memref<1x64x512xf32, #tpu.memory_space<hbm>>
    %dma_start3A_49 = tpu.memref_squeeze %dma_start3A_48 : memref<1x64x512xf32, #tpu.memory_space<hbm>> -> memref<64x512xf32, #tpu.memory_space<hbm>>
    %dma_start3A_50 = arith.constant 0 : i32
    %dma_start3A_51 = arith.constant 0 : i32
    %dma_start3A_52 = tpu.memref_slice %arg6[%dma_start3A_41, %dma_start3A_50, %dma_start3A_51] : memref<2x64x512xf32, #tpu.memory_space<vmem>> -> memref<1x64x512xf32, #tpu.memory_space<vmem>>
    %dma_start3A_53 = tpu.memref_squeeze %dma_start3A_52 : memref<1x64x512xf32, #tpu.memory_space<vmem>> -> memref<64x512xf32, #tpu.memory_space<vmem>>
    %dma_start3A_54 = arith.constant 0 : i32
    %dma_start3A_55 = arith.constant 0 : i32
    %dma_start3A_56 = tpu.memref_slice %arg3[%add3A_40, %dma_start3A_54, %dma_start3A_55] : memref<96x512x512xf32, #tpu.memory_space<hbm>> -> memref<1x64x512xf32, #tpu.memory_space<hbm>>
    %dma_start3A_57 = tpu.memref_squeeze %dma_start3A_56 : memref<1x64x512xf32, #tpu.memory_space<hbm>> -> memref<64x512xf32, #tpu.memory_space<hbm>>
    tpu.enqueue_dma source(%dma_start3A_57 : memref<64x512xf32, #tpu.memory_space<hbm>>) target(%dma_start3A_53 : memref<64x512xf32, #tpu.memory_space<vmem>>) target_semaphore(%arg9 : memref<!tpu.dma_semaphore, #tpu.memory_space<semaphore_mem>>)
    %scan3A_58 = arith.constant 0 : i32
    %scan3A_59 = arith.constant 0 : i32
    %scan3A_60 = arith.constant 12 : i32
    %scan3A_61 = arith.addi %scan3A_59, %scan3A_60 : i32
    %scan3A_62 = arith.constant 1 : i32
    scf.for %scan3A_64 = %scan3A_59 to %scan3A_61 step %scan3A_62  : i32 {
      %dma_wait3A = arith.constant 0 : i32
      %dma_wait3A_65 = arith.constant 0 : i32
      %dma_wait3A_66 = arith.constant 0 : i32
      %dma_wait3A_67 = arith.constant 0 : i32
      %dma_wait3A_68 = tpu.memref_slice %arg6[%dma_wait3A_65, %dma_wait3A_66, %dma_wait3A_67] : memref<2x64x512xf32, #tpu.memory_space<vmem>> -> memref<1x64x512xf32, #tpu.memory_space<vmem>>
      %dma_wait3A_69 = tpu.memref_squeeze %dma_wait3A_68 : memref<1x64x512xf32, #tpu.memory_space<vmem>> -> memref<64x512xf32, #tpu.memory_space<vmem>>
      %dma_wait3A_70 = arith.constant 0 : i32
      %dma_wait3A_71 = arith.constant 0 : i32
      %dma_wait3A_72 = tpu.memref_slice %arg3[%dma_wait3A, %dma_wait3A_70, %dma_wait3A_71] : memref<96x512x512xf32, #tpu.memory_space<hbm>> -> memref<1x64x512xf32, #tpu.memory_space<hbm>>
      %dma_wait3A_73 = tpu.memref_squeeze %dma_wait3A_72 : memref<1x64x512xf32, #tpu.memory_space<hbm>> -> memref<64x512xf32, #tpu.memory_space<hbm>>
      %dma_wait3A_74 = arith.constant 0 : i32
      %dma_wait3A_75 = arith.constant 0 : i32
      %dma_wait3A_76 = tpu.memref_slice %arg6[%dma_wait3A_65, %dma_wait3A_74, %dma_wait3A_75] : memref<2x64x512xf32, #tpu.memory_space<vmem>> -> memref<1x64x512xf32, #tpu.memory_space<vmem>>
      %dma_wait3A_77 = tpu.memref_squeeze %dma_wait3A_76 : memref<1x64x512xf32, #tpu.memory_space<vmem>> -> memref<64x512xf32, #tpu.memory_space<vmem>>
      %dma_wait3A_78 = arith.constant 0 : i32
      %dma_wait3A_79 = arith.constant 0 : i32
      %dma_wait3A_80 = tpu.memref_slice %arg3[%dma_wait3A, %dma_wait3A_78, %dma_wait3A_79] : memref<96x512x512xf32, #tpu.memory_space<hbm>> -> memref<1x64x512xf32, #tpu.memory_space<hbm>>
      %dma_wait3A_81 = tpu.memref_squeeze %dma_wait3A_80 : memref<1x64x512xf32, #tpu.memory_space<hbm>> -> memref<64x512xf32, #tpu.memory_space<hbm>>
      tpu.wait_dma2 semaphore(%arg9 : memref<!tpu.dma_semaphore, #tpu.memory_space<semaphore_mem>>) src(%dma_wait3A_81 : memref<64x512xf32, #tpu.memory_space<hbm>>) dst(%dma_wait3A_77 : memref<64x512xf32, #tpu.memory_space<vmem>>)
      %mul3A_82 = arith.constant 2 : i32
      %mul3A_83 = arith.muli %mul3A_82, %scan3A_64 : i32
      %add3A_84 = arith.constant 1 : i32
      %add3A_85 = arith.addi %mul3A_83, %add3A_84 : i32
      %shift_right_arithmetic3A = arith.constant 3 : i32
      %shift_right_arithmetic3A_86 = arith.shrsi %add3A_85, %shift_right_arithmetic3A : i32
      %add3A_87 = arith.addi %mul3A_2, %shift_right_arithmetic3A_86 : i32
      %and3A = arith.constant 7 : i32
      %and3A_88 = arith.andi %add3A_85, %and3A : i32
      %mul3A_89 = arith.constant 64 : i32
      %mul3A_90 = arith.muli %and3A_88, %mul3A_89 : i32
      %dma_start3A_91 = arith.constant 1 : i32
      %dma_start3A_92 = arith.constant 0 : i32
      %dma_start3A_93 = arith.constant 0 : i32
      %dma_start3A_94 = tpu.memref_slice %arg6[%dma_start3A_91, %dma_start3A_92, %dma_start3A_93] : memref<2x64x512xf32, #tpu.memory_space<vmem>> -> memref<1x64x512xf32, #tpu.memory_space<vmem>>
      %dma_start3A_95 = tpu.memref_squeeze %dma_start3A_94 : memref<1x64x512xf32, #tpu.memory_space<vmem>> -> memref<64x512xf32, #tpu.memory_space<vmem>>
      %dma_start3A_96 = arith.constant 0 : i32
      %dma_start3A_97 = tpu.memref_slice %arg3[%add3A_87, %mul3A_90, %dma_start3A_96] : memref<96x512x512xf32, #tpu.memory_space<hbm>> -> memref<1x64x512xf32, #tpu.memory_space<hbm>>
      %dma_start3A_98 = tpu.memref_squeeze %dma_start3A_97 : memref<1x64x512xf32, #tpu.memory_space<hbm>> -> memref<64x512xf32, #tpu.memory_space<hbm>>
      %dma_start3A_99 = arith.constant 0 : i32
      %dma_start3A_100 = arith.constant 0 : i32
      %dma_start3A_101 = tpu.memref_slice %arg6[%dma_start3A_91, %dma_start3A_99, %dma_start3A_100] : memref<2x64x512xf32, #tpu.memory_space<vmem>> -> memref<1x64x512xf32, #tpu.memory_space<vmem>>
      %dma_start3A_102 = tpu.memref_squeeze %dma_start3A_101 : memref<1x64x512xf32, #tpu.memory_space<vmem>> -> memref<64x512xf32, #tpu.memory_space<vmem>>
      %dma_start3A_103 = arith.constant 0 : i32
      %dma_start3A_104 = tpu.memref_slice %arg3[%add3A_87, %mul3A_90, %dma_start3A_103] : memref<96x512x512xf32, #tpu.memory_space<hbm>> -> memref<1x64x512xf32, #tpu.memory_space<hbm>>
      %dma_start3A_105 = tpu.memref_squeeze %dma_start3A_104 : memref<1x64x512xf32, #tpu.memory_space<hbm>> -> memref<64x512xf32, #tpu.memory_space<hbm>>
      tpu.enqueue_dma source(%dma_start3A_105 : memref<64x512xf32, #tpu.memory_space<hbm>>) target(%dma_start3A_102 : memref<64x512xf32, #tpu.memory_space<vmem>>) target_semaphore(%arg10 : memref<!tpu.dma_semaphore, #tpu.memory_space<semaphore_mem>>)
      %parallel_loop3A = arith.constant 0 : i32
      %parallel_loop3A_106 = arith.constant 64 : i32
      %parallel_loop3A_107 = arith.constant 1 : i32
      %parallel_loop3A_108 = arith.constant 0 : i32
      scf.for %parallel_loop3A_133 = %parallel_loop3A to %parallel_loop3A_106 step %parallel_loop3A_107  : i32 {
        %parallel_loop3A_134 = arith.constant 0 : i32
        %parallel_loop3A_135 = arith.constant 0 : i32
        %parallel_loop3A_136 = tpu.memref_slice %arg6[%parallel_loop3A_108, %parallel_loop3A_134, %parallel_loop3A_135] : memref<2x64x512xf32, #tpu.memory_space<vmem>> -> memref<1x64x512xf32, #tpu.memory_space<vmem>>
        %parallel_loop3A_137 = tpu.memref_squeeze %parallel_loop3A_136 : memref<1x64x512xf32, #tpu.memory_space<vmem>> -> memref<64x512xf32, #tpu.memory_space<vmem>>
        %parallel_loop3A_138 = arith.index_cast %parallel_loop3A_133 : i32 to index
        %parallel_loop3A_139 = arith.constant 0 : index
        %parallel_loop3A_140 = tpu.vector_load %parallel_loop3A_137[%parallel_loop3A_138, %parallel_loop3A_139] {strides = array<i32>} : memref<64x512xf32, #tpu.memory_space<vmem>>, vector<16xf32>,
        %parallel_loop3A_141 = arith.constant 0 : i32
        %parallel_loop3A_142 = arith.constant 0 : i32
        %parallel_loop3A_143 = tpu.memref_slice %arg6[%parallel_loop3A_108, %parallel_loop3A_141, %parallel_loop3A_142] : memref<2x64x512xf32, #tpu.memory_space<vmem>> -> memref<1x64x512xf32, #tpu.memory_space<vmem>>
        %parallel_loop3A_144 = tpu.memref_squeeze %parallel_loop3A_143 : memref<1x64x512xf32, #tpu.memory_space<vmem>> -> memref<64x512xf32, #tpu.memory_space<vmem>>
        %parallel_loop3A_145 = arith.index_cast %parallel_loop3A_133 : i32 to index
        %parallel_loop3A_146 = arith.constant 16 : index
        %parallel_loop3A_147 = tpu.vector_load %parallel_loop3A_144[%parallel_loop3A_145, %parallel_loop3A_146] {strides = array<i32>} : memref<64x512xf32, #tpu.memory_space<vmem>>, vector<16xf32>,
        %parallel_loop3A_148 = arith.constant 0 : i32
        %parallel_loop3A_149 = arith.constant 0 : i32
        %parallel_loop3A_150 = tpu.memref_slice %arg6[%parallel_loop3A_108, %parallel_loop3A_148, %parallel_loop3A_149] : memref<2x64x512xf32, #tpu.memory_space<vmem>> -> memref<1x64x512xf32, #tpu.memory_space<vmem>>
        %parallel_loop3A_151 = tpu.memref_squeeze %parallel_loop3A_150 : memref<1x64x512xf32, #tpu.memory_space<vmem>> -> memref<64x512xf32, #tpu.memory_space<vmem>>
        %parallel_loop3A_152 = arith.index_cast %parallel_loop3A_133 : i32 to index
        %parallel_loop3A_153 = arith.constant 32 : index
        %parallel_loop3A_154 = tpu.vector_load %parallel_loop3A_151[%parallel_loop3A_152, %parallel_loop3A_153] {strides = array<i32>} : memref<64x512xf32, #tpu.memory_space<vmem>>, vector<16xf32>,
        %parallel_loop3A_155 = arith.constant 0 : i32
        %parallel_loop3A_156 = arith.constant 0 : i32
        %parallel_loop3A_157 = tpu.memref_slice %arg6[%parallel_loop3A_108, %parallel_loop3A_155, %parallel_loop3A_156] : memref<2x64x512xf32, #tpu.memory_space<vmem>> -> memref<1x64x512xf32, #tpu.memory_space<vmem>>
        %parallel_loop3A_158 = tpu.memref_squeeze %parallel_loop3A_157 : memref<1x64x512xf32, #tpu.memory_space<vmem>> -> memref<64x512xf32, #tpu.memory_space<vmem>>
        %parallel_loop3A_159 = arith.index_cast %parallel_loop3A_133 : i32 to index
        %parallel_loop3A_160 = arith.constant 48 : index
        %parallel_loop3A_161 = tpu.vector_load %parallel_loop3A_158[%parallel_loop3A_159, %parallel_loop3A_160] {strides = array<i32>} : memref<64x512xf32, #tpu.memory_space<vmem>>, vector<16xf32>,
        %parallel_loop3A_162 = arith.constant 0 : i32
        %parallel_loop3A_163 = arith.constant 0 : i32
        %parallel_loop3A_164 = tpu.memref_slice %arg6[%parallel_loop3A_108, %parallel_loop3A_162, %parallel_loop3A_163] : memref<2x64x512xf32, #tpu.memory_space<vmem>> -> memref<1x64x512xf32, #tpu.memory_space<vmem>>
        %parallel_loop3A_165 = tpu.memref_squeeze %parallel_loop3A_164 : memref<1x64x512xf32, #tpu.memory_space<vmem>> -> memref<64x512xf32, #tpu.memory_space<vmem>>
        %parallel_loop3A_166 = arith.index_cast %parallel_loop3A_133 : i32 to index
        %parallel_loop3A_167 = arith.constant 64 : index
        %parallel_loop3A_168 = tpu.vector_load %parallel_loop3A_165[%parallel_loop3A_166, %parallel_loop3A_167] {strides = array<i32>} : memref<64x512xf32, #tpu.memory_space<vmem>>, vector<16xf32>,
        %parallel_loop3A_169 = arith.constant 0 : i32
        %parallel_loop3A_170 = arith.constant 0 : i32
        %parallel_loop3A_171 = tpu.memref_slice %arg6[%parallel_loop3A_108, %parallel_loop3A_169, %parallel_loop3A_170] : memref<2x64x512xf32, #tpu.memory_space<vmem>> -> memref<1x64x512xf32, #tpu.memory_space<vmem>>
        %parallel_loop3A_172 = tpu.memref_squeeze %parallel_loop3A_171 : memref<1x64x512xf32, #tpu.memory_space<vmem>> -> memref<64x512xf32, #tpu.memory_space<vmem>>
        %parallel_loop3A_173 = arith.index_cast %parallel_loop3A_133 : i32 to index
        %parallel_loop3A_174 = arith.constant 80 : index
        %parallel_loop3A_175 = tpu.vector_load %parallel_loop3A_172[%parallel_loop3A_173, %parallel_loop3A_174] {strides = array<i32>} : memref<64x512xf32, #tpu.memory_space<vmem>>, vector<16xf32>,
        %parallel_loop3A_176 = arith.constant 0 : i32
        %parallel_loop3A_177 = arith.constant 0 : i32
        %parallel_loop3A_178 = tpu.memref_slice %arg6[%parallel_loop3A_108, %parallel_loop3A_176, %parallel_loop3A_177] : memref<2x64x512xf32, #tpu.memory_space<vmem>> -> memref<1x64x512xf32, #tpu.memory_space<vmem>>
        %parallel_loop3A_179 = tpu.memref_squeeze %parallel_loop3A_178 : memref<1x64x512xf32, #tpu.memory_space<vmem>> -> memref<64x512xf32, #tpu.memory_space<vmem>>
        %parallel_loop3A_180 = arith.index_cast %parallel_loop3A_133 : i32 to index
        %parallel_loop3A_181 = arith.constant 96 : index
        %parallel_loop3A_182 = tpu.vector_load %parallel_loop3A_179[%parallel_loop3A_180, %parallel_loop3A_181] {strides = array<i32>} : memref<64x512xf32, #tpu.memory_space<vmem>>, vector<16xf32>,
        %parallel_loop3A_183 = arith.constant 0 : i32
        %parallel_loop3A_184 = arith.constant 0 : i32
        %parallel_loop3A_185 = tpu.memref_slice %arg6[%parallel_loop3A_108, %parallel_loop3A_183, %parallel_loop3A_184] : memref<2x64x512xf32, #tpu.memory_space<vmem>> -> memref<1x64x512xf32, #tpu.memory_space<vmem>>
        %parallel_loop3A_186 = tpu.memref_squeeze %parallel_loop3A_185 : memref<1x64x512xf32, #tpu.memory_space<vmem>> -> memref<64x512xf32, #tpu.memory_space<vmem>>
        %parallel_loop3A_187 = arith.index_cast %parallel_loop3A_133 : i32 to index
        %parallel_loop3A_188 = arith.constant 112 : index
        %parallel_loop3A_189 = tpu.vector_load %parallel_loop3A_186[%parallel_loop3A_187, %parallel_loop3A_188] {strides = array<i32>} : memref<64x512xf32, #tpu.memory_space<vmem>>, vector<16xf32>,
        %parallel_loop3A_190 = arith.constant 0 : i32
        %parallel_loop3A_191 = arith.constant 0 : i32
        %parallel_loop3A_192 = tpu.memref_slice %arg6[%parallel_loop3A_108, %parallel_loop3A_190, %parallel_loop3A_191] : memref<2x64x512xf32, #tpu.memory_space<vmem>> -> memref<1x64x512xf32, #tpu.memory_space<vmem>>
        %parallel_loop3A_193 = tpu.memref_squeeze %parallel_loop3A_192 : memref<1x64x512xf32, #tpu.memory_space<vmem>> -> memref<64x512xf32, #tpu.memory_space<vmem>>
        %parallel_loop3A_194 = arith.index_cast %parallel_loop3A_133 : i32 to index
        %parallel_loop3A_195 = arith.constant 128 : index
        %parallel_loop3A_196 = tpu.vector_load %parallel_loop3A_193[%parallel_loop3A_194, %parallel_loop3A_195] {strides = array<i32>} : memref<64x512xf32, #tpu.memory_space<vmem>>, vector<16xf32>,
        %parallel_loop3A_197 = arith.constant 0 : i32
        %parallel_loop3A_198 = arith.constant 0 : i32
        %parallel_loop3A_199 = tpu.memref_slice %arg6[%parallel_loop3A_108, %parallel_loop3A_197, %parallel_loop3A_198] : memref<2x64x512xf32, #tpu.memory_space<vmem>> -> memref<1x64x512xf32, #tpu.memory_space<vmem>>
        %parallel_loop3A_200 = tpu.memref_squeeze %parallel_loop3A_199 : memref<1x64x512xf32, #tpu.memory_space<vmem>> -> memref<64x512xf32, #tpu.memory_space<vmem>>
        %parallel_loop3A_201 = arith.index_cast %parallel_loop3A_133 : i32 to index
        %parallel_loop3A_202 = arith.constant 144 : index
        %parallel_loop3A_203 = tpu.vector_load %parallel_loop3A_200[%parallel_loop3A_201, %parallel_loop3A_202] {strides = array<i32>} : memref<64x512xf32, #tpu.memory_space<vmem>>, vector<16xf32>,
        %parallel_loop3A_204 = arith.constant 0 : i32
        %parallel_loop3A_205 = arith.constant 0 : i32
        %parallel_loop3A_206 = tpu.memref_slice %arg6[%parallel_loop3A_108, %parallel_loop3A_204, %parallel_loop3A_205] : memref<2x64x512xf32, #tpu.memory_space<vmem>> -> memref<1x64x512xf32, #tpu.memory_space<vmem>>
        %parallel_loop3A_207 = tpu.memref_squeeze %parallel_loop3A_206 : memref<1x64x512xf32, #tpu.memory_space<vmem>> -> memref<64x512xf32, #tpu.memory_space<vmem>>
        %parallel_loop3A_208 = arith.index_cast %parallel_loop3A_133 : i32 to index
        %parallel_loop3A_209 = arith.constant 160 : index
        %parallel_loop3A_210 = tpu.vector_load %parallel_loop3A_207[%parallel_loop3A_208, %parallel_loop3A_209] {strides = array<i32>} : memref<64x512xf32, #tpu.memory_space<vmem>>, vector<16xf32>,
        %parallel_loop3A_211 = arith.constant 0 : i32
        %parallel_loop3A_212 = arith.constant 0 : i32
        %parallel_loop3A_213 = tpu.memref_slice %arg6[%parallel_loop3A_108, %parallel_loop3A_211, %parallel_loop3A_212] : memref<2x64x512xf32, #tpu.memory_space<vmem>> -> memref<1x64x512xf32, #tpu.memory_space<vmem>>
        %parallel_loop3A_214 = tpu.memref_squeeze %parallel_loop3A_213 : memref<1x64x512xf32, #tpu.memory_space<vmem>> -> memref<64x512xf32, #tpu.memory_space<vmem>>
        %parallel_loop3A_215 = arith.index_cast %parallel_loop3A_133 : i32 to index
        %parallel_loop3A_216 = arith.constant 176 : index
        %parallel_loop3A_217 = tpu.vector_load %parallel_loop3A_214[%parallel_loop3A_215, %parallel_loop3A_216] {strides = array<i32>} : memref<64x512xf32, #tpu.memory_space<vmem>>, vector<16xf32>,
        %parallel_loop3A_218 = arith.constant 0 : i32
        %parallel_loop3A_219 = arith.constant 0 : i32
        %parallel_loop3A_220 = tpu.memref_slice %arg6[%parallel_loop3A_108, %parallel_loop3A_218, %parallel_loop3A_219] : memref<2x64x512xf32, #tpu.memory_space<vmem>> -> memref<1x64x512xf32, #tpu.memory_space<vmem>>
        %parallel_loop3A_221 = tpu.memref_squeeze %parallel_loop3A_220 : memref<1x64x512xf32, #tpu.memory_space<vmem>> -> memref<64x512xf32, #tpu.memory_space<vmem>>
        %parallel_loop3A_222 = arith.index_cast %parallel_loop3A_133 : i32 to index
        %parallel_loop3A_223 = arith.constant 192 : index
        %parallel_loop3A_224 = tpu.vector_load %parallel_loop3A_221[%parallel_loop3A_222, %parallel_loop3A_223] {strides = array<i32>} : memref<64x512xf32, #tpu.memory_space<vmem>>, vector<16xf32>,
        %parallel_loop3A_225 = arith.constant 0 : i32
        %parallel_loop3A_226 = arith.constant 0 : i32
        %parallel_loop3A_227 = tpu.memref_slice %arg6[%parallel_loop3A_108, %parallel_loop3A_225, %parallel_loop3A_226] : memref<2x64x512xf32, #tpu.memory_space<vmem>> -> memref<1x64x512xf32, #tpu.memory_space<vmem>>
        %parallel_loop3A_228 = tpu.memref_squeeze %parallel_loop3A_227 : memref<1x64x512xf32, #tpu.memory_space<vmem>> -> memref<64x512xf32, #tpu.memory_space<vmem>>
        %parallel_loop3A_229 = arith.index_cast %parallel_loop3A_133 : i32 to index
        %parallel_loop3A_230 = arith.constant 208 : index
        %parallel_loop3A_231 = tpu.vector_load %parallel_loop3A_228[%parallel_loop3A_229, %parallel_loop3A_230] {strides = array<i32>} : memref<64x512xf32, #tpu.memory_space<vmem>>, vector<16xf32>,
        %parallel_loop3A_232 = arith.constant 0 : i32
        %parallel_loop3A_233 = arith.constant 0 : i32
        %parallel_loop3A_234 = tpu.memref_slice %arg6[%parallel_loop3A_108, %parallel_loop3A_232, %parallel_loop3A_233] : memref<2x64x512xf32, #tpu.memory_space<vmem>> -> memref<1x64x512xf32, #tpu.memory_space<vmem>>
        %parallel_loop3A_235 = tpu.memref_squeeze %parallel_loop3A_234 : memref<1x64x512xf32, #tpu.memory_space<vmem>> -> memref<64x512xf32, #tpu.memory_space<vmem>>
        %parallel_loop3A_236 = arith.index_cast %parallel_loop3A_133 : i32 to index
        %parallel_loop3A_237 = arith.constant 224 : index
        %parallel_loop3A_238 = tpu.vector_load %parallel_loop3A_235[%parallel_loop3A_236, %parallel_loop3A_237] {strides = array<i32>} : memref<64x512xf32, #tpu.memory_space<vmem>>, vector<16xf32>,
        %parallel_loop3A_239 = arith.constant 0 : i32
        %parallel_loop3A_240 = arith.constant 0 : i32
        %parallel_loop3A_241 = tpu.memref_slice %arg6[%parallel_loop3A_108, %parallel_loop3A_239, %parallel_loop3A_240] : memref<2x64x512xf32, #tpu.memory_space<vmem>> -> memref<1x64x512xf32, #tpu.memory_space<vmem>>
        %parallel_loop3A_242 = tpu.memref_squeeze %parallel_loop3A_241 : memref<1x64x512xf32, #tpu.memory_space<vmem>> -> memref<64x512xf32, #tpu.memory_space<vmem>>
        %parallel_loop3A_243 = arith.index_cast %parallel_loop3A_133 : i32 to index
        %parallel_loop3A_244 = arith.constant 240 : index
        %parallel_loop3A_245 = tpu.vector_load %parallel_loop3A_242[%parallel_loop3A_243, %parallel_loop3A_244] {strides = array<i32>} : memref<64x512xf32, #tpu.memory_space<vmem>>, vector<16xf32>,
        %parallel_loop3A_246 = arith.subf %parallel_loop3A_140, %get3A_3 : vector<16xf32>
        %parallel_loop3A_247 = arith.divf %parallel_loop3A_246, %get3A_5 : vector<16xf32>
        %parallel_loop3A_248 = arith.constant 1.000000e+02 : f32
        %parallel_loop3A_249 = vector.broadcast %parallel_loop3A_248 : f32 to vector<16xf32>
        %parallel_loop3A_250 = arith.mulf %parallel_loop3A_247, %parallel_loop3A_249 : vector<16xf32>
        %parallel_loop3A_251 = arith.subf %parallel_loop3A_147, %get3A_3 : vector<16xf32>
        %parallel_loop3A_252 = arith.divf %parallel_loop3A_251, %get3A_5 : vector<16xf32>
        %parallel_loop3A_253 = arith.constant 1.000000e+02 : f32
        %parallel_loop3A_254 = vector.broadcast %parallel_loop3A_253 : f32 to vector<16xf32>
        %parallel_loop3A_255 = arith.mulf %parallel_loop3A_252, %parallel_loop3A_254 : vector<16xf32>
        %parallel_loop3A_256 = arith.subf %parallel_loop3A_154, %get3A_3 : vector<16xf32>
        %parallel_loop3A_257 = arith.divf %parallel_loop3A_256, %get3A_5 : vector<16xf32>
        %parallel_loop3A_258 = arith.constant 1.000000e+02 : f32
        %parallel_loop3A_259 = vector.broadcast %parallel_loop3A_258 : f32 to vector<16xf32>
        %parallel_loop3A_260 = arith.mulf %parallel_loop3A_257, %parallel_loop3A_259 : vector<16xf32>
        %parallel_loop3A_261 = arith.subf %parallel_loop3A_161, %get3A_3 : vector<16xf32>
        %parallel_loop3A_262 = arith.divf %parallel_loop3A_261, %get3A_5 : vector<16xf32>
        %parallel_loop3A_263 = arith.constant 1.000000e+02 : f32
        %parallel_loop3A_264 = vector.broadcast %parallel_loop3A_263 : f32 to vector<16xf32>
        %parallel_loop3A_265 = arith.mulf %parallel_loop3A_262, %parallel_loop3A_264 : vector<16xf32>
        %parallel_loop3A_266 = arith.subf %parallel_loop3A_168, %get3A_3 : vector<16xf32>
        %parallel_loop3A_267 = arith.divf %parallel_loop3A_266, %get3A_5 : vector<16xf32>
        %parallel_loop3A_268 = arith.constant 1.000000e+02 : f32
        %parallel_loop3A_269 = vector.broadcast %parallel_loop3A_268 : f32 to vector<16xf32>
        %parallel_loop3A_270 = arith.mulf %parallel_loop3A_267, %parallel_loop3A_269 : vector<16xf32>
        %parallel_loop3A_271 = arith.subf %parallel_loop3A_175, %get3A_3 : vector<16xf32>
        %parallel_loop3A_272 = arith.divf %parallel_loop3A_271, %get3A_5 : vector<16xf32>
        %parallel_loop3A_273 = arith.constant 1.000000e+02 : f32
        %parallel_loop3A_274 = vector.broadcast %parallel_loop3A_273 : f32 to vector<16xf32>
        %parallel_loop3A_275 = arith.mulf %parallel_loop3A_272, %parallel_loop3A_274 : vector<16xf32>
        %parallel_loop3A_276 = arith.subf %parallel_loop3A_182, %get3A_3 : vector<16xf32>
        %parallel_loop3A_277 = arith.divf %parallel_loop3A_276, %get3A_5 : vector<16xf32>
        %parallel_loop3A_278 = arith.constant 1.000000e+02 : f32
        %parallel_loop3A_279 = vector.broadcast %parallel_loop3A_278 : f32 to vector<16xf32>
        %parallel_loop3A_280 = arith.mulf %parallel_loop3A_277, %parallel_loop3A_279 : vector<16xf32>
        %parallel_loop3A_281 = arith.subf %parallel_loop3A_189, %get3A_3 : vector<16xf32>
        %parallel_loop3A_282 = arith.divf %parallel_loop3A_281, %get3A_5 : vector<16xf32>
        %parallel_loop3A_283 = arith.constant 1.000000e+02 : f32
        %parallel_loop3A_284 = vector.broadcast %parallel_loop3A_283 : f32 to vector<16xf32>
        %parallel_loop3A_285 = arith.mulf %parallel_loop3A_282, %parallel_loop3A_284 : vector<16xf32>
        %parallel_loop3A_286 = arith.subf %parallel_loop3A_196, %get3A_3 : vector<16xf32>
        %parallel_loop3A_287 = arith.divf %parallel_loop3A_286, %get3A_5 : vector<16xf32>
        %parallel_loop3A_288 = arith.constant 1.000000e+02 : f32
        %parallel_loop3A_289 = vector.broadcast %parallel_loop3A_288 : f32 to vector<16xf32>
        %parallel_loop3A_290 = arith.mulf %parallel_loop3A_287, %parallel_loop3A_289 : vector<16xf32>
        %parallel_loop3A_291 = arith.subf %parallel_loop3A_203, %get3A_3 : vector<16xf32>
        %parallel_loop3A_292 = arith.divf %parallel_loop3A_291, %get3A_5 : vector<16xf32>
        %parallel_loop3A_293 = arith.constant 1.000000e+02 : f32
        %parallel_loop3A_294 = vector.broadcast %parallel_loop3A_293 : f32 to vector<16xf32>
        %parallel_loop3A_295 = arith.mulf %parallel_loop3A_292, %parallel_loop3A_294 : vector<16xf32>
        %parallel_loop3A_296 = arith.subf %parallel_loop3A_210, %get3A_3 : vector<16xf32>
        %parallel_loop3A_297 = arith.divf %parallel_loop3A_296, %get3A_5 : vector<16xf32>
        %parallel_loop3A_298 = arith.constant 1.000000e+02 : f32
        %parallel_loop3A_299 = vector.broadcast %parallel_loop3A_298 : f32 to vector<16xf32>
        %parallel_loop3A_300 = arith.mulf %parallel_loop3A_297, %parallel_loop3A_299 : vector<16xf32>
        %parallel_loop3A_301 = arith.subf %parallel_loop3A_217, %get3A_3 : vector<16xf32>
        %parallel_loop3A_302 = arith.divf %parallel_loop3A_301, %get3A_5 : vector<16xf32>
        %parallel_loop3A_303 = arith.constant 1.000000e+02 : f32
        %parallel_loop3A_304 = vector.broadcast %parallel_loop3A_303 : f32 to vector<16xf32>
        %parallel_loop3A_305 = arith.mulf %parallel_loop3A_302, %parallel_loop3A_304 : vector<16xf32>
        %parallel_loop3A_306 = arith.subf %parallel_loop3A_224, %get3A_3 : vector<16xf32>
        %parallel_loop3A_307 = arith.divf %parallel_loop3A_306, %get3A_5 : vector<16xf32>
        %parallel_loop3A_308 = arith.constant 1.000000e+02 : f32
        %parallel_loop3A_309 = vector.broadcast %parallel_loop3A_308 : f32 to vector<16xf32>
        %parallel_loop3A_310 = arith.mulf %parallel_loop3A_307, %parallel_loop3A_309 : vector<16xf32>
        %parallel_loop3A_311 = arith.subf %parallel_loop3A_231, %get3A_3 : vector<16xf32>
        %parallel_loop3A_312 = arith.divf %parallel_loop3A_311, %get3A_5 : vector<16xf32>
        %parallel_loop3A_313 = arith.constant 1.000000e+02 : f32
        %parallel_loop3A_314 = vector.broadcast %parallel_loop3A_313 : f32 to vector<16xf32>
        %parallel_loop3A_315 = arith.mulf %parallel_loop3A_312, %parallel_loop3A_314 : vector<16xf32>
        %parallel_loop3A_316 = arith.subf %parallel_loop3A_238, %get3A_3 : vector<16xf32>
        %parallel_loop3A_317 = arith.divf %parallel_loop3A_316, %get3A_5 : vector<16xf32>
        %parallel_loop3A_318 = arith.constant 1.000000e+02 : f32
        %parallel_loop3A_319 = vector.broadcast %parallel_loop3A_318 : f32 to vector<16xf32>
        %parallel_loop3A_320 = arith.mulf %parallel_loop3A_317, %parallel_loop3A_319 : vector<16xf32>
        %parallel_loop3A_321 = arith.subf %parallel_loop3A_245, %get3A_3 : vector<16xf32>
        %parallel_loop3A_322 = arith.divf %parallel_loop3A_321, %get3A_5 : vector<16xf32>
        %parallel_loop3A_323 = arith.constant 1.000000e+02 : f32
        %parallel_loop3A_324 = vector.broadcast %parallel_loop3A_323 : f32 to vector<16xf32>
        %parallel_loop3A_325 = arith.mulf %parallel_loop3A_322, %parallel_loop3A_324 : vector<16xf32>
        %parallel_loop3A_326 = arith.fptosi %parallel_loop3A_250 : vector<16xf32> to vector<16xi32>
        %parallel_loop3A_327 = arith.fptosi %parallel_loop3A_255 : vector<16xf32> to vector<16xi32>
        %parallel_loop3A_328 = arith.fptosi %parallel_loop3A_260 : vector<16xf32> to vector<16xi32>
        %parallel_loop3A_329 = arith.fptosi %parallel_loop3A_265 : vector<16xf32> to vector<16xi32>
        %parallel_loop3A_330 = arith.fptosi %parallel_loop3A_270 : vector<16xf32> to vector<16xi32>
        %parallel_loop3A_331 = arith.fptosi %parallel_loop3A_275 : vector<16xf32> to vector<16xi32>
        %parallel_loop3A_332 = arith.fptosi %parallel_loop3A_280 : vector<16xf32> to vector<16xi32>
        %parallel_loop3A_333 = arith.fptosi %parallel_loop3A_285 : vector<16xf32> to vector<16xi32>
        %parallel_loop3A_334 = arith.fptosi %parallel_loop3A_290 : vector<16xf32> to vector<16xi32>
        %parallel_loop3A_335 = arith.fptosi %parallel_loop3A_295 : vector<16xf32> to vector<16xi32>
        %parallel_loop3A_336 = arith.fptosi %parallel_loop3A_300 : vector<16xf32> to vector<16xi32>
        %parallel_loop3A_337 = arith.fptosi %parallel_loop3A_305 : vector<16xf32> to vector<16xi32>
        %parallel_loop3A_338 = arith.fptosi %parallel_loop3A_310 : vector<16xf32> to vector<16xi32>
        %parallel_loop3A_339 = arith.fptosi %parallel_loop3A_315 : vector<16xf32> to vector<16xi32>
        %parallel_loop3A_340 = arith.fptosi %parallel_loop3A_320 : vector<16xf32> to vector<16xi32>
        %parallel_loop3A_341 = arith.fptosi %parallel_loop3A_325 : vector<16xf32> to vector<16xi32>
        %parallel_loop3A_342 = arith.constant 16 : i32
        %parallel_loop3A_343 = vector.broadcast %parallel_loop3A_342 : i32 to vector<16xi32>
        %parallel_loop3A_344 = arith.muli %parallel_loop3A_326, %parallel_loop3A_343 : vector<16xi32>
        %parallel_loop3A_345 = arith.addi %parallel_loop3A_344, %iota3A : vector<16xi32>
        %parallel_loop3A_346 = arith.constant 16 : i32
        %parallel_loop3A_347 = vector.broadcast %parallel_loop3A_346 : i32 to vector<16xi32>
        %parallel_loop3A_348 = arith.muli %parallel_loop3A_327, %parallel_loop3A_347 : vector<16xi32>
        %parallel_loop3A_349 = arith.addi %parallel_loop3A_348, %iota3A : vector<16xi32>
        %parallel_loop3A_350 = arith.constant 16 : i32
        %parallel_loop3A_351 = vector.broadcast %parallel_loop3A_350 : i32 to vector<16xi32>
        %parallel_loop3A_352 = arith.muli %parallel_loop3A_328, %parallel_loop3A_351 : vector<16xi32>
        %parallel_loop3A_353 = arith.addi %parallel_loop3A_352, %iota3A : vector<16xi32>
        %parallel_loop3A_354 = arith.constant 16 : i32
        %parallel_loop3A_355 = vector.broadcast %parallel_loop3A_354 : i32 to vector<16xi32>
        %parallel_loop3A_356 = arith.muli %parallel_loop3A_329, %parallel_loop3A_355 : vector<16xi32>
        %parallel_loop3A_357 = arith.addi %parallel_loop3A_356, %iota3A : vector<16xi32>
        %parallel_loop3A_358 = arith.constant 16 : i32
        %parallel_loop3A_359 = vector.broadcast %parallel_loop3A_358 : i32 to vector<16xi32>
        %parallel_loop3A_360 = arith.muli %parallel_loop3A_330, %parallel_loop3A_359 : vector<16xi32>
        %parallel_loop3A_361 = arith.addi %parallel_loop3A_360, %iota3A : vector<16xi32>
        %parallel_loop3A_362 = arith.constant 16 : i32
        %parallel_loop3A_363 = vector.broadcast %parallel_loop3A_362 : i32 to vector<16xi32>
        %parallel_loop3A_364 = arith.muli %parallel_loop3A_331, %parallel_loop3A_363 : vector<16xi32>
        %parallel_loop3A_365 = arith.addi %parallel_loop3A_364, %iota3A : vector<16xi32>
        %parallel_loop3A_366 = arith.constant 16 : i32
        %parallel_loop3A_367 = vector.broadcast %parallel_loop3A_366 : i32 to vector<16xi32>
        %parallel_loop3A_368 = arith.muli %parallel_loop3A_332, %parallel_loop3A_367 : vector<16xi32>
        %parallel_loop3A_369 = arith.addi %parallel_loop3A_368, %iota3A : vector<16xi32>
        %parallel_loop3A_370 = arith.constant 16 : i32
        %parallel_loop3A_371 = vector.broadcast %parallel_loop3A_370 : i32 to vector<16xi32>
        %parallel_loop3A_372 = arith.muli %parallel_loop3A_333, %parallel_loop3A_371 : vector<16xi32>
        %parallel_loop3A_373 = arith.addi %parallel_loop3A_372, %iota3A : vector<16xi32>
        %parallel_loop3A_374 = arith.constant 16 : i32
        %parallel_loop3A_375 = vector.broadcast %parallel_loop3A_374 : i32 to vector<16xi32>
        %parallel_loop3A_376 = arith.muli %parallel_loop3A_334, %parallel_loop3A_375 : vector<16xi32>
        %parallel_loop3A_377 = arith.addi %parallel_loop3A_376, %iota3A : vector<16xi32>
        %parallel_loop3A_378 = arith.constant 16 : i32
        %parallel_loop3A_379 = vector.broadcast %parallel_loop3A_378 : i32 to vector<16xi32>
        %parallel_loop3A_380 = arith.muli %parallel_loop3A_335, %parallel_loop3A_379 : vector<16xi32>
        %parallel_loop3A_381 = arith.addi %parallel_loop3A_380, %iota3A : vector<16xi32>
        %parallel_loop3A_382 = arith.constant 16 : i32
        %parallel_loop3A_383 = vector.broadcast %parallel_loop3A_382 : i32 to vector<16xi32>
        %parallel_loop3A_384 = arith.muli %parallel_loop3A_336, %parallel_loop3A_383 : vector<16xi32>
        %parallel_loop3A_385 = arith.addi %parallel_loop3A_384, %iota3A : vector<16xi32>
        %parallel_loop3A_386 = arith.constant 16 : i32
        %parallel_loop3A_387 = vector.broadcast %parallel_loop3A_386 : i32 to vector<16xi32>
        %parallel_loop3A_388 = arith.muli %parallel_loop3A_337, %parallel_loop3A_387 : vector<16xi32>
        %parallel_loop3A_389 = arith.addi %parallel_loop3A_388, %iota3A : vector<16xi32>
        %parallel_loop3A_390 = arith.constant 16 : i32
        %parallel_loop3A_391 = vector.broadcast %parallel_loop3A_390 : i32 to vector<16xi32>
        %parallel_loop3A_392 = arith.muli %parallel_loop3A_338, %parallel_loop3A_391 : vector<16xi32>
        %parallel_loop3A_393 = arith.addi %parallel_loop3A_392, %iota3A : vector<16xi32>
        %parallel_loop3A_394 = arith.constant 16 : i32
        %parallel_loop3A_395 = vector.broadcast %parallel_loop3A_394 : i32 to vector<16xi32>
        %parallel_loop3A_396 = arith.muli %parallel_loop3A_339, %parallel_loop3A_395 : vector<16xi32>
        %parallel_loop3A_397 = arith.addi %parallel_loop3A_396, %iota3A : vector<16xi32>
        %parallel_loop3A_398 = arith.constant 16 : i32
        %parallel_loop3A_399 = vector.broadcast %parallel_loop3A_398 : i32 to vector<16xi32>
        %parallel_loop3A_400 = arith.muli %parallel_loop3A_340, %parallel_loop3A_399 : vector<16xi32>
        %parallel_loop3A_401 = arith.addi %parallel_loop3A_400, %iota3A : vector<16xi32>
        %parallel_loop3A_402 = arith.constant 16 : i32
        %parallel_loop3A_403 = vector.broadcast %parallel_loop3A_402 : i32 to vector<16xi32>
        %parallel_loop3A_404 = arith.muli %parallel_loop3A_341, %parallel_loop3A_403 : vector<16xi32>
        %parallel_loop3A_405 = arith.addi %parallel_loop3A_404, %iota3A : vector<16xi32>
        %parallel_loop3A_406 = arith.cmpf oge, %parallel_loop3A_140, %get3A_3 : vector<16xf32>
        %parallel_loop3A_407 = arith.cmpf oge, %parallel_loop3A_147, %get3A_3 : vector<16xf32>
        %parallel_loop3A_408 = arith.cmpf oge, %parallel_loop3A_154, %get3A_3 : vector<16xf32>
        %parallel_loop3A_409 = arith.cmpf oge, %parallel_loop3A_161, %get3A_3 : vector<16xf32>
        %parallel_loop3A_410 = arith.cmpf oge, %parallel_loop3A_168, %get3A_3 : vector<16xf32>
        %parallel_loop3A_411 = arith.cmpf oge, %parallel_loop3A_175, %get3A_3 : vector<16xf32>
        %parallel_loop3A_412 = arith.cmpf oge, %parallel_loop3A_182, %get3A_3 : vector<16xf32>
        %parallel_loop3A_413 = arith.cmpf oge, %parallel_loop3A_189, %get3A_3 : vector<16xf32>
        %parallel_loop3A_414 = arith.cmpf oge, %parallel_loop3A_196, %get3A_3 : vector<16xf32>
        %parallel_loop3A_415 = arith.cmpf oge, %parallel_loop3A_203, %get3A_3 : vector<16xf32>
        %parallel_loop3A_416 = arith.cmpf oge, %parallel_loop3A_210, %get3A_3 : vector<16xf32>
        %parallel_loop3A_417 = arith.cmpf oge, %parallel_loop3A_217, %get3A_3 : vector<16xf32>
        %parallel_loop3A_418 = arith.cmpf oge, %parallel_loop3A_224, %get3A_3 : vector<16xf32>
        %parallel_loop3A_419 = arith.cmpf oge, %parallel_loop3A_231, %get3A_3 : vector<16xf32>
        %parallel_loop3A_420 = arith.cmpf oge, %parallel_loop3A_238, %get3A_3 : vector<16xf32>
        %parallel_loop3A_421 = arith.cmpf oge, %parallel_loop3A_245, %get3A_3 : vector<16xf32>
        tpu.vector_store_idx %arg7[%parallel_loop3A_345], %broadcast_in_dim3A_38 masked %parallel_loop3A_406 {add = true} : memref<1616xf32, #tpu.memory_space<vmem>>[vector<16xi32>], vector<16xf32>, vector<16xi1>
        tpu.vector_store_idx %arg7[%parallel_loop3A_349], %broadcast_in_dim3A_38 masked %parallel_loop3A_407 {add = true} : memref<1616xf32, #tpu.memory_space<vmem>>[vector<16xi32>], vector<16xf32>, vector<16xi1>
        tpu.vector_store_idx %arg7[%parallel_loop3A_353], %broadcast_in_dim3A_38 masked %parallel_loop3A_408 {add = true} : memref<1616xf32, #tpu.memory_space<vmem>>[vector<16xi32>], vector<16xf32>, vector<16xi1>
        tpu.vector_store_idx %arg7[%parallel_loop3A_357], %broadcast_in_dim3A_38 masked %parallel_loop3A_409 {add = true} : memref<1616xf32, #tpu.memory_space<vmem>>[vector<16xi32>], vector<16xf32>, vector<16xi1>
        tpu.vector_store_idx %arg7[%parallel_loop3A_361], %broadcast_in_dim3A_38 masked %parallel_loop3A_410 {add = true} : memref<1616xf32, #tpu.memory_space<vmem>>[vector<16xi32>], vector<16xf32>, vector<16xi1>
        tpu.vector_store_idx %arg7[%parallel_loop3A_365], %broadcast_in_dim3A_38 masked %parallel_loop3A_411 {add = true} : memref<1616xf32, #tpu.memory_space<vmem>>[vector<16xi32>], vector<16xf32>, vector<16xi1>
        tpu.vector_store_idx %arg7[%parallel_loop3A_369], %broadcast_in_dim3A_38 masked %parallel_loop3A_412 {add = true} : memref<1616xf32, #tpu.memory_space<vmem>>[vector<16xi32>], vector<16xf32>, vector<16xi1>
        tpu.vector_store_idx %arg7[%parallel_loop3A_373], %broadcast_in_dim3A_38 masked %parallel_loop3A_413 {add = true} : memref<1616xf32, #tpu.memory_space<vmem>>[vector<16xi32>], vector<16xf32>, vector<16xi1>
        tpu.vector_store_idx %arg7[%parallel_loop3A_377], %broadcast_in_dim3A_38 masked %parallel_loop3A_414 {add = true} : memref<1616xf32, #tpu.memory_space<vmem>>[vector<16xi32>], vector<16xf32>, vector<16xi1>
        tpu.vector_store_idx %arg7[%parallel_loop3A_381], %broadcast_in_dim3A_38 masked %parallel_loop3A_415 {add = true} : memref<1616xf32, #tpu.memory_space<vmem>>[vector<16xi32>], vector<16xf32>, vector<16xi1>
        tpu.vector_store_idx %arg7[%parallel_loop3A_385], %broadcast_in_dim3A_38 masked %parallel_loop3A_416 {add = true} : memref<1616xf32, #tpu.memory_space<vmem>>[vector<16xi32>], vector<16xf32>, vector<16xi1>
        tpu.vector_store_idx %arg7[%parallel_loop3A_389], %broadcast_in_dim3A_38 masked %parallel_loop3A_417 {add = true} : memref<1616xf32, #tpu.memory_space<vmem>>[vector<16xi32>], vector<16xf32>, vector<16xi1>
        tpu.vector_store_idx %arg7[%parallel_loop3A_393], %broadcast_in_dim3A_38 masked %parallel_loop3A_418 {add = true} : memref<1616xf32, #tpu.memory_space<vmem>>[vector<16xi32>], vector<16xf32>, vector<16xi1>
        tpu.vector_store_idx %arg7[%parallel_loop3A_397], %broadcast_in_dim3A_38 masked %parallel_loop3A_419 {add = true} : memref<1616xf32, #tpu.memory_space<vmem>>[vector<16xi32>], vector<16xf32>, vector<16xi1>
        tpu.vector_store_idx %arg7[%parallel_loop3A_401], %broadcast_in_dim3A_38 masked %parallel_loop3A_420 {add = true} : memref<1616xf32, #tpu.memory_space<vmem>>[vector<16xi32>], vector<16xf32>, vector<16xi1>
        tpu.vector_store_idx %arg7[%parallel_loop3A_405], %broadcast_in_dim3A_38 masked %parallel_loop3A_421 {add = true} : memref<1616xf32, #tpu.memory_space<vmem>>[vector<16xi32>], vector<16xf32>, vector<16xi1>
        %parallel_loop3A_422 = arith.constant 0 : i32
        %parallel_loop3A_423 = arith.constant 0 : i32
        %parallel_loop3A_424 = tpu.memref_slice %arg6[%parallel_loop3A_108, %parallel_loop3A_422, %parallel_loop3A_423] : memref<2x64x512xf32, #tpu.memory_space<vmem>> -> memref<1x64x512xf32, #tpu.memory_space<vmem>>
        %parallel_loop3A_425 = tpu.memref_squeeze %parallel_loop3A_424 : memref<1x64x512xf32, #tpu.memory_space<vmem>> -> memref<64x512xf32, #tpu.memory_space<vmem>>
        %parallel_loop3A_426 = arith.index_cast %parallel_loop3A_133 : i32 to index
        %parallel_loop3A_427 = arith.constant 256 : index
        %parallel_loop3A_428 = tpu.vector_load %parallel_loop3A_425[%parallel_loop3A_426, %parallel_loop3A_427] {strides = array<i32>} : memref<64x512xf32, #tpu.memory_space<vmem>>, vector<16xf32>,
        %parallel_loop3A_429 = arith.constant 0 : i32
        %parallel_loop3A_430 = arith.constant 0 : i32
        %parallel_loop3A_431 = tpu.memref_slice %arg6[%parallel_loop3A_108, %parallel_loop3A_429, %parallel_loop3A_430] : memref<2x64x512xf32, #tpu.memory_space<vmem>> -> memref<1x64x512xf32, #tpu.memory_space<vmem>>
        %parallel_loop3A_432 = tpu.memref_squeeze %parallel_loop3A_431 : memref<1x64x512xf32, #tpu.memory_space<vmem>> -> memref<64x512xf32, #tpu.memory_space<vmem>>
        %parallel_loop3A_433 = arith.index_cast %parallel_loop3A_133 : i32 to index
        %parallel_loop3A_434 = arith.constant 272 : index
        %parallel_loop3A_435 = tpu.vector_load %parallel_loop3A_432[%parallel_loop3A_433, %parallel_loop3A_434] {strides = array<i32>} : memref<64x512xf32, #tpu.memory_space<vmem>>, vector<16xf32>,
        %parallel_loop3A_436 = arith.constant 0 : i32
        %parallel_loop3A_437 = arith.constant 0 : i32
        %parallel_loop3A_438 = tpu.memref_slice %arg6[%parallel_loop3A_108, %parallel_loop3A_436, %parallel_loop3A_437] : memref<2x64x512xf32, #tpu.memory_space<vmem>> -> memref<1x64x512xf32, #tpu.memory_space<vmem>>
        %parallel_loop3A_439 = tpu.memref_squeeze %parallel_loop3A_438 : memref<1x64x512xf32, #tpu.memory_space<vmem>> -> memref<64x512xf32, #tpu.memory_space<vmem>>
        %parallel_loop3A_440 = arith.index_cast %parallel_loop3A_133 : i32 to index
        %parallel_loop3A_441 = arith.constant 288 : index
        %parallel_loop3A_442 = tpu.vector_load %parallel_loop3A_439[%parallel_loop3A_440, %parallel_loop3A_441] {strides = array<i32>} : memref<64x512xf32, #tpu.memory_space<vmem>>, vector<16xf32>,
        %parallel_loop3A_443 = arith.constant 0 : i32
        %parallel_loop3A_444 = arith.constant 0 : i32
        %parallel_loop3A_445 = tpu.memref_slice %arg6[%parallel_loop3A_108, %parallel_loop3A_443, %parallel_loop3A_444] : memref<2x64x512xf32, #tpu.memory_space<vmem>> -> memref<1x64x512xf32, #tpu.memory_space<vmem>>
        %parallel_loop3A_446 = tpu.memref_squeeze %parallel_loop3A_445 : memref<1x64x512xf32, #tpu.memory_space<vmem>> -> memref<64x512xf32, #tpu.memory_space<vmem>>
        %parallel_loop3A_447 = arith.index_cast %parallel_loop3A_133 : i32 to index
        %parallel_loop3A_448 = arith.constant 304 : index
        %parallel_loop3A_449 = tpu.vector_load %parallel_loop3A_446[%parallel_loop3A_447, %parallel_loop3A_448] {strides = array<i32>} : memref<64x512xf32, #tpu.memory_space<vmem>>, vector<16xf32>,
        %parallel_loop3A_450 = arith.constant 0 : i32
        %parallel_loop3A_451 = arith.constant 0 : i32
        %parallel_loop3A_452 = tpu.memref_slice %arg6[%parallel_loop3A_108, %parallel_loop3A_450, %parallel_loop3A_451] : memref<2x64x512xf32, #tpu.memory_space<vmem>> -> memref<1x64x512xf32, #tpu.memory_space<vmem>>
        %parallel_loop3A_453 = tpu.memref_squeeze %parallel_loop3A_452 : memref<1x64x512xf32, #tpu.memory_space<vmem>> -> memref<64x512xf32, #tpu.memory_space<vmem>>
        %parallel_loop3A_454 = arith.index_cast %parallel_loop3A_133 : i32 to index
        %parallel_loop3A_455 = arith.constant 320 : index
        %parallel_loop3A_456 = tpu.vector_load %parallel_loop3A_453[%parallel_loop3A_454, %parallel_loop3A_455] {strides = array<i32>} : memref<64x512xf32, #tpu.memory_space<vmem>>, vector<16xf32>,
        %parallel_loop3A_457 = arith.constant 0 : i32
        %parallel_loop3A_458 = arith.constant 0 : i32
        %parallel_loop3A_459 = tpu.memref_slice %arg6[%parallel_loop3A_108, %parallel_loop3A_457, %parallel_loop3A_458] : memref<2x64x512xf32, #tpu.memory_space<vmem>> -> memref<1x64x512xf32, #tpu.memory_space<vmem>>
        %parallel_loop3A_460 = tpu.memref_squeeze %parallel_loop3A_459 : memref<1x64x512xf32, #tpu.memory_space<vmem>> -> memref<64x512xf32, #tpu.memory_space<vmem>>
        %parallel_loop3A_461 = arith.index_cast %parallel_loop3A_133 : i32 to index
        %parallel_loop3A_462 = arith.constant 336 : index
        %parallel_loop3A_463 = tpu.vector_load %parallel_loop3A_460[%parallel_loop3A_461, %parallel_loop3A_462] {strides = array<i32>} : memref<64x512xf32, #tpu.memory_space<vmem>>, vector<16xf32>,
        %parallel_loop3A_464 = arith.constant 0 : i32
        %parallel_loop3A_465 = arith.constant 0 : i32
        %parallel_loop3A_466 = tpu.memref_slice %arg6[%parallel_loop3A_108, %parallel_loop3A_464, %parallel_loop3A_465] : memref<2x64x512xf32, #tpu.memory_space<vmem>> -> memref<1x64x512xf32, #tpu.memory_space<vmem>>
        %parallel_loop3A_467 = tpu.memref_squeeze %parallel_loop3A_466 : memref<1x64x512xf32, #tpu.memory_space<vmem>> -> memref<64x512xf32, #tpu.memory_space<vmem>>
        %parallel_loop3A_468 = arith.index_cast %parallel_loop3A_133 : i32 to index
        %parallel_loop3A_469 = arith.constant 352 : index
        %parallel_loop3A_470 = tpu.vector_load %parallel_loop3A_467[%parallel_loop3A_468, %parallel_loop3A_469] {strides = array<i32>} : memref<64x512xf32, #tpu.memory_space<vmem>>, vector<16xf32>,
        %parallel_loop3A_471 = arith.constant 0 : i32
        %parallel_loop3A_472 = arith.constant 0 : i32
        %parallel_loop3A_473 = tpu.memref_slice %arg6[%parallel_loop3A_108, %parallel_loop3A_471, %parallel_loop3A_472] : memref<2x64x512xf32, #tpu.memory_space<vmem>> -> memref<1x64x512xf32, #tpu.memory_space<vmem>>
        %parallel_loop3A_474 = tpu.memref_squeeze %parallel_loop3A_473 : memref<1x64x512xf32, #tpu.memory_space<vmem>> -> memref<64x512xf32, #tpu.memory_space<vmem>>
        %parallel_loop3A_475 = arith.index_cast %parallel_loop3A_133 : i32 to index
        %parallel_loop3A_476 = arith.constant 368 : index
        %parallel_loop3A_477 = tpu.vector_load %parallel_loop3A_474[%parallel_loop3A_475, %parallel_loop3A_476] {strides = array<i32>} : memref<64x512xf32, #tpu.memory_space<vmem>>, vector<16xf32>,
        %parallel_loop3A_478 = arith.constant 0 : i32
        %parallel_loop3A_479 = arith.constant 0 : i32
        %parallel_loop3A_480 = tpu.memref_slice %arg6[%parallel_loop3A_108, %parallel_loop3A_478, %parallel_loop3A_479] : memref<2x64x512xf32, #tpu.memory_space<vmem>> -> memref<1x64x512xf32, #tpu.memory_space<vmem>>
        %parallel_loop3A_481 = tpu.memref_squeeze %parallel_loop3A_480 : memref<1x64x512xf32, #tpu.memory_space<vmem>> -> memref<64x512xf32, #tpu.memory_space<vmem>>
        %parallel_loop3A_482 = arith.index_cast %parallel_loop3A_133 : i32 to index
        %parallel_loop3A_483 = arith.constant 384 : index
        %parallel_loop3A_484 = tpu.vector_load %parallel_loop3A_481[%parallel_loop3A_482, %parallel_loop3A_483] {strides = array<i32>} : memref<64x512xf32, #tpu.memory_space<vmem>>, vector<16xf32>,
        %parallel_loop3A_485 = arith.constant 0 : i32
        %parallel_loop3A_486 = arith.constant 0 : i32
        %parallel_loop3A_487 = tpu.memref_slice %arg6[%parallel_loop3A_108, %parallel_loop3A_485, %parallel_loop3A_486] : memref<2x64x512xf32, #tpu.memory_space<vmem>> -> memref<1x64x512xf32, #tpu.memory_space<vmem>>
        %parallel_loop3A_488 = tpu.memref_squeeze %parallel_loop3A_487 : memref<1x64x512xf32, #tpu.memory_space<vmem>> -> memref<64x512xf32, #tpu.memory_space<vmem>>
        %parallel_loop3A_489 = arith.index_cast %parallel_loop3A_133 : i32 to index
        %parallel_loop3A_490 = arith.constant 400 : index
        %parallel_loop3A_491 = tpu.vector_load %parallel_loop3A_488[%parallel_loop3A_489, %parallel_loop3A_490] {strides = array<i32>} : memref<64x512xf32, #tpu.memory_space<vmem>>, vector<16xf32>,
        %parallel_loop3A_492 = arith.constant 0 : i32
        %parallel_loop3A_493 = arith.constant 0 : i32
        %parallel_loop3A_494 = tpu.memref_slice %arg6[%parallel_loop3A_108, %parallel_loop3A_492, %parallel_loop3A_493] : memref<2x64x512xf32, #tpu.memory_space<vmem>> -> memref<1x64x512xf32, #tpu.memory_space<vmem>>
        %parallel_loop3A_495 = tpu.memref_squeeze %parallel_loop3A_494 : memref<1x64x512xf32, #tpu.memory_space<vmem>> -> memref<64x512xf32, #tpu.memory_space<vmem>>
        %parallel_loop3A_496 = arith.index_cast %parallel_loop3A_133 : i32 to index
        %parallel_loop3A_497 = arith.constant 416 : index
        %parallel_loop3A_498 = tpu.vector_load %parallel_loop3A_495[%parallel_loop3A_496, %parallel_loop3A_497] {strides = array<i32>} : memref<64x512xf32, #tpu.memory_space<vmem>>, vector<16xf32>,
        %parallel_loop3A_499 = arith.constant 0 : i32
        %parallel_loop3A_500 = arith.constant 0 : i32
        %parallel_loop3A_501 = tpu.memref_slice %arg6[%parallel_loop3A_108, %parallel_loop3A_499, %parallel_loop3A_500] : memref<2x64x512xf32, #tpu.memory_space<vmem>> -> memref<1x64x512xf32, #tpu.memory_space<vmem>>
        %parallel_loop3A_502 = tpu.memref_squeeze %parallel_loop3A_501 : memref<1x64x512xf32, #tpu.memory_space<vmem>> -> memref<64x512xf32, #tpu.memory_space<vmem>>
        %parallel_loop3A_503 = arith.index_cast %parallel_loop3A_133 : i32 to index
        %parallel_loop3A_504 = arith.constant 432 : index
        %parallel_loop3A_505 = tpu.vector_load %parallel_loop3A_502[%parallel_loop3A_503, %parallel_loop3A_504] {strides = array<i32>} : memref<64x512xf32, #tpu.memory_space<vmem>>, vector<16xf32>,
        %parallel_loop3A_506 = arith.constant 0 : i32
        %parallel_loop3A_507 = arith.constant 0 : i32
        %parallel_loop3A_508 = tpu.memref_slice %arg6[%parallel_loop3A_108, %parallel_loop3A_506, %parallel_loop3A_507] : memref<2x64x512xf32, #tpu.memory_space<vmem>> -> memref<1x64x512xf32, #tpu.memory_space<vmem>>
        %parallel_loop3A_509 = tpu.memref_squeeze %parallel_loop3A_508 : memref<1x64x512xf32, #tpu.memory_space<vmem>> -> memref<64x512xf32, #tpu.memory_space<vmem>>
        %parallel_loop3A_510 = arith.index_cast %parallel_loop3A_133 : i32 to index
        %parallel_loop3A_511 = arith.constant 448 : index
        %parallel_loop3A_512 = tpu.vector_load %parallel_loop3A_509[%parallel_loop3A_510, %parallel_loop3A_511] {strides = array<i32>} : memref<64x512xf32, #tpu.memory_space<vmem>>, vector<16xf32>,
        %parallel_loop3A_513 = arith.constant 0 : i32
        %parallel_loop3A_514 = arith.constant 0 : i32
        %parallel_loop3A_515 = tpu.memref_slice %arg6[%parallel_loop3A_108, %parallel_loop3A_513, %parallel_loop3A_514] : memref<2x64x512xf32, #tpu.memory_space<vmem>> -> memref<1x64x512xf32, #tpu.memory_space<vmem>>
        %parallel_loop3A_516 = tpu.memref_squeeze %parallel_loop3A_515 : memref<1x64x512xf32, #tpu.memory_space<vmem>> -> memref<64x512xf32, #tpu.memory_space<vmem>>
        %parallel_loop3A_517 = arith.index_cast %parallel_loop3A_133 : i32 to index
        %parallel_loop3A_518 = arith.constant 464 : index
        %parallel_loop3A_519 = tpu.vector_load %parallel_loop3A_516[%parallel_loop3A_517, %parallel_loop3A_518] {strides = array<i32>} : memref<64x512xf32, #tpu.memory_space<vmem>>, vector<16xf32>,
        %parallel_loop3A_520 = arith.constant 0 : i32
        %parallel_loop3A_521 = arith.constant 0 : i32
        %parallel_loop3A_522 = tpu.memref_slice %arg6[%parallel_loop3A_108, %parallel_loop3A_520, %parallel_loop3A_521] : memref<2x64x512xf32, #tpu.memory_space<vmem>> -> memref<1x64x512xf32, #tpu.memory_space<vmem>>
        %parallel_loop3A_523 = tpu.memref_squeeze %parallel_loop3A_522 : memref<1x64x512xf32, #tpu.memory_space<vmem>> -> memref<64x512xf32, #tpu.memory_space<vmem>>
        %parallel_loop3A_524 = arith.index_cast %parallel_loop3A_133 : i32 to index
        %parallel_loop3A_525 = arith.constant 480 : index
        %parallel_loop3A_526 = tpu.vector_load %parallel_loop3A_523[%parallel_loop3A_524, %parallel_loop3A_525] {strides = array<i32>} : memref<64x512xf32, #tpu.memory_space<vmem>>, vector<16xf32>,
        %parallel_loop3A_527 = arith.constant 0 : i32
        %parallel_loop3A_528 = arith.constant 0 : i32
        %parallel_loop3A_529 = tpu.memref_slice %arg6[%parallel_loop3A_108, %parallel_loop3A_527, %parallel_loop3A_528] : memref<2x64x512xf32, #tpu.memory_space<vmem>> -> memref<1x64x512xf32, #tpu.memory_space<vmem>>
        %parallel_loop3A_530 = tpu.memref_squeeze %parallel_loop3A_529 : memref<1x64x512xf32, #tpu.memory_space<vmem>> -> memref<64x512xf32, #tpu.memory_space<vmem>>
        %parallel_loop3A_531 = arith.index_cast %parallel_loop3A_133 : i32 to index
        %parallel_loop3A_532 = arith.constant 496 : index
        %parallel_loop3A_533 = tpu.vector_load %parallel_loop3A_530[%parallel_loop3A_531, %parallel_loop3A_532] {strides = array<i32>} : memref<64x512xf32, #tpu.memory_space<vmem>>, vector<16xf32>,
        %parallel_loop3A_534 = arith.subf %parallel_loop3A_428, %get3A_3 : vector<16xf32>
        %parallel_loop3A_535 = arith.divf %parallel_loop3A_534, %get3A_5 : vector<16xf32>
        %parallel_loop3A_536 = arith.constant 1.000000e+02 : f32
        %parallel_loop3A_537 = vector.broadcast %parallel_loop3A_536 : f32 to vector<16xf32>
        %parallel_loop3A_538 = arith.mulf %parallel_loop3A_535, %parallel_loop3A_537 : vector<16xf32>
        %parallel_loop3A_539 = arith.subf %parallel_loop3A_435, %get3A_3 : vector<16xf32>
        %parallel_loop3A_540 = arith.divf %parallel_loop3A_539, %get3A_5 : vector<16xf32>
        %parallel_loop3A_541 = arith.constant 1.000000e+02 : f32
        %parallel_loop3A_542 = vector.broadcast %parallel_loop3A_541 : f32 to vector<16xf32>
        %parallel_loop3A_543 = arith.mulf %parallel_loop3A_540, %parallel_loop3A_542 : vector<16xf32>
        %parallel_loop3A_544 = arith.subf %parallel_loop3A_442, %get3A_3 : vector<16xf32>
        %parallel_loop3A_545 = arith.divf %parallel_loop3A_544, %get3A_5 : vector<16xf32>
        %parallel_loop3A_546 = arith.constant 1.000000e+02 : f32
        %parallel_loop3A_547 = vector.broadcast %parallel_loop3A_546 : f32 to vector<16xf32>
        %parallel_loop3A_548 = arith.mulf %parallel_loop3A_545, %parallel_loop3A_547 : vector<16xf32>
        %parallel_loop3A_549 = arith.subf %parallel_loop3A_449, %get3A_3 : vector<16xf32>
        %parallel_loop3A_550 = arith.divf %parallel_loop3A_549, %get3A_5 : vector<16xf32>
        %parallel_loop3A_551 = arith.constant 1.000000e+02 : f32
        %parallel_loop3A_552 = vector.broadcast %parallel_loop3A_551 : f32 to vector<16xf32>
        %parallel_loop3A_553 = arith.mulf %parallel_loop3A_550, %parallel_loop3A_552 : vector<16xf32>
        %parallel_loop3A_554 = arith.subf %parallel_loop3A_456, %get3A_3 : vector<16xf32>
        %parallel_loop3A_555 = arith.divf %parallel_loop3A_554, %get3A_5 : vector<16xf32>
        %parallel_loop3A_556 = arith.constant 1.000000e+02 : f32
        %parallel_loop3A_557 = vector.broadcast %parallel_loop3A_556 : f32 to vector<16xf32>
        %parallel_loop3A_558 = arith.mulf %parallel_loop3A_555, %parallel_loop3A_557 : vector<16xf32>
        %parallel_loop3A_559 = arith.subf %parallel_loop3A_463, %get3A_3 : vector<16xf32>
        %parallel_loop3A_560 = arith.divf %parallel_loop3A_559, %get3A_5 : vector<16xf32>
        %parallel_loop3A_561 = arith.constant 1.000000e+02 : f32
        %parallel_loop3A_562 = vector.broadcast %parallel_loop3A_561 : f32 to vector<16xf32>
        %parallel_loop3A_563 = arith.mulf %parallel_loop3A_560, %parallel_loop3A_562 : vector<16xf32>
        %parallel_loop3A_564 = arith.subf %parallel_loop3A_470, %get3A_3 : vector<16xf32>
        %parallel_loop3A_565 = arith.divf %parallel_loop3A_564, %get3A_5 : vector<16xf32>
        %parallel_loop3A_566 = arith.constant 1.000000e+02 : f32
        %parallel_loop3A_567 = vector.broadcast %parallel_loop3A_566 : f32 to vector<16xf32>
        %parallel_loop3A_568 = arith.mulf %parallel_loop3A_565, %parallel_loop3A_567 : vector<16xf32>
        %parallel_loop3A_569 = arith.subf %parallel_loop3A_477, %get3A_3 : vector<16xf32>
        %parallel_loop3A_570 = arith.divf %parallel_loop3A_569, %get3A_5 : vector<16xf32>
        %parallel_loop3A_571 = arith.constant 1.000000e+02 : f32
        %parallel_loop3A_572 = vector.broadcast %parallel_loop3A_571 : f32 to vector<16xf32>
        %parallel_loop3A_573 = arith.mulf %parallel_loop3A_570, %parallel_loop3A_572 : vector<16xf32>
        %parallel_loop3A_574 = arith.subf %parallel_loop3A_484, %get3A_3 : vector<16xf32>
        %parallel_loop3A_575 = arith.divf %parallel_loop3A_574, %get3A_5 : vector<16xf32>
        %parallel_loop3A_576 = arith.constant 1.000000e+02 : f32
        %parallel_loop3A_577 = vector.broadcast %parallel_loop3A_576 : f32 to vector<16xf32>
        %parallel_loop3A_578 = arith.mulf %parallel_loop3A_575, %parallel_loop3A_577 : vector<16xf32>
        %parallel_loop3A_579 = arith.subf %parallel_loop3A_491, %get3A_3 : vector<16xf32>
        %parallel_loop3A_580 = arith.divf %parallel_loop3A_579, %get3A_5 : vector<16xf32>
        %parallel_loop3A_581 = arith.constant 1.000000e+02 : f32
        %parallel_loop3A_582 = vector.broadcast %parallel_loop3A_581 : f32 to vector<16xf32>
        %parallel_loop3A_583 = arith.mulf %parallel_loop3A_580, %parallel_loop3A_582 : vector<16xf32>
        %parallel_loop3A_584 = arith.subf %parallel_loop3A_498, %get3A_3 : vector<16xf32>
        %parallel_loop3A_585 = arith.divf %parallel_loop3A_584, %get3A_5 : vector<16xf32>
        %parallel_loop3A_586 = arith.constant 1.000000e+02 : f32
        %parallel_loop3A_587 = vector.broadcast %parallel_loop3A_586 : f32 to vector<16xf32>
        %parallel_loop3A_588 = arith.mulf %parallel_loop3A_585, %parallel_loop3A_587 : vector<16xf32>
        %parallel_loop3A_589 = arith.subf %parallel_loop3A_505, %get3A_3 : vector<16xf32>
        %parallel_loop3A_590 = arith.divf %parallel_loop3A_589, %get3A_5 : vector<16xf32>
        %parallel_loop3A_591 = arith.constant 1.000000e+02 : f32
        %parallel_loop3A_592 = vector.broadcast %parallel_loop3A_591 : f32 to vector<16xf32>
        %parallel_loop3A_593 = arith.mulf %parallel_loop3A_590, %parallel_loop3A_592 : vector<16xf32>
        %parallel_loop3A_594 = arith.subf %parallel_loop3A_512, %get3A_3 : vector<16xf32>
        %parallel_loop3A_595 = arith.divf %parallel_loop3A_594, %get3A_5 : vector<16xf32>
        %parallel_loop3A_596 = arith.constant 1.000000e+02 : f32
        %parallel_loop3A_597 = vector.broadcast %parallel_loop3A_596 : f32 to vector<16xf32>
        %parallel_loop3A_598 = arith.mulf %parallel_loop3A_595, %parallel_loop3A_597 : vector<16xf32>
        %parallel_loop3A_599 = arith.subf %parallel_loop3A_519, %get3A_3 : vector<16xf32>
        %parallel_loop3A_600 = arith.divf %parallel_loop3A_599, %get3A_5 : vector<16xf32>
        %parallel_loop3A_601 = arith.constant 1.000000e+02 : f32
        %parallel_loop3A_602 = vector.broadcast %parallel_loop3A_601 : f32 to vector<16xf32>
        %parallel_loop3A_603 = arith.mulf %parallel_loop3A_600, %parallel_loop3A_602 : vector<16xf32>
        %parallel_loop3A_604 = arith.subf %parallel_loop3A_526, %get3A_3 : vector<16xf32>
        %parallel_loop3A_605 = arith.divf %parallel_loop3A_604, %get3A_5 : vector<16xf32>
        %parallel_loop3A_606 = arith.constant 1.000000e+02 : f32
        %parallel_loop3A_607 = vector.broadcast %parallel_loop3A_606 : f32 to vector<16xf32>
        %parallel_loop3A_608 = arith.mulf %parallel_loop3A_605, %parallel_loop3A_607 : vector<16xf32>
        %parallel_loop3A_609 = arith.subf %parallel_loop3A_533, %get3A_3 : vector<16xf32>
        %parallel_loop3A_610 = arith.divf %parallel_loop3A_609, %get3A_5 : vector<16xf32>
        %parallel_loop3A_611 = arith.constant 1.000000e+02 : f32
        %parallel_loop3A_612 = vector.broadcast %parallel_loop3A_611 : f32 to vector<16xf32>
        %parallel_loop3A_613 = arith.mulf %parallel_loop3A_610, %parallel_loop3A_612 : vector<16xf32>
        %parallel_loop3A_614 = arith.fptosi %parallel_loop3A_538 : vector<16xf32> to vector<16xi32>
        %parallel_loop3A_615 = arith.fptosi %parallel_loop3A_543 : vector<16xf32> to vector<16xi32>
        %parallel_loop3A_616 = arith.fptosi %parallel_loop3A_548 : vector<16xf32> to vector<16xi32>
        %parallel_loop3A_617 = arith.fptosi %parallel_loop3A_553 : vector<16xf32> to vector<16xi32>
        %parallel_loop3A_618 = arith.fptosi %parallel_loop3A_558 : vector<16xf32> to vector<16xi32>
        %parallel_loop3A_619 = arith.fptosi %parallel_loop3A_563 : vector<16xf32> to vector<16xi32>
        %parallel_loop3A_620 = arith.fptosi %parallel_loop3A_568 : vector<16xf32> to vector<16xi32>
        %parallel_loop3A_621 = arith.fptosi %parallel_loop3A_573 : vector<16xf32> to vector<16xi32>
        %parallel_loop3A_622 = arith.fptosi %parallel_loop3A_578 : vector<16xf32> to vector<16xi32>
        %parallel_loop3A_623 = arith.fptosi %parallel_loop3A_583 : vector<16xf32> to vector<16xi32>
        %parallel_loop3A_624 = arith.fptosi %parallel_loop3A_588 : vector<16xf32> to vector<16xi32>
        %parallel_loop3A_625 = arith.fptosi %parallel_loop3A_593 : vector<16xf32> to vector<16xi32>
        %parallel_loop3A_626 = arith.fptosi %parallel_loop3A_598 : vector<16xf32> to vector<16xi32>
        %parallel_loop3A_627 = arith.fptosi %parallel_loop3A_603 : vector<16xf32> to vector<16xi32>
        %parallel_loop3A_628 = arith.fptosi %parallel_loop3A_608 : vector<16xf32> to vector<16xi32>
        %parallel_loop3A_629 = arith.fptosi %parallel_loop3A_613 : vector<16xf32> to vector<16xi32>
        %parallel_loop3A_630 = arith.constant 16 : i32
        %parallel_loop3A_631 = vector.broadcast %parallel_loop3A_630 : i32 to vector<16xi32>
        %parallel_loop3A_632 = arith.muli %parallel_loop3A_614, %parallel_loop3A_631 : vector<16xi32>
        %parallel_loop3A_633 = arith.addi %parallel_loop3A_632, %iota3A : vector<16xi32>
        %parallel_loop3A_634 = arith.constant 16 : i32
        %parallel_loop3A_635 = vector.broadcast %parallel_loop3A_634 : i32 to vector<16xi32>
        %parallel_loop3A_636 = arith.muli %parallel_loop3A_615, %parallel_loop3A_635 : vector<16xi32>
        %parallel_loop3A_637 = arith.addi %parallel_loop3A_636, %iota3A : vector<16xi32>
        %parallel_loop3A_638 = arith.constant 16 : i32
        %parallel_loop3A_639 = vector.broadcast %parallel_loop3A_638 : i32 to vector<16xi32>
        %parallel_loop3A_640 = arith.muli %parallel_loop3A_616, %parallel_loop3A_639 : vector<16xi32>
        %parallel_loop3A_641 = arith.addi %parallel_loop3A_640, %iota3A : vector<16xi32>
        %parallel_loop3A_642 = arith.constant 16 : i32
        %parallel_loop3A_643 = vector.broadcast %parallel_loop3A_642 : i32 to vector<16xi32>
        %parallel_loop3A_644 = arith.muli %parallel_loop3A_617, %parallel_loop3A_643 : vector<16xi32>
        %parallel_loop3A_645 = arith.addi %parallel_loop3A_644, %iota3A : vector<16xi32>
        %parallel_loop3A_646 = arith.constant 16 : i32
        %parallel_loop3A_647 = vector.broadcast %parallel_loop3A_646 : i32 to vector<16xi32>
        %parallel_loop3A_648 = arith.muli %parallel_loop3A_618, %parallel_loop3A_647 : vector<16xi32>
        %parallel_loop3A_649 = arith.addi %parallel_loop3A_648, %iota3A : vector<16xi32>
        %parallel_loop3A_650 = arith.constant 16 : i32
        %parallel_loop3A_651 = vector.broadcast %parallel_loop3A_650 : i32 to vector<16xi32>
        %parallel_loop3A_652 = arith.muli %parallel_loop3A_619, %parallel_loop3A_651 : vector<16xi32>
        %parallel_loop3A_653 = arith.addi %parallel_loop3A_652, %iota3A : vector<16xi32>
        %parallel_loop3A_654 = arith.constant 16 : i32
        %parallel_loop3A_655 = vector.broadcast %parallel_loop3A_654 : i32 to vector<16xi32>
        %parallel_loop3A_656 = arith.muli %parallel_loop3A_620, %parallel_loop3A_655 : vector<16xi32>
        %parallel_loop3A_657 = arith.addi %parallel_loop3A_656, %iota3A : vector<16xi32>
        %parallel_loop3A_658 = arith.constant 16 : i32
        %parallel_loop3A_659 = vector.broadcast %parallel_loop3A_658 : i32 to vector<16xi32>
        %parallel_loop3A_660 = arith.muli %parallel_loop3A_621, %parallel_loop3A_659 : vector<16xi32>
        %parallel_loop3A_661 = arith.addi %parallel_loop3A_660, %iota3A : vector<16xi32>
        %parallel_loop3A_662 = arith.constant 16 : i32
        %parallel_loop3A_663 = vector.broadcast %parallel_loop3A_662 : i32 to vector<16xi32>
        %parallel_loop3A_664 = arith.muli %parallel_loop3A_622, %parallel_loop3A_663 : vector<16xi32>
        %parallel_loop3A_665 = arith.addi %parallel_loop3A_664, %iota3A : vector<16xi32>
        %parallel_loop3A_666 = arith.constant 16 : i32
        %parallel_loop3A_667 = vector.broadcast %parallel_loop3A_666 : i32 to vector<16xi32>
        %parallel_loop3A_668 = arith.muli %parallel_loop3A_623, %parallel_loop3A_667 : vector<16xi32>
        %parallel_loop3A_669 = arith.addi %parallel_loop3A_668, %iota3A : vector<16xi32>
        %parallel_loop3A_670 = arith.constant 16 : i32
        %parallel_loop3A_671 = vector.broadcast %parallel_loop3A_670 : i32 to vector<16xi32>
        %parallel_loop3A_672 = arith.muli %parallel_loop3A_624, %parallel_loop3A_671 : vector<16xi32>
        %parallel_loop3A_673 = arith.addi %parallel_loop3A_672, %iota3A : vector<16xi32>
        %parallel_loop3A_674 = arith.constant 16 : i32
        %parallel_loop3A_675 = vector.broadcast %parallel_loop3A_674 : i32 to vector<16xi32>
        %parallel_loop3A_676 = arith.muli %parallel_loop3A_625, %parallel_loop3A_675 : vector<16xi32>
        %parallel_loop3A_677 = arith.addi %parallel_loop3A_676, %iota3A : vector<16xi32>
        %parallel_loop3A_678 = arith.constant 16 : i32
        %parallel_loop3A_679 = vector.broadcast %parallel_loop3A_678 : i32 to vector<16xi32>
        %parallel_loop3A_680 = arith.muli %parallel_loop3A_626, %parallel_loop3A_679 : vector<16xi32>
        %parallel_loop3A_681 = arith.addi %parallel_loop3A_680, %iota3A : vector<16xi32>
        %parallel_loop3A_682 = arith.constant 16 : i32
        %parallel_loop3A_683 = vector.broadcast %parallel_loop3A_682 : i32 to vector<16xi32>
        %parallel_loop3A_684 = arith.muli %parallel_loop3A_627, %parallel_loop3A_683 : vector<16xi32>
        %parallel_loop3A_685 = arith.addi %parallel_loop3A_684, %iota3A : vector<16xi32>
        %parallel_loop3A_686 = arith.constant 16 : i32
        %parallel_loop3A_687 = vector.broadcast %parallel_loop3A_686 : i32 to vector<16xi32>
        %parallel_loop3A_688 = arith.muli %parallel_loop3A_628, %parallel_loop3A_687 : vector<16xi32>
        %parallel_loop3A_689 = arith.addi %parallel_loop3A_688, %iota3A : vector<16xi32>
        %parallel_loop3A_690 = arith.constant 16 : i32
        %parallel_loop3A_691 = vector.broadcast %parallel_loop3A_690 : i32 to vector<16xi32>
        %parallel_loop3A_692 = arith.muli %parallel_loop3A_629, %parallel_loop3A_691 : vector<16xi32>
        %parallel_loop3A_693 = arith.addi %parallel_loop3A_692, %iota3A : vector<16xi32>
        %parallel_loop3A_694 = arith.cmpf oge, %parallel_loop3A_428, %get3A_3 : vector<16xf32>
        %parallel_loop3A_695 = arith.cmpf oge, %parallel_loop3A_435, %get3A_3 : vector<16xf32>
        %parallel_loop3A_696 = arith.cmpf oge, %parallel_loop3A_442, %get3A_3 : vector<16xf32>
        %parallel_loop3A_697 = arith.cmpf oge, %parallel_loop3A_449, %get3A_3 : vector<16xf32>
        %parallel_loop3A_698 = arith.cmpf oge, %parallel_loop3A_456, %get3A_3 : vector<16xf32>
        %parallel_loop3A_699 = arith.cmpf oge, %parallel_loop3A_463, %get3A_3 : vector<16xf32>
        %parallel_loop3A_700 = arith.cmpf oge, %parallel_loop3A_470, %get3A_3 : vector<16xf32>
        %parallel_loop3A_701 = arith.cmpf oge, %parallel_loop3A_477, %get3A_3 : vector<16xf32>
        %parallel_loop3A_702 = arith.cmpf oge, %parallel_loop3A_484, %get3A_3 : vector<16xf32>
        %parallel_loop3A_703 = arith.cmpf oge, %parallel_loop3A_491, %get3A_3 : vector<16xf32>
        %parallel_loop3A_704 = arith.cmpf oge, %parallel_loop3A_498, %get3A_3 : vector<16xf32>
        %parallel_loop3A_705 = arith.cmpf oge, %parallel_loop3A_505, %get3A_3 : vector<16xf32>
        %parallel_loop3A_706 = arith.cmpf oge, %parallel_loop3A_512, %get3A_3 : vector<16xf32>
        %parallel_loop3A_707 = arith.cmpf oge, %parallel_loop3A_519, %get3A_3 : vector<16xf32>
        %parallel_loop3A_708 = arith.cmpf oge, %parallel_loop3A_526, %get3A_3 : vector<16xf32>
        %parallel_loop3A_709 = arith.cmpf oge, %parallel_loop3A_533, %get3A_3 : vector<16xf32>
        tpu.vector_store_idx %arg7[%parallel_loop3A_633], %broadcast_in_dim3A_38 masked %parallel_loop3A_694 {add = true} : memref<1616xf32, #tpu.memory_space<vmem>>[vector<16xi32>], vector<16xf32>, vector<16xi1>
        tpu.vector_store_idx %arg7[%parallel_loop3A_637], %broadcast_in_dim3A_38 masked %parallel_loop3A_695 {add = true} : memref<1616xf32, #tpu.memory_space<vmem>>[vector<16xi32>], vector<16xf32>, vector<16xi1>
        tpu.vector_store_idx %arg7[%parallel_loop3A_641], %broadcast_in_dim3A_38 masked %parallel_loop3A_696 {add = true} : memref<1616xf32, #tpu.memory_space<vmem>>[vector<16xi32>], vector<16xf32>, vector<16xi1>
        tpu.vector_store_idx %arg7[%parallel_loop3A_645], %broadcast_in_dim3A_38 masked %parallel_loop3A_697 {add = true} : memref<1616xf32, #tpu.memory_space<vmem>>[vector<16xi32>], vector<16xf32>, vector<16xi1>
        tpu.vector_store_idx %arg7[%parallel_loop3A_649], %broadcast_in_dim3A_38 masked %parallel_loop3A_698 {add = true} : memref<1616xf32, #tpu.memory_space<vmem>>[vector<16xi32>], vector<16xf32>, vector<16xi1>
        tpu.vector_store_idx %arg7[%parallel_loop3A_653], %broadcast_in_dim3A_38 masked %parallel_loop3A_699 {add = true} : memref<1616xf32, #tpu.memory_space<vmem>>[vector<16xi32>], vector<16xf32>, vector<16xi1>
        tpu.vector_store_idx %arg7[%parallel_loop3A_657], %broadcast_in_dim3A_38 masked %parallel_loop3A_700 {add = true} : memref<1616xf32, #tpu.memory_space<vmem>>[vector<16xi32>], vector<16xf32>, vector<16xi1>
        tpu.vector_store_idx %arg7[%parallel_loop3A_661], %broadcast_in_dim3A_38 masked %parallel_loop3A_701 {add = true} : memref<1616xf32, #tpu.memory_space<vmem>>[vector<16xi32>], vector<16xf32>, vector<16xi1>
        tpu.vector_store_idx %arg7[%parallel_loop3A_665], %broadcast_in_dim3A_38 masked %parallel_loop3A_702 {add = true} : memref<1616xf32, #tpu.memory_space<vmem>>[vector<16xi32>], vector<16xf32>, vector<16xi1>
        tpu.vector_store_idx %arg7[%parallel_loop3A_669], %broadcast_in_dim3A_38 masked %parallel_loop3A_703 {add = true} : memref<1616xf32, #tpu.memory_space<vmem>>[vector<16xi32>], vector<16xf32>, vector<16xi1>
        tpu.vector_store_idx %arg7[%parallel_loop3A_673], %broadcast_in_dim3A_38 masked %parallel_loop3A_704 {add = true} : memref<1616xf32, #tpu.memory_space<vmem>>[vector<16xi32>], vector<16xf32>, vector<16xi1>
        tpu.vector_store_idx %arg7[%parallel_loop3A_677], %broadcast_in_dim3A_38 masked %parallel_loop3A_705 {add = true} : memref<1616xf32, #tpu.memory_space<vmem>>[vector<16xi32>], vector<16xf32>, vector<16xi1>
        tpu.vector_store_idx %arg7[%parallel_loop3A_681], %broadcast_in_dim3A_38 masked %parallel_loop3A_706 {add = true} : memref<1616xf32, #tpu.memory_space<vmem>>[vector<16xi32>], vector<16xf32>, vector<16xi1>
        tpu.vector_store_idx %arg7[%parallel_loop3A_685], %broadcast_in_dim3A_38 masked %parallel_loop3A_707 {add = true} : memref<1616xf32, #tpu.memory_space<vmem>>[vector<16xi32>], vector<16xf32>, vector<16xi1>
        tpu.vector_store_idx %arg7[%parallel_loop3A_689], %broadcast_in_dim3A_38 masked %parallel_loop3A_708 {add = true} : memref<1616xf32, #tpu.memory_space<vmem>>[vector<16xi32>], vector<16xf32>, vector<16xi1>
        tpu.vector_store_idx %arg7[%parallel_loop3A_693], %broadcast_in_dim3A_38 masked %parallel_loop3A_709 {add = true} : memref<1616xf32, #tpu.memory_space<vmem>>[vector<16xi32>], vector<16xf32>, vector<16xi1>
      } {sc.loop_unroll_factor = 1 : i64, sc.parallel_access}
      %dma_wait3A_109 = arith.constant 0 : i32
      %dma_wait3A_110 = arith.constant 1 : i32
      %dma_wait3A_111 = arith.constant 0 : i32
      %dma_wait3A_112 = arith.constant 0 : i32
      %dma_wait3A_113 = tpu.memref_slice %arg6[%dma_wait3A_110, %dma_wait3A_111, %dma_wait3A_112] : memref<2x64x512xf32, #tpu.memory_space<vmem>> -> memref<1x64x512xf32, #tpu.memory_space<vmem>>
      %dma_wait3A_114 = tpu.memref_squeeze %dma_wait3A_113 : memref<1x64x512xf32, #tpu.memory_space<vmem>> -> memref<64x512xf32, #tpu.memory_space<vmem>>
      %dma_wait3A_115 = arith.constant 0 : i32
      %dma_wait3A_116 = arith.constant 0 : i32
      %dma_wait3A_117 = tpu.memref_slice %arg3[%dma_wait3A_109, %dma_wait3A_115, %dma_wait3A_116] : memref<96x512x512xf32, #tpu.memory_space<hbm>> -> memref<1x64x512xf32, #tpu.memory_space<hbm>>
      %dma_wait3A_118 = tpu.memref_squeeze %dma_wait3A_117 : memref<1x64x512xf32, #tpu.memory_space<hbm>> -> memref<64x512xf32, #tpu.memory_space<hbm>>
      %dma_wait3A_119 = arith.constant 0 : i32
      %dma_wait3A_120 = arith.constant 0 : i32
      %dma_wait3A_121 = tpu.memref_slice %arg6[%dma_wait3A_110, %dma_wait3A_119, %dma_wait3A_120] : memref<2x64x512xf32, #tpu.memory_space<vmem>> -> memref<1x64x512xf32, #tpu.memory_space<vmem>>
      %dma_wait3A_122 = tpu.memref_squeeze %dma_wait3A_121 : memref<1x64x512xf32, #tpu.memory_space<vmem>> -> memref<64x512xf32, #tpu.memory_space<vmem>>
      %dma_wait3A_123 = arith.constant 0 : i32
      %dma_wait3A_124 = arith.constant 0 : i32
      %dma_wait3A_125 = tpu.memref_slice %arg3[%dma_wait3A_109, %dma_wait3A_123, %dma_wait3A_124] : memref<96x512x512xf32, #tpu.memory_space<hbm>> -> memref<1x64x512xf32, #tpu.memory_space<hbm>>
      %dma_wait3A_126 = tpu.memref_squeeze %dma_wait3A_125 : memref<1x64x512xf32, #tpu.memory_space<hbm>> -> memref<64x512xf32, #tpu.memory_space<hbm>>
      tpu.wait_dma2 semaphore(%arg10 : memref<!tpu.dma_semaphore, #tpu.memory_space<semaphore_mem>>) src(%dma_wait3A_126 : memref<64x512xf32, #tpu.memory_space<hbm>>) dst(%dma_wait3A_122 : memref<64x512xf32, #tpu.memory_space<vmem>>)
      %lt3A = arith.constant 11 : i32
      %lt3A_127 = arith.cmpi slt, %scan3A_64, %lt3A : i32
      %convert_element_type3A = arith.extui %lt3A_127 : i1 to i32
      %cond3A = arith.constant 0 : i32
      %cond3A_128 = arith.cmpi ne, %convert_element_type3A, %cond3A : i32
      scf.if %cond3A_128 {
        %mul3A_133 = arith.constant 2 : i32
        %mul3A_134 = arith.muli %mul3A_133, %scan3A_64 : i32
        %add3A_135 = arith.constant 2 : i32
        %add3A_136 = arith.addi %mul3A_134, %add3A_135 : i32
        %shift_right_arithmetic3A_137 = arith.constant 3 : i32
        %shift_right_arithmetic3A_138 = arith.shrsi %add3A_136, %shift_right_arithmetic3A_137 : i32
        %add3A_139 = arith.addi %mul3A_2, %shift_right_arithmetic3A_138 : i32
        %and3A_140 = arith.constant 7 : i32
        %and3A_141 = arith.andi %add3A_136, %and3A_140 : i32
        %mul3A_142 = arith.constant 64 : i32
        %mul3A_143 = arith.muli %and3A_141, %mul3A_142 : i32
        %dma_start3A_144 = arith.constant 0 : i32
        %dma_start3A_145 = arith.constant 0 : i32
        %dma_start3A_146 = arith.constant 0 : i32
        %dma_start3A_147 = tpu.memref_slice %arg6[%dma_start3A_144, %dma_start3A_145, %dma_start3A_146] : memref<2x64x512xf32, #tpu.memory_space<vmem>> -> memref<1x64x512xf32, #tpu.memory_space<vmem>>
        %dma_start3A_148 = tpu.memref_squeeze %dma_start3A_147 : memref<1x64x512xf32, #tpu.memory_space<vmem>> -> memref<64x512xf32, #tpu.memory_space<vmem>>
        %dma_start3A_149 = arith.constant 0 : i32
        %dma_start3A_150 = tpu.memref_slice %arg3[%add3A_139, %mul3A_143, %dma_start3A_149] : memref<96x512x512xf32, #tpu.memory_space<hbm>> -> memref<1x64x512xf32, #tpu.memory_space<hbm>>
        %dma_start3A_151 = tpu.memref_squeeze %dma_start3A_150 : memref<1x64x512xf32, #tpu.memory_space<hbm>> -> memref<64x512xf32, #tpu.memory_space<hbm>>
        %dma_start3A_152 = arith.constant 0 : i32
        %dma_start3A_153 = arith.constant 0 : i32
        %dma_start3A_154 = tpu.memref_slice %arg6[%dma_start3A_144, %dma_start3A_152, %dma_start3A_153] : memref<2x64x512xf32, #tpu.memory_space<vmem>> -> memref<1x64x512xf32, #tpu.memory_space<vmem>>
        %dma_start3A_155 = tpu.memref_squeeze %dma_start3A_154 : memref<1x64x512xf32, #tpu.memory_space<vmem>> -> memref<64x512xf32, #tpu.memory_space<vmem>>
        %dma_start3A_156 = arith.constant 0 : i32
        %dma_start3A_157 = tpu.memref_slice %arg3[%add3A_139, %mul3A_143, %dma_start3A_156] : memref<96x512x512xf32, #tpu.memory_space<hbm>> -> memref<1x64x512xf32, #tpu.memory_space<hbm>>
        %dma_start3A_158 = tpu.memref_squeeze %dma_start3A_157 : memref<1x64x512xf32, #tpu.memory_space<hbm>> -> memref<64x512xf32, #tpu.memory_space<hbm>>
        tpu.enqueue_dma source(%dma_start3A_158 : memref<64x512xf32, #tpu.memory_space<hbm>>) target(%dma_start3A_155 : memref<64x512xf32, #tpu.memory_space<vmem>>) target_semaphore(%arg9 : memref<!tpu.dma_semaphore, #tpu.memory_space<semaphore_mem>>)
      } else {
      }
      %parallel_loop3A_129 = arith.constant 0 : i32
      %parallel_loop3A_130 = arith.constant 64 : i32
      %parallel_loop3A_131 = arith.constant 1 : i32
      %parallel_loop3A_132 = arith.constant 1 : i32
      scf.for %parallel_loop3A_133 = %parallel_loop3A_129 to %parallel_loop3A_130 step %parallel_loop3A_131  : i32 {
        %parallel_loop3A_134 = arith.constant 0 : i32
        %parallel_loop3A_135 = arith.constant 0 : i32
        %parallel_loop3A_136 = tpu.memref_slice %arg6[%parallel_loop3A_132, %parallel_loop3A_134, %parallel_loop3A_135] : memref<2x64x512xf32, #tpu.memory_space<vmem>> -> memref<1x64x512xf32, #tpu.memory_space<vmem>>
        %parallel_loop3A_137 = tpu.memref_squeeze %parallel_loop3A_136 : memref<1x64x512xf32, #tpu.memory_space<vmem>> -> memref<64x512xf32, #tpu.memory_space<vmem>>
        %parallel_loop3A_138 = arith.index_cast %parallel_loop3A_133 : i32 to index
        %parallel_loop3A_139 = arith.constant 0 : index
        %parallel_loop3A_140 = tpu.vector_load %parallel_loop3A_137[%parallel_loop3A_138, %parallel_loop3A_139] {strides = array<i32>} : memref<64x512xf32, #tpu.memory_space<vmem>>, vector<16xf32>,
        %parallel_loop3A_141 = arith.constant 0 : i32
        %parallel_loop3A_142 = arith.constant 0 : i32
        %parallel_loop3A_143 = tpu.memref_slice %arg6[%parallel_loop3A_132, %parallel_loop3A_141, %parallel_loop3A_142] : memref<2x64x512xf32, #tpu.memory_space<vmem>> -> memref<1x64x512xf32, #tpu.memory_space<vmem>>
        %parallel_loop3A_144 = tpu.memref_squeeze %parallel_loop3A_143 : memref<1x64x512xf32, #tpu.memory_space<vmem>> -> memref<64x512xf32, #tpu.memory_space<vmem>>
        %parallel_loop3A_145 = arith.index_cast %parallel_loop3A_133 : i32 to index
        %parallel_loop3A_146 = arith.constant 16 : index
        %parallel_loop3A_147 = tpu.vector_load %parallel_loop3A_144[%parallel_loop3A_145, %parallel_loop3A_146] {strides = array<i32>} : memref<64x512xf32, #tpu.memory_space<vmem>>, vector<16xf32>,
        %parallel_loop3A_148 = arith.constant 0 : i32
        %parallel_loop3A_149 = arith.constant 0 : i32
        %parallel_loop3A_150 = tpu.memref_slice %arg6[%parallel_loop3A_132, %parallel_loop3A_148, %parallel_loop3A_149] : memref<2x64x512xf32, #tpu.memory_space<vmem>> -> memref<1x64x512xf32, #tpu.memory_space<vmem>>
        %parallel_loop3A_151 = tpu.memref_squeeze %parallel_loop3A_150 : memref<1x64x512xf32, #tpu.memory_space<vmem>> -> memref<64x512xf32, #tpu.memory_space<vmem>>
        %parallel_loop3A_152 = arith.index_cast %parallel_loop3A_133 : i32 to index
        %parallel_loop3A_153 = arith.constant 32 : index
        %parallel_loop3A_154 = tpu.vector_load %parallel_loop3A_151[%parallel_loop3A_152, %parallel_loop3A_153] {strides = array<i32>} : memref<64x512xf32, #tpu.memory_space<vmem>>, vector<16xf32>,
        %parallel_loop3A_155 = arith.constant 0 : i32
        %parallel_loop3A_156 = arith.constant 0 : i32
        %parallel_loop3A_157 = tpu.memref_slice %arg6[%parallel_loop3A_132, %parallel_loop3A_155, %parallel_loop3A_156] : memref<2x64x512xf32, #tpu.memory_space<vmem>> -> memref<1x64x512xf32, #tpu.memory_space<vmem>>
        %parallel_loop3A_158 = tpu.memref_squeeze %parallel_loop3A_157 : memref<1x64x512xf32, #tpu.memory_space<vmem>> -> memref<64x512xf32, #tpu.memory_space<vmem>>
        %parallel_loop3A_159 = arith.index_cast %parallel_loop3A_133 : i32 to index
        %parallel_loop3A_160 = arith.constant 48 : index
        %parallel_loop3A_161 = tpu.vector_load %parallel_loop3A_158[%parallel_loop3A_159, %parallel_loop3A_160] {strides = array<i32>} : memref<64x512xf32, #tpu.memory_space<vmem>>, vector<16xf32>,
        %parallel_loop3A_162 = arith.constant 0 : i32
        %parallel_loop3A_163 = arith.constant 0 : i32
        %parallel_loop3A_164 = tpu.memref_slice %arg6[%parallel_loop3A_132, %parallel_loop3A_162, %parallel_loop3A_163] : memref<2x64x512xf32, #tpu.memory_space<vmem>> -> memref<1x64x512xf32, #tpu.memory_space<vmem>>
        %parallel_loop3A_165 = tpu.memref_squeeze %parallel_loop3A_164 : memref<1x64x512xf32, #tpu.memory_space<vmem>> -> memref<64x512xf32, #tpu.memory_space<vmem>>
        %parallel_loop3A_166 = arith.index_cast %parallel_loop3A_133 : i32 to index
        %parallel_loop3A_167 = arith.constant 64 : index
        %parallel_loop3A_168 = tpu.vector_load %parallel_loop3A_165[%parallel_loop3A_166, %parallel_loop3A_167] {strides = array<i32>} : memref<64x512xf32, #tpu.memory_space<vmem>>, vector<16xf32>,
        %parallel_loop3A_169 = arith.constant 0 : i32
        %parallel_loop3A_170 = arith.constant 0 : i32
        %parallel_loop3A_171 = tpu.memref_slice %arg6[%parallel_loop3A_132, %parallel_loop3A_169, %parallel_loop3A_170] : memref<2x64x512xf32, #tpu.memory_space<vmem>> -> memref<1x64x512xf32, #tpu.memory_space<vmem>>
        %parallel_loop3A_172 = tpu.memref_squeeze %parallel_loop3A_171 : memref<1x64x512xf32, #tpu.memory_space<vmem>> -> memref<64x512xf32, #tpu.memory_space<vmem>>
        %parallel_loop3A_173 = arith.index_cast %parallel_loop3A_133 : i32 to index
        %parallel_loop3A_174 = arith.constant 80 : index
        %parallel_loop3A_175 = tpu.vector_load %parallel_loop3A_172[%parallel_loop3A_173, %parallel_loop3A_174] {strides = array<i32>} : memref<64x512xf32, #tpu.memory_space<vmem>>, vector<16xf32>,
        %parallel_loop3A_176 = arith.constant 0 : i32
        %parallel_loop3A_177 = arith.constant 0 : i32
        %parallel_loop3A_178 = tpu.memref_slice %arg6[%parallel_loop3A_132, %parallel_loop3A_176, %parallel_loop3A_177] : memref<2x64x512xf32, #tpu.memory_space<vmem>> -> memref<1x64x512xf32, #tpu.memory_space<vmem>>
        %parallel_loop3A_179 = tpu.memref_squeeze %parallel_loop3A_178 : memref<1x64x512xf32, #tpu.memory_space<vmem>> -> memref<64x512xf32, #tpu.memory_space<vmem>>
        %parallel_loop3A_180 = arith.index_cast %parallel_loop3A_133 : i32 to index
        %parallel_loop3A_181 = arith.constant 96 : index
        %parallel_loop3A_182 = tpu.vector_load %parallel_loop3A_179[%parallel_loop3A_180, %parallel_loop3A_181] {strides = array<i32>} : memref<64x512xf32, #tpu.memory_space<vmem>>, vector<16xf32>,
        %parallel_loop3A_183 = arith.constant 0 : i32
        %parallel_loop3A_184 = arith.constant 0 : i32
        %parallel_loop3A_185 = tpu.memref_slice %arg6[%parallel_loop3A_132, %parallel_loop3A_183, %parallel_loop3A_184] : memref<2x64x512xf32, #tpu.memory_space<vmem>> -> memref<1x64x512xf32, #tpu.memory_space<vmem>>
        %parallel_loop3A_186 = tpu.memref_squeeze %parallel_loop3A_185 : memref<1x64x512xf32, #tpu.memory_space<vmem>> -> memref<64x512xf32, #tpu.memory_space<vmem>>
        %parallel_loop3A_187 = arith.index_cast %parallel_loop3A_133 : i32 to index
        %parallel_loop3A_188 = arith.constant 112 : index
        %parallel_loop3A_189 = tpu.vector_load %parallel_loop3A_186[%parallel_loop3A_187, %parallel_loop3A_188] {strides = array<i32>} : memref<64x512xf32, #tpu.memory_space<vmem>>, vector<16xf32>,
        %parallel_loop3A_190 = arith.constant 0 : i32
        %parallel_loop3A_191 = arith.constant 0 : i32
        %parallel_loop3A_192 = tpu.memref_slice %arg6[%parallel_loop3A_132, %parallel_loop3A_190, %parallel_loop3A_191] : memref<2x64x512xf32, #tpu.memory_space<vmem>> -> memref<1x64x512xf32, #tpu.memory_space<vmem>>
        %parallel_loop3A_193 = tpu.memref_squeeze %parallel_loop3A_192 : memref<1x64x512xf32, #tpu.memory_space<vmem>> -> memref<64x512xf32, #tpu.memory_space<vmem>>
        %parallel_loop3A_194 = arith.index_cast %parallel_loop3A_133 : i32 to index
        %parallel_loop3A_195 = arith.constant 128 : index
        %parallel_loop3A_196 = tpu.vector_load %parallel_loop3A_193[%parallel_loop3A_194, %parallel_loop3A_195] {strides = array<i32>} : memref<64x512xf32, #tpu.memory_space<vmem>>, vector<16xf32>,
        %parallel_loop3A_197 = arith.constant 0 : i32
        %parallel_loop3A_198 = arith.constant 0 : i32
        %parallel_loop3A_199 = tpu.memref_slice %arg6[%parallel_loop3A_132, %parallel_loop3A_197, %parallel_loop3A_198] : memref<2x64x512xf32, #tpu.memory_space<vmem>> -> memref<1x64x512xf32, #tpu.memory_space<vmem>>
        %parallel_loop3A_200 = tpu.memref_squeeze %parallel_loop3A_199 : memref<1x64x512xf32, #tpu.memory_space<vmem>> -> memref<64x512xf32, #tpu.memory_space<vmem>>
        %parallel_loop3A_201 = arith.index_cast %parallel_loop3A_133 : i32 to index
        %parallel_loop3A_202 = arith.constant 144 : index
        %parallel_loop3A_203 = tpu.vector_load %parallel_loop3A_200[%parallel_loop3A_201, %parallel_loop3A_202] {strides = array<i32>} : memref<64x512xf32, #tpu.memory_space<vmem>>, vector<16xf32>,
        %parallel_loop3A_204 = arith.constant 0 : i32
        %parallel_loop3A_205 = arith.constant 0 : i32
        %parallel_loop3A_206 = tpu.memref_slice %arg6[%parallel_loop3A_132, %parallel_loop3A_204, %parallel_loop3A_205] : memref<2x64x512xf32, #tpu.memory_space<vmem>> -> memref<1x64x512xf32, #tpu.memory_space<vmem>>
        %parallel_loop3A_207 = tpu.memref_squeeze %parallel_loop3A_206 : memref<1x64x512xf32, #tpu.memory_space<vmem>> -> memref<64x512xf32, #tpu.memory_space<vmem>>
        %parallel_loop3A_208 = arith.index_cast %parallel_loop3A_133 : i32 to index
        %parallel_loop3A_209 = arith.constant 160 : index
        %parallel_loop3A_210 = tpu.vector_load %parallel_loop3A_207[%parallel_loop3A_208, %parallel_loop3A_209] {strides = array<i32>} : memref<64x512xf32, #tpu.memory_space<vmem>>, vector<16xf32>,
        %parallel_loop3A_211 = arith.constant 0 : i32
        %parallel_loop3A_212 = arith.constant 0 : i32
        %parallel_loop3A_213 = tpu.memref_slice %arg6[%parallel_loop3A_132, %parallel_loop3A_211, %parallel_loop3A_212] : memref<2x64x512xf32, #tpu.memory_space<vmem>> -> memref<1x64x512xf32, #tpu.memory_space<vmem>>
        %parallel_loop3A_214 = tpu.memref_squeeze %parallel_loop3A_213 : memref<1x64x512xf32, #tpu.memory_space<vmem>> -> memref<64x512xf32, #tpu.memory_space<vmem>>
        %parallel_loop3A_215 = arith.index_cast %parallel_loop3A_133 : i32 to index
        %parallel_loop3A_216 = arith.constant 176 : index
        %parallel_loop3A_217 = tpu.vector_load %parallel_loop3A_214[%parallel_loop3A_215, %parallel_loop3A_216] {strides = array<i32>} : memref<64x512xf32, #tpu.memory_space<vmem>>, vector<16xf32>,
        %parallel_loop3A_218 = arith.constant 0 : i32
        %parallel_loop3A_219 = arith.constant 0 : i32
        %parallel_loop3A_220 = tpu.memref_slice %arg6[%parallel_loop3A_132, %parallel_loop3A_218, %parallel_loop3A_219] : memref<2x64x512xf32, #tpu.memory_space<vmem>> -> memref<1x64x512xf32, #tpu.memory_space<vmem>>
        %parallel_loop3A_221 = tpu.memref_squeeze %parallel_loop3A_220 : memref<1x64x512xf32, #tpu.memory_space<vmem>> -> memref<64x512xf32, #tpu.memory_space<vmem>>
        %parallel_loop3A_222 = arith.index_cast %parallel_loop3A_133 : i32 to index
        %parallel_loop3A_223 = arith.constant 192 : index
        %parallel_loop3A_224 = tpu.vector_load %parallel_loop3A_221[%parallel_loop3A_222, %parallel_loop3A_223] {strides = array<i32>} : memref<64x512xf32, #tpu.memory_space<vmem>>, vector<16xf32>,
        %parallel_loop3A_225 = arith.constant 0 : i32
        %parallel_loop3A_226 = arith.constant 0 : i32
        %parallel_loop3A_227 = tpu.memref_slice %arg6[%parallel_loop3A_132, %parallel_loop3A_225, %parallel_loop3A_226] : memref<2x64x512xf32, #tpu.memory_space<vmem>> -> memref<1x64x512xf32, #tpu.memory_space<vmem>>
        %parallel_loop3A_228 = tpu.memref_squeeze %parallel_loop3A_227 : memref<1x64x512xf32, #tpu.memory_space<vmem>> -> memref<64x512xf32, #tpu.memory_space<vmem>>
        %parallel_loop3A_229 = arith.index_cast %parallel_loop3A_133 : i32 to index
        %parallel_loop3A_230 = arith.constant 208 : index
        %parallel_loop3A_231 = tpu.vector_load %parallel_loop3A_228[%parallel_loop3A_229, %parallel_loop3A_230] {strides = array<i32>} : memref<64x512xf32, #tpu.memory_space<vmem>>, vector<16xf32>,
        %parallel_loop3A_232 = arith.constant 0 : i32
        %parallel_loop3A_233 = arith.constant 0 : i32
        %parallel_loop3A_234 = tpu.memref_slice %arg6[%parallel_loop3A_132, %parallel_loop3A_232, %parallel_loop3A_233] : memref<2x64x512xf32, #tpu.memory_space<vmem>> -> memref<1x64x512xf32, #tpu.memory_space<vmem>>
        %parallel_loop3A_235 = tpu.memref_squeeze %parallel_loop3A_234 : memref<1x64x512xf32, #tpu.memory_space<vmem>> -> memref<64x512xf32, #tpu.memory_space<vmem>>
        %parallel_loop3A_236 = arith.index_cast %parallel_loop3A_133 : i32 to index
        %parallel_loop3A_237 = arith.constant 224 : index
        %parallel_loop3A_238 = tpu.vector_load %parallel_loop3A_235[%parallel_loop3A_236, %parallel_loop3A_237] {strides = array<i32>} : memref<64x512xf32, #tpu.memory_space<vmem>>, vector<16xf32>,
        %parallel_loop3A_239 = arith.constant 0 : i32
        %parallel_loop3A_240 = arith.constant 0 : i32
        %parallel_loop3A_241 = tpu.memref_slice %arg6[%parallel_loop3A_132, %parallel_loop3A_239, %parallel_loop3A_240] : memref<2x64x512xf32, #tpu.memory_space<vmem>> -> memref<1x64x512xf32, #tpu.memory_space<vmem>>
        %parallel_loop3A_242 = tpu.memref_squeeze %parallel_loop3A_241 : memref<1x64x512xf32, #tpu.memory_space<vmem>> -> memref<64x512xf32, #tpu.memory_space<vmem>>
        %parallel_loop3A_243 = arith.index_cast %parallel_loop3A_133 : i32 to index
        %parallel_loop3A_244 = arith.constant 240 : index
        %parallel_loop3A_245 = tpu.vector_load %parallel_loop3A_242[%parallel_loop3A_243, %parallel_loop3A_244] {strides = array<i32>} : memref<64x512xf32, #tpu.memory_space<vmem>>, vector<16xf32>,
        %parallel_loop3A_246 = arith.subf %parallel_loop3A_140, %get3A_3 : vector<16xf32>
        %parallel_loop3A_247 = arith.divf %parallel_loop3A_246, %get3A_5 : vector<16xf32>
        %parallel_loop3A_248 = arith.constant 1.000000e+02 : f32
        %parallel_loop3A_249 = vector.broadcast %parallel_loop3A_248 : f32 to vector<16xf32>
        %parallel_loop3A_250 = arith.mulf %parallel_loop3A_247, %parallel_loop3A_249 : vector<16xf32>
        %parallel_loop3A_251 = arith.subf %parallel_loop3A_147, %get3A_3 : vector<16xf32>
        %parallel_loop3A_252 = arith.divf %parallel_loop3A_251, %get3A_5 : vector<16xf32>
        %parallel_loop3A_253 = arith.constant 1.000000e+02 : f32
        %parallel_loop3A_254 = vector.broadcast %parallel_loop3A_253 : f32 to vector<16xf32>
        %parallel_loop3A_255 = arith.mulf %parallel_loop3A_252, %parallel_loop3A_254 : vector<16xf32>
        %parallel_loop3A_256 = arith.subf %parallel_loop3A_154, %get3A_3 : vector<16xf32>
        %parallel_loop3A_257 = arith.divf %parallel_loop3A_256, %get3A_5 : vector<16xf32>
        %parallel_loop3A_258 = arith.constant 1.000000e+02 : f32
        %parallel_loop3A_259 = vector.broadcast %parallel_loop3A_258 : f32 to vector<16xf32>
        %parallel_loop3A_260 = arith.mulf %parallel_loop3A_257, %parallel_loop3A_259 : vector<16xf32>
        %parallel_loop3A_261 = arith.subf %parallel_loop3A_161, %get3A_3 : vector<16xf32>
        %parallel_loop3A_262 = arith.divf %parallel_loop3A_261, %get3A_5 : vector<16xf32>
        %parallel_loop3A_263 = arith.constant 1.000000e+02 : f32
        %parallel_loop3A_264 = vector.broadcast %parallel_loop3A_263 : f32 to vector<16xf32>
        %parallel_loop3A_265 = arith.mulf %parallel_loop3A_262, %parallel_loop3A_264 : vector<16xf32>
        %parallel_loop3A_266 = arith.subf %parallel_loop3A_168, %get3A_3 : vector<16xf32>
        %parallel_loop3A_267 = arith.divf %parallel_loop3A_266, %get3A_5 : vector<16xf32>
        %parallel_loop3A_268 = arith.constant 1.000000e+02 : f32
        %parallel_loop3A_269 = vector.broadcast %parallel_loop3A_268 : f32 to vector<16xf32>
        %parallel_loop3A_270 = arith.mulf %parallel_loop3A_267, %parallel_loop3A_269 : vector<16xf32>
        %parallel_loop3A_271 = arith.subf %parallel_loop3A_175, %get3A_3 : vector<16xf32>
        %parallel_loop3A_272 = arith.divf %parallel_loop3A_271, %get3A_5 : vector<16xf32>
        %parallel_loop3A_273 = arith.constant 1.000000e+02 : f32
        %parallel_loop3A_274 = vector.broadcast %parallel_loop3A_273 : f32 to vector<16xf32>
        %parallel_loop3A_275 = arith.mulf %parallel_loop3A_272, %parallel_loop3A_274 : vector<16xf32>
        %parallel_loop3A_276 = arith.subf %parallel_loop3A_182, %get3A_3 : vector<16xf32>
        %parallel_loop3A_277 = arith.divf %parallel_loop3A_276, %get3A_5 : vector<16xf32>
        %parallel_loop3A_278 = arith.constant 1.000000e+02 : f32
        %parallel_loop3A_279 = vector.broadcast %parallel_loop3A_278 : f32 to vector<16xf32>
        %parallel_loop3A_280 = arith.mulf %parallel_loop3A_277, %parallel_loop3A_279 : vector<16xf32>
        %parallel_loop3A_281 = arith.subf %parallel_loop3A_189, %get3A_3 : vector<16xf32>
        %parallel_loop3A_282 = arith.divf %parallel_loop3A_281, %get3A_5 : vector<16xf32>
        %parallel_loop3A_283 = arith.constant 1.000000e+02 : f32
        %parallel_loop3A_284 = vector.broadcast %parallel_loop3A_283 : f32 to vector<16xf32>
        %parallel_loop3A_285 = arith.mulf %parallel_loop3A_282, %parallel_loop3A_284 : vector<16xf32>
        %parallel_loop3A_286 = arith.subf %parallel_loop3A_196, %get3A_3 : vector<16xf32>
        %parallel_loop3A_287 = arith.divf %parallel_loop3A_286, %get3A_5 : vector<16xf32>
        %parallel_loop3A_288 = arith.constant 1.000000e+02 : f32
        %parallel_loop3A_289 = vector.broadcast %parallel_loop3A_288 : f32 to vector<16xf32>
        %parallel_loop3A_290 = arith.mulf %parallel_loop3A_287, %parallel_loop3A_289 : vector<16xf32>
        %parallel_loop3A_291 = arith.subf %parallel_loop3A_203, %get3A_3 : vector<16xf32>
        %parallel_loop3A_292 = arith.divf %parallel_loop3A_291, %get3A_5 : vector<16xf32>
        %parallel_loop3A_293 = arith.constant 1.000000e+02 : f32
        %parallel_loop3A_294 = vector.broadcast %parallel_loop3A_293 : f32 to vector<16xf32>
        %parallel_loop3A_295 = arith.mulf %parallel_loop3A_292, %parallel_loop3A_294 : vector<16xf32>
        %parallel_loop3A_296 = arith.subf %parallel_loop3A_210, %get3A_3 : vector<16xf32>
        %parallel_loop3A_297 = arith.divf %parallel_loop3A_296, %get3A_5 : vector<16xf32>
        %parallel_loop3A_298 = arith.constant 1.000000e+02 : f32
        %parallel_loop3A_299 = vector.broadcast %parallel_loop3A_298 : f32 to vector<16xf32>
        %parallel_loop3A_300 = arith.mulf %parallel_loop3A_297, %parallel_loop3A_299 : vector<16xf32>
        %parallel_loop3A_301 = arith.subf %parallel_loop3A_217, %get3A_3 : vector<16xf32>
        %parallel_loop3A_302 = arith.divf %parallel_loop3A_301, %get3A_5 : vector<16xf32>
        %parallel_loop3A_303 = arith.constant 1.000000e+02 : f32
        %parallel_loop3A_304 = vector.broadcast %parallel_loop3A_303 : f32 to vector<16xf32>
        %parallel_loop3A_305 = arith.mulf %parallel_loop3A_302, %parallel_loop3A_304 : vector<16xf32>
        %parallel_loop3A_306 = arith.subf %parallel_loop3A_224, %get3A_3 : vector<16xf32>
        %parallel_loop3A_307 = arith.divf %parallel_loop3A_306, %get3A_5 : vector<16xf32>
        %parallel_loop3A_308 = arith.constant 1.000000e+02 : f32
        %parallel_loop3A_309 = vector.broadcast %parallel_loop3A_308 : f32 to vector<16xf32>
        %parallel_loop3A_310 = arith.mulf %parallel_loop3A_307, %parallel_loop3A_309 : vector<16xf32>
        %parallel_loop3A_311 = arith.subf %parallel_loop3A_231, %get3A_3 : vector<16xf32>
        %parallel_loop3A_312 = arith.divf %parallel_loop3A_311, %get3A_5 : vector<16xf32>
        %parallel_loop3A_313 = arith.constant 1.000000e+02 : f32
        %parallel_loop3A_314 = vector.broadcast %parallel_loop3A_313 : f32 to vector<16xf32>
        %parallel_loop3A_315 = arith.mulf %parallel_loop3A_312, %parallel_loop3A_314 : vector<16xf32>
        %parallel_loop3A_316 = arith.subf %parallel_loop3A_238, %get3A_3 : vector<16xf32>
        %parallel_loop3A_317 = arith.divf %parallel_loop3A_316, %get3A_5 : vector<16xf32>
        %parallel_loop3A_318 = arith.constant 1.000000e+02 : f32
        %parallel_loop3A_319 = vector.broadcast %parallel_loop3A_318 : f32 to vector<16xf32>
        %parallel_loop3A_320 = arith.mulf %parallel_loop3A_317, %parallel_loop3A_319 : vector<16xf32>
        %parallel_loop3A_321 = arith.subf %parallel_loop3A_245, %get3A_3 : vector<16xf32>
        %parallel_loop3A_322 = arith.divf %parallel_loop3A_321, %get3A_5 : vector<16xf32>
        %parallel_loop3A_323 = arith.constant 1.000000e+02 : f32
        %parallel_loop3A_324 = vector.broadcast %parallel_loop3A_323 : f32 to vector<16xf32>
        %parallel_loop3A_325 = arith.mulf %parallel_loop3A_322, %parallel_loop3A_324 : vector<16xf32>
        %parallel_loop3A_326 = arith.fptosi %parallel_loop3A_250 : vector<16xf32> to vector<16xi32>
        %parallel_loop3A_327 = arith.fptosi %parallel_loop3A_255 : vector<16xf32> to vector<16xi32>
        %parallel_loop3A_328 = arith.fptosi %parallel_loop3A_260 : vector<16xf32> to vector<16xi32>
        %parallel_loop3A_329 = arith.fptosi %parallel_loop3A_265 : vector<16xf32> to vector<16xi32>
        %parallel_loop3A_330 = arith.fptosi %parallel_loop3A_270 : vector<16xf32> to vector<16xi32>
        %parallel_loop3A_331 = arith.fptosi %parallel_loop3A_275 : vector<16xf32> to vector<16xi32>
        %parallel_loop3A_332 = arith.fptosi %parallel_loop3A_280 : vector<16xf32> to vector<16xi32>
        %parallel_loop3A_333 = arith.fptosi %parallel_loop3A_285 : vector<16xf32> to vector<16xi32>
        %parallel_loop3A_334 = arith.fptosi %parallel_loop3A_290 : vector<16xf32> to vector<16xi32>
        %parallel_loop3A_335 = arith.fptosi %parallel_loop3A_295 : vector<16xf32> to vector<16xi32>
        %parallel_loop3A_336 = arith.fptosi %parallel_loop3A_300 : vector<16xf32> to vector<16xi32>
        %parallel_loop3A_337 = arith.fptosi %parallel_loop3A_305 : vector<16xf32> to vector<16xi32>
        %parallel_loop3A_338 = arith.fptosi %parallel_loop3A_310 : vector<16xf32> to vector<16xi32>
        %parallel_loop3A_339 = arith.fptosi %parallel_loop3A_315 : vector<16xf32> to vector<16xi32>
        %parallel_loop3A_340 = arith.fptosi %parallel_loop3A_320 : vector<16xf32> to vector<16xi32>
        %parallel_loop3A_341 = arith.fptosi %parallel_loop3A_325 : vector<16xf32> to vector<16xi32>
        %parallel_loop3A_342 = arith.constant 16 : i32
        %parallel_loop3A_343 = vector.broadcast %parallel_loop3A_342 : i32 to vector<16xi32>
        %parallel_loop3A_344 = arith.muli %parallel_loop3A_326, %parallel_loop3A_343 : vector<16xi32>
        %parallel_loop3A_345 = arith.addi %parallel_loop3A_344, %iota3A : vector<16xi32>
        %parallel_loop3A_346 = arith.constant 16 : i32
        %parallel_loop3A_347 = vector.broadcast %parallel_loop3A_346 : i32 to vector<16xi32>
        %parallel_loop3A_348 = arith.muli %parallel_loop3A_327, %parallel_loop3A_347 : vector<16xi32>
        %parallel_loop3A_349 = arith.addi %parallel_loop3A_348, %iota3A : vector<16xi32>
        %parallel_loop3A_350 = arith.constant 16 : i32
        %parallel_loop3A_351 = vector.broadcast %parallel_loop3A_350 : i32 to vector<16xi32>
        %parallel_loop3A_352 = arith.muli %parallel_loop3A_328, %parallel_loop3A_351 : vector<16xi32>
        %parallel_loop3A_353 = arith.addi %parallel_loop3A_352, %iota3A : vector<16xi32>
        %parallel_loop3A_354 = arith.constant 16 : i32
        %parallel_loop3A_355 = vector.broadcast %parallel_loop3A_354 : i32 to vector<16xi32>
        %parallel_loop3A_356 = arith.muli %parallel_loop3A_329, %parallel_loop3A_355 : vector<16xi32>
        %parallel_loop3A_357 = arith.addi %parallel_loop3A_356, %iota3A : vector<16xi32>
        %parallel_loop3A_358 = arith.constant 16 : i32
        %parallel_loop3A_359 = vector.broadcast %parallel_loop3A_358 : i32 to vector<16xi32>
        %parallel_loop3A_360 = arith.muli %parallel_loop3A_330, %parallel_loop3A_359 : vector<16xi32>
        %parallel_loop3A_361 = arith.addi %parallel_loop3A_360, %iota3A : vector<16xi32>
        %parallel_loop3A_362 = arith.constant 16 : i32
        %parallel_loop3A_363 = vector.broadcast %parallel_loop3A_362 : i32 to vector<16xi32>
        %parallel_loop3A_364 = arith.muli %parallel_loop3A_331, %parallel_loop3A_363 : vector<16xi32>
        %parallel_loop3A_365 = arith.addi %parallel_loop3A_364, %iota3A : vector<16xi32>
        %parallel_loop3A_366 = arith.constant 16 : i32
        %parallel_loop3A_367 = vector.broadcast %parallel_loop3A_366 : i32 to vector<16xi32>
        %parallel_loop3A_368 = arith.muli %parallel_loop3A_332, %parallel_loop3A_367 : vector<16xi32>
        %parallel_loop3A_369 = arith.addi %parallel_loop3A_368, %iota3A : vector<16xi32>
        %parallel_loop3A_370 = arith.constant 16 : i32
        %parallel_loop3A_371 = vector.broadcast %parallel_loop3A_370 : i32 to vector<16xi32>
        %parallel_loop3A_372 = arith.muli %parallel_loop3A_333, %parallel_loop3A_371 : vector<16xi32>
        %parallel_loop3A_373 = arith.addi %parallel_loop3A_372, %iota3A : vector<16xi32>
        %parallel_loop3A_374 = arith.constant 16 : i32
        %parallel_loop3A_375 = vector.broadcast %parallel_loop3A_374 : i32 to vector<16xi32>
        %parallel_loop3A_376 = arith.muli %parallel_loop3A_334, %parallel_loop3A_375 : vector<16xi32>
        %parallel_loop3A_377 = arith.addi %parallel_loop3A_376, %iota3A : vector<16xi32>
        %parallel_loop3A_378 = arith.constant 16 : i32
        %parallel_loop3A_379 = vector.broadcast %parallel_loop3A_378 : i32 to vector<16xi32>
        %parallel_loop3A_380 = arith.muli %parallel_loop3A_335, %parallel_loop3A_379 : vector<16xi32>
        %parallel_loop3A_381 = arith.addi %parallel_loop3A_380, %iota3A : vector<16xi32>
        %parallel_loop3A_382 = arith.constant 16 : i32
        %parallel_loop3A_383 = vector.broadcast %parallel_loop3A_382 : i32 to vector<16xi32>
        %parallel_loop3A_384 = arith.muli %parallel_loop3A_336, %parallel_loop3A_383 : vector<16xi32>
        %parallel_loop3A_385 = arith.addi %parallel_loop3A_384, %iota3A : vector<16xi32>
        %parallel_loop3A_386 = arith.constant 16 : i32
        %parallel_loop3A_387 = vector.broadcast %parallel_loop3A_386 : i32 to vector<16xi32>
        %parallel_loop3A_388 = arith.muli %parallel_loop3A_337, %parallel_loop3A_387 : vector<16xi32>
        %parallel_loop3A_389 = arith.addi %parallel_loop3A_388, %iota3A : vector<16xi32>
        %parallel_loop3A_390 = arith.constant 16 : i32
        %parallel_loop3A_391 = vector.broadcast %parallel_loop3A_390 : i32 to vector<16xi32>
        %parallel_loop3A_392 = arith.muli %parallel_loop3A_338, %parallel_loop3A_391 : vector<16xi32>
        %parallel_loop3A_393 = arith.addi %parallel_loop3A_392, %iota3A : vector<16xi32>
        %parallel_loop3A_394 = arith.constant 16 : i32
        %parallel_loop3A_395 = vector.broadcast %parallel_loop3A_394 : i32 to vector<16xi32>
        %parallel_loop3A_396 = arith.muli %parallel_loop3A_339, %parallel_loop3A_395 : vector<16xi32>
        %parallel_loop3A_397 = arith.addi %parallel_loop3A_396, %iota3A : vector<16xi32>
        %parallel_loop3A_398 = arith.constant 16 : i32
        %parallel_loop3A_399 = vector.broadcast %parallel_loop3A_398 : i32 to vector<16xi32>
        %parallel_loop3A_400 = arith.muli %parallel_loop3A_340, %parallel_loop3A_399 : vector<16xi32>
        %parallel_loop3A_401 = arith.addi %parallel_loop3A_400, %iota3A : vector<16xi32>
        %parallel_loop3A_402 = arith.constant 16 : i32
        %parallel_loop3A_403 = vector.broadcast %parallel_loop3A_402 : i32 to vector<16xi32>
        %parallel_loop3A_404 = arith.muli %parallel_loop3A_341, %parallel_loop3A_403 : vector<16xi32>
        %parallel_loop3A_405 = arith.addi %parallel_loop3A_404, %iota3A : vector<16xi32>
        %parallel_loop3A_406 = arith.cmpf oge, %parallel_loop3A_140, %get3A_3 : vector<16xf32>
        %parallel_loop3A_407 = arith.cmpf oge, %parallel_loop3A_147, %get3A_3 : vector<16xf32>
        %parallel_loop3A_408 = arith.cmpf oge, %parallel_loop3A_154, %get3A_3 : vector<16xf32>
        %parallel_loop3A_409 = arith.cmpf oge, %parallel_loop3A_161, %get3A_3 : vector<16xf32>
        %parallel_loop3A_410 = arith.cmpf oge, %parallel_loop3A_168, %get3A_3 : vector<16xf32>
        %parallel_loop3A_411 = arith.cmpf oge, %parallel_loop3A_175, %get3A_3 : vector<16xf32>
        %parallel_loop3A_412 = arith.cmpf oge, %parallel_loop3A_182, %get3A_3 : vector<16xf32>
        %parallel_loop3A_413 = arith.cmpf oge, %parallel_loop3A_189, %get3A_3 : vector<16xf32>
        %parallel_loop3A_414 = arith.cmpf oge, %parallel_loop3A_196, %get3A_3 : vector<16xf32>
        %parallel_loop3A_415 = arith.cmpf oge, %parallel_loop3A_203, %get3A_3 : vector<16xf32>
        %parallel_loop3A_416 = arith.cmpf oge, %parallel_loop3A_210, %get3A_3 : vector<16xf32>
        %parallel_loop3A_417 = arith.cmpf oge, %parallel_loop3A_217, %get3A_3 : vector<16xf32>
        %parallel_loop3A_418 = arith.cmpf oge, %parallel_loop3A_224, %get3A_3 : vector<16xf32>
        %parallel_loop3A_419 = arith.cmpf oge, %parallel_loop3A_231, %get3A_3 : vector<16xf32>
        %parallel_loop3A_420 = arith.cmpf oge, %parallel_loop3A_238, %get3A_3 : vector<16xf32>
        %parallel_loop3A_421 = arith.cmpf oge, %parallel_loop3A_245, %get3A_3 : vector<16xf32>
        tpu.vector_store_idx %arg7[%parallel_loop3A_345], %broadcast_in_dim3A_38 masked %parallel_loop3A_406 {add = true} : memref<1616xf32, #tpu.memory_space<vmem>>[vector<16xi32>], vector<16xf32>, vector<16xi1>
        tpu.vector_store_idx %arg7[%parallel_loop3A_349], %broadcast_in_dim3A_38 masked %parallel_loop3A_407 {add = true} : memref<1616xf32, #tpu.memory_space<vmem>>[vector<16xi32>], vector<16xf32>, vector<16xi1>
        tpu.vector_store_idx %arg7[%parallel_loop3A_353], %broadcast_in_dim3A_38 masked %parallel_loop3A_408 {add = true} : memref<1616xf32, #tpu.memory_space<vmem>>[vector<16xi32>], vector<16xf32>, vector<16xi1>
        tpu.vector_store_idx %arg7[%parallel_loop3A_357], %broadcast_in_dim3A_38 masked %parallel_loop3A_409 {add = true} : memref<1616xf32, #tpu.memory_space<vmem>>[vector<16xi32>], vector<16xf32>, vector<16xi1>
        tpu.vector_store_idx %arg7[%parallel_loop3A_361], %broadcast_in_dim3A_38 masked %parallel_loop3A_410 {add = true} : memref<1616xf32, #tpu.memory_space<vmem>>[vector<16xi32>], vector<16xf32>, vector<16xi1>
        tpu.vector_store_idx %arg7[%parallel_loop3A_365], %broadcast_in_dim3A_38 masked %parallel_loop3A_411 {add = true} : memref<1616xf32, #tpu.memory_space<vmem>>[vector<16xi32>], vector<16xf32>, vector<16xi1>
        tpu.vector_store_idx %arg7[%parallel_loop3A_369], %broadcast_in_dim3A_38 masked %parallel_loop3A_412 {add = true} : memref<1616xf32, #tpu.memory_space<vmem>>[vector<16xi32>], vector<16xf32>, vector<16xi1>
        tpu.vector_store_idx %arg7[%parallel_loop3A_373], %broadcast_in_dim3A_38 masked %parallel_loop3A_413 {add = true} : memref<1616xf32, #tpu.memory_space<vmem>>[vector<16xi32>], vector<16xf32>, vector<16xi1>
        tpu.vector_store_idx %arg7[%parallel_loop3A_377], %broadcast_in_dim3A_38 masked %parallel_loop3A_414 {add = true} : memref<1616xf32, #tpu.memory_space<vmem>>[vector<16xi32>], vector<16xf32>, vector<16xi1>
        tpu.vector_store_idx %arg7[%parallel_loop3A_381], %broadcast_in_dim3A_38 masked %parallel_loop3A_415 {add = true} : memref<1616xf32, #tpu.memory_space<vmem>>[vector<16xi32>], vector<16xf32>, vector<16xi1>
        tpu.vector_store_idx %arg7[%parallel_loop3A_385], %broadcast_in_dim3A_38 masked %parallel_loop3A_416 {add = true} : memref<1616xf32, #tpu.memory_space<vmem>>[vector<16xi32>], vector<16xf32>, vector<16xi1>
        tpu.vector_store_idx %arg7[%parallel_loop3A_389], %broadcast_in_dim3A_38 masked %parallel_loop3A_417 {add = true} : memref<1616xf32, #tpu.memory_space<vmem>>[vector<16xi32>], vector<16xf32>, vector<16xi1>
        tpu.vector_store_idx %arg7[%parallel_loop3A_393], %broadcast_in_dim3A_38 masked %parallel_loop3A_418 {add = true} : memref<1616xf32, #tpu.memory_space<vmem>>[vector<16xi32>], vector<16xf32>, vector<16xi1>
        tpu.vector_store_idx %arg7[%parallel_loop3A_397], %broadcast_in_dim3A_38 masked %parallel_loop3A_419 {add = true} : memref<1616xf32, #tpu.memory_space<vmem>>[vector<16xi32>], vector<16xf32>, vector<16xi1>
        tpu.vector_store_idx %arg7[%parallel_loop3A_401], %broadcast_in_dim3A_38 masked %parallel_loop3A_420 {add = true} : memref<1616xf32, #tpu.memory_space<vmem>>[vector<16xi32>], vector<16xf32>, vector<16xi1>
        tpu.vector_store_idx %arg7[%parallel_loop3A_405], %broadcast_in_dim3A_38 masked %parallel_loop3A_421 {add = true} : memref<1616xf32, #tpu.memory_space<vmem>>[vector<16xi32>], vector<16xf32>, vector<16xi1>
        %parallel_loop3A_422 = arith.constant 0 : i32
        %parallel_loop3A_423 = arith.constant 0 : i32
        %parallel_loop3A_424 = tpu.memref_slice %arg6[%parallel_loop3A_132, %parallel_loop3A_422, %parallel_loop3A_423] : memref<2x64x512xf32, #tpu.memory_space<vmem>> -> memref<1x64x512xf32, #tpu.memory_space<vmem>>
        %parallel_loop3A_425 = tpu.memref_squeeze %parallel_loop3A_424 : memref<1x64x512xf32, #tpu.memory_space<vmem>> -> memref<64x512xf32, #tpu.memory_space<vmem>>
        %parallel_loop3A_426 = arith.index_cast %parallel_loop3A_133 : i32 to index
        %parallel_loop3A_427 = arith.constant 256 : index
        %parallel_loop3A_428 = tpu.vector_load %parallel_loop3A_425[%parallel_loop3A_426, %parallel_loop3A_427] {strides = array<i32>} : memref<64x512xf32, #tpu.memory_space<vmem>>, vector<16xf32>,
        %parallel_loop3A_429 = arith.constant 0 : i32
        %parallel_loop3A_430 = arith.constant 0 : i32
        %parallel_loop3A_431 = tpu.memref_slice %arg6[%parallel_loop3A_132, %parallel_loop3A_429, %parallel_loop3A_430] : memref<2x64x512xf32, #tpu.memory_space<vmem>> -> memref<1x64x512xf32, #tpu.memory_space<vmem>>
        %parallel_loop3A_432 = tpu.memref_squeeze %parallel_loop3A_431 : memref<1x64x512xf32, #tpu.memory_space<vmem>> -> memref<64x512xf32, #tpu.memory_space<vmem>>
        %parallel_loop3A_433 = arith.index_cast %parallel_loop3A_133 : i32 to index
        %parallel_loop3A_434 = arith.constant 272 : index
        %parallel_loop3A_435 = tpu.vector_load %parallel_loop3A_432[%parallel_loop3A_433, %parallel_loop3A_434] {strides = array<i32>} : memref<64x512xf32, #tpu.memory_space<vmem>>, vector<16xf32>,
        %parallel_loop3A_436 = arith.constant 0 : i32
        %parallel_loop3A_437 = arith.constant 0 : i32
        %parallel_loop3A_438 = tpu.memref_slice %arg6[%parallel_loop3A_132, %parallel_loop3A_436, %parallel_loop3A_437] : memref<2x64x512xf32, #tpu.memory_space<vmem>> -> memref<1x64x512xf32, #tpu.memory_space<vmem>>
        %parallel_loop3A_439 = tpu.memref_squeeze %parallel_loop3A_438 : memref<1x64x512xf32, #tpu.memory_space<vmem>> -> memref<64x512xf32, #tpu.memory_space<vmem>>
        %parallel_loop3A_440 = arith.index_cast %parallel_loop3A_133 : i32 to index
        %parallel_loop3A_441 = arith.constant 288 : index
        %parallel_loop3A_442 = tpu.vector_load %parallel_loop3A_439[%parallel_loop3A_440, %parallel_loop3A_441] {strides = array<i32>} : memref<64x512xf32, #tpu.memory_space<vmem>>, vector<16xf32>,
        %parallel_loop3A_443 = arith.constant 0 : i32
        %parallel_loop3A_444 = arith.constant 0 : i32
        %parallel_loop3A_445 = tpu.memref_slice %arg6[%parallel_loop3A_132, %parallel_loop3A_443, %parallel_loop3A_444] : memref<2x64x512xf32, #tpu.memory_space<vmem>> -> memref<1x64x512xf32, #tpu.memory_space<vmem>>
        %parallel_loop3A_446 = tpu.memref_squeeze %parallel_loop3A_445 : memref<1x64x512xf32, #tpu.memory_space<vmem>> -> memref<64x512xf32, #tpu.memory_space<vmem>>
        %parallel_loop3A_447 = arith.index_cast %parallel_loop3A_133 : i32 to index
        %parallel_loop3A_448 = arith.constant 304 : index
        %parallel_loop3A_449 = tpu.vector_load %parallel_loop3A_446[%parallel_loop3A_447, %parallel_loop3A_448] {strides = array<i32>} : memref<64x512xf32, #tpu.memory_space<vmem>>, vector<16xf32>,
        %parallel_loop3A_450 = arith.constant 0 : i32
        %parallel_loop3A_451 = arith.constant 0 : i32
        %parallel_loop3A_452 = tpu.memref_slice %arg6[%parallel_loop3A_132, %parallel_loop3A_450, %parallel_loop3A_451] : memref<2x64x512xf32, #tpu.memory_space<vmem>> -> memref<1x64x512xf32, #tpu.memory_space<vmem>>
        %parallel_loop3A_453 = tpu.memref_squeeze %parallel_loop3A_452 : memref<1x64x512xf32, #tpu.memory_space<vmem>> -> memref<64x512xf32, #tpu.memory_space<vmem>>
        %parallel_loop3A_454 = arith.index_cast %parallel_loop3A_133 : i32 to index
        %parallel_loop3A_455 = arith.constant 320 : index
        %parallel_loop3A_456 = tpu.vector_load %parallel_loop3A_453[%parallel_loop3A_454, %parallel_loop3A_455] {strides = array<i32>} : memref<64x512xf32, #tpu.memory_space<vmem>>, vector<16xf32>,
        %parallel_loop3A_457 = arith.constant 0 : i32
        %parallel_loop3A_458 = arith.constant 0 : i32
        %parallel_loop3A_459 = tpu.memref_slice %arg6[%parallel_loop3A_132, %parallel_loop3A_457, %parallel_loop3A_458] : memref<2x64x512xf32, #tpu.memory_space<vmem>> -> memref<1x64x512xf32, #tpu.memory_space<vmem>>
        %parallel_loop3A_460 = tpu.memref_squeeze %parallel_loop3A_459 : memref<1x64x512xf32, #tpu.memory_space<vmem>> -> memref<64x512xf32, #tpu.memory_space<vmem>>
        %parallel_loop3A_461 = arith.index_cast %parallel_loop3A_133 : i32 to index
        %parallel_loop3A_462 = arith.constant 336 : index
        %parallel_loop3A_463 = tpu.vector_load %parallel_loop3A_460[%parallel_loop3A_461, %parallel_loop3A_462] {strides = array<i32>} : memref<64x512xf32, #tpu.memory_space<vmem>>, vector<16xf32>,
        %parallel_loop3A_464 = arith.constant 0 : i32
        %parallel_loop3A_465 = arith.constant 0 : i32
        %parallel_loop3A_466 = tpu.memref_slice %arg6[%parallel_loop3A_132, %parallel_loop3A_464, %parallel_loop3A_465] : memref<2x64x512xf32, #tpu.memory_space<vmem>> -> memref<1x64x512xf32, #tpu.memory_space<vmem>>
        %parallel_loop3A_467 = tpu.memref_squeeze %parallel_loop3A_466 : memref<1x64x512xf32, #tpu.memory_space<vmem>> -> memref<64x512xf32, #tpu.memory_space<vmem>>
        %parallel_loop3A_468 = arith.index_cast %parallel_loop3A_133 : i32 to index
        %parallel_loop3A_469 = arith.constant 352 : index
        %parallel_loop3A_470 = tpu.vector_load %parallel_loop3A_467[%parallel_loop3A_468, %parallel_loop3A_469] {strides = array<i32>} : memref<64x512xf32, #tpu.memory_space<vmem>>, vector<16xf32>,
        %parallel_loop3A_471 = arith.constant 0 : i32
        %parallel_loop3A_472 = arith.constant 0 : i32
        %parallel_loop3A_473 = tpu.memref_slice %arg6[%parallel_loop3A_132, %parallel_loop3A_471, %parallel_loop3A_472] : memref<2x64x512xf32, #tpu.memory_space<vmem>> -> memref<1x64x512xf32, #tpu.memory_space<vmem>>
        %parallel_loop3A_474 = tpu.memref_squeeze %parallel_loop3A_473 : memref<1x64x512xf32, #tpu.memory_space<vmem>> -> memref<64x512xf32, #tpu.memory_space<vmem>>
        %parallel_loop3A_475 = arith.index_cast %parallel_loop3A_133 : i32 to index
        %parallel_loop3A_476 = arith.constant 368 : index
        %parallel_loop3A_477 = tpu.vector_load %parallel_loop3A_474[%parallel_loop3A_475, %parallel_loop3A_476] {strides = array<i32>} : memref<64x512xf32, #tpu.memory_space<vmem>>, vector<16xf32>,
        %parallel_loop3A_478 = arith.constant 0 : i32
        %parallel_loop3A_479 = arith.constant 0 : i32
        %parallel_loop3A_480 = tpu.memref_slice %arg6[%parallel_loop3A_132, %parallel_loop3A_478, %parallel_loop3A_479] : memref<2x64x512xf32, #tpu.memory_space<vmem>> -> memref<1x64x512xf32, #tpu.memory_space<vmem>>
        %parallel_loop3A_481 = tpu.memref_squeeze %parallel_loop3A_480 : memref<1x64x512xf32, #tpu.memory_space<vmem>> -> memref<64x512xf32, #tpu.memory_space<vmem>>
        %parallel_loop3A_482 = arith.index_cast %parallel_loop3A_133 : i32 to index
        %parallel_loop3A_483 = arith.constant 384 : index
        %parallel_loop3A_484 = tpu.vector_load %parallel_loop3A_481[%parallel_loop3A_482, %parallel_loop3A_483] {strides = array<i32>} : memref<64x512xf32, #tpu.memory_space<vmem>>, vector<16xf32>,
        %parallel_loop3A_485 = arith.constant 0 : i32
        %parallel_loop3A_486 = arith.constant 0 : i32
        %parallel_loop3A_487 = tpu.memref_slice %arg6[%parallel_loop3A_132, %parallel_loop3A_485, %parallel_loop3A_486] : memref<2x64x512xf32, #tpu.memory_space<vmem>> -> memref<1x64x512xf32, #tpu.memory_space<vmem>>
        %parallel_loop3A_488 = tpu.memref_squeeze %parallel_loop3A_487 : memref<1x64x512xf32, #tpu.memory_space<vmem>> -> memref<64x512xf32, #tpu.memory_space<vmem>>
        %parallel_loop3A_489 = arith.index_cast %parallel_loop3A_133 : i32 to index
        %parallel_loop3A_490 = arith.constant 400 : index
        %parallel_loop3A_491 = tpu.vector_load %parallel_loop3A_488[%parallel_loop3A_489, %parallel_loop3A_490] {strides = array<i32>} : memref<64x512xf32, #tpu.memory_space<vmem>>, vector<16xf32>,
        %parallel_loop3A_492 = arith.constant 0 : i32
        %parallel_loop3A_493 = arith.constant 0 : i32
        %parallel_loop3A_494 = tpu.memref_slice %arg6[%parallel_loop3A_132, %parallel_loop3A_492, %parallel_loop3A_493] : memref<2x64x512xf32, #tpu.memory_space<vmem>> -> memref<1x64x512xf32, #tpu.memory_space<vmem>>
        %parallel_loop3A_495 = tpu.memref_squeeze %parallel_loop3A_494 : memref<1x64x512xf32, #tpu.memory_space<vmem>> -> memref<64x512xf32, #tpu.memory_space<vmem>>
        %parallel_loop3A_496 = arith.index_cast %parallel_loop3A_133 : i32 to index
        %parallel_loop3A_497 = arith.constant 416 : index
        %parallel_loop3A_498 = tpu.vector_load %parallel_loop3A_495[%parallel_loop3A_496, %parallel_loop3A_497] {strides = array<i32>} : memref<64x512xf32, #tpu.memory_space<vmem>>, vector<16xf32>,
        %parallel_loop3A_499 = arith.constant 0 : i32
        %parallel_loop3A_500 = arith.constant 0 : i32
        %parallel_loop3A_501 = tpu.memref_slice %arg6[%parallel_loop3A_132, %parallel_loop3A_499, %parallel_loop3A_500] : memref<2x64x512xf32, #tpu.memory_space<vmem>> -> memref<1x64x512xf32, #tpu.memory_space<vmem>>
        %parallel_loop3A_502 = tpu.memref_squeeze %parallel_loop3A_501 : memref<1x64x512xf32, #tpu.memory_space<vmem>> -> memref<64x512xf32, #tpu.memory_space<vmem>>
        %parallel_loop3A_503 = arith.index_cast %parallel_loop3A_133 : i32 to index
        %parallel_loop3A_504 = arith.constant 432 : index
        %parallel_loop3A_505 = tpu.vector_load %parallel_loop3A_502[%parallel_loop3A_503, %parallel_loop3A_504] {strides = array<i32>} : memref<64x512xf32, #tpu.memory_space<vmem>>, vector<16xf32>,
        %parallel_loop3A_506 = arith.constant 0 : i32
        %parallel_loop3A_507 = arith.constant 0 : i32
        %parallel_loop3A_508 = tpu.memref_slice %arg6[%parallel_loop3A_132, %parallel_loop3A_506, %parallel_loop3A_507] : memref<2x64x512xf32, #tpu.memory_space<vmem>> -> memref<1x64x512xf32, #tpu.memory_space<vmem>>
        %parallel_loop3A_509 = tpu.memref_squeeze %parallel_loop3A_508 : memref<1x64x512xf32, #tpu.memory_space<vmem>> -> memref<64x512xf32, #tpu.memory_space<vmem>>
        %parallel_loop3A_510 = arith.index_cast %parallel_loop3A_133 : i32 to index
        %parallel_loop3A_511 = arith.constant 448 : index
        %parallel_loop3A_512 = tpu.vector_load %parallel_loop3A_509[%parallel_loop3A_510, %parallel_loop3A_511] {strides = array<i32>} : memref<64x512xf32, #tpu.memory_space<vmem>>, vector<16xf32>,
        %parallel_loop3A_513 = arith.constant 0 : i32
        %parallel_loop3A_514 = arith.constant 0 : i32
        %parallel_loop3A_515 = tpu.memref_slice %arg6[%parallel_loop3A_132, %parallel_loop3A_513, %parallel_loop3A_514] : memref<2x64x512xf32, #tpu.memory_space<vmem>> -> memref<1x64x512xf32, #tpu.memory_space<vmem>>
        %parallel_loop3A_516 = tpu.memref_squeeze %parallel_loop3A_515 : memref<1x64x512xf32, #tpu.memory_space<vmem>> -> memref<64x512xf32, #tpu.memory_space<vmem>>
        %parallel_loop3A_517 = arith.index_cast %parallel_loop3A_133 : i32 to index
        %parallel_loop3A_518 = arith.constant 464 : index
        %parallel_loop3A_519 = tpu.vector_load %parallel_loop3A_516[%parallel_loop3A_517, %parallel_loop3A_518] {strides = array<i32>} : memref<64x512xf32, #tpu.memory_space<vmem>>, vector<16xf32>,
        %parallel_loop3A_520 = arith.constant 0 : i32
        %parallel_loop3A_521 = arith.constant 0 : i32
        %parallel_loop3A_522 = tpu.memref_slice %arg6[%parallel_loop3A_132, %parallel_loop3A_520, %parallel_loop3A_521] : memref<2x64x512xf32, #tpu.memory_space<vmem>> -> memref<1x64x512xf32, #tpu.memory_space<vmem>>
        %parallel_loop3A_523 = tpu.memref_squeeze %parallel_loop3A_522 : memref<1x64x512xf32, #tpu.memory_space<vmem>> -> memref<64x512xf32, #tpu.memory_space<vmem>>
        %parallel_loop3A_524 = arith.index_cast %parallel_loop3A_133 : i32 to index
        %parallel_loop3A_525 = arith.constant 480 : index
        %parallel_loop3A_526 = tpu.vector_load %parallel_loop3A_523[%parallel_loop3A_524, %parallel_loop3A_525] {strides = array<i32>} : memref<64x512xf32, #tpu.memory_space<vmem>>, vector<16xf32>,
        %parallel_loop3A_527 = arith.constant 0 : i32
        %parallel_loop3A_528 = arith.constant 0 : i32
        %parallel_loop3A_529 = tpu.memref_slice %arg6[%parallel_loop3A_132, %parallel_loop3A_527, %parallel_loop3A_528] : memref<2x64x512xf32, #tpu.memory_space<vmem>> -> memref<1x64x512xf32, #tpu.memory_space<vmem>>
        %parallel_loop3A_530 = tpu.memref_squeeze %parallel_loop3A_529 : memref<1x64x512xf32, #tpu.memory_space<vmem>> -> memref<64x512xf32, #tpu.memory_space<vmem>>
        %parallel_loop3A_531 = arith.index_cast %parallel_loop3A_133 : i32 to index
        %parallel_loop3A_532 = arith.constant 496 : index
        %parallel_loop3A_533 = tpu.vector_load %parallel_loop3A_530[%parallel_loop3A_531, %parallel_loop3A_532] {strides = array<i32>} : memref<64x512xf32, #tpu.memory_space<vmem>>, vector<16xf32>,
        %parallel_loop3A_534 = arith.subf %parallel_loop3A_428, %get3A_3 : vector<16xf32>
        %parallel_loop3A_535 = arith.divf %parallel_loop3A_534, %get3A_5 : vector<16xf32>
        %parallel_loop3A_536 = arith.constant 1.000000e+02 : f32
        %parallel_loop3A_537 = vector.broadcast %parallel_loop3A_536 : f32 to vector<16xf32>
        %parallel_loop3A_538 = arith.mulf %parallel_loop3A_535, %parallel_loop3A_537 : vector<16xf32>
        %parallel_loop3A_539 = arith.subf %parallel_loop3A_435, %get3A_3 : vector<16xf32>
        %parallel_loop3A_540 = arith.divf %parallel_loop3A_539, %get3A_5 : vector<16xf32>
        %parallel_loop3A_541 = arith.constant 1.000000e+02 : f32
        %parallel_loop3A_542 = vector.broadcast %parallel_loop3A_541 : f32 to vector<16xf32>
        %parallel_loop3A_543 = arith.mulf %parallel_loop3A_540, %parallel_loop3A_542 : vector<16xf32>
        %parallel_loop3A_544 = arith.subf %parallel_loop3A_442, %get3A_3 : vector<16xf32>
        %parallel_loop3A_545 = arith.divf %parallel_loop3A_544, %get3A_5 : vector<16xf32>
        %parallel_loop3A_546 = arith.constant 1.000000e+02 : f32
        %parallel_loop3A_547 = vector.broadcast %parallel_loop3A_546 : f32 to vector<16xf32>
        %parallel_loop3A_548 = arith.mulf %parallel_loop3A_545, %parallel_loop3A_547 : vector<16xf32>
        %parallel_loop3A_549 = arith.subf %parallel_loop3A_449, %get3A_3 : vector<16xf32>
        %parallel_loop3A_550 = arith.divf %parallel_loop3A_549, %get3A_5 : vector<16xf32>
        %parallel_loop3A_551 = arith.constant 1.000000e+02 : f32
        %parallel_loop3A_552 = vector.broadcast %parallel_loop3A_551 : f32 to vector<16xf32>
        %parallel_loop3A_553 = arith.mulf %parallel_loop3A_550, %parallel_loop3A_552 : vector<16xf32>
        %parallel_loop3A_554 = arith.subf %parallel_loop3A_456, %get3A_3 : vector<16xf32>
        %parallel_loop3A_555 = arith.divf %parallel_loop3A_554, %get3A_5 : vector<16xf32>
        %parallel_loop3A_556 = arith.constant 1.000000e+02 : f32
        %parallel_loop3A_557 = vector.broadcast %parallel_loop3A_556 : f32 to vector<16xf32>
        %parallel_loop3A_558 = arith.mulf %parallel_loop3A_555, %parallel_loop3A_557 : vector<16xf32>
        %parallel_loop3A_559 = arith.subf %parallel_loop3A_463, %get3A_3 : vector<16xf32>
        %parallel_loop3A_560 = arith.divf %parallel_loop3A_559, %get3A_5 : vector<16xf32>
        %parallel_loop3A_561 = arith.constant 1.000000e+02 : f32
        %parallel_loop3A_562 = vector.broadcast %parallel_loop3A_561 : f32 to vector<16xf32>
        %parallel_loop3A_563 = arith.mulf %parallel_loop3A_560, %parallel_loop3A_562 : vector<16xf32>
        %parallel_loop3A_564 = arith.subf %parallel_loop3A_470, %get3A_3 : vector<16xf32>
        %parallel_loop3A_565 = arith.divf %parallel_loop3A_564, %get3A_5 : vector<16xf32>
        %parallel_loop3A_566 = arith.constant 1.000000e+02 : f32
        %parallel_loop3A_567 = vector.broadcast %parallel_loop3A_566 : f32 to vector<16xf32>
        %parallel_loop3A_568 = arith.mulf %parallel_loop3A_565, %parallel_loop3A_567 : vector<16xf32>
        %parallel_loop3A_569 = arith.subf %parallel_loop3A_477, %get3A_3 : vector<16xf32>
        %parallel_loop3A_570 = arith.divf %parallel_loop3A_569, %get3A_5 : vector<16xf32>
        %parallel_loop3A_571 = arith.constant 1.000000e+02 : f32
        %parallel_loop3A_572 = vector.broadcast %parallel_loop3A_571 : f32 to vector<16xf32>
        %parallel_loop3A_573 = arith.mulf %parallel_loop3A_570, %parallel_loop3A_572 : vector<16xf32>
        %parallel_loop3A_574 = arith.subf %parallel_loop3A_484, %get3A_3 : vector<16xf32>
        %parallel_loop3A_575 = arith.divf %parallel_loop3A_574, %get3A_5 : vector<16xf32>
        %parallel_loop3A_576 = arith.constant 1.000000e+02 : f32
        %parallel_loop3A_577 = vector.broadcast %parallel_loop3A_576 : f32 to vector<16xf32>
        %parallel_loop3A_578 = arith.mulf %parallel_loop3A_575, %parallel_loop3A_577 : vector<16xf32>
        %parallel_loop3A_579 = arith.subf %parallel_loop3A_491, %get3A_3 : vector<16xf32>
        %parallel_loop3A_580 = arith.divf %parallel_loop3A_579, %get3A_5 : vector<16xf32>
        %parallel_loop3A_581 = arith.constant 1.000000e+02 : f32
        %parallel_loop3A_582 = vector.broadcast %parallel_loop3A_581 : f32 to vector<16xf32>
        %parallel_loop3A_583 = arith.mulf %parallel_loop3A_580, %parallel_loop3A_582 : vector<16xf32>
        %parallel_loop3A_584 = arith.subf %parallel_loop3A_498, %get3A_3 : vector<16xf32>
        %parallel_loop3A_585 = arith.divf %parallel_loop3A_584, %get3A_5 : vector<16xf32>
        %parallel_loop3A_586 = arith.constant 1.000000e+02 : f32
        %parallel_loop3A_587 = vector.broadcast %parallel_loop3A_586 : f32 to vector<16xf32>
        %parallel_loop3A_588 = arith.mulf %parallel_loop3A_585, %parallel_loop3A_587 : vector<16xf32>
        %parallel_loop3A_589 = arith.subf %parallel_loop3A_505, %get3A_3 : vector<16xf32>
        %parallel_loop3A_590 = arith.divf %parallel_loop3A_589, %get3A_5 : vector<16xf32>
        %parallel_loop3A_591 = arith.constant 1.000000e+02 : f32
        %parallel_loop3A_592 = vector.broadcast %parallel_loop3A_591 : f32 to vector<16xf32>
        %parallel_loop3A_593 = arith.mulf %parallel_loop3A_590, %parallel_loop3A_592 : vector<16xf32>
        %parallel_loop3A_594 = arith.subf %parallel_loop3A_512, %get3A_3 : vector<16xf32>
        %parallel_loop3A_595 = arith.divf %parallel_loop3A_594, %get3A_5 : vector<16xf32>
        %parallel_loop3A_596 = arith.constant 1.000000e+02 : f32
        %parallel_loop3A_597 = vector.broadcast %parallel_loop3A_596 : f32 to vector<16xf32>
        %parallel_loop3A_598 = arith.mulf %parallel_loop3A_595, %parallel_loop3A_597 : vector<16xf32>
        %parallel_loop3A_599 = arith.subf %parallel_loop3A_519, %get3A_3 : vector<16xf32>
        %parallel_loop3A_600 = arith.divf %parallel_loop3A_599, %get3A_5 : vector<16xf32>
        %parallel_loop3A_601 = arith.constant 1.000000e+02 : f32
        %parallel_loop3A_602 = vector.broadcast %parallel_loop3A_601 : f32 to vector<16xf32>
        %parallel_loop3A_603 = arith.mulf %parallel_loop3A_600, %parallel_loop3A_602 : vector<16xf32>
        %parallel_loop3A_604 = arith.subf %parallel_loop3A_526, %get3A_3 : vector<16xf32>
        %parallel_loop3A_605 = arith.divf %parallel_loop3A_604, %get3A_5 : vector<16xf32>
        %parallel_loop3A_606 = arith.constant 1.000000e+02 : f32
        %parallel_loop3A_607 = vector.broadcast %parallel_loop3A_606 : f32 to vector<16xf32>
        %parallel_loop3A_608 = arith.mulf %parallel_loop3A_605, %parallel_loop3A_607 : vector<16xf32>
        %parallel_loop3A_609 = arith.subf %parallel_loop3A_533, %get3A_3 : vector<16xf32>
        %parallel_loop3A_610 = arith.divf %parallel_loop3A_609, %get3A_5 : vector<16xf32>
        %parallel_loop3A_611 = arith.constant 1.000000e+02 : f32
        %parallel_loop3A_612 = vector.broadcast %parallel_loop3A_611 : f32 to vector<16xf32>
        %parallel_loop3A_613 = arith.mulf %parallel_loop3A_610, %parallel_loop3A_612 : vector<16xf32>
        %parallel_loop3A_614 = arith.fptosi %parallel_loop3A_538 : vector<16xf32> to vector<16xi32>
        %parallel_loop3A_615 = arith.fptosi %parallel_loop3A_543 : vector<16xf32> to vector<16xi32>
        %parallel_loop3A_616 = arith.fptosi %parallel_loop3A_548 : vector<16xf32> to vector<16xi32>
        %parallel_loop3A_617 = arith.fptosi %parallel_loop3A_553 : vector<16xf32> to vector<16xi32>
        %parallel_loop3A_618 = arith.fptosi %parallel_loop3A_558 : vector<16xf32> to vector<16xi32>
        %parallel_loop3A_619 = arith.fptosi %parallel_loop3A_563 : vector<16xf32> to vector<16xi32>
        %parallel_loop3A_620 = arith.fptosi %parallel_loop3A_568 : vector<16xf32> to vector<16xi32>
        %parallel_loop3A_621 = arith.fptosi %parallel_loop3A_573 : vector<16xf32> to vector<16xi32>
        %parallel_loop3A_622 = arith.fptosi %parallel_loop3A_578 : vector<16xf32> to vector<16xi32>
        %parallel_loop3A_623 = arith.fptosi %parallel_loop3A_583 : vector<16xf32> to vector<16xi32>
        %parallel_loop3A_624 = arith.fptosi %parallel_loop3A_588 : vector<16xf32> to vector<16xi32>
        %parallel_loop3A_625 = arith.fptosi %parallel_loop3A_593 : vector<16xf32> to vector<16xi32>
        %parallel_loop3A_626 = arith.fptosi %parallel_loop3A_598 : vector<16xf32> to vector<16xi32>
        %parallel_loop3A_627 = arith.fptosi %parallel_loop3A_603 : vector<16xf32> to vector<16xi32>
        %parallel_loop3A_628 = arith.fptosi %parallel_loop3A_608 : vector<16xf32> to vector<16xi32>
        %parallel_loop3A_629 = arith.fptosi %parallel_loop3A_613 : vector<16xf32> to vector<16xi32>
        %parallel_loop3A_630 = arith.constant 16 : i32
        %parallel_loop3A_631 = vector.broadcast %parallel_loop3A_630 : i32 to vector<16xi32>
        %parallel_loop3A_632 = arith.muli %parallel_loop3A_614, %parallel_loop3A_631 : vector<16xi32>
        %parallel_loop3A_633 = arith.addi %parallel_loop3A_632, %iota3A : vector<16xi32>
        %parallel_loop3A_634 = arith.constant 16 : i32
        %parallel_loop3A_635 = vector.broadcast %parallel_loop3A_634 : i32 to vector<16xi32>
        %parallel_loop3A_636 = arith.muli %parallel_loop3A_615, %parallel_loop3A_635 : vector<16xi32>
        %parallel_loop3A_637 = arith.addi %parallel_loop3A_636, %iota3A : vector<16xi32>
        %parallel_loop3A_638 = arith.constant 16 : i32
        %parallel_loop3A_639 = vector.broadcast %parallel_loop3A_638 : i32 to vector<16xi32>
        %parallel_loop3A_640 = arith.muli %parallel_loop3A_616, %parallel_loop3A_639 : vector<16xi32>
        %parallel_loop3A_641 = arith.addi %parallel_loop3A_640, %iota3A : vector<16xi32>
        %parallel_loop3A_642 = arith.constant 16 : i32
        %parallel_loop3A_643 = vector.broadcast %parallel_loop3A_642 : i32 to vector<16xi32>
        %parallel_loop3A_644 = arith.muli %parallel_loop3A_617, %parallel_loop3A_643 : vector<16xi32>
        %parallel_loop3A_645 = arith.addi %parallel_loop3A_644, %iota3A : vector<16xi32>
        %parallel_loop3A_646 = arith.constant 16 : i32
        %parallel_loop3A_647 = vector.broadcast %parallel_loop3A_646 : i32 to vector<16xi32>
        %parallel_loop3A_648 = arith.muli %parallel_loop3A_618, %parallel_loop3A_647 : vector<16xi32>
        %parallel_loop3A_649 = arith.addi %parallel_loop3A_648, %iota3A : vector<16xi32>
        %parallel_loop3A_650 = arith.constant 16 : i32
        %parallel_loop3A_651 = vector.broadcast %parallel_loop3A_650 : i32 to vector<16xi32>
        %parallel_loop3A_652 = arith.muli %parallel_loop3A_619, %parallel_loop3A_651 : vector<16xi32>
        %parallel_loop3A_653 = arith.addi %parallel_loop3A_652, %iota3A : vector<16xi32>
        %parallel_loop3A_654 = arith.constant 16 : i32
        %parallel_loop3A_655 = vector.broadcast %parallel_loop3A_654 : i32 to vector<16xi32>
        %parallel_loop3A_656 = arith.muli %parallel_loop3A_620, %parallel_loop3A_655 : vector<16xi32>
        %parallel_loop3A_657 = arith.addi %parallel_loop3A_656, %iota3A : vector<16xi32>
        %parallel_loop3A_658 = arith.constant 16 : i32
        %parallel_loop3A_659 = vector.broadcast %parallel_loop3A_658 : i32 to vector<16xi32>
        %parallel_loop3A_660 = arith.muli %parallel_loop3A_621, %parallel_loop3A_659 : vector<16xi32>
        %parallel_loop3A_661 = arith.addi %parallel_loop3A_660, %iota3A : vector<16xi32>
        %parallel_loop3A_662 = arith.constant 16 : i32
        %parallel_loop3A_663 = vector.broadcast %parallel_loop3A_662 : i32 to vector<16xi32>
        %parallel_loop3A_664 = arith.muli %parallel_loop3A_622, %parallel_loop3A_663 : vector<16xi32>
        %parallel_loop3A_665 = arith.addi %parallel_loop3A_664, %iota3A : vector<16xi32>
        %parallel_loop3A_666 = arith.constant 16 : i32
        %parallel_loop3A_667 = vector.broadcast %parallel_loop3A_666 : i32 to vector<16xi32>
        %parallel_loop3A_668 = arith.muli %parallel_loop3A_623, %parallel_loop3A_667 : vector<16xi32>
        %parallel_loop3A_669 = arith.addi %parallel_loop3A_668, %iota3A : vector<16xi32>
        %parallel_loop3A_670 = arith.constant 16 : i32
        %parallel_loop3A_671 = vector.broadcast %parallel_loop3A_670 : i32 to vector<16xi32>
        %parallel_loop3A_672 = arith.muli %parallel_loop3A_624, %parallel_loop3A_671 : vector<16xi32>
        %parallel_loop3A_673 = arith.addi %parallel_loop3A_672, %iota3A : vector<16xi32>
        %parallel_loop3A_674 = arith.constant 16 : i32
        %parallel_loop3A_675 = vector.broadcast %parallel_loop3A_674 : i32 to vector<16xi32>
        %parallel_loop3A_676 = arith.muli %parallel_loop3A_625, %parallel_loop3A_675 : vector<16xi32>
        %parallel_loop3A_677 = arith.addi %parallel_loop3A_676, %iota3A : vector<16xi32>
        %parallel_loop3A_678 = arith.constant 16 : i32
        %parallel_loop3A_679 = vector.broadcast %parallel_loop3A_678 : i32 to vector<16xi32>
        %parallel_loop3A_680 = arith.muli %parallel_loop3A_626, %parallel_loop3A_679 : vector<16xi32>
        %parallel_loop3A_681 = arith.addi %parallel_loop3A_680, %iota3A : vector<16xi32>
        %parallel_loop3A_682 = arith.constant 16 : i32
        %parallel_loop3A_683 = vector.broadcast %parallel_loop3A_682 : i32 to vector<16xi32>
        %parallel_loop3A_684 = arith.muli %parallel_loop3A_627, %parallel_loop3A_683 : vector<16xi32>
        %parallel_loop3A_685 = arith.addi %parallel_loop3A_684, %iota3A : vector<16xi32>
        %parallel_loop3A_686 = arith.constant 16 : i32
        %parallel_loop3A_687 = vector.broadcast %parallel_loop3A_686 : i32 to vector<16xi32>
        %parallel_loop3A_688 = arith.muli %parallel_loop3A_628, %parallel_loop3A_687 : vector<16xi32>
        %parallel_loop3A_689 = arith.addi %parallel_loop3A_688, %iota3A : vector<16xi32>
        %parallel_loop3A_690 = arith.constant 16 : i32
        %parallel_loop3A_691 = vector.broadcast %parallel_loop3A_690 : i32 to vector<16xi32>
        %parallel_loop3A_692 = arith.muli %parallel_loop3A_629, %parallel_loop3A_691 : vector<16xi32>
        %parallel_loop3A_693 = arith.addi %parallel_loop3A_692, %iota3A : vector<16xi32>
        %parallel_loop3A_694 = arith.cmpf oge, %parallel_loop3A_428, %get3A_3 : vector<16xf32>
        %parallel_loop3A_695 = arith.cmpf oge, %parallel_loop3A_435, %get3A_3 : vector<16xf32>
        %parallel_loop3A_696 = arith.cmpf oge, %parallel_loop3A_442, %get3A_3 : vector<16xf32>
        %parallel_loop3A_697 = arith.cmpf oge, %parallel_loop3A_449, %get3A_3 : vector<16xf32>
        %parallel_loop3A_698 = arith.cmpf oge, %parallel_loop3A_456, %get3A_3 : vector<16xf32>
        %parallel_loop3A_699 = arith.cmpf oge, %parallel_loop3A_463, %get3A_3 : vector<16xf32>
        %parallel_loop3A_700 = arith.cmpf oge, %parallel_loop3A_470, %get3A_3 : vector<16xf32>
        %parallel_loop3A_701 = arith.cmpf oge, %parallel_loop3A_477, %get3A_3 : vector<16xf32>
        %parallel_loop3A_702 = arith.cmpf oge, %parallel_loop3A_484, %get3A_3 : vector<16xf32>
        %parallel_loop3A_703 = arith.cmpf oge, %parallel_loop3A_491, %get3A_3 : vector<16xf32>
        %parallel_loop3A_704 = arith.cmpf oge, %parallel_loop3A_498, %get3A_3 : vector<16xf32>
        %parallel_loop3A_705 = arith.cmpf oge, %parallel_loop3A_505, %get3A_3 : vector<16xf32>
        %parallel_loop3A_706 = arith.cmpf oge, %parallel_loop3A_512, %get3A_3 : vector<16xf32>
        %parallel_loop3A_707 = arith.cmpf oge, %parallel_loop3A_519, %get3A_3 : vector<16xf32>
        %parallel_loop3A_708 = arith.cmpf oge, %parallel_loop3A_526, %get3A_3 : vector<16xf32>
        %parallel_loop3A_709 = arith.cmpf oge, %parallel_loop3A_533, %get3A_3 : vector<16xf32>
        tpu.vector_store_idx %arg7[%parallel_loop3A_633], %broadcast_in_dim3A_38 masked %parallel_loop3A_694 {add = true} : memref<1616xf32, #tpu.memory_space<vmem>>[vector<16xi32>], vector<16xf32>, vector<16xi1>
        tpu.vector_store_idx %arg7[%parallel_loop3A_637], %broadcast_in_dim3A_38 masked %parallel_loop3A_695 {add = true} : memref<1616xf32, #tpu.memory_space<vmem>>[vector<16xi32>], vector<16xf32>, vector<16xi1>
        tpu.vector_store_idx %arg7[%parallel_loop3A_641], %broadcast_in_dim3A_38 masked %parallel_loop3A_696 {add = true} : memref<1616xf32, #tpu.memory_space<vmem>>[vector<16xi32>], vector<16xf32>, vector<16xi1>
        tpu.vector_store_idx %arg7[%parallel_loop3A_645], %broadcast_in_dim3A_38 masked %parallel_loop3A_697 {add = true} : memref<1616xf32, #tpu.memory_space<vmem>>[vector<16xi32>], vector<16xf32>, vector<16xi1>
        tpu.vector_store_idx %arg7[%parallel_loop3A_649], %broadcast_in_dim3A_38 masked %parallel_loop3A_698 {add = true} : memref<1616xf32, #tpu.memory_space<vmem>>[vector<16xi32>], vector<16xf32>, vector<16xi1>
        tpu.vector_store_idx %arg7[%parallel_loop3A_653], %broadcast_in_dim3A_38 masked %parallel_loop3A_699 {add = true} : memref<1616xf32, #tpu.memory_space<vmem>>[vector<16xi32>], vector<16xf32>, vector<16xi1>
        tpu.vector_store_idx %arg7[%parallel_loop3A_657], %broadcast_in_dim3A_38 masked %parallel_loop3A_700 {add = true} : memref<1616xf32, #tpu.memory_space<vmem>>[vector<16xi32>], vector<16xf32>, vector<16xi1>
        tpu.vector_store_idx %arg7[%parallel_loop3A_661], %broadcast_in_dim3A_38 masked %parallel_loop3A_701 {add = true} : memref<1616xf32, #tpu.memory_space<vmem>>[vector<16xi32>], vector<16xf32>, vector<16xi1>
        tpu.vector_store_idx %arg7[%parallel_loop3A_665], %broadcast_in_dim3A_38 masked %parallel_loop3A_702 {add = true} : memref<1616xf32, #tpu.memory_space<vmem>>[vector<16xi32>], vector<16xf32>, vector<16xi1>
        tpu.vector_store_idx %arg7[%parallel_loop3A_669], %broadcast_in_dim3A_38 masked %parallel_loop3A_703 {add = true} : memref<1616xf32, #tpu.memory_space<vmem>>[vector<16xi32>], vector<16xf32>, vector<16xi1>
        tpu.vector_store_idx %arg7[%parallel_loop3A_673], %broadcast_in_dim3A_38 masked %parallel_loop3A_704 {add = true} : memref<1616xf32, #tpu.memory_space<vmem>>[vector<16xi32>], vector<16xf32>, vector<16xi1>
        tpu.vector_store_idx %arg7[%parallel_loop3A_677], %broadcast_in_dim3A_38 masked %parallel_loop3A_705 {add = true} : memref<1616xf32, #tpu.memory_space<vmem>>[vector<16xi32>], vector<16xf32>, vector<16xi1>
        tpu.vector_store_idx %arg7[%parallel_loop3A_681], %broadcast_in_dim3A_38 masked %parallel_loop3A_706 {add = true} : memref<1616xf32, #tpu.memory_space<vmem>>[vector<16xi32>], vector<16xf32>, vector<16xi1>
        tpu.vector_store_idx %arg7[%parallel_loop3A_685], %broadcast_in_dim3A_38 masked %parallel_loop3A_707 {add = true} : memref<1616xf32, #tpu.memory_space<vmem>>[vector<16xi32>], vector<16xf32>, vector<16xi1>
        tpu.vector_store_idx %arg7[%parallel_loop3A_689], %broadcast_in_dim3A_38 masked %parallel_loop3A_708 {add = true} : memref<1616xf32, #tpu.memory_space<vmem>>[vector<16xi32>], vector<16xf32>, vector<16xi1>
        tpu.vector_store_idx %arg7[%parallel_loop3A_693], %broadcast_in_dim3A_38 masked %parallel_loop3A_709 {add = true} : memref<1616xf32, #tpu.memory_space<vmem>>[vector<16xi32>], vector<16xf32>, vector<16xi1>
      } {sc.loop_unroll_factor = 1 : i64, sc.parallel_access}
    }
    %scan3A_63 = arith.constant 12 : i32
    "tpu.region"() ({
      %run_scoped3A = tpu.sem_alloc : memref<!tpu.dma_semaphore, #tpu.memory_space<semaphore_mem>>
      %dma_start3A_64 = arith.constant 0 : i32
      %dma_start3A_65 = tpu.memref_slice %arg5[%add3A, %dma_start3A_64] : memref<32x1616xf32, #tpu.memory_space<hbm>> -> memref<1x1616xf32, #tpu.memory_space<hbm>>
      %dma_start3A_66 = tpu.memref_squeeze %dma_start3A_65 : memref<1x1616xf32, #tpu.memory_space<hbm>> -> memref<1616xf32, #tpu.memory_space<hbm>>
      %dma_start3A_67 = arith.constant 0 : i32
      %dma_start3A_68 = tpu.memref_slice %arg5[%add3A, %dma_start3A_67] : memref<32x1616xf32, #tpu.memory_space<hbm>> -> memref<1x1616xf32, #tpu.memory_space<hbm>>
      %dma_start3A_69 = tpu.memref_squeeze %dma_start3A_68 : memref<1x1616xf32, #tpu.memory_space<hbm>> -> memref<1616xf32, #tpu.memory_space<hbm>>
      tpu.enqueue_dma source(%arg7 : memref<1616xf32, #tpu.memory_space<vmem>>) target(%dma_start3A_69 : memref<1616xf32, #tpu.memory_space<hbm>>) target_semaphore(%run_scoped3A : memref<!tpu.dma_semaphore, #tpu.memory_space<semaphore_mem>>)
      %dma_wait3A = arith.constant 0 : i32
      %dma_wait3A_70 = tpu.memref_slice %arg5[%add3A, %dma_wait3A] : memref<32x1616xf32, #tpu.memory_space<hbm>> -> memref<1x1616xf32, #tpu.memory_space<hbm>>
      %dma_wait3A_71 = tpu.memref_squeeze %dma_wait3A_70 : memref<1x1616xf32, #tpu.memory_space<hbm>> -> memref<1616xf32, #tpu.memory_space<hbm>>
      %dma_wait3A_72 = arith.constant 0 : i32
      %dma_wait3A_73 = tpu.memref_slice %arg5[%add3A, %dma_wait3A_72] : memref<32x1616xf32, #tpu.memory_space<hbm>> -> memref<1x1616xf32, #tpu.memory_space<hbm>>
      %dma_wait3A_74 = tpu.memref_squeeze %dma_wait3A_73 : memref<1x1616xf32, #tpu.memory_space<hbm>> -> memref<1616xf32, #tpu.memory_space<hbm>>
      tpu.wait_dma2 semaphore(%run_scoped3A : memref<!tpu.dma_semaphore, #tpu.memory_space<semaphore_mem>>) src(%arg7 : memref<1616xf32, #tpu.memory_space<vmem>>) dst(%dma_wait3A_74 : memref<1616xf32, #tpu.memory_space<hbm>>)
      tpu.yield
    }) : () -> ()
    return
  }
}

module attributes {stable_mosaic.version = 14 : i64} {
  func.func @_minmax_tc_body(%arg0: i32, %arg1: memref<1024x512xf32, #tpu.memory_space<vmem>>, %arg2: memref<1024x512xf32, #tpu.memory_space<vmem>>, %arg3: memref<1x1xf32, #tpu.memory_space<smem>>, %arg4: memref<1x1xf32, #tpu.memory_space<smem>>) attributes {dimension_semantics = [#tpu.dimension_semantics<arbitrary>], iteration_bounds = array<i64: 48>, scalar_prefetch = 0 : i64, scratch_operands = 0 : i64, tpu.core_type = #tpu.core_type<tc>, window_params = [{transform_indices = @transform_0, window_bounds = array<i64: 1024, 512>}, {transform_indices = @transform_1, window_bounds = array<i64: 1024, 512>}, {transform_indices = @transform_2, window_bounds = array<i64: 1, 1>}, {transform_indices = @transform_3, window_bounds = array<i64: 1, 1>}]} {
    %get3A = arith.constant 0 : index
    %get3A_0 = arith.constant 0 : index
    %get3A_1 = vector.load %arg1[%get3A, %get3A_0] : memref<1024x512xf32, #tpu.memory_space<vmem>>, vector<1024x512xf32>
    %reduce_min3A = vector.shape_cast %get3A_1 : vector<1024x512xf32> to vector<1x1024x512xf32>
    %reduce_min3A_2 = arith.constant dense<0x7F800000> : vector<1xf32>
    %reduce_min3A_3 = vector.multi_reduction <minimumf>, %reduce_min3A, %reduce_min3A_2 [1, 2] : vector<1x1024x512xf32> to vector<1xf32>
    %reduce_min3A_4 = vector.shape_cast %reduce_min3A_3 : vector<1xf32> to vector<1x1x1xf32>
    %reduce_min3A_5 = vector.extract %reduce_min3A_4[0, 0, 0] : f32 from vector<1x1x1xf32>
    %get3A_6 = arith.constant 0 : index
    %get3A_7 = arith.constant 0 : index
    %get3A_8 = vector.load %arg2[%get3A_6, %get3A_7] : memref<1024x512xf32, #tpu.memory_space<vmem>>, vector<1024x512xf32>
    %reduce_min3A_9 = vector.shape_cast %get3A_8 : vector<1024x512xf32> to vector<1x1024x512xf32>
    %reduce_min3A_10 = arith.constant dense<0x7F800000> : vector<1xf32>
    %reduce_min3A_11 = vector.multi_reduction <minimumf>, %reduce_min3A_9, %reduce_min3A_10 [1, 2] : vector<1x1024x512xf32> to vector<1xf32>
    %reduce_min3A_12 = vector.shape_cast %reduce_min3A_11 : vector<1xf32> to vector<1x1x1xf32>
    %reduce_min3A_13 = vector.extract %reduce_min3A_12[0, 0, 0] : f32 from vector<1x1x1xf32>
    %min3A = arith.minimumf %reduce_min3A_5, %reduce_min3A_13 : f32
    %get3A_14 = arith.constant 0 : index
    %get3A_15 = arith.constant 0 : index
    %get3A_16 = vector.load %arg1[%get3A_14, %get3A_15] : memref<1024x512xf32, #tpu.memory_space<vmem>>, vector<1024x512xf32>
    %reduce_max3A = vector.shape_cast %get3A_16 : vector<1024x512xf32> to vector<1x1024x512xf32>
    %reduce_max3A_17 = arith.constant dense<0xFF800000> : vector<1xf32>
    %reduce_max3A_18 = vector.multi_reduction <maximumf>, %reduce_max3A, %reduce_max3A_17 [1, 2] : vector<1x1024x512xf32> to vector<1xf32>
    %reduce_max3A_19 = vector.shape_cast %reduce_max3A_18 : vector<1xf32> to vector<1x1x1xf32>
    %reduce_max3A_20 = vector.extract %reduce_max3A_19[0, 0, 0] : f32 from vector<1x1x1xf32>
    %get3A_21 = arith.constant 0 : index
    %get3A_22 = arith.constant 0 : index
    %get3A_23 = vector.load %arg2[%get3A_21, %get3A_22] : memref<1024x512xf32, #tpu.memory_space<vmem>>, vector<1024x512xf32>
    %reduce_max3A_24 = vector.shape_cast %get3A_23 : vector<1024x512xf32> to vector<1x1024x512xf32>
    %reduce_max3A_25 = arith.constant dense<0xFF800000> : vector<1xf32>
    %reduce_max3A_26 = vector.multi_reduction <maximumf>, %reduce_max3A_24, %reduce_max3A_25 [1, 2] : vector<1x1024x512xf32> to vector<1xf32>
    %reduce_max3A_27 = vector.shape_cast %reduce_max3A_26 : vector<1xf32> to vector<1x1x1xf32>
    %reduce_max3A_28 = vector.extract %reduce_max3A_27[0, 0, 0] : f32 from vector<1x1x1xf32>
    %max3A = arith.maximumf %reduce_max3A_20, %reduce_max3A_28 : f32
    %eq3A = arith.constant 0 : i32
    %eq3A_29 = arith.cmpi eq, %arg0, %eq3A : i32
    %convert_element_type3A = arith.extui %eq3A_29 : i1 to i32
    %cond3A = arith.constant 0 : i32
    %cond3A_30 = arith.cmpi ne, %convert_element_type3A, %cond3A : i32
    scf.if %cond3A_30 {
      %swap3A = arith.constant 0 : index
      %swap3A_35 = arith.constant 0 : index
      %swap3A_36 = memref.load %arg3[%swap3A, %swap3A_35] : memref<1x1xf32, #tpu.memory_space<smem>>
      memref.store %min3A, %arg3[%swap3A, %swap3A_35] : memref<1x1xf32, #tpu.memory_space<smem>>
      %swap3A_37 = arith.constant 0 : index
      %swap3A_38 = arith.constant 0 : index
      %swap3A_39 = memref.load %arg4[%swap3A_37, %swap3A_38] : memref<1x1xf32, #tpu.memory_space<smem>>
      memref.store %max3A, %arg4[%swap3A_37, %swap3A_38] : memref<1x1xf32, #tpu.memory_space<smem>>
    } else {
    }
    %gt3A = arith.constant 0 : i32
    %gt3A_31 = arith.cmpi sgt, %arg0, %gt3A : i32
    %convert_element_type3A_32 = arith.extui %gt3A_31 : i1 to i32
    %cond3A_33 = arith.constant 0 : i32
    %cond3A_34 = arith.cmpi ne, %convert_element_type3A_32, %cond3A_33 : i32
    scf.if %cond3A_34 {
      %get3A_35 = arith.constant 0 : index
      %get3A_36 = arith.constant 0 : index
      %get3A_37 = memref.load %arg3[%get3A_35, %get3A_36] : memref<1x1xf32, #tpu.memory_space<smem>>
      %min3A_38 = arith.minimumf %get3A_37, %min3A : f32
      %swap3A = arith.constant 0 : index
      %swap3A_39 = arith.constant 0 : index
      %swap3A_40 = memref.load %arg3[%swap3A, %swap3A_39] : memref<1x1xf32, #tpu.memory_space<smem>>
      memref.store %min3A_38, %arg3[%swap3A, %swap3A_39] : memref<1x1xf32, #tpu.memory_space<smem>>
      %get3A_41 = arith.constant 0 : index
      %get3A_42 = arith.constant 0 : index
      %get3A_43 = memref.load %arg4[%get3A_41, %get3A_42] : memref<1x1xf32, #tpu.memory_space<smem>>
      %max3A_44 = arith.maximumf %get3A_43, %max3A : f32
      %swap3A_45 = arith.constant 0 : index
      %swap3A_46 = arith.constant 0 : index
      %swap3A_47 = memref.load %arg4[%swap3A_45, %swap3A_46] : memref<1x1xf32, #tpu.memory_space<smem>>
      memref.store %max3A_44, %arg4[%swap3A_45, %swap3A_46] : memref<1x1xf32, #tpu.memory_space<smem>>
    } else {
    }
    return
  }
  func.func @transform_0(%arg0: i32) -> (i32, i32) {
    %c0_i32 = arith.constant 0 : i32
    %c0_i32_0 = arith.constant 0 : i32
    return %arg0, %c0_i32 : i32, i32
  }
  func.func @transform_1(%arg0: i32) -> (i32, i32) {
    %c0_i32 = arith.constant 0 : i32
    %c0_i32_0 = arith.constant 0 : i32
    return %arg0, %c0_i32 : i32, i32
  }
  func.func @transform_2(%arg0: i32) -> (i32, i32) {
    %c0_i32 = arith.constant 0 : i32
    %c0_i32_0 = arith.constant 0 : i32
    %c0_i32_1 = arith.constant 0 : i32
    return %c0_i32, %c0_i32_0 : i32, i32
  }
  func.func @transform_3(%arg0: i32) -> (i32, i32) {
    %c0_i32 = arith.constant 0 : i32
    %c0_i32_0 = arith.constant 0 : i32
    %c0_i32_1 = arith.constant 0 : i32
    return %c0_i32, %c0_i32_0 : i32, i32
  }
}

</mosaic_0001>

<sc_bundles>
// kernel: kernel.4.cloned.1.call-start
scs
__scs_entry_jumppad:
0x0: {  	(pc) =	sbr.rel $0x88, $3  }
0x1: {  	(tag) =	ssettag $0x0;
	lr =	simm.s32 $0x1  }
0x2: {  	[smem:$0x3F9F] =	sst lr;
	_ =	strace $0xD0000000  }
0x3: {  	_ = 	snop  }
0x4: {  	_ = 	snop  }
0x5: {  	_ = 	snop  }
0x6: {  	_ = 	snop  }
0x7: {  	_ = 	snop  }
__scs_overlays_trampoline_lowered:
0x8: {  	[smem:$0x3FAE] =	sst s0  }
0x9: {  	[smem:$0x3FAF] =	sst s1  }
0xa: {  	[smem:$0x3FB0] =	sst s2  }
0xb: {  	[smem:$0x3FB1] =	sst s3  }
0xc: {  	[smem:$0x3FB2] =	sst s4  }
0xd: {  	[smem:$0x3FB3] =	sst s5  }
0xe: {  	[smem:$0x3FB4] =	sst s6  }
0xf: {  	[smem:$0x3FB5] =	sst s7  }
0x10: {  	[smem:$0x3FB6] =	sst s8  }
0x11: {  	[smem:$0x3FB7] =	sst s9;
	s0 =	simm.s32 @!p0 $0x0  }
0x12: {  	s1 =	sld [smem:$0x3F9D];
	s0 =	simm.s32 @p0 $0x1  }
0x13: {  	[smem:$0x3FB8] =	sst s0;
	s0 =	simm.s32 @!p1 $0x0  }
0x14: {  	s2 =	sld [smem:$0x3F9C];
	s0 =	simm.s32 @p1 $0x1  }
0x15: {  	[smem:$0x3FB9] =	sst s0;
	s0 =	simm.s32 @!p2 $0x0  }
0x16: {  	s3 =	sld [smem:$0x3FDB];
	s0 =	simm.s32 @p2 $0x1  }
0x17: {  	s4 =	simm.s32 $0x1BF5;
	[smem:$0x3FBB] =	sst s0  }
0x18: {  	s0 =	sld [smem:$0x3F9E];
	_ =	swait.ge [sflag:s4], $0x0  }
0x19: {  	s7 =	sld [smem:$0x3F9F]  }
0x1a: {  	s8 =	sadd.s32 $0xFFFFE003, lr  }
0x1b: {  	s9 =	sadd.s32 $0xFFFFFEF7, lr;
	s5 =	simm.s32 $0xFFFFFFFF;
	p2 =	slt.u32 s8, $0xFFFFF086  }
0x1c: {  	p1 =	slt.u32 s9, $0xF7A;
	s5 =	simm.s32 @!p2 $0x0  }
0x1d: {  	s5 =	simm.s32 @p1 $0x1;
	p0 =	seq.s32 s7, s2  }
0x1e: {  	s7 =	smul.u32 @!p0 $0xF7A, s2;
	p2 =	seq.s32 @!p0 s5, $0x0  }
0x1f: {  	s9 =	smul.u32 $0xF7A, s1;
	s8 =	simm.s32 @!p0 $0x1BF5;
	p2 =	por !p2, p0  }
0x20: {  	[sflag:s8] =	ssyncset.s32 @!p0 $0xFFFFF086;
	s6 =	sadd.s32 @!p0 s3, s7;
	s7 =	simm.s32 @!p0 $0x108  }
0x21: {  	s3 =	sadd.s32 s3, s9;
	s6 =	sadd.s32 @!p0 $0x88, s6;
	s7 =	simm.s32 @p2 $0x1082  }
0x22: {  	[simem:s7], [sflag:s8] =	dma.local @!p0 [hbm:s6], $0xF7A  }
0x23: {  	s9 =	sor.u32 $0xD0000000, s2;
	s6 =	simm.s32 $0x108;
	_ =	swait.ge @!p0 [sflag:s8], $0x0  }
0x24: {  	s3 =	sadd.s32 $0x88, s3;
	s6 =	simm.s32 @!p1 $0x1082;
	[sflag:s4] =	ssyncset.s32 $0xFFFFF086  }
0x25: {  	[simem:s6], [sflag:s4] =	dma.local [hbm:s3], $0xF7A  }
0x26: {  	[smem:$0x3F9F] =	sst s1;
	(tag) =	ssettag s2;
	_ =	strace s9  }
0x27: {  	s1 =	sld [smem:$0x3FAF]  }
0x28: {  	s2 =	sld [smem:$0x3FB0]  }
0x29: {  	s4 =	sld [smem:$0x3FB2]  }
0x2a: {  	p0 =	seq.s32 s5, $0x0;
	s5 =	sld [smem:$0x3FB3]  }
0x2b: {  	s6 =	sld [smem:$0x3FB4]  }
0x2c: {  	s7 =	sld [smem:$0x3FB5]  }
0x2d: {  	s3 =	simm.s32 $0x108;
	s8 =	sld [smem:$0x3FB6]  }
0x2e: {  	s3 =	simm.s32 @!p0 $0x1082;
	s9 =	sld [smem:$0x3FB7]  }
0x2f: {  	lr =	sadd.s32 s0, s3;
	s0 =	sld [smem:$0x3FAE]  }
0x30: {  	s3 =	sld [smem:$0x3FB1]  }
0x31: {  	[smem:$0x3FBA] =	sst s10  }
0x32: {  	s10 =	sld [smem:$0x3FB8];
	_ =	sdelay $0x3  }
0x33: {  	p0 =	seq.s32 s10, $0x1;
	s10 =	sld [smem:$0x3FBA];
	_ =	sdelay $0x3  }
0x34: {  	[smem:$0x3FBA] =	sst s10  }
0x35: {  	s10 =	sld [smem:$0x3FB9];
	_ =	sdelay $0x3  }
0x36: {  	p1 =	seq.s32 s10, $0x1;
	s10 =	sld [smem:$0x3FBA];
	_ =	sdelay $0x3  }
0x37: {  	[smem:$0x3FBA] =	sst s10  }
0x38: {  	s10 =	sld [smem:$0x3FBB]  }
0x39: {  	_ = 	snop;
	(pc) =	sbr.ind lr, $3  }
0x3a: {  	_ = 	snop  }
0x3b: {  	_ = 	snop  }
0x3c: {  	p2 =	seq.s32 s10, $0x1;
	s10 =	sld [smem:$0x3FBA]  }
0x3d: {  	_ =	shalt  }
0x3e: {  	_ =	shalt  }
0x3f: {  	_ =	shalt  }
0x40: {  	_ =	shalt  }
0x41: {  	_ =	shalt  }
0x42: {  	_ =	shalt  }
0x43: {  	_ =	shalt  }
0x44: {  	_ =	shalt  }
0x45: {  	_ =	shalt  }
0x46: {  	_ =	shalt  }
0x47: {  	_ =	shalt  }
0x48: {  	_ =	shalt  }
0x49: {  	_ =	shalt  }
0x4a: {  	_ =	shalt  }
0x4b: {  	_ =	shalt  }
0x4c: {  	_ =	shalt  }
0x4d: {  	_ =	shalt  }
0x4e: {  	_ =	shalt  }
0x4f: {  	_ =	shalt  }
0x50: {  	_ =	shalt  }
0x51: {  	_ =	shalt  }
0x52: {  	_ =	shalt  }
0x53: {  	_ =	shalt  }
0x54: {  	_ =	shalt  }
0x55: {  	_ =	shalt  }
0x56: {  	_ =	shalt  }
0x57: {  	_ =	shalt  }
0x58: {  	_ =	shalt  }
0x59: {  	_ =	shalt  }
0x5a: {  	_ =	shalt  }
0x5b: {  	_ =	shalt  }
0x5c: {  	_ =	shalt  }
0x5d: {  	_ =	shalt  }
0x5e: {  	_ =	shalt  }
0x5f: {  	_ =	shalt  }
0x60: {  	_ =	shalt  }
0x61: {  	_ =	shalt  }
0x62: {  	_ =	shalt  }
0x63: {  	_ =	shalt  }
0x64: {  	_ =	shalt  }
0x65: {  	_ =	shalt  }
0x66: {  	_ =	shalt  }
0x67: {  	_ =	shalt  }
0x68: {  	_ =	shalt  }
0x69: {  	_ =	shalt  }
0x6a: {  	_ =	shalt  }
0x6b: {  	_ =	shalt  }
0x6c: {  	_ =	shalt  }
0x6d: {  	_ =	shalt  }
0x6e: {  	_ =	shalt  }
0x6f: {  	_ =	shalt  }
0x70: {  	_ =	shalt  }
0x71: {  	_ =	shalt  }
0x72: {  	_ =	shalt  }
0x73: {  	_ =	shalt  }
0x74: {  	_ =	shalt  }
0x75: {  	_ =	shalt  }
0x76: {  	_ =	shalt  }
0x77: {  	_ =	shalt  }
0x78: {  	_ =	shalt  }
0x79: {  	_ =	shalt  }
0x7a: {  	_ =	shalt  }
0x7b: {  	_ =	shalt  }
0x7c: {  	_ =	shalt  }
0x7d: {  	_ =	shalt  }
0x7e: {  	_ =	shalt  }
0x7f: {  	_ =	shalt  }
0x80: {  	_ =	shalt  }
0x81: {  	_ =	shalt  }
0x82: {  	_ =	shalt  }
0x83: {  	_ =	shalt  }
0x84: {  	_ =	shalt  }
0x85: {  	_ =	shalt  }
0x86: {  	_ =	shalt  }
0x87: {  	_ =	shalt  }
.Lfunc_end0:
.L_simem_size_0:
called_computation_lowered:
.L_overlay_start_0:
0x88: {  	s2 =	sld [smem:$0x3FD9]  }
0x89: {  	s3 =	sld [smem:$0x3FFE];
	_ =	sdelay $0x1  }
0x8a: {  	s1 =	srdreg.scid  }
0x8b: {  	s0 =	sand.u32 $0x1, s1  }
0x8c: {  	s17 =	sshll.u32 s0, $0xA;
	s2 =	sadd.s32 s3, s2  }
0x8d: {  	s2 =	sadd.s32 s2, s17  }
0x8e: {  	[smem:$0x3FC6] =	sst s2  }
0x8f: {  	_ = 	snop  }
0x90: {  	s2 =	sld [smem:$0x3FC9]  }
0x91: {  	s18 =	sld [smem:$0x3FC8]  }
0x92: {  	s4 =	sld [smem:$0x3FD0];
	(tm) =	ssettm $0x1  }
0x93: {  	s5 =	sld [smem:$0x3FFB];
	_ =	sdelay $0x3  }
0x94: {  	_ =	strace s5  }
0x95: {  	s5 =	sld [smem:$0x3FFC];
	_ =	sdelay $0x3  }
0x96: {  	_ =	strace s5  }
0x97: {  	s5 =	sld [smem:$0x3FFD];
	_ =	sdelay $0x3  }
0x98: {  	_ =	strace s5  }
0x99: {  	_ =	strace $0x8FFFFFFF  }
0x9a: {  	s19 =	sld [smem:$0x3FDB];
	_ =	sdelay $0x1  }
0x9b: {  	s6 =	simm.s32 $_scs_section_size  }
0x9c: {  	s7 =	simm.s32 $_size__tile_overlayer_lowered;
	s8 =	simm.s32 $_tile_overlayer_lowered  }
0x9d: {  	s22 =	simm.s32 $0x1BFF;
	s21 =	sshll.u32 s8, $0x1;
	s5 =	sadd.s32 s6, s19  }
0x9e: {  	s9 =	simm.s32 $0x0;
	s20 =	sshll.u32 s7, $0x1;
	s7 =	sadd.s32 s21, s5  }
0x9f: {  	[timem:s9], [sflag:s22] =	dma.local [hbm:s7], s20  }
0xa0: {  	_ =	swait.ge [sflag:s22], s20  }
0xa1: {  	s6 =	ssub.s32 $0x0, s20;
	[sflag:s22] =	ssyncset.done $0x0  }
0xa2: {  	[sflag:s22] =	ssyncadd.s32 s6;
	_ =	sdelay $0x1  }
0xa3: {  	s23 =	simm.s32 $0x1B8B  }
0xa4: {  	_ =	swait.ge [sflag:s23], $0x1  }
0xa5: {  	[sflag:s23] =	ssyncset.done $0x0  }
0xa6: {  	s25 =	simm.s32 $0x1B8E;
	s24 =	sld [smem:$0x3FFE];
	[sflag:s23] =	ssyncadd.s32 $0xFFFFFFFF  }
0xa7: {  	s26 =	simm.s32 $execute0_lowered;
	[smem:$0x3FD2] =	sst s25  }
0xa8: {  	s7 =	sshll.u32 s26, $0x1;
	_ =	strace $0x80000046;
	[dreg:$0x1] =	wrdreg $0xFFFFFFFF  }
0xa9: {  	s28 =	simm.s32 $_size_execute0_lowered;
	s5 =	sadd.s32 s5, s7;
	[dreg:$0x0] =	wrdreg $0x0  }
0xaa: {  	s7 =	sshll.u32 s28, $0x1;
	[dreg:$0x2] =	wrdreg s5  }
0xab: {  	[dreg:$0x3] =	wrdreg s7  }
0xac: {  	[dreg:$0x4] =	wrdreg $0xC0  }
0xad: {  	_ =	task [dreg:s9], $0x5FFFF  }
0xae: {  	[dreg:$0x1] =	wrdreg $0xFFFFFFFF  }
0xaf: {  	[dreg:$0x0] =	wrdreg $0x60  }
0xb0: {  	[dreg:$0x2] =	wrdreg s2  }
0xb1: {  	[dreg:$0x3] =	wrdreg s18  }
0xb2: {  	[dreg:$0x4] =	wrdreg s4  }
0xb3: {  	[dreg:$0x5] =	wrdreg s24  }
0xb4: {  	[dreg:$0x6] =	wrdreg $0x9  }
0xb5: {  	_ =	task.clear_ibuf [dreg:s9], $0x7FFFF;
	_ =	strace $0x90000046  }
0xb6: {  	s29 =	simm.s32 $0x9;
	_ =	strace $0x80000048  }
0xb7: {  	_ =	swait.ge [sflag:s29], $0x1  }
0xb8: {  	[sflag:s29] =	ssyncadd.s32 $0xFFFFFFFF  }
0xb9: {  	_ =	strace $0x90000048  }
0xba: {  	_ =	sfence  }
0xbb: {  	s30 =	sld [smem:$0x0];
	_ =	sdelay $0x2  }
0xbc: {  	s31 =	sshll.u32 s1, $0xD;
	s1 =	sshrl.u32 s1, $0x2  }
0xbd: {  	s3 =	sand.u32 $0x4000, s31;
	s1 =	sadd.s32 s1, s30  }
0xbe: {  	s0 =	sor.u32 s3, s0;
	s1 =	sshll.u32 s1, $0x11  }
0xbf: {  	s0 =	sor.u32 s1, s0  }
0xc0: {  	s0 =	sadd.s32 $0x8F2B, s0  }
0xc1: {  	[sflag:s0] =	ssyncadd.remote.s32 $0x1  }
0xc2: {  	_ =	sfence.sel $0xFFFF  }
0xc3: {  	[dreg:$0x0] =	wrdreg $0xFFFFFFFF;
	(pc) =	sbr.abs _section_cstart, $3  }
0xc4: {  	[dreg:$0x1] =	wrdreg $0xFFFFFFFF  }
0xc5: {  	_ =	task.clear_ibuf [dreg:s9], $0x2FFFF;
	_ =	strace $0x9FFFFFFF  }
0xc6: {  	(tm) =	ssettm $0x7FFFFFFF  }
0xc7: {  	_ =	shalt  }
tec
execute0_lowered:
.L_overlay_start_1:
0x0: {  	(tag) =	ssettag $0x1  }
0x1: {  	s1 =	rddreg [dreg:$0x0]  }
0x2: {  	s2 =	rddreg [dreg:$0x1]  }
0x3: {  	s4 =	rddreg [dreg:$0x2]  }
0x4: {  	s9 =	rddreg [dreg:$0x3]  }
0x5: {  	s0 =	rddreg [dreg:$0x4]  }
0x6: {  	s6 =	srdreg.scid;
	s3 =	stileid.u32  }
0x7: {  	s5 =	simm.s32 $0x0;
	s13 =	simm.s32 $0x1;
	s14 =	simm.s32 $0x8000  }
0x8: {  	s15 =	simm.s32 $0x10000;
	s16 =	simm.s32 $0x2;
	s17 =	simm.s32 $0x80  }
0x9: {  	s18 =	simm.s32 $0x400;
	s19 =	simm.s32 $0x0;
	s6 =	sand.u32 $0x1, s6  }
0xa: {  	s7 =	sshll.u32 s3, $0x1;
	[smem:$0x7FF] =	sst s5;
	s8 =	sshrl.u32 s3, $0x2  }
0xb: {  	s7 =	sor.u32 s6, s7;
	s6 =	ssub.s32 $0x2, s6;
	s8 =	smul.u32 $0x3400, s8  }
0xc: {  	s10 =	sshll.u32 s7, $0x7;
	s11 =	sshrl.u32 s6, $0x1;
	s12 =	smul.u32 $0x18000, s7  }
0xd: {  	_ =	strace $0x80000047;
	s10 =	sand.u32 $0x380, s10;
	s11 =	ssub.s32 s6, s11  }
0xe: {  	s6 =	smul.u32 $0x3, s7;
	s8 =	sor.u32 s8, s10;
	s7 =	sadd.s32 s1, s12  }
0xf: {  	v0 =	vimm.f32 $0.0e+00;
	s10 =	sshrl.u32 s8, $0x3;
	s8 =	sadd.s32 s2, s12;
	s12 =	simm.s32 $0x3  }
0x10: {  	v1 =	vlaneseq.u32;
	v2 =	vimm.f32 $1.000000000e+00;
	v3 =	vimm.f32 $-1.000000000e+00;
	s9 =	sadd.s32 s9, s10;
	s10 =	smax.u32 s11, $0x1;
	s11 =	simm.s32 $0x10680  }
.LBB2_1:
0x11: {  	[tilespmem:s11], [sflag:$0x3] =	stream.linear.gather [hbm4b:s4+s5], $0x80, $0x38;
	[tilespmem:$0x10700] =	vst v63  }
0x12: {  	_ =	swait.ge [sflag:s12], $0x80  }
0x13: {  	[sflag:s12] =	ssyncset.done $0x0  }
0x14: {  	[sflag:s12] =	ssyncadd.s32 $0xFFFFFF80  }
0x15: {  	v4 =	vld [tilespmem:$0x10680];
	_ =	sdelay $0x3  }
0x16: {  	s20 =	simm.s32 $0x40;
	s21 =	simm.s32 $0x0;
	v5 =	vld [tilespmem:$0x10690]  }
.LBB2_2:
0x17: {  	p0 =	sne.s32 s20, $0x1900;
	[tilespmem:s21+$0x10000] =	vst v0;
	s21 =	smov.u32 s20;
	s20 =	sadd.s32 $0x40, s20  }
.Ltmp0:
0x18: {  	(pc) =	sbr.rel @p0 .LBB2_2-.Ltmp0, $2  }
0x19: {  	_ =	sdelay $0x2  }
0x1a: {  	s21 =	sshra.s32 s21, $0x2  }
0x1b: {  	(erf) = vrcp.f32 v5;
	_ =	sdelay $0x7  }
0x1c: {  	[tilespmem:s21+$0x10000] =	vst v0;
	s20 =	simm.s32 $0x0;
	s21 =	simm.s32 $0x0  }
0x1d: {  	[tilespmem:s20], [sflag:$0x1] =	stream.linear.gather [hbm4b:s7+s20], $0x8000, $0x38;
	v5 =	vpop (erf);
	[tilespmem:$0x10700] =	vst v63  }
.LBB2_4:
0x1e: {  	s22 =	sshrl.u32 s21, $0x2;
	s23 =	sshll.u32 s21, $0xD  }
0x1f: {  	s22 =	sadd.s32 s6, s22;
	s23 =	sand.u32 $0x6000, s23  }
0x20: {  	_ =	swait.ge [sflag:s13], $0x8000;
	s22 =	sshll.u32 s22, $0xF;
	s23 =	sadd.s32 s23, s1  }
0x21: {  	s30 =	sand.u32 $0x7000, s20;
	[sflag:s13] =	ssyncset.done $0x0;
	s22 =	sadd.s32 s22, s23  }
0x22: {  	s31 =	sand.u32 $0x380, s20;
	[sflag:s13] =	ssyncadd.s32 $0xFFFF8000;
	s22 =	sadd.s32 $0x1000, s22  }
0x23: {  	[tilespmem:s14], [sflag:$0x2] =	stream.linear.gather [hbm4b:s22+s20], $0x8000, $0x38;
	[tilespmem:$0x10700] =	vst v63  }
0x24: {  	s22 =	sor.u32 s31, s30  }
0x25: {  	v6 =	vld [tilespmem:s22+$0x0]  }
0x26: {  	v7 =	vld [tilespmem:s22+$0x10]  }
0x27: {  	v8 =	vld [tilespmem:s22+$0x20]  }
0x28: {  	v9 =	vld [tilespmem:s22+$0x30]  }
0x29: {  	v10 =	vld [tilespmem:s22+$0x40]  }
0x2a: {  	v11 =	vld [tilespmem:s22+$0x50]  }
0x2b: {  	v12 =	vld [tilespmem:s22+$0x60]  }
0x2c: {  	v13 =	vld [tilespmem:s22+$0x70]  }
0x2d: {  	v14 =	vld [tilespmem:s22+$0x400]  }
0x2e: {  	v15 =	vld [tilespmem:s22+$0x410]  }
0x2f: {  	v16 =	vld [tilespmem:s22+$0x420];
	v17 =	vsub.f32 v6, v4;
	v18 =	vsub.f32 v7, v4  }
0x30: {  	v19 =	vld [tilespmem:s22+$0x430];
	v20 =	vsub.f32 v8, v4;
	v21 =	vsub.f32 v9, v4  }
0x31: {  	v22 =	vld [tilespmem:s22+$0x440];
	v23 =	vsub.f32 v10, v4;
	v24 =	vsub.f32 v11, v4  }
0x32: {  	v25 =	vld [tilespmem:s22+$0x450];
	v26 =	vsub.f32 v12, v4;
	v27 =	vsub.f32 v13, v4  }
0x33: {  	v28 =	vld [tilespmem:s22+$0x460];
	v29 =	vsub.f32 v14, v4;
	v30 =	vsub.f32 v15, v4;
	v17 =	vmul.f32 v17, v5  }
0x34: {  	v31 =	vld [tilespmem:s22+$0x470];
	v32 =	vsub.f32 v16, v4;
	v18 =	vmul.f32 v18, v5;
	v20 =	vmul.f32 v20, v5  }
0x35: {  	v33 =	vsub.f32 v19, v4;
	v21 =	vmul.f32 v21, v5;
	v23 =	vmul.f32 v23, v5  }
0x36: {  	v34 =	vsub.f32 v22, v4;
	v24 =	vmul.f32 v24, v5;
	v26 =	vmul.f32 v26, v5  }
0x37: {  	v35 =	vsub.f32 v25, v4;
	v27 =	vmul.f32 v27, v5;
	v29 =	vmul.f32 v29, v5  }
0x38: {  	v36 =	vsub.f32 v28, v4;
	v30 =	vmul.f32 v30, v5;
	v32 =	vmul.f32 v32, v5  }
0x39: {  	v37 =	vsub.f32 v31, v4;
	v33 =	vmul.f32 v33, v5;
	v34 =	vmul.f32 v34, v5  }
0x3a: {  	v35 =	vmul.f32 v35, v5;
	v36 =	vmul.f32 v36, v5  }
0x3b: {  	v37 =	vmul.f32 v37, v5;
	v17 =	vmul.f32 $1.000000000e+02, v17  }
0x3c: {  	v18 =	vmul.f32 $1.000000000e+02, v18;
	v20 =	vmul.f32 $1.000000000e+02, v20  }
0x3d: {  	v21 =	vmul.f32 $1.000000000e+02, v21;
	v23 =	vmul.f32 $1.000000000e+02, v23  }
0x3e: {  	vm13 =	vge.f32 v6, v4;
	v24 =	vmul.f32 $1.000000000e+02, v24;
	v26 =	vmul.f32 $1.000000000e+02, v26  }
0x3f: {  	vm12 =	vge.f32 v7, v4;
	v6 =	vmul.f32 $1.000000000e+02, v27;
	v27 =	vmul.f32 $1.000000000e+02, v29  }
0x40: {  	vm11 =	vge.f32 v8, v4;
	v7 =	vmul.f32 $1.000000000e+02, v30;
	v29 =	vmul.f32 $1.000000000e+02, v32  }
0x41: {  	vm9 =	vge.f32 v9, v4;
	v8 =	vmul.f32 $1.000000000e+02, v33;
	v30 =	vmul.f32 $1.000000000e+02, v34  }
0x42: {  	vm8 =	vge.f32 v10, v4;
	v9 =	vmul.f32 $1.000000000e+02, v35;
	v63 =	vmul.f32 $1.000000000e+02, v36  }
0x43: {  	vm6 =	vge.f32 v11, v4;
	v10 =	vmul.f32 $1.000000000e+02, v37;
	v17 =	vtrunc.f32 v17  }
0x44: {  	vm5 =	vge.f32 v12, v4;
	v11 =	vtrunc.f32 v18;
	v18 =	vtrunc.f32 v20  }
0x45: {  	vm3 =	vge.f32 v13, v4;
	v12 =	vtrunc.f32 v21;
	v20 =	vtrunc.f32 v23  }
0x46: {  	vm1 =	vge.f32 v14, v4;
	v13 =	vtrunc.f32 v24;
	v21 =	vtrunc.f32 v26  }
0x47: {  	vm0 =	vge.f32 v15, v4;
	v6 =	vtrunc.f32 v6;
	v14 =	vtrunc.f32 v27  }
0x48: {  	vm2 =	vge.f32 v16, v4;
	v7 =	vtrunc.f32 v7;
	v15 =	vtrunc.f32 v29  }
0x49: {  	vm4 =	vge.f32 v19, v4;
	v8 =	vtrunc.f32 v8;
	v16 =	vtrunc.f32 v30  }
0x4a: {  	vm7 =	vge.f32 v22, v4;
	v9 =	vtrunc.f32 v9;
	v17 =	vcvt.f32.s32 v17  }
0x4b: {  	vm10 =	vge.f32 v25, v4;
	v19 =	vtrunc.f32 v63;
	v11 =	vcvt.f32.s32 v11  }
0x4c: {  	v10 =	vtrunc.f32 v10;
	v18 =	vcvt.f32.s32 v18;
	v17 =	vshll.u32 v17, $0x4  }
0x4d: {  	v12 =	vcvt.f32.s32 v12;
	v11 =	vshll.u32 v11, $0x4;
	v17 =	vor.u32 v1, v17  }
0x4e: {  	v20 =	vcvt.f32.s32 v20;
	v18 =	vshll.u32 v18, $0x4;
	v11 =	vor.u32 v1, v11  }
0x4f: {  	v13 =	vcvt.f32.s32 v13;
	v12 =	vshll.u32 v12, $0x4;
	v18 =	vor.u32 v1, v18  }
0x50: {  	v21 =	vcvt.f32.s32 v21;
	v20 =	vshll.u32 v20, $0x4;
	v12 =	vor.u32 v1, v12  }
0x51: {  	v6 =	vcvt.f32.s32 v6;
	v13 =	vshll.u32 v13, $0x4;
	v20 =	vor.u32 v1, v20  }
0x52: {  	v14 =	vcvt.f32.s32 v14;
	v21 =	vshll.u32 v21, $0x4;
	v13 =	vor.u32 v1, v13;
	[tilespmem:v17+s15+$0x0] =	vst.idx.add.f32.msk vm13, v2  }
0x53: {  	v7 =	vcvt.f32.s32 v7;
	v6 =	vshll.u32 v6, $0x4;
	[tilespmem:v11+s15+$0x0] =	vst.idx.add.f32.msk vm12, v2;
	v11 =	vor.u32 v1, v21  }
0x54: {  	v15 =	vcvt.f32.s32 v15;
	v14 =	vshll.u32 v14, $0x4;
	v6 =	vor.u32 v1, v6;
	[tilespmem:v18+s15+$0x0] =	vst.idx.add.f32.msk vm11, v2  }
0x55: {  	v8 =	vcvt.f32.s32 v8;
	v7 =	vshll.u32 v7, $0x4;
	[tilespmem:v12+s15+$0x0] =	vst.idx.add.f32.msk vm9, v2;
	v12 =	vor.u32 v1, v14  }
0x56: {  	v15 =	vshll.u32 v15, $0x4;
	v7 =	vor.u32 v1, v7;
	v14 =	vcvt.f32.s32 v16;
	[tilespmem:v20+s15+$0x0] =	vst.idx.add.f32.msk vm8, v2  }
0x57: {  	v9 =	vcvt.f32.s32 v9;
	v8 =	vshll.u32 v8, $0x4;
	[tilespmem:v13+s15+$0x0] =	vst.idx.add.f32.msk vm6, v2;
	v13 =	vor.u32 v1, v15  }
0x58: {  	v8 =	vor.u32 v1, v8;
	v15 =	vcvt.f32.s32 v19;
	v14 =	vshll.u32 v14, $0x4;
	[tilespmem:v11+s15+$0x0] =	vst.idx.add.f32.msk vm5, v2  }
0x59: {  	v10 =	vcvt.f32.s32 v10;
	v9 =	vshll.u32 v9, $0x4;
	[tilespmem:v6+s15+$0x0] =	vst.idx.add.f32.msk vm3, v2;
	v6 =	vor.u32 v1, v14  }
0x5a: {  	vm14 =	vge.f32 v28, v4;
	v9 =	vor.u32 v1, v9;
	v11 =	vshll.u32 v15, $0x4;
	[tilespmem:v12+s15+$0x0] =	vst.idx.add.f32.msk vm1, v2  }
0x5b: {  	vm15 =	vge.f32 v31, v4;
	v10 =	vshll.u32 v10, $0x4;
	[tilespmem:v7+s15+$0x0] =	vst.idx.add.f32.msk vm0, v2;
	v7 =	vor.u32 v1, v11  }
0x5c: {  	v10 =	vor.u32 v1, v10;
	[tilespmem:v13+s15+$0x0] =	vst.idx.add.f32.msk vm2, v2  }
0x5d: {  	[tilespmem:v8+s15+$0x0] =	vst.idx.add.f32.msk vm4, v2  }
0x5e: {  	[tilespmem:v6+s15+$0x0] =	vst.idx.add.f32.msk vm7, v2  }
0x5f: {  	[tilespmem:v9+s15+$0x0] =	vst.idx.add.f32.msk vm10, v2  }
0x60: {  	[tilespmem:v7+s15+$0x0] =	vst.idx.add.f32.msk vm14, v2  }
0x61: {  	[tilespmem:v10+s15+$0x0] =	vst.idx.add.f32.msk vm15, v2  }
0x62: {  	v21 =	vld [tilespmem:s22+$0x800]  }
0x63: {  	v20 =	vld [tilespmem:s22+$0x810]  }
0x64: {  	v19 =	vld [tilespmem:s22+$0x820]  }
0x65: {  	v18 =	vld [tilespmem:s22+$0x830]  }
0x66: {  	v12 =	vld [tilespmem:s22+$0x840]  }
0x67: {  	v14 =	vld [tilespmem:s22+$0x850]  }
0x68: {  	v15 =	vld [tilespmem:s22+$0x860]  }
0x69: {  	v16 =	vld [tilespmem:s22+$0x870]  }
0x6a: {  	v17 =	vld [tilespmem:s22+$0xC00]  }
0x6b: {  	v13 =	vld [tilespmem:s22+$0xC10]  }
0x6c: {  	v10 =	vld [tilespmem:s22+$0xC20];
	v6 =	vsub.f32 v21, v4;
	v7 =	vsub.f32 v20, v4  }
0x6d: {  	v9 =	vld [tilespmem:s22+$0xC30];
	v24 =	vsub.f32 v19, v4;
	v25 =	vsub.f32 v18, v4  }
0x6e: {  	v8 =	vld [tilespmem:s22+$0xC40];
	v26 =	vsub.f32 v12, v4;
	v27 =	vsub.f32 v14, v4  }
0x6f: {  	v11 =	vld [tilespmem:s22+$0xC50];
	v28 =	vsub.f32 v15, v4;
	v29 =	vsub.f32 v16, v4  }
0x70: {  	v31 =	vsub.f32 v17, v4;
	v30 =	vsub.f32 v13, v4;
	v22 =	vmul.f32 v6, v5;
	v6 =	vld [tilespmem:s22+$0xC60]  }
0x71: {  	v32 =	vsub.f32 v10, v4;
	v23 =	vmul.f32 v7, v5;
	v24 =	vmul.f32 v24, v5;
	v7 =	vld [tilespmem:s22+$0xC70]  }
0x72: {  	v33 =	vsub.f32 v9, v4;
	v25 =	vmul.f32 v25, v5;
	v26 =	vmul.f32 v26, v5  }
0x73: {  	s23 =	simm.s32 $0x0;
	v34 =	vsub.f32 v8, v4;
	v27 =	vmul.f32 v27, v5;
	v28 =	vmul.f32 v28, v5;
	s22 =	simm.s32 $0x200  }
.LBB2_5:
0x74: {  	p0 =	sne.s32 s22, $0x7E00;
	v29 =	vmul.f32 v29, v5;
	v31 =	vmul.f32 v31, v5;
	v35 =	vsub.f32 v11, v4  }
0x75: {  	v30 =	vmul.f32 v30, v5;
	v32 =	vmul.f32 v32, v5;
	v36 =	vsub.f32 v6, v4  }
0x76: {  	v33 =	vmul.f32 v33, v5;
	v34 =	vmul.f32 v34, v5;
	v37 =	vsub.f32 v7, v4  }
0x77: {  	v35 =	vmul.f32 v35, v5;
	v36 =	vmul.f32 v36, v5  }
0x78: {  	v22 =	vmul.f32 $1.000000000e+02, v22;
	v37 =	vmul.f32 v37, v5  }
0x79: {  	v23 =	vmul.f32 $1.000000000e+02, v23;
	v24 =	vmul.f32 $1.000000000e+02, v24  }
0x7a: {  	v25 =	vmul.f32 $1.000000000e+02, v25;
	v26 =	vmul.f32 $1.000000000e+02, v26  }
0x7b: {  	vm2 =	vge.f32 v21, v4;
	v27 =	vmul.f32 $1.000000000e+02, v27;
	v28 =	vmul.f32 $1.000000000e+02, v28  }
0x7c: {  	vm1 =	vge.f32 v20, v4;
	v21 =	vmul.f32 $1.000000000e+02, v29;
	v29 =	vmul.f32 $1.000000000e+02, v31  }
0x7d: {  	vm0 =	vge.f32 v19, v4;
	s23 =	sadd.s32 $0x80, s23;
	v20 =	vmul.f32 $1.000000000e+02, v30;
	v30 =	vmul.f32 $1.000000000e+02, v32  }
0x7e: {  	s24 =	sand.u32 $0x7000, s22;
	vm3 =	vge.f32 v18, v4;
	s25 =	sand.u32 $0x380, s23;
	v19 =	vmul.f32 $1.000000000e+02, v33;
	v31 =	vmul.f32 $1.000000000e+02, v34  }
0x7f: {  	vm4 =	vge.f32 v12, v4;
	s24 =	sor.u32 s25, s24;
	v18 =	vmul.f32 $1.000000000e+02, v35;
	v32 =	vmul.f32 $1.000000000e+02, v36  }
0x80: {  	vm5 =	vge.f32 v14, v4;
	v22 =	vtrunc.f32 v22;
	v33 =	vmul.f32 $1.000000000e+02, v37;
	v12 =	vld [tilespmem:s24+$0x0]  }
0x81: {  	vm6 =	vge.f32 v15, v4;
	v23 =	vtrunc.f32 v23;
	v24 =	vtrunc.f32 v24;
	v14 =	vld [tilespmem:s24+$0x10]  }
0x82: {  	vm7 =	vge.f32 v16, v4;
	v25 =	vtrunc.f32 v25;
	v26 =	vtrunc.f32 v26;
	v15 =	vld [tilespmem:s24+$0x20]  }
0x83: {  	vm8 =	vge.f32 v17, v4;
	v27 =	vtrunc.f32 v27;
	v28 =	vtrunc.f32 v28;
	v16 =	vld [tilespmem:s24+$0x30]  }
0x84: {  	vm9 =	vge.f32 v13, v4;
	v34 =	vtrunc.f32 v21;
	v29 =	vtrunc.f32 v29;
	v17 =	vld [tilespmem:s24+$0x40]  }
0x85: {  	vm10 =	vge.f32 v10, v4;
	v35 =	vtrunc.f32 v20;
	v30 =	vtrunc.f32 v30;
	v13 =	vld [tilespmem:s24+$0x50]  }
0x86: {  	vm11 =	vge.f32 v9, v4;
	v36 =	vtrunc.f32 v19;
	v31 =	vtrunc.f32 v31;
	v10 =	vld [tilespmem:s24+$0x60]  }
0x87: {  	vm12 =	vge.f32 v8, v4;
	v19 =	vcvt.f32.s32 v22;
	v37 =	vtrunc.f32 v18;
	v9 =	vld [tilespmem:s24+$0x70]  }
0x88: {  	vm13 =	vge.f32 v11, v4;
	v8 =	vcvt.f32.s32 v23;
	v23 =	vtrunc.f32 v32;
	v18 =	vld [tilespmem:s24+$0x400]  }
0x89: {  	v21 =	vcvt.f32.s32 v24;
	v20 =	vshll.u32 v19, $0x4;
	v24 =	vtrunc.f32 v33;
	v11 =	vld [tilespmem:s24+$0x410]  }
0x8a: {  	v22 =	vcvt.f32.s32 v25;
	v8 =	vshll.u32 v8, $0x4;
	v25 =	vor.u32 v1, v20;
	v19 =	vld [tilespmem:s24+$0x420]  }
0x8b: {  	v26 =	vcvt.f32.s32 v26;
	v32 =	vshll.u32 v21, $0x4;
	v33 =	vor.u32 v1, v8;
	v20 =	vld [tilespmem:s24+$0x430]  }
0x8c: {  	v27 =	vcvt.f32.s32 v27;
	v8 =	vshll.u32 v22, $0x4;
	v32 =	vor.u32 v1, v32;
	v21 =	vld [tilespmem:s24+$0x440]  }
0x8d: {  	v28 =	vcvt.f32.s32 v28;
	v26 =	vshll.u32 v26, $0x4;
	v38 =	vor.u32 v1, v8;
	v22 =	vld [tilespmem:s24+$0x450]  }
0x8e: {  	v34 =	vcvt.f32.s32 v34;
	v27 =	vshll.u32 v27, $0x4;
	v26 =	vor.u32 v1, v26;
	v8 =	vld [tilespmem:s24+$0x460]  }
0x8f: {  	v29 =	vcvt.f32.s32 v29;
	v28 =	vshll.u32 v28, $0x4;
	[tilespmem:v25+s15+$0x0] =	vst.idx.add.f32.msk vm2, v2;
	v25 =	vor.u32 v1, v27  }
0x90: {  	v34 =	vshll.u32 v34, $0x4;
	v28 =	vor.u32 v1, v28;
	v27 =	vcvt.f32.s32 v35;
	[tilespmem:v33+s15+$0x0] =	vst.idx.add.f32.msk vm1, v2  }
0x91: {  	v30 =	vcvt.f32.s32 v30;
	v29 =	vshll.u32 v29, $0x4;
	[tilespmem:v32+s15+$0x0] =	vst.idx.add.f32.msk vm0, v2;
	v32 =	vor.u32 v1, v34  }
0x92: {  	v29 =	vor.u32 v1, v29;
	v33 =	vcvt.f32.s32 v36;
	v27 =	vshll.u32 v27, $0x4;
	[tilespmem:v38+s15+$0x0] =	vst.idx.add.f32.msk vm3, v2  }
0x93: {  	v31 =	vcvt.f32.s32 v31;
	v30 =	vshll.u32 v30, $0x4;
	[tilespmem:v26+s15+$0x0] =	vst.idx.add.f32.msk vm4, v2;
	v26 =	vor.u32 v1, v27  }
0x94: {  	v33 =	vshll.u32 v33, $0x4;
	v27 =	vcvt.f32.s32 v37;
	[tilespmem:v25+s15+$0x0] =	vst.idx.add.f32.msk vm5, v2;
	v25 =	vor.u32 v1, v30  }
0x95: {  	v23 =	vcvt.f32.s32 v23;
	v30 =	vshll.u32 v31, $0x4;
	[tilespmem:v28+s15+$0x0] =	vst.idx.add.f32.msk vm6, v2;
	v28 =	vor.u32 v1, v33  }
0x96: {  	v24 =	vcvt.f32.s32 v24;
	v27 =	vshll.u32 v27, $0x4;
	v30 =	vor.u32 v1, v30;
	[tilespmem:v32+s15+$0x0] =	vst.idx.add.f32.msk vm7, v2  }
0x97: {  	v23 =	vshll.u32 v23, $0x4;
	vm0 =	vge.f32 v6, v4;
	v6 =	vor.u32 v1, v27;
	[tilespmem:v29+s15+$0x0] =	vst.idx.add.f32.msk vm8, v2  }
0x98: {  	v24 =	vshll.u32 v24, $0x4;
	vm1 =	vge.f32 v7, v4;
	v7 =	vor.u32 v1, v23;
	[tilespmem:v26+s15+$0x0] =	vst.idx.add.f32.msk vm9, v2  }
0x99: {  	v24 =	vor.u32 v1, v24;
	v23 =	vsub.f32 v12, v4;
	[tilespmem:v25+s15+$0x0] =	vst.idx.add.f32.msk vm10, v2  }
0x9a: {  	v26 =	vsub.f32 v15, v4;
	v25 =	vsub.f32 v14, v4;
	[tilespmem:v28+s15+$0x0] =	vst.idx.add.f32.msk vm11, v2  }
0x9b: {  	v27 =	vsub.f32 v16, v4;
	v28 =	vsub.f32 v17, v4;
	[tilespmem:v30+s15+$0x0] =	vst.idx.add.f32.msk vm12, v2  }
0x9c: {  	v29 =	vsub.f32 v13, v4;
	v30 =	vsub.f32 v10, v4;
	[tilespmem:v6+s15+$0x0] =	vst.idx.add.f32.msk vm13, v2  }
0x9d: {  	v31 =	vsub.f32 v9, v4;
	v32 =	vsub.f32 v18, v4;
	[tilespmem:v7+s15+$0x0] =	vst.idx.add.f32.msk vm0, v2  }
0x9e: {  	v7 =	vmul.f32 v23, v5;
	v23 =	vsub.f32 v11, v4;
	[tilespmem:v24+s15+$0x0] =	vst.idx.add.f32.msk vm1, v2  }
0x9f: {  	v24 =	vmul.f32 v25, v5;
	v25 =	vmul.f32 v26, v5;
	v26 =	vsub.f32 v19, v4;
	v6 =	vld [tilespmem:s24+$0x470]  }
0xa0: {  	v33 =	vsub.f32 v20, v4;
	v27 =	vmul.f32 v27, v5;
	v28 =	vmul.f32 v28, v5  }
0xa1: {  	v34 =	vsub.f32 v21, v4;
	v29 =	vmul.f32 v29, v5;
	v30 =	vmul.f32 v30, v5  }
0xa2: {  	v35 =	vsub.f32 v22, v4;
	v31 =	vmul.f32 v31, v5;
	v32 =	vmul.f32 v32, v5  }
0xa3: {  	v36 =	vsub.f32 v8, v4;
	v23 =	vmul.f32 v23, v5;
	v26 =	vmul.f32 v26, v5  }
0xa4: {  	v34 =	vmul.f32 v34, v5;
	v33 =	vmul.f32 v33, v5;
	v37 =	vsub.f32 v6, v4  }
0xa5: {  	v35 =	vmul.f32 v35, v5;
	v36 =	vmul.f32 v36, v5  }
0xa6: {  	v7 =	vmul.f32 $1.000000000e+02, v7;
	v37 =	vmul.f32 v37, v5  }
0xa7: {  	v24 =	vmul.f32 $1.000000000e+02, v24;
	v25 =	vmul.f32 $1.000000000e+02, v25  }
0xa8: {  	v27 =	vmul.f32 $1.000000000e+02, v27;
	v28 =	vmul.f32 $1.000000000e+02, v28  }
0xa9: {  	v29 =	vmul.f32 $1.000000000e+02, v29;
	vm13 =	vge.f32 v12, v4;
	v30 =	vmul.f32 $1.000000000e+02, v30  }
0xaa: {  	vm12 =	vge.f32 v14, v4;
	v12 =	vmul.f32 $1.000000000e+02, v31;
	v31 =	vmul.f32 $1.000000000e+02, v32  }
0xab: {  	vm11 =	vge.f32 v15, v4;
	v14 =	vmul.f32 $1.000000000e+02, v23;
	v23 =	vmul.f32 $1.000000000e+02, v26  }
0xac: {  	vm9 =	vge.f32 v16, v4;
	v15 =	vmul.f32 $1.000000000e+02, v33;
	v26 =	vmul.f32 $1.000000000e+02, v34  }
0xad: {  	vm8 =	vge.f32 v17, v4;
	v16 =	vmul.f32 $1.000000000e+02, v35;
	v32 =	vmul.f32 $1.000000000e+02, v36  }
0xae: {  	vm6 =	vge.f32 v13, v4;
	v7 =	vtrunc.f32 v7;
	v17 =	vmul.f32 $1.000000000e+02, v37  }
0xaf: {  	vm5 =	vge.f32 v10, v4;
	v13 =	vtrunc.f32 v24;
	v24 =	vtrunc.f32 v25  }
0xb0: {  	vm3 =	vge.f32 v9, v4;
	v10 =	vtrunc.f32 v27;
	v25 =	vtrunc.f32 v28  }
0xb1: {  	v9 =	vtrunc.f32 v29;
	vm1 =	vge.f32 v18, v4;
	v27 =	vtrunc.f32 v30  }
0xb2: {  	vm0 =	vge.f32 v11, v4;
	v12 =	vtrunc.f32 v12;
	v18 =	vtrunc.f32 v31  }
0xb3: {  	vm2 =	vge.f32 v19, v4;
	v11 =	vtrunc.f32 v14;
	v14 =	vtrunc.f32 v23  }
0xb4: {  	vm4 =	vge.f32 v20, v4;
	v15 =	vtrunc.f32 v15;
	v19 =	vtrunc.f32 v26  }
0xb5: {  	vm7 =	vge.f32 v21, v4;
	v16 =	vtrunc.f32 v16;
	v7 =	vcvt.f32.s32 v7  }
0xb6: {  	vm10 =	vge.f32 v22, v4;
	v20 =	vtrunc.f32 v32;
	v13 =	vcvt.f32.s32 v13  }
0xb7: {  	v21 =	vcvt.f32.s32 v24;
	v7 =	vshll.u32 v7, $0x4;
	v17 =	vtrunc.f32 v17  }
0xb8: {  	v10 =	vcvt.f32.s32 v10;
	v13 =	vshll.u32 v13, $0x4;
	v7 =	vor.u32 v1, v7  }
0xb9: {  	v22 =	vcvt.f32.s32 v25;
	v21 =	vshll.u32 v21, $0x4;
	v13 =	vor.u32 v1, v13  }
0xba: {  	v9 =	vcvt.f32.s32 v9;
	v10 =	vshll.u32 v10, $0x4;
	v21 =	vor.u32 v1, v21  }
0xbb: {  	v10 =	vor.u32 v1, v10;
	v23 =	vcvt.f32.s32 v27;
	v22 =	vshll.u32 v22, $0x4  }
0xbc: {  	v12 =	vcvt.f32.s32 v12;
	v9 =	vshll.u32 v9, $0x4;
	v22 =	vor.u32 v1, v22  }
0xbd: {  	v18 =	vcvt.f32.s32 v18;
	v23 =	vshll.u32 v23, $0x4;
	[tilespmem:v7+s15+$0x0] =	vst.idx.add.f32.msk vm13, v2;
	v7 =	vor.u32 v1, v9  }
0xbe: {  	v9 =	vcvt.f32.s32 v11;
	v11 =	vshll.u32 v12, $0x4;
	v12 =	vor.u32 v1, v23;
	[tilespmem:v13+s15+$0x0] =	vst.idx.add.f32.msk vm12, v2  }
0xbf: {  	v13 =	vcvt.f32.s32 v14;
	v14 =	vshll.u32 v18, $0x4;
	v11 =	vor.u32 v1, v11;
	[tilespmem:v21+s15+$0x0] =	vst.idx.add.f32.msk vm11, v2  }
0xc0: {  	v15 =	vcvt.f32.s32 v15;
	v9 =	vshll.u32 v9, $0x4;
	[tilespmem:v10+s15+$0x0] =	vst.idx.add.f32.msk vm9, v2;
	v10 =	vor.u32 v1, v14  }
0xc1: {  	v14 =	vcvt.f32.s32 v19;
	v13 =	vshll.u32 v13, $0x4;
	v9 =	vor.u32 v1, v9;
	[tilespmem:v22+s15+$0x0] =	vst.idx.add.f32.msk vm8, v2  }
0xc2: {  	v16 =	vcvt.f32.s32 v16;
	v15 =	vshll.u32 v15, $0x4;
	[tilespmem:v7+s15+$0x0] =	vst.idx.add.f32.msk vm6, v2;
	v7 =	vor.u32 v1, v13  }
0xc3: {  	v13 =	vcvt.f32.s32 v20;
	v14 =	vshll.u32 v14, $0x4;
	[tilespmem:v12+s15+$0x0] =	vst.idx.add.f32.msk vm5, v2;
	v12 =	vor.u32 v1, v15  }
0xc4: {  	v16 =	vshll.u32 v16, $0x4;
	v15 =	vcvt.f32.s32 v17;
	[tilespmem:v11+s15+$0x0] =	vst.idx.add.f32.msk vm3, v2;
	v11 =	vor.u32 v1, v14  }
0xc5: {  	v13 =	vshll.u32 v13, $0x4;
	vm3 =	vge.f32 v8, v4;
	v8 =	vor.u32 v1, v16;
	[tilespmem:v10+s15+$0x0] =	vst.idx.add.f32.msk vm1, v2  }
0xc6: {  	v10 =	vshll.u32 v15, $0x4;
	vm1 =	vge.f32 v6, v4;
	v6 =	vor.u32 v1, v13;
	[tilespmem:v9+s15+$0x0] =	vst.idx.add.f32.msk vm0, v2  }
0xc7: {  	[tilespmem:v7+s15+$0x0] =	vst.idx.add.f32.msk vm2, v2;
	v7 =	vor.u32 v1, v10  }
0xc8: {  	[tilespmem:v12+s15+$0x0] =	vst.idx.add.f32.msk vm4, v2  }
0xc9: {  	[tilespmem:v11+s15+$0x0] =	vst.idx.add.f32.msk vm7, v2  }
0xca: {  	[tilespmem:v8+s15+$0x0] =	vst.idx.add.f32.msk vm10, v2  }
0xcb: {  	[tilespmem:v6+s15+$0x0] =	vst.idx.add.f32.msk vm3, v2  }
0xcc: {  	[tilespmem:v7+s15+$0x0] =	vst.idx.add.f32.msk vm1, v2  }
0xcd: {  	v21 =	vld [tilespmem:s24+$0x800]  }
0xce: {  	v20 =	vld [tilespmem:s24+$0x810]  }
0xcf: {  	v19 =	vld [tilespmem:s24+$0x820]  }
0xd0: {  	v18 =	vld [tilespmem:s24+$0x830]  }
0xd1: {  	v12 =	vld [tilespmem:s24+$0x840]  }
0xd2: {  	v14 =	vld [tilespmem:s24+$0x850]  }
0xd3: {  	v15 =	vld [tilespmem:s24+$0x860]  }
0xd4: {  	v16 =	vld [tilespmem:s24+$0x870]  }
0xd5: {  	v17 =	vld [tilespmem:s24+$0xC00]  }
0xd6: {  	v13 =	vld [tilespmem:s24+$0xC10]  }
0xd7: {  	v7 =	vsub.f32 v21, v4;
	v23 =	vsub.f32 v20, v4;
	v10 =	vld [tilespmem:s24+$0xC20]  }
0xd8: {  	v24 =	vsub.f32 v19, v4;
	v25 =	vsub.f32 v18, v4;
	v9 =	vld [tilespmem:s24+$0xC30]  }
0xd9: {  	v26 =	vsub.f32 v12, v4;
	v27 =	vsub.f32 v14, v4;
	v8 =	vld [tilespmem:s24+$0xC40]  }
.Ltmp1:
0xda: {  	v28 =	vsub.f32 v15, v4;
	v29 =	vsub.f32 v16, v4;
	v11 =	vld [tilespmem:s24+$0xC50];
	(pc) =	sbr.rel @p0 .LBB2_5-.Ltmp1, $4  }
0xdb: {  	v22 =	vmul.f32 v7, v5;
	v31 =	vsub.f32 v17, v4;
	v6 =	vld [tilespmem:s24+$0xC60];
	v30 =	vsub.f32 v13, v4  }
0xdc: {  	v23 =	vmul.f32 v23, v5;
	v24 =	vmul.f32 v24, v5;
	v7 =	vld [tilespmem:s24+$0xC70];
	v32 =	vsub.f32 v10, v4  }
0xdd: {  	v25 =	vmul.f32 v25, v5;
	v26 =	vmul.f32 v26, v5;
	v33 =	vsub.f32 v9, v4  }
0xde: {  	s22 =	sadd.s32 $0x200, s22;
	v27 =	vmul.f32 v27, v5;
	v28 =	vmul.f32 v28, v5;
	v34 =	vsub.f32 v8, v4  }
0xdf: {  	v29 =	vmul.f32 v29, v5;
	v31 =	vmul.f32 v31, v5  }
0xe0: {  	v30 =	vmul.f32 v30, v5;
	v32 =	vmul.f32 v32, v5  }
0xe1: {  	v33 =	vmul.f32 v33, v5;
	v22 =	vmul.f32 $1.000000000e+02, v22  }
0xe2: {  	v23 =	vmul.f32 $1.000000000e+02, v23;
	v24 =	vmul.f32 $1.000000000e+02, v24  }
0xe3: {  	v35 =	vsub.f32 v11, v4;
	v25 =	vmul.f32 $1.000000000e+02, v25;
	v26 =	vmul.f32 $1.000000000e+02, v26  }
0xe4: {  	vm13 =	vge.f32 v21, v4;
	v34 =	vmul.f32 v34, v5;
	v27 =	vmul.f32 $1.000000000e+02, v27  }
0xe5: {  	vm12 =	vge.f32 v20, v4;
	v28 =	vmul.f32 $1.000000000e+02, v28;
	v35 =	vmul.f32 v35, v5  }
0xe6: {  	vm11 =	vge.f32 v19, v4;
	v21 =	vmul.f32 $1.000000000e+02, v29;
	v29 =	vmul.f32 $1.000000000e+02, v31  }
0xe7: {  	vm6 =	vge.f32 v14, v4;
	v20 =	vmul.f32 $1.000000000e+02, v30;
	v30 =	vmul.f32 $1.000000000e+02, v32  }
0xe8: {  	vm5 =	vge.f32 v15, v4;
	v19 =	vmul.f32 $1.000000000e+02, v33;
	v22 =	vtrunc.f32 v22  }
0xe9: {  	v36 =	vsub.f32 v6, v4;
	v14 =	vtrunc.f32 v23;
	v23 =	vtrunc.f32 v24  }
0xea: {  	vm3 =	vge.f32 v16, v4;
	v15 =	vtrunc.f32 v25;
	v24 =	vtrunc.f32 v26  }
0xeb: {  	vm4 =	vge.f32 v9, v4;
	v36 =	vmul.f32 v36, v5;
	v31 =	vmul.f32 $1.000000000e+02, v34  }
0xec: {  	vm7 =	vge.f32 v8, v4;
	v16 =	vtrunc.f32 v27;
	v25 =	vtrunc.f32 v28  }
0xed: {  	v37 =	vsub.f32 v7, v4;
	v9 =	vcvt.f32.s32 v22;
	v8 =	vcvt.f32.s32 v14  }
0xee: {  	vm9 =	vge.f32 v11, v4;
	v11 =	vcvt.f32.s32 v23;
	v15 =	vcvt.f32.s32 v15  }
0xef: {  	vm10 =	vge.f32 v18, v4;
	v22 =	vcvt.f32.s32 v24;
	v37 =	vmul.f32 v37, v5  }
0xf0: {  	vm1 =	vge.f32 v17, v4;
	v18 =	vmul.f32 $1.000000000e+02, v35;
	v17 =	vtrunc.f32 v21  }
0xf1: {  	vm0 =	vge.f32 v13, v4;
	v21 =	vtrunc.f32 v29;
	v13 =	vtrunc.f32 v20  }
0xf2: {  	vm2 =	vge.f32 v10, v4;
	v20 =	vtrunc.f32 v30;
	v10 =	vtrunc.f32 v19  }
0xf3: {  	vm8 =	vge.f32 v12, v4;
	v16 =	vcvt.f32.s32 v16;
	v23 =	vcvt.f32.s32 v25  }
0xf4: {  	v56 =	vmul.f32 $1.000000000e+02, v36;
	v19 =	vtrunc.f32 v31;
	v9 =	vshll.u32 v9, $0x4  }
0xf5: {  	v8 =	vshll.u32 v8, $0x4;
	v11 =	vshll.u32 v11, $0x4;
	v9 =	vor.u32 v1, v9  }
0xf6: {  	v15 =	vshll.u32 v15, $0x4;
	v22 =	vshll.u32 v22, $0x4;
	v8 =	vor.u32 v1, v8  }
0xf7: {  	v17 =	vcvt.f32.s32 v17;
	v21 =	vcvt.f32.s32 v21;
	v11 =	vor.u32 v1, v11  }
0xf8: {  	v13 =	vcvt.f32.s32 v13;
	v10 =	vcvt.f32.s32 v10;
	v15 =	vor.u32 v1, v15  }
0xf9: {  	v12 =	vmul.f32 $1.000000000e+02, v37;
	v16 =	vshll.u32 v16, $0x4;
	v22 =	vor.u32 v1, v22  }
0xfa: {  	v18 =	vtrunc.f32 v18;
	v23 =	vshll.u32 v23, $0x4;
	[tilespmem:v9+s15+$0x0] =	vst.idx.add.f32.msk vm13, v2;
	v9 =	vor.u32 v1, v16  }
0xfb: {  	v14 =	vtrunc.f32 v56;
	v16 =	vshll.u32 v17, $0x4;
	[tilespmem:v8+s15+$0x0] =	vst.idx.add.f32.msk vm12, v2;
	v8 =	vor.u32 v1, v23  }
0xfc: {  	v17 =	vcvt.f32.s32 v20;
	v20 =	vshll.u32 v21, $0x4;
	[tilespmem:v11+s15+$0x0] =	vst.idx.add.f32.msk vm11, v2;
	v11 =	vor.u32 v1, v16  }
0xfd: {  	v13 =	vshll.u32 v13, $0x4;
	v18 =	vcvt.f32.s32 v18;
	[tilespmem:v15+s15+$0x0] =	vst.idx.add.f32.msk vm10, v2;
	v15 =	vor.u32 v1, v20  }
0xfe: {  	v13 =	vor.u32 v1, v13;
	v16 =	vcvt.f32.s32 v19;
	v17 =	vshll.u32 v17, $0x4;
	[tilespmem:v22+s15+$0x0] =	vst.idx.add.f32.msk vm8, v2  }
0xff: {  	v10 =	vshll.u32 v10, $0x4;
	v12 =	vtrunc.f32 v12;
	[tilespmem:v9+s15+$0x0] =	vst.idx.add.f32.msk vm6, v2;
	v9 =	vor.u32 v1, v17  }
0x100: {  	v14 =	vcvt.f32.s32 v14;
	v16 =	vshll.u32 v16, $0x4;
	[tilespmem:v8+s15+$0x0] =	vst.idx.add.f32.msk vm5, v2;
	v8 =	vor.u32 v1, v10  }
0x101: {  	v10 =	vcvt.f32.s32 v12;
	v12 =	vshll.u32 v18, $0x4;
	[tilespmem:v11+s15+$0x0] =	vst.idx.add.f32.msk vm3, v2;
	v11 =	vor.u32 v1, v16  }
0x102: {  	v14 =	vshll.u32 v14, $0x4;
	vm12 =	vge.f32 v6, v4;
	v6 =	vor.u32 v1, v12;
	[tilespmem:v15+s15+$0x0] =	vst.idx.add.f32.msk vm1, v2  }
0x103: {  	vm13 =	vge.f32 v7, v4;
	v7 =	vor.u32 v1, v14;
	v10 =	vshll.u32 v10, $0x4;
	[tilespmem:v13+s15+$0x0] =	vst.idx.add.f32.msk vm0, v2  }
0x104: {  	[tilespmem:v9+s15+$0x0] =	vst.idx.add.f32.msk vm2, v2;
	v9 =	vor.u32 v1, v10  }
0x105: {  	[tilespmem:v8+s15+$0x0] =	vst.idx.add.f32.msk vm4, v2  }
0x106: {  	p0 =	seq.s32 s21, $0xB;
	[tilespmem:v11+s15+$0x0] =	vst.idx.add.f32.msk vm7, v2  }
0x107: {  	s22 =	sshll.u32 @!p0 s21, $0x1;
	[tilespmem:v6+s15+$0x0] =	vst.idx.add.f32.msk vm9, v2  }
0x108: {  	s22 =	sadd.s32 @!p0 $0x2, s22;
	[tilespmem:v7+s15+$0x0] =	vst.idx.add.f32.msk vm12, v2  }
0x109: {  	s23 =	sshrl.u32 @!p0 s22, $0x3;
	s22 =	sshll.u32 @!p0 s22, $0xC;
	[tilespmem:v9+s15+$0x0] =	vst.idx.add.f32.msk vm13, v2  }
0x10a: {  	s23 =	sadd.s32 @!p0 s6, s23;
	s22 =	sand.u32 @!p0 $0x6000, s22;
	_ =	swait.ge [sflag:s16], $0x8000  }
0x10b: {  	s23 =	sshll.u32 @!p0 s23, $0xF;
	s22 =	sadd.s32 @!p0 s1, s22;
	[sflag:s16] =	ssyncset.done $0x0  }
0x10c: {  	s22 =	sadd.s32 @!p0 s23, s22;
	s23 =	simm.s32 @!p0 $0x0;
	[sflag:s16] =	ssyncadd.s32 $0xFFFF8000  }
0x10d: {  	[tilespmem:s23], [sflag:$0x1] =	stream.linear.gather @!p0 [hbm4b:s22+s23], $0x8000, $0x38;
	[tilespmem:$0x10700] =	vst v63  }
0x10e: {  	s22 =	simm.s32 $0x0  }
0x10f: {  	s31 =	sand.u32 $0x7000, s22;
	s24 =	sand.u32 $0x380, s22  }
0x110: {  	s23 =	sor.u32 s24, s31  }
0x111: {  	v6 =	vld [tilespmem:s23+$0x8000]  }
0x112: {  	v7 =	vld [tilespmem:s23+$0x8010]  }
0x113: {  	v8 =	vld [tilespmem:s23+$0x8020]  }
0x114: {  	v9 =	vld [tilespmem:s23+$0x8030]  }
0x115: {  	v10 =	vld [tilespmem:s23+$0x8040]  }
0x116: {  	v11 =	vld [tilespmem:s23+$0x8050]  }
0x117: {  	v12 =	vld [tilespmem:s23+$0x8060]  }
0x118: {  	v13 =	vld [tilespmem:s23+$0x8070]  }
0x119: {  	v14 =	vld [tilespmem:s23+$0x8400]  }
0x11a: {  	v15 =	vld [tilespmem:s23+$0x8410]  }
0x11b: {  	v16 =	vld [tilespmem:s23+$0x8420];
	v17 =	vsub.f32 v6, v4;
	v18 =	vsub.f32 v7, v4  }
0x11c: {  	v19 =	vld [tilespmem:s23+$0x8430];
	v20 =	vsub.f32 v8, v4;
	v21 =	vsub.f32 v9, v4  }
0x11d: {  	v22 =	vld [tilespmem:s23+$0x8440];
	v23 =	vsub.f32 v10, v4;
	v24 =	vsub.f32 v11, v4  }
0x11e: {  	v25 =	vld [tilespmem:s23+$0x8450];
	v26 =	vsub.f32 v12, v4;
	v27 =	vsub.f32 v13, v4  }
0x11f: {  	v28 =	vld [tilespmem:s23+$0x8460];
	v29 =	vsub.f32 v14, v4;
	v30 =	vsub.f32 v15, v4;
	v17 =	vmul.f32 v17, v5  }
0x120: {  	v31 =	vld [tilespmem:s23+$0x8470];
	v57 =	vsub.f32 v16, v4;
	v18 =	vmul.f32 v18, v5;
	v20 =	vmul.f32 v20, v5  }
0x121: {  	v58 =	vsub.f32 v19, v4;
	v21 =	vmul.f32 v21, v5;
	v23 =	vmul.f32 v23, v5  }
0x122: {  	v59 =	vsub.f32 v22, v4;
	v24 =	vmul.f32 v24, v5;
	v26 =	vmul.f32 v26, v5  }
0x123: {  	v60 =	vsub.f32 v25, v4;
	v27 =	vmul.f32 v27, v5;
	v29 =	vmul.f32 v29, v5  }
0x124: {  	v61 =	vsub.f32 v28, v4;
	v30 =	vmul.f32 v30, v5;
	v32 =	vmul.f32 v57, v5  }
0x125: {  	v62 =	vsub.f32 v31, v4;
	v33 =	vmul.f32 v58, v5;
	v34 =	vmul.f32 v59, v5  }
0x126: {  	v35 =	vmul.f32 v60, v5;
	v36 =	vmul.f32 v61, v5  }
0x127: {  	v37 =	vmul.f32 v62, v5;
	v17 =	vmul.f32 $1.000000000e+02, v17  }
0x128: {  	v18 =	vmul.f32 $1.000000000e+02, v18;
	v20 =	vmul.f32 $1.000000000e+02, v20  }
0x129: {  	v21 =	vmul.f32 $1.000000000e+02, v21;
	v23 =	vmul.f32 $1.000000000e+02, v23  }
0x12a: {  	vm13 =	vge.f32 v6, v4;
	v24 =	vmul.f32 $1.000000000e+02, v24;
	v26 =	vmul.f32 $1.000000000e+02, v26  }
0x12b: {  	vm12 =	vge.f32 v7, v4;
	v6 =	vmul.f32 $1.000000000e+02, v27;
	v27 =	vmul.f32 $1.000000000e+02, v29  }
0x12c: {  	vm11 =	vge.f32 v8, v4;
	v7 =	vmul.f32 $1.000000000e+02, v30;
	v29 =	vmul.f32 $1.000000000e+02, v32  }
0x12d: {  	vm9 =	vge.f32 v9, v4;
	v8 =	vmul.f32 $1.000000000e+02, v33;
	v30 =	vmul.f32 $1.000000000e+02, v34  }
0x12e: {  	vm8 =	vge.f32 v10, v4;
	v9 =	vmul.f32 $1.000000000e+02, v35;
	v63 =	vmul.f32 $1.000000000e+02, v36  }
0x12f: {  	vm6 =	vge.f32 v11, v4;
	v10 =	vmul.f32 $1.000000000e+02, v37;
	v17 =	vtrunc.f32 v17  }
0x130: {  	vm5 =	vge.f32 v12, v4;
	v11 =	vtrunc.f32 v18;
	v18 =	vtrunc.f32 v20  }
0x131: {  	vm14 =	vge.f32 v13, v4;
	v12 =	vtrunc.f32 v21;
	v20 =	vtrunc.f32 v23  }
0x132: {  	vm15 =	vge.f32 v14, v4;
	v13 =	vtrunc.f32 v24;
	v21 =	vtrunc.f32 v26  }
0x133: {  	vm0 =	vge.f32 v15, v4;
	v6 =	vtrunc.f32 v6;
	v14 =	vtrunc.f32 v27  }
0x134: {  	vm2 =	vge.f32 v16, v4;
	v7 =	vtrunc.f32 v7;
	v15 =	vtrunc.f32 v29  }
0x135: {  	vm4 =	vge.f32 v19, v4;
	v8 =	vtrunc.f32 v8;
	v16 =	vtrunc.f32 v30  }
0x136: {  	vm7 =	vge.f32 v22, v4;
	v9 =	vtrunc.f32 v9;
	v17 =	vcvt.f32.s32 v17  }
0x137: {  	vm10 =	vge.f32 v25, v4;
	v19 =	vtrunc.f32 v63;
	v11 =	vcvt.f32.s32 v11  }
0x138: {  	v10 =	vtrunc.f32 v10;
	v18 =	vcvt.f32.s32 v18;
	v17 =	vshll.u32 v17, $0x4  }
0x139: {  	v12 =	vcvt.f32.s32 v12;
	v11 =	vshll.u32 v11, $0x4;
	v17 =	vor.u32 v1, v17  }
0x13a: {  	v20 =	vcvt.f32.s32 v20;
	v18 =	vshll.u32 v18, $0x4;
	v11 =	vor.u32 v1, v11  }
0x13b: {  	v13 =	vcvt.f32.s32 v13;
	v12 =	vshll.u32 v12, $0x4;
	v18 =	vor.u32 v1, v18  }
0x13c: {  	v21 =	vcvt.f32.s32 v21;
	v20 =	vshll.u32 v20, $0x4;
	v12 =	vor.u32 v1, v12  }
0x13d: {  	v6 =	vcvt.f32.s32 v6;
	v13 =	vshll.u32 v13, $0x4;
	v20 =	vor.u32 v1, v20  }
0x13e: {  	v14 =	vcvt.f32.s32 v14;
	v21 =	vshll.u32 v21, $0x4;
	v13 =	vor.u32 v1, v13;
	[tilespmem:v17+s15+$0x0] =	vst.idx.add.f32.msk vm13, v2  }
0x13f: {  	v7 =	vcvt.f32.s32 v7;
	v6 =	vshll.u32 v6, $0x4;
	[tilespmem:v11+s15+$0x0] =	vst.idx.add.f32.msk vm12, v2;
	v11 =	vor.u32 v1, v21  }
0x140: {  	v15 =	vcvt.f32.s32 v15;
	v14 =	vshll.u32 v14, $0x4;
	v6 =	vor.u32 v1, v6;
	[tilespmem:v18+s15+$0x0] =	vst.idx.add.f32.msk vm11, v2  }
0x141: {  	v8 =	vcvt.f32.s32 v8;
	v7 =	vshll.u32 v7, $0x4;
	[tilespmem:v12+s15+$0x0] =	vst.idx.add.f32.msk vm9, v2;
	v12 =	vor.u32 v1, v14  }
0x142: {  	v15 =	vshll.u32 v15, $0x4;
	v7 =	vor.u32 v1, v7;
	v14 =	vcvt.f32.s32 v16;
	[tilespmem:v20+s15+$0x0] =	vst.idx.add.f32.msk vm8, v2  }
0x143: {  	v9 =	vcvt.f32.s32 v9;
	v8 =	vshll.u32 v8, $0x4;
	[tilespmem:v13+s15+$0x0] =	vst.idx.add.f32.msk vm6, v2;
	v13 =	vor.u32 v1, v15  }
0x144: {  	v8 =	vor.u32 v1, v8;
	v15 =	vcvt.f32.s32 v19;
	v14 =	vshll.u32 v14, $0x4;
	[tilespmem:v11+s15+$0x0] =	vst.idx.add.f32.msk vm5, v2  }
0x145: {  	v10 =	vcvt.f32.s32 v10;
	v9 =	vshll.u32 v9, $0x4;
	[tilespmem:v6+s15+$0x0] =	vst.idx.add.f32.msk vm14, v2;
	v6 =	vor.u32 v1, v14  }
0x146: {  	v9 =	vor.u32 v1, v9;
	v11 =	vshll.u32 v15, $0x4;
	vm14 =	vge.f32 v28, v4;
	[tilespmem:v12+s15+$0x0] =	vst.idx.add.f32.msk vm15, v2  }
0x147: {  	v10 =	vshll.u32 v10, $0x4;
	vm15 =	vge.f32 v31, v4;
	[tilespmem:v7+s15+$0x0] =	vst.idx.add.f32.msk vm0, v2;
	v7 =	vor.u32 v1, v11  }
0x148: {  	v10 =	vor.u32 v1, v10;
	[tilespmem:v13+s15+$0x0] =	vst.idx.add.f32.msk vm2, v2  }
0x149: {  	[tilespmem:v8+s15+$0x0] =	vst.idx.add.f32.msk vm4, v2  }
0x14a: {  	[tilespmem:v6+s15+$0x0] =	vst.idx.add.f32.msk vm7, v2  }
0x14b: {  	[tilespmem:v9+s15+$0x0] =	vst.idx.add.f32.msk vm10, v2  }
0x14c: {  	[tilespmem:v7+s15+$0x0] =	vst.idx.add.f32.msk vm14, v2  }
0x14d: {  	[tilespmem:v10+s15+$0x0] =	vst.idx.add.f32.msk vm15, v2  }
0x14e: {  	v21 =	vld [tilespmem:s23+$0x8800]  }
0x14f: {  	v20 =	vld [tilespmem:s23+$0x8810]  }
0x150: {  	v19 =	vld [tilespmem:s23+$0x8820]  }
0x151: {  	v18 =	vld [tilespmem:s23+$0x8830]  }
0x152: {  	v12 =	vld [tilespmem:s23+$0x8840]  }
0x153: {  	v13 =	vld [tilespmem:s23+$0x8850]  }
0x154: {  	v15 =	vld [tilespmem:s23+$0x8860]  }
0x155: {  	v16 =	vld [tilespmem:s23+$0x8870]  }
0x156: {  	v17 =	vld [tilespmem:s23+$0x8C00]  }
0x157: {  	v14 =	vld [tilespmem:s23+$0x8C10]  }
0x158: {  	v10 =	vld [tilespmem:s23+$0x8C20];
	v6 =	vsub.f32 v21, v4;
	v7 =	vsub.f32 v20, v4  }
0x159: {  	v9 =	vld [tilespmem:s23+$0x8C30];
	v24 =	vsub.f32 v19, v4;
	v25 =	vsub.f32 v18, v4  }
0x15a: {  	v8 =	vld [tilespmem:s23+$0x8C40];
	v26 =	vsub.f32 v12, v4;
	v27 =	vsub.f32 v13, v4  }
0x15b: {  	v11 =	vld [tilespmem:s23+$0x8C50];
	v28 =	vsub.f32 v15, v4;
	v29 =	vsub.f32 v16, v4  }
0x15c: {  	v31 =	vsub.f32 v17, v4;
	v30 =	vsub.f32 v14, v4;
	v22 =	vmul.f32 v6, v5;
	v6 =	vld [tilespmem:s23+$0x8C60]  }
0x15d: {  	v32 =	vsub.f32 v10, v4;
	v23 =	vmul.f32 v7, v5;
	v24 =	vmul.f32 v24, v5;
	v7 =	vld [tilespmem:s23+$0x8C70]  }
0x15e: {  	v33 =	vsub.f32 v9, v4;
	v25 =	vmul.f32 v25, v5;
	v26 =	vmul.f32 v26, v5  }
0x15f: {  	v34 =	vsub.f32 v8, v4;
	v27 =	vmul.f32 v27, v5;
	v28 =	vmul.f32 v28, v5;
	s23 =	simm.s32 $0x200  }
.LBB2_7:
0x160: {  	p0 =	sne.s32 s23, $0x7E00;
	v29 =	vmul.f32 v29, v5;
	v31 =	vmul.f32 v31, v5;
	v35 =	vsub.f32 v11, v4  }
0x161: {  	v30 =	vmul.f32 v30, v5;
	v32 =	vmul.f32 v32, v5;
	v36 =	vsub.f32 v6, v4  }
0x162: {  	v33 =	vmul.f32 v33, v5;
	v34 =	vmul.f32 v34, v5;
	v37 =	vsub.f32 v7, v4  }
0x163: {  	v35 =	vmul.f32 v35, v5;
	v36 =	vmul.f32 v36, v5  }
0x164: {  	v22 =	vmul.f32 $1.000000000e+02, v22;
	v37 =	vmul.f32 v37, v5  }
0x165: {  	v23 =	vmul.f32 $1.000000000e+02, v23;
	v24 =	vmul.f32 $1.000000000e+02, v24  }
0x166: {  	v25 =	vmul.f32 $1.000000000e+02, v25;
	v26 =	vmul.f32 $1.000000000e+02, v26  }
0x167: {  	vm2 =	vge.f32 v21, v4;
	v27 =	vmul.f32 $1.000000000e+02, v27;
	v28 =	vmul.f32 $1.000000000e+02, v28  }
0x168: {  	vm1 =	vge.f32 v20, v4;
	v21 =	vmul.f32 $1.000000000e+02, v29;
	v29 =	vmul.f32 $1.000000000e+02, v31  }
0x169: {  	vm0 =	vge.f32 v19, v4;
	s22 =	sadd.s32 $0x80, s22;
	v20 =	vmul.f32 $1.000000000e+02, v30;
	v30 =	vmul.f32 $1.000000000e+02, v32  }
0x16a: {  	s24 =	sand.u32 $0x7000, s23;
	vm3 =	vge.f32 v18, v4;
	s25 =	sand.u32 $0x380, s22;
	v19 =	vmul.f32 $1.000000000e+02, v33;
	v31 =	vmul.f32 $1.000000000e+02, v34  }
0x16b: {  	vm4 =	vge.f32 v12, v4;
	s24 =	sor.u32 s25, s24;
	v18 =	vmul.f32 $1.000000000e+02, v35;
	v32 =	vmul.f32 $1.000000000e+02, v36  }
0x16c: {  	vm5 =	vge.f32 v13, v4;
	v22 =	vtrunc.f32 v22;
	v33 =	vmul.f32 $1.000000000e+02, v37;
	v12 =	vld [tilespmem:s24+$0x8000]  }
0x16d: {  	vm6 =	vge.f32 v15, v4;
	v23 =	vtrunc.f32 v23;
	v24 =	vtrunc.f32 v24;
	v13 =	vld [tilespmem:s24+$0x8010]  }
0x16e: {  	vm7 =	vge.f32 v16, v4;
	v25 =	vtrunc.f32 v25;
	v26 =	vtrunc.f32 v26;
	v15 =	vld [tilespmem:s24+$0x8020]  }
0x16f: {  	vm8 =	vge.f32 v17, v4;
	v27 =	vtrunc.f32 v27;
	v28 =	vtrunc.f32 v28;
	v16 =	vld [tilespmem:s24+$0x8030]  }
0x170: {  	vm9 =	vge.f32 v14, v4;
	v34 =	vtrunc.f32 v21;
	v29 =	vtrunc.f32 v29;
	v17 =	vld [tilespmem:s24+$0x8040]  }
0x171: {  	vm10 =	vge.f32 v10, v4;
	v35 =	vtrunc.f32 v20;
	v30 =	vtrunc.f32 v30;
	v14 =	vld [tilespmem:s24+$0x8050]  }
0x172: {  	vm11 =	vge.f32 v9, v4;
	v36 =	vtrunc.f32 v19;
	v31 =	vtrunc.f32 v31;
	v10 =	vld [tilespmem:s24+$0x8060]  }
0x173: {  	vm12 =	vge.f32 v8, v4;
	v19 =	vcvt.f32.s32 v22;
	v37 =	vtrunc.f32 v18;
	v9 =	vld [tilespmem:s24+$0x8070]  }
0x174: {  	vm13 =	vge.f32 v11, v4;
	v8 =	vcvt.f32.s32 v23;
	v23 =	vtrunc.f32 v32;
	v18 =	vld [tilespmem:s24+$0x8400]  }
0x175: {  	v21 =	vcvt.f32.s32 v24;
	v20 =	vshll.u32 v19, $0x4;
	v24 =	vtrunc.f32 v33;
	v11 =	vld [tilespmem:s24+$0x8410]  }
0x176: {  	v22 =	vcvt.f32.s32 v25;
	v8 =	vshll.u32 v8, $0x4;
	v25 =	vor.u32 v1, v20;
	v19 =	vld [tilespmem:s24+$0x8420]  }
0x177: {  	v26 =	vcvt.f32.s32 v26;
	v32 =	vshll.u32 v21, $0x4;
	v33 =	vor.u32 v1, v8;
	v20 =	vld [tilespmem:s24+$0x8430]  }
0x178: {  	v27 =	vcvt.f32.s32 v27;
	v8 =	vshll.u32 v22, $0x4;
	v32 =	vor.u32 v1, v32;
	v21 =	vld [tilespmem:s24+$0x8440]  }
0x179: {  	v28 =	vcvt.f32.s32 v28;
	v26 =	vshll.u32 v26, $0x4;
	v38 =	vor.u32 v1, v8;
	v22 =	vld [tilespmem:s24+$0x8450]  }
0x17a: {  	v34 =	vcvt.f32.s32 v34;
	v27 =	vshll.u32 v27, $0x4;
	v26 =	vor.u32 v1, v26;
	v8 =	vld [tilespmem:s24+$0x8460]  }
0x17b: {  	v29 =	vcvt.f32.s32 v29;
	v28 =	vshll.u32 v28, $0x4;
	[tilespmem:v25+s15+$0x0] =	vst.idx.add.f32.msk vm2, v2;
	v25 =	vor.u32 v1, v27  }
0x17c: {  	v34 =	vshll.u32 v34, $0x4;
	v28 =	vor.u32 v1, v28;
	v27 =	vcvt.f32.s32 v35;
	[tilespmem:v33+s15+$0x0] =	vst.idx.add.f32.msk vm1, v2  }
0x17d: {  	v30 =	vcvt.f32.s32 v30;
	v29 =	vshll.u32 v29, $0x4;
	[tilespmem:v32+s15+$0x0] =	vst.idx.add.f32.msk vm0, v2;
	v32 =	vor.u32 v1, v34  }
0x17e: {  	v29 =	vor.u32 v1, v29;
	v33 =	vcvt.f32.s32 v36;
	v27 =	vshll.u32 v27, $0x4;
	[tilespmem:v38+s15+$0x0] =	vst.idx.add.f32.msk vm3, v2  }
0x17f: {  	v31 =	vcvt.f32.s32 v31;
	v30 =	vshll.u32 v30, $0x4;
	[tilespmem:v26+s15+$0x0] =	vst.idx.add.f32.msk vm4, v2;
	v26 =	vor.u32 v1, v27  }
0x180: {  	v33 =	vshll.u32 v33, $0x4;
	v27 =	vcvt.f32.s32 v37;
	[tilespmem:v25+s15+$0x0] =	vst.idx.add.f32.msk vm5, v2;
	v25 =	vor.u32 v1, v30  }
0x181: {  	v23 =	vcvt.f32.s32 v23;
	v30 =	vshll.u32 v31, $0x4;
	[tilespmem:v28+s15+$0x0] =	vst.idx.add.f32.msk vm6, v2;
	v28 =	vor.u32 v1, v33  }
0x182: {  	v24 =	vcvt.f32.s32 v24;
	v27 =	vshll.u32 v27, $0x4;
	v30 =	vor.u32 v1, v30;
	[tilespmem:v32+s15+$0x0] =	vst.idx.add.f32.msk vm7, v2  }
0x183: {  	v23 =	vshll.u32 v23, $0x4;
	vm0 =	vge.f32 v6, v4;
	v6 =	vor.u32 v1, v27;
	[tilespmem:v29+s15+$0x0] =	vst.idx.add.f32.msk vm8, v2  }
0x184: {  	v24 =	vshll.u32 v24, $0x4;
	vm1 =	vge.f32 v7, v4;
	v7 =	vor.u32 v1, v23;
	[tilespmem:v26+s15+$0x0] =	vst.idx.add.f32.msk vm9, v2  }
0x185: {  	v24 =	vor.u32 v1, v24;
	v23 =	vsub.f32 v12, v4;
	[tilespmem:v25+s15+$0x0] =	vst.idx.add.f32.msk vm10, v2  }
0x186: {  	v26 =	vsub.f32 v15, v4;
	v25 =	vsub.f32 v13, v4;
	[tilespmem:v28+s15+$0x0] =	vst.idx.add.f32.msk vm11, v2  }
0x187: {  	v27 =	vsub.f32 v16, v4;
	v28 =	vsub.f32 v17, v4;
	[tilespmem:v30+s15+$0x0] =	vst.idx.add.f32.msk vm12, v2  }
0x188: {  	v29 =	vsub.f32 v14, v4;
	v30 =	vsub.f32 v10, v4;
	[tilespmem:v6+s15+$0x0] =	vst.idx.add.f32.msk vm13, v2  }
0x189: {  	v31 =	vsub.f32 v9, v4;
	v32 =	vsub.f32 v18, v4;
	[tilespmem:v7+s15+$0x0] =	vst.idx.add.f32.msk vm0, v2  }
0x18a: {  	v7 =	vmul.f32 v23, v5;
	v23 =	vsub.f32 v11, v4;
	[tilespmem:v24+s15+$0x0] =	vst.idx.add.f32.msk vm1, v2  }
0x18b: {  	v24 =	vmul.f32 v25, v5;
	v25 =	vmul.f32 v26, v5;
	v26 =	vsub.f32 v19, v4;
	v6 =	vld [tilespmem:s24+$0x8470]  }
0x18c: {  	v33 =	vsub.f32 v20, v4;
	v27 =	vmul.f32 v27, v5;
	v28 =	vmul.f32 v28, v5  }
0x18d: {  	v34 =	vsub.f32 v21, v4;
	v29 =	vmul.f32 v29, v5;
	v30 =	vmul.f32 v30, v5  }
0x18e: {  	v35 =	vsub.f32 v22, v4;
	v31 =	vmul.f32 v31, v5;
	v32 =	vmul.f32 v32, v5  }
0x18f: {  	v36 =	vsub.f32 v8, v4;
	v23 =	vmul.f32 v23, v5;
	v26 =	vmul.f32 v26, v5  }
0x190: {  	v34 =	vmul.f32 v34, v5;
	v33 =	vmul.f32 v33, v5;
	v37 =	vsub.f32 v6, v4  }
0x191: {  	v35 =	vmul.f32 v35, v5;
	v36 =	vmul.f32 v36, v5  }
0x192: {  	v7 =	vmul.f32 $1.000000000e+02, v7;
	v37 =	vmul.f32 v37, v5  }
0x193: {  	v24 =	vmul.f32 $1.000000000e+02, v24;
	v25 =	vmul.f32 $1.000000000e+02, v25  }
0x194: {  	v27 =	vmul.f32 $1.000000000e+02, v27;
	v28 =	vmul.f32 $1.000000000e+02, v28  }
0x195: {  	v29 =	vmul.f32 $1.000000000e+02, v29;
	vm13 =	vge.f32 v12, v4;
	v30 =	vmul.f32 $1.000000000e+02, v30  }
0x196: {  	vm12 =	vge.f32 v13, v4;
	v12 =	vmul.f32 $1.000000000e+02, v31;
	v31 =	vmul.f32 $1.000000000e+02, v32  }
0x197: {  	vm11 =	vge.f32 v15, v4;
	v13 =	vmul.f32 $1.000000000e+02, v23;
	v23 =	vmul.f32 $1.000000000e+02, v26  }
0x198: {  	vm9 =	vge.f32 v16, v4;
	v15 =	vmul.f32 $1.000000000e+02, v33;
	v26 =	vmul.f32 $1.000000000e+02, v34  }
0x199: {  	vm8 =	vge.f32 v17, v4;
	v16 =	vmul.f32 $1.000000000e+02, v35;
	v32 =	vmul.f32 $1.000000000e+02, v36  }
0x19a: {  	vm6 =	vge.f32 v14, v4;
	v7 =	vtrunc.f32 v7;
	v17 =	vmul.f32 $1.000000000e+02, v37  }
0x19b: {  	vm5 =	vge.f32 v10, v4;
	v14 =	vtrunc.f32 v24;
	v24 =	vtrunc.f32 v25  }
0x19c: {  	vm3 =	vge.f32 v9, v4;
	v10 =	vtrunc.f32 v27;
	v25 =	vtrunc.f32 v28  }
0x19d: {  	v9 =	vtrunc.f32 v29;
	vm1 =	vge.f32 v18, v4;
	v27 =	vtrunc.f32 v30  }
0x19e: {  	vm0 =	vge.f32 v11, v4;
	v12 =	vtrunc.f32 v12;
	v18 =	vtrunc.f32 v31  }
0x19f: {  	vm2 =	vge.f32 v19, v4;
	v11 =	vtrunc.f32 v13;
	v13 =	vtrunc.f32 v23  }
0x1a0: {  	vm4 =	vge.f32 v20, v4;
	v15 =	vtrunc.f32 v15;
	v19 =	vtrunc.f32 v26  }
0x1a1: {  	vm7 =	vge.f32 v21, v4;
	v16 =	vtrunc.f32 v16;
	v7 =	vcvt.f32.s32 v7  }
0x1a2: {  	vm10 =	vge.f32 v22, v4;
	v20 =	vtrunc.f32 v32;
	v14 =	vcvt.f32.s32 v14  }
0x1a3: {  	v21 =	vcvt.f32.s32 v24;
	v7 =	vshll.u32 v7, $0x4;
	v17 =	vtrunc.f32 v17  }
0x1a4: {  	v10 =	vcvt.f32.s32 v10;
	v14 =	vshll.u32 v14, $0x4;
	v7 =	vor.u32 v1, v7  }
0x1a5: {  	v22 =	vcvt.f32.s32 v25;
	v21 =	vshll.u32 v21, $0x4;
	v14 =	vor.u32 v1, v14  }
0x1a6: {  	v9 =	vcvt.f32.s32 v9;
	v10 =	vshll.u32 v10, $0x4;
	v21 =	vor.u32 v1, v21  }
0x1a7: {  	v10 =	vor.u32 v1, v10;
	v23 =	vcvt.f32.s32 v27;
	v22 =	vshll.u32 v22, $0x4  }
0x1a8: {  	v12 =	vcvt.f32.s32 v12;
	v9 =	vshll.u32 v9, $0x4;
	v22 =	vor.u32 v1, v22  }
0x1a9: {  	v18 =	vcvt.f32.s32 v18;
	v23 =	vshll.u32 v23, $0x4;
	[tilespmem:v7+s15+$0x0] =	vst.idx.add.f32.msk vm13, v2;
	v7 =	vor.u32 v1, v9  }
0x1aa: {  	v9 =	vcvt.f32.s32 v11;
	v11 =	vshll.u32 v12, $0x4;
	v12 =	vor.u32 v1, v23;
	[tilespmem:v14+s15+$0x0] =	vst.idx.add.f32.msk vm12, v2  }
0x1ab: {  	v13 =	vcvt.f32.s32 v13;
	v14 =	vshll.u32 v18, $0x4;
	v11 =	vor.u32 v1, v11;
	[tilespmem:v21+s15+$0x0] =	vst.idx.add.f32.msk vm11, v2  }
0x1ac: {  	v15 =	vcvt.f32.s32 v15;
	v9 =	vshll.u32 v9, $0x4;
	[tilespmem:v10+s15+$0x0] =	vst.idx.add.f32.msk vm9, v2;
	v10 =	vor.u32 v1, v14  }
0x1ad: {  	v13 =	vshll.u32 v13, $0x4;
	v14 =	vcvt.f32.s32 v19;
	v9 =	vor.u32 v1, v9;
	[tilespmem:v22+s15+$0x0] =	vst.idx.add.f32.msk vm8, v2  }
0x1ae: {  	v16 =	vcvt.f32.s32 v16;
	v15 =	vshll.u32 v15, $0x4;
	[tilespmem:v7+s15+$0x0] =	vst.idx.add.f32.msk vm6, v2;
	v7 =	vor.u32 v1, v13  }
0x1af: {  	v13 =	vcvt.f32.s32 v20;
	v14 =	vshll.u32 v14, $0x4;
	[tilespmem:v12+s15+$0x0] =	vst.idx.add.f32.msk vm5, v2;
	v12 =	vor.u32 v1, v15  }
0x1b0: {  	v16 =	vshll.u32 v16, $0x4;
	v15 =	vcvt.f32.s32 v17;
	[tilespmem:v11+s15+$0x0] =	vst.idx.add.f32.msk vm3, v2;
	v11 =	vor.u32 v1, v14  }
0x1b1: {  	v13 =	vshll.u32 v13, $0x4;
	vm3 =	vge.f32 v8, v4;
	v8 =	vor.u32 v1, v16;
	[tilespmem:v10+s15+$0x0] =	vst.idx.add.f32.msk vm1, v2  }
0x1b2: {  	v10 =	vshll.u32 v15, $0x4;
	vm1 =	vge.f32 v6, v4;
	v6 =	vor.u32 v1, v13;
	[tilespmem:v9+s15+$0x0] =	vst.idx.add.f32.msk vm0, v2  }
0x1b3: {  	[tilespmem:v7+s15+$0x0] =	vst.idx.add.f32.msk vm2, v2;
	v7 =	vor.u32 v1, v10  }
0x1b4: {  	[tilespmem:v12+s15+$0x0] =	vst.idx.add.f32.msk vm4, v2  }
0x1b5: {  	[tilespmem:v11+s15+$0x0] =	vst.idx.add.f32.msk vm7, v2  }
0x1b6: {  	[tilespmem:v8+s15+$0x0] =	vst.idx.add.f32.msk vm10, v2  }
0x1b7: {  	[tilespmem:v6+s15+$0x0] =	vst.idx.add.f32.msk vm3, v2  }
0x1b8: {  	[tilespmem:v7+s15+$0x0] =	vst.idx.add.f32.msk vm1, v2  }
0x1b9: {  	v21 =	vld [tilespmem:s24+$0x8800]  }
0x1ba: {  	v20 =	vld [tilespmem:s24+$0x8810]  }
0x1bb: {  	v19 =	vld [tilespmem:s24+$0x8820]  }
0x1bc: {  	v18 =	vld [tilespmem:s24+$0x8830]  }
0x1bd: {  	v12 =	vld [tilespmem:s24+$0x8840]  }
0x1be: {  	v13 =	vld [tilespmem:s24+$0x8850]  }
0x1bf: {  	v15 =	vld [tilespmem:s24+$0x8860]  }
0x1c0: {  	v16 =	vld [tilespmem:s24+$0x8870]  }
0x1c1: {  	v17 =	vld [tilespmem:s24+$0x8C00]  }
0x1c2: {  	v14 =	vld [tilespmem:s24+$0x8C10]  }
0x1c3: {  	v7 =	vsub.f32 v21, v4;
	v23 =	vsub.f32 v20, v4;
	v10 =	vld [tilespmem:s24+$0x8C20]  }
0x1c4: {  	v24 =	vsub.f32 v19, v4;
	v25 =	vsub.f32 v18, v4;
	v9 =	vld [tilespmem:s24+$0x8C30]  }
0x1c5: {  	v26 =	vsub.f32 v12, v4;
	v27 =	vsub.f32 v13, v4;
	v8 =	vld [tilespmem:s24+$0x8C40]  }
.Ltmp2:
0x1c6: {  	v28 =	vsub.f32 v15, v4;
	v29 =	vsub.f32 v16, v4;
	v11 =	vld [tilespmem:s24+$0x8C50];
	(pc) =	sbr.rel @p0 .LBB2_7-.Ltmp2, $4  }
0x1c7: {  	v22 =	vmul.f32 v7, v5;
	v31 =	vsub.f32 v17, v4;
	v6 =	vld [tilespmem:s24+$0x8C60];
	v30 =	vsub.f32 v14, v4  }
0x1c8: {  	v23 =	vmul.f32 v23, v5;
	v24 =	vmul.f32 v24, v5;
	v7 =	vld [tilespmem:s24+$0x8C70];
	v32 =	vsub.f32 v10, v4  }
0x1c9: {  	v25 =	vmul.f32 v25, v5;
	v26 =	vmul.f32 v26, v5;
	v33 =	vsub.f32 v9, v4  }
0x1ca: {  	s23 =	sadd.s32 $0x200, s23;
	v27 =	vmul.f32 v27, v5;
	v28 =	vmul.f32 v28, v5;
	v34 =	vsub.f32 v8, v4  }
0x1cb: {  	v29 =	vmul.f32 v29, v5;
	v31 =	vmul.f32 v31, v5  }
0x1cc: {  	v30 =	vmul.f32 v30, v5;
	v32 =	vmul.f32 v32, v5  }
0x1cd: {  	v33 =	vmul.f32 v33, v5;
	v22 =	vmul.f32 $1.000000000e+02, v22  }
0x1ce: {  	v23 =	vmul.f32 $1.000000000e+02, v23;
	v24 =	vmul.f32 $1.000000000e+02, v24  }
0x1cf: {  	v35 =	vsub.f32 v11, v4;
	v25 =	vmul.f32 $1.000000000e+02, v25;
	v26 =	vmul.f32 $1.000000000e+02, v26  }
0x1d0: {  	vm13 =	vge.f32 v21, v4;
	vm12 =	vge.f32 v20, v4;
	v34 =	vmul.f32 v34, v5  }
0x1d1: {  	vm11 =	vge.f32 v19, v4;
	v27 =	vmul.f32 $1.000000000e+02, v27;
	v28 =	vmul.f32 $1.000000000e+02, v28  }
0x1d2: {  	vm9 =	vge.f32 v18, v4;
	v35 =	vmul.f32 v35, v5;
	v54 =	vmul.f32 $1.000000000e+02, v29  }
0x1d3: {  	vm8 =	vge.f32 v12, v4;
	v55 =	vmul.f32 $1.000000000e+02, v31;
	v56 =	vmul.f32 $1.000000000e+02, v30  }
0x1d4: {  	v36 =	vsub.f32 v6, v4;
	v57 =	vmul.f32 $1.000000000e+02, v32;
	v58 =	vmul.f32 $1.000000000e+02, v33  }
0x1d5: {  	vm6 =	vge.f32 v13, v4;
	v22 =	vtrunc.f32 v22;
	v63 =	vtrunc.f32 v23  }
0x1d6: {  	vm5 =	vge.f32 v15, v4;
	v33 =	vtrunc.f32 v24;
	v36 =	vmul.f32 v36, v5  }
0x1d7: {  	v37 =	vsub.f32 v7, v4;
	v59 =	vmul.f32 $1.000000000e+02, v34;
	v34 =	vtrunc.f32 v25  }
0x1d8: {  	vm3 =	vge.f32 v16, v4;
	v44 =	vcvt.f32.s32 v22;
	v45 =	vcvt.f32.s32 v63  }
0x1d9: {  	vm1 =	vge.f32 v17, v4;
	v47 =	vcvt.f32.s32 v33;
	v37 =	vmul.f32 v37, v5  }
0x1da: {  	vm0 =	vge.f32 v14, v4;
	v60 =	vmul.f32 $1.000000000e+02, v35;
	v35 =	vtrunc.f32 v26  }
0x1db: {  	vm2 =	vge.f32 v10, v4;
	v38 =	vtrunc.f32 v54;
	v39 =	vtrunc.f32 v55  }
0x1dc: {  	vm4 =	vge.f32 v9, v4;
	v40 =	vtrunc.f32 v56;
	v41 =	vtrunc.f32 v57  }
0x1dd: {  	vm7 =	vge.f32 v8, v4;
	v42 =	vtrunc.f32 v58;
	v15 =	vcvt.f32.s32 v34  }
0x1de: {  	vm10 =	vge.f32 v11, v4;
	v61 =	vmul.f32 $1.000000000e+02, v36;
	v36 =	vtrunc.f32 v27  }
0x1df: {  	v43 =	vtrunc.f32 v59;
	v9 =	vshll.u32 v44, $0x4;
	v8 =	vshll.u32 v45, $0x4  }
0x1e0: {  	v48 =	vcvt.f32.s32 v35;
	v11 =	vshll.u32 v47, $0x4;
	v17 =	vcvt.f32.s32 v38  }
0x1e1: {  	v21 =	vcvt.f32.s32 v39;
	v14 =	vcvt.f32.s32 v40;
	v9 =	vor.u32 v1, v9  }
0x1e2: {  	v62 =	vmul.f32 $1.000000000e+02, v37;
	v37 =	vtrunc.f32 v28;
	v8 =	vor.u32 v1, v8  }
0x1e3: {  	v16 =	vcvt.f32.s32 v36;
	v15 =	vshll.u32 v15, $0x4;
	v11 =	vor.u32 v1, v11  }
0x1e4: {  	v49 =	vcvt.f32.s32 v37;
	v22 =	vshll.u32 v48, $0x4;
	v15 =	vor.u32 v1, v15  }
0x1e5: {  	v53 =	vcvt.f32.s32 v41;
	v16 =	vshll.u32 v16, $0x4;
	v22 =	vor.u32 v1, v22  }
0x1e6: {  	v10 =	vcvt.f32.s32 v42;
	v23 =	vshll.u32 v49, $0x4;
	v50 =	vor.u32 v1, v16;
	[tilespmem:v9+s15+$0x0] =	vst.idx.add.f32.msk vm13, v2  }
0x1e7: {  	v18 =	vtrunc.f32 v60;
	v51 =	vshll.u32 v17, $0x4;
	v52 =	vor.u32 v1, v23;
	[tilespmem:v8+s15+$0x0] =	vst.idx.add.f32.msk vm12, v2  }
0x1e8: {  	v57 =	vcvt.f32.s32 v43;
	v54 =	vshll.u32 v21, $0x4;
	v55 =	vor.u32 v1, v51;
	[tilespmem:v11+s15+$0x0] =	vst.idx.add.f32.msk vm11, v2  }
0x1e9: {  	v46 =	vtrunc.f32 v61;
	v14 =	vshll.u32 v14, $0x4;
	v56 =	vor.u32 v1, v54;
	[tilespmem:v15+s15+$0x0] =	vst.idx.add.f32.msk vm9, v2  }
0x1ea: {  	v17 =	vshll.u32 v53, $0x4;
	v18 =	vcvt.f32.s32 v18;
	v14 =	vor.u32 v1, v14;
	[tilespmem:v22+s15+$0x0] =	vst.idx.add.f32.msk vm8, v2  }
0x1eb: {  	v10 =	vshll.u32 v10, $0x4;
	v12 =	vtrunc.f32 v62;
	v58 =	vor.u32 v1, v17;
	[tilespmem:v50+s15+$0x0] =	vst.idx.add.f32.msk vm6, v2  }
0x1ec: {  	v13 =	vcvt.f32.s32 v46;
	v59 =	vor.u32 v1, v10;
	v16 =	vshll.u32 v57, $0x4;
	[tilespmem:v52+s15+$0x0] =	vst.idx.add.f32.msk vm5, v2  }
0x1ed: {  	v60 =	vcvt.f32.s32 v12;
	v61 =	vshll.u32 v18, $0x4;
	v62 =	vor.u32 v1, v16;
	[tilespmem:v55+s15+$0x0] =	vst.idx.add.f32.msk vm3, v2  }
0x1ee: {  	vm14 =	vge.f32 v6, v4;
	v13 =	vshll.u32 v13, $0x4;
	v6 =	vor.u32 v1, v61;
	[tilespmem:v56+s15+$0x0] =	vst.idx.add.f32.msk vm1, v2  }
0x1ef: {  	s21 =	sadd.s32 $0x1, s21;
	vm15 =	vge.f32 v7, v4;
	v10 =	vshll.u32 v60, $0x4;
	v7 =	vor.u32 v1, v13;
	[tilespmem:v14+s15+$0x0] =	vst.idx.add.f32.msk vm0, v2  }
0x1f0: {  	p0 =	sne.s32 s21, $0xC;
	v63 =	vor.u32 v1, v10;
	[tilespmem:v58+s15+$0x0] =	vst.idx.add.f32.msk vm2, v2  }
.Ltmp3:
0x1f1: {  	[tilespmem:v59+s15+$0x0] =	vst.idx.add.f32.msk vm4, v2;
	(pc) =	sbr.rel @p0 .LBB2_4-.Ltmp3, $4  }
0x1f2: {  	[tilespmem:v62+s15+$0x0] =	vst.idx.add.f32.msk vm7, v2  }
0x1f3: {  	[tilespmem:v6+s15+$0x0] =	vst.idx.add.f32.msk vm10, v2  }
0x1f4: {  	[tilespmem:v7+s15+$0x0] =	vst.idx.add.f32.msk vm14, v2  }
0x1f5: {  	[tilespmem:v63+s15+$0x0] =	vst.idx.add.f32.msk vm15, v2  }
0x1f6: {  	s20 =	simm.s32 $0x0;
	s21 =	simm.s32 $0x0  }
0x1f7: {  	[tilespmem:s20], [sflag:$0x1] =	stream.linear.gather [hbm4b:s8+s20], $0x8000, $0x38;
	[tilespmem:$0x10700] =	vst v63  }
.LBB2_10:
0x1f8: {  	s22 =	sshrl.u32 s21, $0x2;
	s23 =	sshll.u32 s21, $0xD  }
0x1f9: {  	s22 =	sadd.s32 s6, s22;
	s23 =	sand.u32 $0x6000, s23  }
0x1fa: {  	_ =	swait.ge [sflag:s13], $0x8000;
	s22 =	sshll.u32 s22, $0xF;
	s23 =	sadd.s32 s23, s2  }
0x1fb: {  	s30 =	sand.u32 $0x7000, s20;
	[sflag:s13] =	ssyncset.done $0x0;
	s22 =	sadd.s32 s22, s23  }
0x1fc: {  	s31 =	sand.u32 $0x380, s20;
	[sflag:s13] =	ssyncadd.s32 $0xFFFF8000;
	s22 =	sadd.s32 $0x1000, s22  }
0x1fd: {  	[tilespmem:s14], [sflag:$0x2] =	stream.linear.gather [hbm4b:s22+s20], $0x8000, $0x38;
	[tilespmem:$0x10700] =	vst v63  }
0x1fe: {  	s22 =	sor.u32 s31, s30  }
0x1ff: {  	v6 =	vld [tilespmem:s22+$0x0]  }
0x200: {  	v7 =	vld [tilespmem:s22+$0x10]  }
0x201: {  	v8 =	vld [tilespmem:s22+$0x20]  }
0x202: {  	v9 =	vld [tilespmem:s22+$0x30]  }
0x203: {  	v10 =	vld [tilespmem:s22+$0x40]  }
0x204: {  	v11 =	vld [tilespmem:s22+$0x50]  }
0x205: {  	v12 =	vld [tilespmem:s22+$0x60]  }
0x206: {  	v13 =	vld [tilespmem:s22+$0x70]  }
0x207: {  	v14 =	vld [tilespmem:s22+$0x400]  }
0x208: {  	v15 =	vld [tilespmem:s22+$0x410]  }
0x209: {  	v16 =	vld [tilespmem:s22+$0x420];
	v17 =	vsub.f32 v6, v4;
	v18 =	vsub.f32 v7, v4  }
0x20a: {  	v19 =	vld [tilespmem:s22+$0x430];
	v20 =	vsub.f32 v8, v4;
	v21 =	vsub.f32 v9, v4  }
0x20b: {  	v22 =	vld [tilespmem:s22+$0x440];
	v23 =	vsub.f32 v10, v4;
	v24 =	vsub.f32 v11, v4  }
0x20c: {  	v25 =	vld [tilespmem:s22+$0x450];
	v26 =	vsub.f32 v12, v4;
	v27 =	vsub.f32 v13, v4  }
0x20d: {  	v28 =	vld [tilespmem:s22+$0x460];
	v29 =	vsub.f32 v14, v4;
	v30 =	vsub.f32 v15, v4;
	v17 =	vmul.f32 v17, v5  }
0x20e: {  	v31 =	vld [tilespmem:s22+$0x470];
	v32 =	vsub.f32 v16, v4;
	v18 =	vmul.f32 v18, v5;
	v20 =	vmul.f32 v20, v5  }
0x20f: {  	v33 =	vsub.f32 v19, v4;
	v21 =	vmul.f32 v21, v5;
	v23 =	vmul.f32 v23, v5  }
0x210: {  	v34 =	vsub.f32 v22, v4;
	v24 =	vmul.f32 v24, v5;
	v26 =	vmul.f32 v26, v5  }
0x211: {  	v35 =	vsub.f32 v25, v4;
	v27 =	vmul.f32 v27, v5;
	v29 =	vmul.f32 v29, v5  }
0x212: {  	v36 =	vsub.f32 v28, v4;
	v30 =	vmul.f32 v30, v5;
	v32 =	vmul.f32 v32, v5  }
0x213: {  	v37 =	vsub.f32 v31, v4;
	v33 =	vmul.f32 v33, v5;
	v34 =	vmul.f32 v34, v5  }
0x214: {  	v35 =	vmul.f32 v35, v5;
	v36 =	vmul.f32 v36, v5  }
0x215: {  	v37 =	vmul.f32 v37, v5;
	v17 =	vmul.f32 $1.000000000e+02, v17  }
0x216: {  	v18 =	vmul.f32 $1.000000000e+02, v18;
	v20 =	vmul.f32 $1.000000000e+02, v20  }
0x217: {  	v21 =	vmul.f32 $1.000000000e+02, v21;
	v23 =	vmul.f32 $1.000000000e+02, v23  }
0x218: {  	vm13 =	vge.f32 v6, v4;
	v24 =	vmul.f32 $1.000000000e+02, v24;
	v26 =	vmul.f32 $1.000000000e+02, v26  }
0x219: {  	vm12 =	vge.f32 v7, v4;
	v6 =	vmul.f32 $1.000000000e+02, v27;
	v27 =	vmul.f32 $1.000000000e+02, v29  }
0x21a: {  	vm11 =	vge.f32 v8, v4;
	v7 =	vmul.f32 $1.000000000e+02, v30;
	v29 =	vmul.f32 $1.000000000e+02, v32  }
0x21b: {  	vm9 =	vge.f32 v9, v4;
	v8 =	vmul.f32 $1.000000000e+02, v33;
	v30 =	vmul.f32 $1.000000000e+02, v34  }
0x21c: {  	vm8 =	vge.f32 v10, v4;
	v9 =	vmul.f32 $1.000000000e+02, v35;
	v63 =	vmul.f32 $1.000000000e+02, v36  }
0x21d: {  	vm6 =	vge.f32 v11, v4;
	v10 =	vmul.f32 $1.000000000e+02, v37;
	v17 =	vtrunc.f32 v17  }
0x21e: {  	vm5 =	vge.f32 v12, v4;
	v11 =	vtrunc.f32 v18;
	v18 =	vtrunc.f32 v20  }
0x21f: {  	vm3 =	vge.f32 v13, v4;
	v12 =	vtrunc.f32 v21;
	v20 =	vtrunc.f32 v23  }
0x220: {  	vm1 =	vge.f32 v14, v4;
	v13 =	vtrunc.f32 v24;
	v21 =	vtrunc.f32 v26  }
0x221: {  	vm0 =	vge.f32 v15, v4;
	v6 =	vtrunc.f32 v6;
	v14 =	vtrunc.f32 v27  }
0x222: {  	vm2 =	vge.f32 v16, v4;
	v7 =	vtrunc.f32 v7;
	v15 =	vtrunc.f32 v29  }
0x223: {  	vm4 =	vge.f32 v19, v4;
	v8 =	vtrunc.f32 v8;
	v16 =	vtrunc.f32 v30  }
0x224: {  	vm7 =	vge.f32 v22, v4;
	v9 =	vtrunc.f32 v9;
	v17 =	vcvt.f32.s32 v17  }
0x225: {  	vm10 =	vge.f32 v25, v4;
	v19 =	vtrunc.f32 v63;
	v11 =	vcvt.f32.s32 v11  }
0x226: {  	v10 =	vtrunc.f32 v10;
	v18 =	vcvt.f32.s32 v18;
	v17 =	vshll.u32 v17, $0x4  }
0x227: {  	v12 =	vcvt.f32.s32 v12;
	v11 =	vshll.u32 v11, $0x4;
	v17 =	vor.u32 v1, v17  }
0x228: {  	v20 =	vcvt.f32.s32 v20;
	v18 =	vshll.u32 v18, $0x4;
	v11 =	vor.u32 v1, v11  }
0x229: {  	v13 =	vcvt.f32.s32 v13;
	v12 =	vshll.u32 v12, $0x4;
	v18 =	vor.u32 v1, v18  }
0x22a: {  	v21 =	vcvt.f32.s32 v21;
	v20 =	vshll.u32 v20, $0x4;
	v12 =	vor.u32 v1, v12  }
0x22b: {  	v6 =	vcvt.f32.s32 v6;
	v13 =	vshll.u32 v13, $0x4;
	v20 =	vor.u32 v1, v20  }
0x22c: {  	v14 =	vcvt.f32.s32 v14;
	v21 =	vshll.u32 v21, $0x4;
	v13 =	vor.u32 v1, v13;
	[tilespmem:v17+s15+$0x0] =	vst.idx.add.f32.msk vm13, v3  }
0x22d: {  	v7 =	vcvt.f32.s32 v7;
	v6 =	vshll.u32 v6, $0x4;
	[tilespmem:v11+s15+$0x0] =	vst.idx.add.f32.msk vm12, v3;
	v11 =	vor.u32 v1, v21  }
0x22e: {  	v15 =	vcvt.f32.s32 v15;
	v14 =	vshll.u32 v14, $0x4;
	v6 =	vor.u32 v1, v6;
	[tilespmem:v18+s15+$0x0] =	vst.idx.add.f32.msk vm11, v3  }
0x22f: {  	v8 =	vcvt.f32.s32 v8;
	v7 =	vshll.u32 v7, $0x4;
	[tilespmem:v12+s15+$0x0] =	vst.idx.add.f32.msk vm9, v3;
	v12 =	vor.u32 v1, v14  }
0x230: {  	v15 =	vshll.u32 v15, $0x4;
	v7 =	vor.u32 v1, v7;
	v14 =	vcvt.f32.s32 v16;
	[tilespmem:v20+s15+$0x0] =	vst.idx.add.f32.msk vm8, v3  }
0x231: {  	v9 =	vcvt.f32.s32 v9;
	v8 =	vshll.u32 v8, $0x4;
	[tilespmem:v13+s15+$0x0] =	vst.idx.add.f32.msk vm6, v3;
	v13 =	vor.u32 v1, v15  }
0x232: {  	v8 =	vor.u32 v1, v8;
	v15 =	vcvt.f32.s32 v19;
	v14 =	vshll.u32 v14, $0x4;
	[tilespmem:v11+s15+$0x0] =	vst.idx.add.f32.msk vm5, v3  }
0x233: {  	v10 =	vcvt.f32.s32 v10;
	v9 =	vshll.u32 v9, $0x4;
	[tilespmem:v6+s15+$0x0] =	vst.idx.add.f32.msk vm3, v3;
	v6 =	vor.u32 v1, v14  }
0x234: {  	vm14 =	vge.f32 v28, v4;
	v9 =	vor.u32 v1, v9;
	v11 =	vshll.u32 v15, $0x4;
	[tilespmem:v12+s15+$0x0] =	vst.idx.add.f32.msk vm1, v3  }
0x235: {  	vm15 =	vge.f32 v31, v4;
	v10 =	vshll.u32 v10, $0x4;
	[tilespmem:v7+s15+$0x0] =	vst.idx.add.f32.msk vm0, v3;
	v7 =	vor.u32 v1, v11  }
0x236: {  	v10 =	vor.u32 v1, v10;
	[tilespmem:v13+s15+$0x0] =	vst.idx.add.f32.msk vm2, v3  }
0x237: {  	[tilespmem:v8+s15+$0x0] =	vst.idx.add.f32.msk vm4, v3  }
0x238: {  	[tilespmem:v6+s15+$0x0] =	vst.idx.add.f32.msk vm7, v3  }
0x239: {  	[tilespmem:v9+s15+$0x0] =	vst.idx.add.f32.msk vm10, v3  }
0x23a: {  	[tilespmem:v7+s15+$0x0] =	vst.idx.add.f32.msk vm14, v3  }
0x23b: {  	[tilespmem:v10+s15+$0x0] =	vst.idx.add.f32.msk vm15, v3  }
0x23c: {  	v21 =	vld [tilespmem:s22+$0x800]  }
0x23d: {  	v20 =	vld [tilespmem:s22+$0x810]  }
0x23e: {  	v19 =	vld [tilespmem:s22+$0x820]  }
0x23f: {  	v18 =	vld [tilespmem:s22+$0x830]  }
0x240: {  	v12 =	vld [tilespmem:s22+$0x840]  }
0x241: {  	v14 =	vld [tilespmem:s22+$0x850]  }
0x242: {  	v15 =	vld [tilespmem:s22+$0x860]  }
0x243: {  	v16 =	vld [tilespmem:s22+$0x870]  }
0x244: {  	v17 =	vld [tilespmem:s22+$0xC00]  }
0x245: {  	v13 =	vld [tilespmem:s22+$0xC10]  }
0x246: {  	v10 =	vld [tilespmem:s22+$0xC20];
	v6 =	vsub.f32 v21, v4;
	v7 =	vsub.f32 v20, v4  }
0x247: {  	v9 =	vld [tilespmem:s22+$0xC30];
	v24 =	vsub.f32 v19, v4;
	v25 =	vsub.f32 v18, v4  }
0x248: {  	v8 =	vld [tilespmem:s22+$0xC40];
	v26 =	vsub.f32 v12, v4;
	v27 =	vsub.f32 v14, v4  }
0x249: {  	v11 =	vld [tilespmem:s22+$0xC50];
	v28 =	vsub.f32 v15, v4;
	v29 =	vsub.f32 v16, v4  }
0x24a: {  	v31 =	vsub.f32 v17, v4;
	v30 =	vsub.f32 v13, v4;
	v22 =	vmul.f32 v6, v5;
	v6 =	vld [tilespmem:s22+$0xC60]  }
0x24b: {  	v32 =	vsub.f32 v10, v4;
	v23 =	vmul.f32 v7, v5;
	v24 =	vmul.f32 v24, v5;
	v7 =	vld [tilespmem:s22+$0xC70]  }
0x24c: {  	v33 =	vsub.f32 v9, v4;
	v25 =	vmul.f32 v25, v5;
	v26 =	vmul.f32 v26, v5  }
0x24d: {  	s23 =	simm.s32 $0x0;
	v34 =	vsub.f32 v8, v4;
	v27 =	vmul.f32 v27, v5;
	v28 =	vmul.f32 v28, v5;
	s22 =	simm.s32 $0x200  }
.LBB2_11:
0x24e: {  	p0 =	sne.s32 s22, $0x7E00;
	v29 =	vmul.f32 v29, v5;
	v31 =	vmul.f32 v31, v5;
	v35 =	vsub.f32 v11, v4  }
0x24f: {  	v30 =	vmul.f32 v30, v5;
	v32 =	vmul.f32 v32, v5;
	v36 =	vsub.f32 v6, v4  }
0x250: {  	v33 =	vmul.f32 v33, v5;
	v34 =	vmul.f32 v34, v5;
	v37 =	vsub.f32 v7, v4  }
0x251: {  	v35 =	vmul.f32 v35, v5;
	v36 =	vmul.f32 v36, v5  }
0x252: {  	v22 =	vmul.f32 $1.000000000e+02, v22;
	v37 =	vmul.f32 v37, v5  }
0x253: {  	v23 =	vmul.f32 $1.000000000e+02, v23;
	v24 =	vmul.f32 $1.000000000e+02, v24  }
0x254: {  	v25 =	vmul.f32 $1.000000000e+02, v25;
	v26 =	vmul.f32 $1.000000000e+02, v26  }
0x255: {  	vm2 =	vge.f32 v21, v4;
	v27 =	vmul.f32 $1.000000000e+02, v27;
	v28 =	vmul.f32 $1.000000000e+02, v28  }
0x256: {  	vm1 =	vge.f32 v20, v4;
	v21 =	vmul.f32 $1.000000000e+02, v29;
	v29 =	vmul.f32 $1.000000000e+02, v31  }
0x257: {  	vm0 =	vge.f32 v19, v4;
	s23 =	sadd.s32 $0x80, s23;
	v20 =	vmul.f32 $1.000000000e+02, v30;
	v30 =	vmul.f32 $1.000000000e+02, v32  }
0x258: {  	s24 =	sand.u32 $0x7000, s22;
	vm3 =	vge.f32 v18, v4;
	s25 =	sand.u32 $0x380, s23;
	v19 =	vmul.f32 $1.000000000e+02, v33;
	v31 =	vmul.f32 $1.000000000e+02, v34  }
0x259: {  	vm4 =	vge.f32 v12, v4;
	s24 =	sor.u32 s25, s24;
	v18 =	vmul.f32 $1.000000000e+02, v35;
	v32 =	vmul.f32 $1.000000000e+02, v36  }
0x25a: {  	vm5 =	vge.f32 v14, v4;
	v22 =	vtrunc.f32 v22;
	v33 =	vmul.f32 $1.000000000e+02, v37;
	v12 =	vld [tilespmem:s24+$0x0]  }
0x25b: {  	vm6 =	vge.f32 v15, v4;
	v23 =	vtrunc.f32 v23;
	v24 =	vtrunc.f32 v24;
	v14 =	vld [tilespmem:s24+$0x10]  }
0x25c: {  	vm7 =	vge.f32 v16, v4;
	v25 =	vtrunc.f32 v25;
	v26 =	vtrunc.f32 v26;
	v15 =	vld [tilespmem:s24+$0x20]  }
0x25d: {  	vm8 =	vge.f32 v17, v4;
	v27 =	vtrunc.f32 v27;
	v28 =	vtrunc.f32 v28;
	v16 =	vld [tilespmem:s24+$0x30]  }
0x25e: {  	vm9 =	vge.f32 v13, v4;
	v34 =	vtrunc.f32 v21;
	v29 =	vtrunc.f32 v29;
	v17 =	vld [tilespmem:s24+$0x40]  }
0x25f: {  	vm10 =	vge.f32 v10, v4;
	v35 =	vtrunc.f32 v20;
	v30 =	vtrunc.f32 v30;
	v13 =	vld [tilespmem:s24+$0x50]  }
0x260: {  	vm11 =	vge.f32 v9, v4;
	v36 =	vtrunc.f32 v19;
	v31 =	vtrunc.f32 v31;
	v10 =	vld [tilespmem:s24+$0x60]  }
0x261: {  	vm12 =	vge.f32 v8, v4;
	v19 =	vcvt.f32.s32 v22;
	v37 =	vtrunc.f32 v18;
	v9 =	vld [tilespmem:s24+$0x70]  }
0x262: {  	vm13 =	vge.f32 v11, v4;
	v8 =	vcvt.f32.s32 v23;
	v23 =	vtrunc.f32 v32;
	v18 =	vld [tilespmem:s24+$0x400]  }
0x263: {  	v21 =	vcvt.f32.s32 v24;
	v20 =	vshll.u32 v19, $0x4;
	v24 =	vtrunc.f32 v33;
	v11 =	vld [tilespmem:s24+$0x410]  }
0x264: {  	v22 =	vcvt.f32.s32 v25;
	v8 =	vshll.u32 v8, $0x4;
	v25 =	vor.u32 v1, v20;
	v19 =	vld [tilespmem:s24+$0x420]  }
0x265: {  	v26 =	vcvt.f32.s32 v26;
	v32 =	vshll.u32 v21, $0x4;
	v33 =	vor.u32 v1, v8;
	v20 =	vld [tilespmem:s24+$0x430]  }
0x266: {  	v27 =	vcvt.f32.s32 v27;
	v8 =	vshll.u32 v22, $0x4;
	v32 =	vor.u32 v1, v32;
	v21 =	vld [tilespmem:s24+$0x440]  }
0x267: {  	v28 =	vcvt.f32.s32 v28;
	v26 =	vshll.u32 v26, $0x4;
	v38 =	vor.u32 v1, v8;
	v22 =	vld [tilespmem:s24+$0x450]  }
0x268: {  	v34 =	vcvt.f32.s32 v34;
	v27 =	vshll.u32 v27, $0x4;
	v26 =	vor.u32 v1, v26;
	v8 =	vld [tilespmem:s24+$0x460]  }
0x269: {  	v29 =	vcvt.f32.s32 v29;
	v28 =	vshll.u32 v28, $0x4;
	[tilespmem:v25+s15+$0x0] =	vst.idx.add.f32.msk vm2, v3;
	v25 =	vor.u32 v1, v27  }
0x26a: {  	v34 =	vshll.u32 v34, $0x4;
	v28 =	vor.u32 v1, v28;
	v27 =	vcvt.f32.s32 v35;
	[tilespmem:v33+s15+$0x0] =	vst.idx.add.f32.msk vm1, v3  }
0x26b: {  	v30 =	vcvt.f32.s32 v30;
	v29 =	vshll.u32 v29, $0x4;
	[tilespmem:v32+s15+$0x0] =	vst.idx.add.f32.msk vm0, v3;
	v32 =	vor.u32 v1, v34  }
0x26c: {  	v29 =	vor.u32 v1, v29;
	v33 =	vcvt.f32.s32 v36;
	v27 =	vshll.u32 v27, $0x4;
	[tilespmem:v38+s15+$0x0] =	vst.idx.add.f32.msk vm3, v3  }
0x26d: {  	v31 =	vcvt.f32.s32 v31;
	v30 =	vshll.u32 v30, $0x4;
	[tilespmem:v26+s15+$0x0] =	vst.idx.add.f32.msk vm4, v3;
	v26 =	vor.u32 v1, v27  }
0x26e: {  	v33 =	vshll.u32 v33, $0x4;
	v27 =	vcvt.f32.s32 v37;
	[tilespmem:v25+s15+$0x0] =	vst.idx.add.f32.msk vm5, v3;
	v25 =	vor.u32 v1, v30  }
0x26f: {  	v23 =	vcvt.f32.s32 v23;
	v30 =	vshll.u32 v31, $0x4;
	[tilespmem:v28+s15+$0x0] =	vst.idx.add.f32.msk vm6, v3;
	v28 =	vor.u32 v1, v33  }
0x270: {  	v24 =	vcvt.f32.s32 v24;
	v27 =	vshll.u32 v27, $0x4;
	v30 =	vor.u32 v1, v30;
	[tilespmem:v32+s15+$0x0] =	vst.idx.add.f32.msk vm7, v3  }
0x271: {  	v23 =	vshll.u32 v23, $0x4;
	vm0 =	vge.f32 v6, v4;
	v6 =	vor.u32 v1, v27;
	[tilespmem:v29+s15+$0x0] =	vst.idx.add.f32.msk vm8, v3  }
0x272: {  	v24 =	vshll.u32 v24, $0x4;
	vm1 =	vge.f32 v7, v4;
	v7 =	vor.u32 v1, v23;
	[tilespmem:v26+s15+$0x0] =	vst.idx.add.f32.msk vm9, v3  }
0x273: {  	v24 =	vor.u32 v1, v24;
	v23 =	vsub.f32 v12, v4;
	[tilespmem:v25+s15+$0x0] =	vst.idx.add.f32.msk vm10, v3  }
0x274: {  	v26 =	vsub.f32 v15, v4;
	v25 =	vsub.f32 v14, v4;
	[tilespmem:v28+s15+$0x0] =	vst.idx.add.f32.msk vm11, v3  }
0x275: {  	v27 =	vsub.f32 v16, v4;
	v28 =	vsub.f32 v17, v4;
	[tilespmem:v30+s15+$0x0] =	vst.idx.add.f32.msk vm12, v3  }
0x276: {  	v29 =	vsub.f32 v13, v4;
	v30 =	vsub.f32 v10, v4;
	[tilespmem:v6+s15+$0x0] =	vst.idx.add.f32.msk vm13, v3  }
0x277: {  	v31 =	vsub.f32 v9, v4;
	v32 =	vsub.f32 v18, v4;
	[tilespmem:v7+s15+$0x0] =	vst.idx.add.f32.msk vm0, v3  }
0x278: {  	v7 =	vmul.f32 v23, v5;
	v23 =	vsub.f32 v11, v4;
	[tilespmem:v24+s15+$0x0] =	vst.idx.add.f32.msk vm1, v3  }
0x279: {  	v24 =	vmul.f32 v25, v5;
	v25 =	vmul.f32 v26, v5;
	v26 =	vsub.f32 v19, v4;
	v6 =	vld [tilespmem:s24+$0x470]  }
0x27a: {  	v33 =	vsub.f32 v20, v4;
	v27 =	vmul.f32 v27, v5;
	v28 =	vmul.f32 v28, v5  }
0x27b: {  	v34 =	vsub.f32 v21, v4;
	v29 =	vmul.f32 v29, v5;
	v30 =	vmul.f32 v30, v5  }
0x27c: {  	v35 =	vsub.f32 v22, v4;
	v31 =	vmul.f32 v31, v5;
	v32 =	vmul.f32 v32, v5  }
0x27d: {  	v36 =	vsub.f32 v8, v4;
	v23 =	vmul.f32 v23, v5;
	v26 =	vmul.f32 v26, v5  }
0x27e: {  	v34 =	vmul.f32 v34, v5;
	v33 =	vmul.f32 v33, v5;
	v37 =	vsub.f32 v6, v4  }
0x27f: {  	v35 =	vmul.f32 v35, v5;
	v36 =	vmul.f32 v36, v5  }
0x280: {  	v7 =	vmul.f32 $1.000000000e+02, v7;
	v37 =	vmul.f32 v37, v5  }
0x281: {  	v24 =	vmul.f32 $1.000000000e+02, v24;
	v25 =	vmul.f32 $1.000000000e+02, v25  }
0x282: {  	v27 =	vmul.f32 $1.000000000e+02, v27;
	v28 =	vmul.f32 $1.000000000e+02, v28  }
0x283: {  	v29 =	vmul.f32 $1.000000000e+02, v29;
	vm13 =	vge.f32 v12, v4;
	v30 =	vmul.f32 $1.000000000e+02, v30  }
0x284: {  	vm12 =	vge.f32 v14, v4;
	v12 =	vmul.f32 $1.000000000e+02, v31;
	v31 =	vmul.f32 $1.000000000e+02, v32  }
0x285: {  	vm11 =	vge.f32 v15, v4;
	v14 =	vmul.f32 $1.000000000e+02, v23;
	v23 =	vmul.f32 $1.000000000e+02, v26  }
0x286: {  	vm9 =	vge.f32 v16, v4;
	v15 =	vmul.f32 $1.000000000e+02, v33;
	v26 =	vmul.f32 $1.000000000e+02, v34  }
0x287: {  	vm8 =	vge.f32 v17, v4;
	v16 =	vmul.f32 $1.000000000e+02, v35;
	v32 =	vmul.f32 $1.000000000e+02, v36  }
0x288: {  	vm6 =	vge.f32 v13, v4;
	v7 =	vtrunc.f32 v7;
	v17 =	vmul.f32 $1.000000000e+02, v37  }
0x289: {  	vm5 =	vge.f32 v10, v4;
	v13 =	vtrunc.f32 v24;
	v24 =	vtrunc.f32 v25  }
0x28a: {  	vm3 =	vge.f32 v9, v4;
	v10 =	vtrunc.f32 v27;
	v25 =	vtrunc.f32 v28  }
0x28b: {  	v9 =	vtrunc.f32 v29;
	vm1 =	vge.f32 v18, v4;
	v27 =	vtrunc.f32 v30  }
0x28c: {  	vm0 =	vge.f32 v11, v4;
	v12 =	vtrunc.f32 v12;
	v18 =	vtrunc.f32 v31  }
0x28d: {  	vm2 =	vge.f32 v19, v4;
	v11 =	vtrunc.f32 v14;
	v14 =	vtrunc.f32 v23  }
0x28e: {  	vm4 =	vge.f32 v20, v4;
	v15 =	vtrunc.f32 v15;
	v19 =	vtrunc.f32 v26  }
0x28f: {  	vm7 =	vge.f32 v21, v4;
	v16 =	vtrunc.f32 v16;
	v7 =	vcvt.f32.s32 v7  }
0x290: {  	vm10 =	vge.f32 v22, v4;
	v20 =	vtrunc.f32 v32;
	v13 =	vcvt.f32.s32 v13  }
0x291: {  	v21 =	vcvt.f32.s32 v24;
	v7 =	vshll.u32 v7, $0x4;
	v17 =	vtrunc.f32 v17  }
0x292: {  	v10 =	vcvt.f32.s32 v10;
	v13 =	vshll.u32 v13, $0x4;
	v7 =	vor.u32 v1, v7  }
0x293: {  	v22 =	vcvt.f32.s32 v25;
	v21 =	vshll.u32 v21, $0x4;
	v13 =	vor.u32 v1, v13  }
0x294: {  	v9 =	vcvt.f32.s32 v9;
	v10 =	vshll.u32 v10, $0x4;
	v21 =	vor.u32 v1, v21  }
0x295: {  	v10 =	vor.u32 v1, v10;
	v23 =	vcvt.f32.s32 v27;
	v22 =	vshll.u32 v22, $0x4  }
0x296: {  	v12 =	vcvt.f32.s32 v12;
	v9 =	vshll.u32 v9, $0x4;
	v22 =	vor.u32 v1, v22  }
0x297: {  	v18 =	vcvt.f32.s32 v18;
	v23 =	vshll.u32 v23, $0x4;
	[tilespmem:v7+s15+$0x0] =	vst.idx.add.f32.msk vm13, v3;
	v7 =	vor.u32 v1, v9  }
0x298: {  	v9 =	vcvt.f32.s32 v11;
	v11 =	vshll.u32 v12, $0x4;
	v12 =	vor.u32 v1, v23;
	[tilespmem:v13+s15+$0x0] =	vst.idx.add.f32.msk vm12, v3  }
0x299: {  	v13 =	vcvt.f32.s32 v14;
	v14 =	vshll.u32 v18, $0x4;
	v11 =	vor.u32 v1, v11;
	[tilespmem:v21+s15+$0x0] =	vst.idx.add.f32.msk vm11, v3  }
0x29a: {  	v15 =	vcvt.f32.s32 v15;
	v9 =	vshll.u32 v9, $0x4;
	[tilespmem:v10+s15+$0x0] =	vst.idx.add.f32.msk vm9, v3;
	v10 =	vor.u32 v1, v14  }
0x29b: {  	v14 =	vcvt.f32.s32 v19;
	v13 =	vshll.u32 v13, $0x4;
	v9 =	vor.u32 v1, v9;
	[tilespmem:v22+s15+$0x0] =	vst.idx.add.f32.msk vm8, v3  }
0x29c: {  	v16 =	vcvt.f32.s32 v16;
	v15 =	vshll.u32 v15, $0x4;
	[tilespmem:v7+s15+$0x0] =	vst.idx.add.f32.msk vm6, v3;
	v7 =	vor.u32 v1, v13  }
0x29d: {  	v13 =	vcvt.f32.s32 v20;
	v14 =	vshll.u32 v14, $0x4;
	[tilespmem:v12+s15+$0x0] =	vst.idx.add.f32.msk vm5, v3;
	v12 =	vor.u32 v1, v15  }
0x29e: {  	v16 =	vshll.u32 v16, $0x4;
	v15 =	vcvt.f32.s32 v17;
	[tilespmem:v11+s15+$0x0] =	vst.idx.add.f32.msk vm3, v3;
	v11 =	vor.u32 v1, v14  }
0x29f: {  	v13 =	vshll.u32 v13, $0x4;
	vm3 =	vge.f32 v8, v4;
	v8 =	vor.u32 v1, v16;
	[tilespmem:v10+s15+$0x0] =	vst.idx.add.f32.msk vm1, v3  }
0x2a0: {  	v10 =	vshll.u32 v15, $0x4;
	vm1 =	vge.f32 v6, v4;
	v6 =	vor.u32 v1, v13;
	[tilespmem:v9+s15+$0x0] =	vst.idx.add.f32.msk vm0, v3  }
0x2a1: {  	[tilespmem:v7+s15+$0x0] =	vst.idx.add.f32.msk vm2, v3;
	v7 =	vor.u32 v1, v10  }
0x2a2: {  	[tilespmem:v12+s15+$0x0] =	vst.idx.add.f32.msk vm4, v3  }
0x2a3: {  	[tilespmem:v11+s15+$0x0] =	vst.idx.add.f32.msk vm7, v3  }
0x2a4: {  	[tilespmem:v8+s15+$0x0] =	vst.idx.add.f32.msk vm10, v3  }
0x2a5: {  	[tilespmem:v6+s15+$0x0] =	vst.idx.add.f32.msk vm3, v3  }
0x2a6: {  	[tilespmem:v7+s15+$0x0] =	vst.idx.add.f32.msk vm1, v3  }
0x2a7: {  	v21 =	vld [tilespmem:s24+$0x800]  }
0x2a8: {  	v20 =	vld [tilespmem:s24+$0x810]  }
0x2a9: {  	v19 =	vld [tilespmem:s24+$0x820]  }
0x2aa: {  	v18 =	vld [tilespmem:s24+$0x830]  }
0x2ab: {  	v12 =	vld [tilespmem:s24+$0x840]  }
0x2ac: {  	v14 =	vld [tilespmem:s24+$0x850]  }
0x2ad: {  	v15 =	vld [tilespmem:s24+$0x860]  }
0x2ae: {  	v16 =	vld [tilespmem:s24+$0x870]  }
0x2af: {  	v17 =	vld [tilespmem:s24+$0xC00]  }
0x2b0: {  	v13 =	vld [tilespmem:s24+$0xC10]  }
0x2b1: {  	v7 =	vsub.f32 v21, v4;
	v23 =	vsub.f32 v20, v4;
	v10 =	vld [tilespmem:s24+$0xC20]  }
0x2b2: {  	v24 =	vsub.f32 v19, v4;
	v25 =	vsub.f32 v18, v4;
	v9 =	vld [tilespmem:s24+$0xC30]  }
0x2b3: {  	v26 =	vsub.f32 v12, v4;
	v27 =	vsub.f32 v14, v4;
	v8 =	vld [tilespmem:s24+$0xC40]  }
.Ltmp4:
0x2b4: {  	v28 =	vsub.f32 v15, v4;
	v29 =	vsub.f32 v16, v4;
	v11 =	vld [tilespmem:s24+$0xC50];
	(pc) =	sbr.rel @p0 .LBB2_11-.Ltmp4, $4  }
0x2b5: {  	v22 =	vmul.f32 v7, v5;
	v31 =	vsub.f32 v17, v4;
	v6 =	vld [tilespmem:s24+$0xC60];
	v30 =	vsub.f32 v13, v4  }
0x2b6: {  	v23 =	vmul.f32 v23, v5;
	v24 =	vmul.f32 v24, v5;
	v7 =	vld [tilespmem:s24+$0xC70];
	v32 =	vsub.f32 v10, v4  }
0x2b7: {  	v25 =	vmul.f32 v25, v5;
	v26 =	vmul.f32 v26, v5;
	v33 =	vsub.f32 v9, v4  }
0x2b8: {  	s22 =	sadd.s32 $0x200, s22;
	v27 =	vmul.f32 v27, v5;
	v28 =	vmul.f32 v28, v5;
	v34 =	vsub.f32 v8, v4  }
0x2b9: {  	v29 =	vmul.f32 v29, v5;
	v31 =	vmul.f32 v31, v5  }
0x2ba: {  	v30 =	vmul.f32 v30, v5;
	v32 =	vmul.f32 v32, v5  }
0x2bb: {  	v33 =	vmul.f32 v33, v5;
	v22 =	vmul.f32 $1.000000000e+02, v22  }
0x2bc: {  	v23 =	vmul.f32 $1.000000000e+02, v23;
	v24 =	vmul.f32 $1.000000000e+02, v24  }
0x2bd: {  	v35 =	vsub.f32 v11, v4;
	v25 =	vmul.f32 $1.000000000e+02, v25;
	v26 =	vmul.f32 $1.000000000e+02, v26  }
0x2be: {  	vm13 =	vge.f32 v21, v4;
	v34 =	vmul.f32 v34, v5;
	v27 =	vmul.f32 $1.000000000e+02, v27  }
0x2bf: {  	vm12 =	vge.f32 v20, v4;
	v28 =	vmul.f32 $1.000000000e+02, v28;
	v35 =	vmul.f32 v35, v5  }
0x2c0: {  	vm11 =	vge.f32 v19, v4;
	v21 =	vmul.f32 $1.000000000e+02, v29;
	v29 =	vmul.f32 $1.000000000e+02, v31  }
0x2c1: {  	vm6 =	vge.f32 v14, v4;
	v20 =	vmul.f32 $1.000000000e+02, v30;
	v30 =	vmul.f32 $1.000000000e+02, v32  }
0x2c2: {  	vm5 =	vge.f32 v15, v4;
	v19 =	vmul.f32 $1.000000000e+02, v33;
	v22 =	vtrunc.f32 v22  }
0x2c3: {  	v36 =	vsub.f32 v6, v4;
	v14 =	vtrunc.f32 v23;
	v23 =	vtrunc.f32 v24  }
0x2c4: {  	vm3 =	vge.f32 v16, v4;
	v15 =	vtrunc.f32 v25;
	v24 =	vtrunc.f32 v26  }
0x2c5: {  	vm4 =	vge.f32 v9, v4;
	v36 =	vmul.f32 v36, v5;
	v31 =	vmul.f32 $1.000000000e+02, v34  }
0x2c6: {  	vm7 =	vge.f32 v8, v4;
	v16 =	vtrunc.f32 v27;
	v25 =	vtrunc.f32 v28  }
0x2c7: {  	v37 =	vsub.f32 v7, v4;
	v9 =	vcvt.f32.s32 v22;
	v8 =	vcvt.f32.s32 v14  }
0x2c8: {  	vm9 =	vge.f32 v11, v4;
	v11 =	vcvt.f32.s32 v23;
	v15 =	vcvt.f32.s32 v15  }
0x2c9: {  	vm10 =	vge.f32 v18, v4;
	v22 =	vcvt.f32.s32 v24;
	v37 =	vmul.f32 v37, v5  }
0x2ca: {  	vm1 =	vge.f32 v17, v4;
	v18 =	vmul.f32 $1.000000000e+02, v35;
	v17 =	vtrunc.f32 v21  }
0x2cb: {  	vm0 =	vge.f32 v13, v4;
	v21 =	vtrunc.f32 v29;
	v13 =	vtrunc.f32 v20  }
0x2cc: {  	vm2 =	vge.f32 v10, v4;
	v20 =	vtrunc.f32 v30;
	v10 =	vtrunc.f32 v19  }
0x2cd: {  	vm8 =	vge.f32 v12, v4;
	v16 =	vcvt.f32.s32 v16;
	v23 =	vcvt.f32.s32 v25  }
0x2ce: {  	v56 =	vmul.f32 $1.000000000e+02, v36;
	v19 =	vtrunc.f32 v31;
	v9 =	vshll.u32 v9, $0x4  }
0x2cf: {  	v8 =	vshll.u32 v8, $0x4;
	v11 =	vshll.u32 v11, $0x4;
	v9 =	vor.u32 v1, v9  }
0x2d0: {  	v15 =	vshll.u32 v15, $0x4;
	v22 =	vshll.u32 v22, $0x4;
	v8 =	vor.u32 v1, v8  }
0x2d1: {  	v17 =	vcvt.f32.s32 v17;
	v21 =	vcvt.f32.s32 v21;
	v11 =	vor.u32 v1, v11  }
0x2d2: {  	v13 =	vcvt.f32.s32 v13;
	v10 =	vcvt.f32.s32 v10;
	v15 =	vor.u32 v1, v15  }
0x2d3: {  	v12 =	vmul.f32 $1.000000000e+02, v37;
	v16 =	vshll.u32 v16, $0x4;
	v22 =	vor.u32 v1, v22  }
0x2d4: {  	v18 =	vtrunc.f32 v18;
	v23 =	vshll.u32 v23, $0x4;
	[tilespmem:v9+s15+$0x0] =	vst.idx.add.f32.msk vm13, v3;
	v9 =	vor.u32 v1, v16  }
0x2d5: {  	v14 =	vtrunc.f32 v56;
	v16 =	vshll.u32 v17, $0x4;
	[tilespmem:v8+s15+$0x0] =	vst.idx.add.f32.msk vm12, v3;
	v8 =	vor.u32 v1, v23  }
0x2d6: {  	v17 =	vcvt.f32.s32 v20;
	v20 =	vshll.u32 v21, $0x4;
	[tilespmem:v11+s15+$0x0] =	vst.idx.add.f32.msk vm11, v3;
	v11 =	vor.u32 v1, v16  }
0x2d7: {  	v13 =	vshll.u32 v13, $0x4;
	v18 =	vcvt.f32.s32 v18;
	[tilespmem:v15+s15+$0x0] =	vst.idx.add.f32.msk vm10, v3;
	v15 =	vor.u32 v1, v20  }
0x2d8: {  	v13 =	vor.u32 v1, v13;
	v16 =	vcvt.f32.s32 v19;
	v17 =	vshll.u32 v17, $0x4;
	[tilespmem:v22+s15+$0x0] =	vst.idx.add.f32.msk vm8, v3  }
0x2d9: {  	v10 =	vshll.u32 v10, $0x4;
	v12 =	vtrunc.f32 v12;
	[tilespmem:v9+s15+$0x0] =	vst.idx.add.f32.msk vm6, v3;
	v9 =	vor.u32 v1, v17  }
0x2da: {  	v14 =	vcvt.f32.s32 v14;
	v16 =	vshll.u32 v16, $0x4;
	[tilespmem:v8+s15+$0x0] =	vst.idx.add.f32.msk vm5, v3;
	v8 =	vor.u32 v1, v10  }
0x2db: {  	v10 =	vcvt.f32.s32 v12;
	v12 =	vshll.u32 v18, $0x4;
	[tilespmem:v11+s15+$0x0] =	vst.idx.add.f32.msk vm3, v3;
	v11 =	vor.u32 v1, v16  }
0x2dc: {  	v14 =	vshll.u32 v14, $0x4;
	vm12 =	vge.f32 v6, v4;
	v6 =	vor.u32 v1, v12;
	[tilespmem:v15+s15+$0x0] =	vst.idx.add.f32.msk vm1, v3  }
0x2dd: {  	vm13 =	vge.f32 v7, v4;
	v7 =	vor.u32 v1, v14;
	v10 =	vshll.u32 v10, $0x4;
	[tilespmem:v13+s15+$0x0] =	vst.idx.add.f32.msk vm0, v3  }
0x2de: {  	[tilespmem:v9+s15+$0x0] =	vst.idx.add.f32.msk vm2, v3;
	v9 =	vor.u32 v1, v10  }
0x2df: {  	[tilespmem:v8+s15+$0x0] =	vst.idx.add.f32.msk vm4, v3  }
0x2e0: {  	p0 =	seq.s32 s21, $0xB;
	[tilespmem:v11+s15+$0x0] =	vst.idx.add.f32.msk vm7, v3  }
0x2e1: {  	s22 =	sshll.u32 @!p0 s21, $0x1;
	[tilespmem:v6+s15+$0x0] =	vst.idx.add.f32.msk vm9, v3  }
0x2e2: {  	s22 =	sadd.s32 @!p0 $0x2, s22;
	[tilespmem:v7+s15+$0x0] =	vst.idx.add.f32.msk vm12, v3  }
0x2e3: {  	s23 =	sshrl.u32 @!p0 s22, $0x3;
	s22 =	sshll.u32 @!p0 s22, $0xC;
	[tilespmem:v9+s15+$0x0] =	vst.idx.add.f32.msk vm13, v3  }
0x2e4: {  	s23 =	sadd.s32 @!p0 s6, s23;
	s22 =	sand.u32 @!p0 $0x6000, s22;
	_ =	swait.ge [sflag:s16], $0x8000  }
0x2e5: {  	s23 =	sshll.u32 @!p0 s23, $0xF;
	s22 =	sadd.s32 @!p0 s2, s22;
	[sflag:s16] =	ssyncset.done $0x0  }
0x2e6: {  	s22 =	sadd.s32 @!p0 s23, s22;
	s23 =	simm.s32 @!p0 $0x0;
	[sflag:s16] =	ssyncadd.s32 $0xFFFF8000  }
0x2e7: {  	[tilespmem:s23], [sflag:$0x1] =	stream.linear.gather @!p0 [hbm4b:s22+s23], $0x8000, $0x38;
	[tilespmem:$0x10700] =	vst v63  }
0x2e8: {  	s22 =	simm.s32 $0x0  }
0x2e9: {  	s31 =	sand.u32 $0x7000, s22;
	s24 =	sand.u32 $0x380, s22  }
0x2ea: {  	s23 =	sor.u32 s24, s31  }
0x2eb: {  	v6 =	vld [tilespmem:s23+$0x8000]  }
0x2ec: {  	v7 =	vld [tilespmem:s23+$0x8010]  }
0x2ed: {  	v8 =	vld [tilespmem:s23+$0x8020]  }
0x2ee: {  	v9 =	vld [tilespmem:s23+$0x8030]  }
0x2ef: {  	v10 =	vld [tilespmem:s23+$0x8040]  }
0x2f0: {  	v11 =	vld [tilespmem:s23+$0x8050]  }
0x2f1: {  	v12 =	vld [tilespmem:s23+$0x8060]  }
0x2f2: {  	v13 =	vld [tilespmem:s23+$0x8070]  }
0x2f3: {  	v14 =	vld [tilespmem:s23+$0x8400]  }
0x2f4: {  	v15 =	vld [tilespmem:s23+$0x8410]  }
0x2f5: {  	v16 =	vld [tilespmem:s23+$0x8420];
	v17 =	vsub.f32 v6, v4;
	v18 =	vsub.f32 v7, v4  }
0x2f6: {  	v19 =	vld [tilespmem:s23+$0x8430];
	v20 =	vsub.f32 v8, v4;
	v21 =	vsub.f32 v9, v4  }
0x2f7: {  	v22 =	vld [tilespmem:s23+$0x8440];
	v23 =	vsub.f32 v10, v4;
	v24 =	vsub.f32 v11, v4  }
0x2f8: {  	v25 =	vld [tilespmem:s23+$0x8450];
	v26 =	vsub.f32 v12, v4;
	v27 =	vsub.f32 v13, v4  }
0x2f9: {  	v28 =	vld [tilespmem:s23+$0x8460];
	v29 =	vsub.f32 v14, v4;
	v30 =	vsub.f32 v15, v4;
	v17 =	vmul.f32 v17, v5  }
0x2fa: {  	v31 =	vld [tilespmem:s23+$0x8470];
	v57 =	vsub.f32 v16, v4;
	v18 =	vmul.f32 v18, v5;
	v20 =	vmul.f32 v20, v5  }
0x2fb: {  	v58 =	vsub.f32 v19, v4;
	v21 =	vmul.f32 v21, v5;
	v23 =	vmul.f32 v23, v5  }
0x2fc: {  	v59 =	vsub.f32 v22, v4;
	v24 =	vmul.f32 v24, v5;
	v26 =	vmul.f32 v26, v5  }
0x2fd: {  	v60 =	vsub.f32 v25, v4;
	v27 =	vmul.f32 v27, v5;
	v29 =	vmul.f32 v29, v5  }
0x2fe: {  	v61 =	vsub.f32 v28, v4;
	v30 =	vmul.f32 v30, v5;
	v32 =	vmul.f32 v57, v5  }
0x2ff: {  	v62 =	vsub.f32 v31, v4;
	v33 =	vmul.f32 v58, v5;
	v34 =	vmul.f32 v59, v5  }
0x300: {  	v35 =	vmul.f32 v60, v5;
	v36 =	vmul.f32 v61, v5  }
0x301: {  	v37 =	vmul.f32 v62, v5;
	v17 =	vmul.f32 $1.000000000e+02, v17  }
0x302: {  	v18 =	vmul.f32 $1.000000000e+02, v18;
	v20 =	vmul.f32 $1.000000000e+02, v20  }
0x303: {  	v21 =	vmul.f32 $1.000000000e+02, v21;
	v23 =	vmul.f32 $1.000000000e+02, v23  }
0x304: {  	vm13 =	vge.f32 v6, v4;
	v24 =	vmul.f32 $1.000000000e+02, v24;
	v26 =	vmul.f32 $1.000000000e+02, v26  }
0x305: {  	vm12 =	vge.f32 v7, v4;
	v6 =	vmul.f32 $1.000000000e+02, v27;
	v27 =	vmul.f32 $1.000000000e+02, v29  }
0x306: {  	vm11 =	vge.f32 v8, v4;
	v7 =	vmul.f32 $1.000000000e+02, v30;
	v29 =	vmul.f32 $1.000000000e+02, v32  }
0x307: {  	vm9 =	vge.f32 v9, v4;
	v8 =	vmul.f32 $1.000000000e+02, v33;
	v30 =	vmul.f32 $1.000000000e+02, v34  }
0x308: {  	vm8 =	vge.f32 v10, v4;
	v9 =	vmul.f32 $1.000000000e+02, v35;
	v63 =	vmul.f32 $1.000000000e+02, v36  }
0x309: {  	vm6 =	vge.f32 v11, v4;
	v10 =	vmul.f32 $1.000000000e+02, v37;
	v17 =	vtrunc.f32 v17  }
0x30a: {  	vm5 =	vge.f32 v12, v4;
	v11 =	vtrunc.f32 v18;
	v18 =	vtrunc.f32 v20  }
0x30b: {  	vm14 =	vge.f32 v13, v4;
	v12 =	vtrunc.f32 v21;
	v20 =	vtrunc.f32 v23  }
0x30c: {  	vm15 =	vge.f32 v14, v4;
	v13 =	vtrunc.f32 v24;
	v21 =	vtrunc.f32 v26  }
0x30d: {  	vm0 =	vge.f32 v15, v4;
	v6 =	vtrunc.f32 v6;
	v14 =	vtrunc.f32 v27  }
0x30e: {  	vm2 =	vge.f32 v16, v4;
	v7 =	vtrunc.f32 v7;
	v15 =	vtrunc.f32 v29  }
0x30f: {  	vm4 =	vge.f32 v19, v4;
	v8 =	vtrunc.f32 v8;
	v16 =	vtrunc.f32 v30  }
0x310: {  	vm7 =	vge.f32 v22, v4;
	v9 =	vtrunc.f32 v9;
	v17 =	vcvt.f32.s32 v17  }
0x311: {  	vm10 =	vge.f32 v25, v4;
	v19 =	vtrunc.f32 v63;
	v11 =	vcvt.f32.s32 v11  }
0x312: {  	v10 =	vtrunc.f32 v10;
	v18 =	vcvt.f32.s32 v18;
	v17 =	vshll.u32 v17, $0x4  }
0x313: {  	v12 =	vcvt.f32.s32 v12;
	v11 =	vshll.u32 v11, $0x4;
	v17 =	vor.u32 v1, v17  }
0x314: {  	v20 =	vcvt.f32.s32 v20;
	v18 =	vshll.u32 v18, $0x4;
	v11 =	vor.u32 v1, v11  }
0x315: {  	v13 =	vcvt.f32.s32 v13;
	v12 =	vshll.u32 v12, $0x4;
	v18 =	vor.u32 v1, v18  }
0x316: {  	v21 =	vcvt.f32.s32 v21;
	v20 =	vshll.u32 v20, $0x4;
	v12 =	vor.u32 v1, v12  }
0x317: {  	v6 =	vcvt.f32.s32 v6;
	v13 =	vshll.u32 v13, $0x4;
	v20 =	vor.u32 v1, v20  }
0x318: {  	v14 =	vcvt.f32.s32 v14;
	v21 =	vshll.u32 v21, $0x4;
	v13 =	vor.u32 v1, v13;
	[tilespmem:v17+s15+$0x0] =	vst.idx.add.f32.msk vm13, v3  }
0x319: {  	v7 =	vcvt.f32.s32 v7;
	v6 =	vshll.u32 v6, $0x4;
	[tilespmem:v11+s15+$0x0] =	vst.idx.add.f32.msk vm12, v3;
	v11 =	vor.u32 v1, v21  }
0x31a: {  	v15 =	vcvt.f32.s32 v15;
	v14 =	vshll.u32 v14, $0x4;
	v6 =	vor.u32 v1, v6;
	[tilespmem:v18+s15+$0x0] =	vst.idx.add.f32.msk vm11, v3  }
0x31b: {  	v8 =	vcvt.f32.s32 v8;
	v7 =	vshll.u32 v7, $0x4;
	[tilespmem:v12+s15+$0x0] =	vst.idx.add.f32.msk vm9, v3;
	v12 =	vor.u32 v1, v14  }
0x31c: {  	v15 =	vshll.u32 v15, $0x4;
	v7 =	vor.u32 v1, v7;
	v14 =	vcvt.f32.s32 v16;
	[tilespmem:v20+s15+$0x0] =	vst.idx.add.f32.msk vm8, v3  }
0x31d: {  	v9 =	vcvt.f32.s32 v9;
	v8 =	vshll.u32 v8, $0x4;
	[tilespmem:v13+s15+$0x0] =	vst.idx.add.f32.msk vm6, v3;
	v13 =	vor.u32 v1, v15  }
0x31e: {  	v8 =	vor.u32 v1, v8;
	v15 =	vcvt.f32.s32 v19;
	v14 =	vshll.u32 v14, $0x4;
	[tilespmem:v11+s15+$0x0] =	vst.idx.add.f32.msk vm5, v3  }
0x31f: {  	v10 =	vcvt.f32.s32 v10;
	v9 =	vshll.u32 v9, $0x4;
	[tilespmem:v6+s15+$0x0] =	vst.idx.add.f32.msk vm14, v3;
	v6 =	vor.u32 v1, v14  }
0x320: {  	v9 =	vor.u32 v1, v9;
	v11 =	vshll.u32 v15, $0x4;
	vm14 =	vge.f32 v28, v4;
	[tilespmem:v12+s15+$0x0] =	vst.idx.add.f32.msk vm15, v3  }
0x321: {  	v10 =	vshll.u32 v10, $0x4;
	vm15 =	vge.f32 v31, v4;
	[tilespmem:v7+s15+$0x0] =	vst.idx.add.f32.msk vm0, v3;
	v7 =	vor.u32 v1, v11  }
0x322: {  	v10 =	vor.u32 v1, v10;
	[tilespmem:v13+s15+$0x0] =	vst.idx.add.f32.msk vm2, v3  }
0x323: {  	[tilespmem:v8+s15+$0x0] =	vst.idx.add.f32.msk vm4, v3  }
0x324: {  	[tilespmem:v6+s15+$0x0] =	vst.idx.add.f32.msk vm7, v3  }
0x325: {  	[tilespmem:v9+s15+$0x0] =	vst.idx.add.f32.msk vm10, v3  }
0x326: {  	[tilespmem:v7+s15+$0x0] =	vst.idx.add.f32.msk vm14, v3  }
0x327: {  	[tilespmem:v10+s15+$0x0] =	vst.idx.add.f32.msk vm15, v3  }
0x328: {  	v21 =	vld [tilespmem:s23+$0x8800]  }
0x329: {  	v20 =	vld [tilespmem:s23+$0x8810]  }
0x32a: {  	v19 =	vld [tilespmem:s23+$0x8820]  }
0x32b: {  	v18 =	vld [tilespmem:s23+$0x8830]  }
0x32c: {  	v12 =	vld [tilespmem:s23+$0x8840]  }
0x32d: {  	v13 =	vld [tilespmem:s23+$0x8850]  }
0x32e: {  	v15 =	vld [tilespmem:s23+$0x8860]  }
0x32f: {  	v16 =	vld [tilespmem:s23+$0x8870]  }
0x330: {  	v17 =	vld [tilespmem:s23+$0x8C00]  }
0x331: {  	v14 =	vld [tilespmem:s23+$0x8C10]  }
0x332: {  	v10 =	vld [tilespmem:s23+$0x8C20];
	v6 =	vsub.f32 v21, v4;
	v7 =	vsub.f32 v20, v4  }
0x333: {  	v9 =	vld [tilespmem:s23+$0x8C30];
	v24 =	vsub.f32 v19, v4;
	v25 =	vsub.f32 v18, v4  }
0x334: {  	v8 =	vld [tilespmem:s23+$0x8C40];
	v26 =	vsub.f32 v12, v4;
	v27 =	vsub.f32 v13, v4  }
0x335: {  	v11 =	vld [tilespmem:s23+$0x8C50];
	v28 =	vsub.f32 v15, v4;
	v29 =	vsub.f32 v16, v4  }
0x336: {  	v31 =	vsub.f32 v17, v4;
	v30 =	vsub.f32 v14, v4;
	v22 =	vmul.f32 v6, v5;
	v6 =	vld [tilespmem:s23+$0x8C60]  }
0x337: {  	v32 =	vsub.f32 v10, v4;
	v23 =	vmul.f32 v7, v5;
	v24 =	vmul.f32 v24, v5;
	v7 =	vld [tilespmem:s23+$0x8C70]  }
0x338: {  	v33 =	vsub.f32 v9, v4;
	v25 =	vmul.f32 v25, v5;
	v26 =	vmul.f32 v26, v5  }
0x339: {  	v34 =	vsub.f32 v8, v4;
	v27 =	vmul.f32 v27, v5;
	v28 =	vmul.f32 v28, v5;
	s23 =	simm.s32 $0x200  }
.LBB2_13:
0x33a: {  	p0 =	sne.s32 s23, $0x7E00;
	v29 =	vmul.f32 v29, v5;
	v31 =	vmul.f32 v31, v5;
	v35 =	vsub.f32 v11, v4  }
0x33b: {  	v30 =	vmul.f32 v30, v5;
	v32 =	vmul.f32 v32, v5;
	v36 =	vsub.f32 v6, v4  }
0x33c: {  	v33 =	vmul.f32 v33, v5;
	v34 =	vmul.f32 v34, v5;
	v37 =	vsub.f32 v7, v4  }
0x33d: {  	v35 =	vmul.f32 v35, v5;
	v36 =	vmul.f32 v36, v5  }
0x33e: {  	v22 =	vmul.f32 $1.000000000e+02, v22;
	v37 =	vmul.f32 v37, v5  }
0x33f: {  	v23 =	vmul.f32 $1.000000000e+02, v23;
	v24 =	vmul.f32 $1.000000000e+02, v24  }
0x340: {  	v25 =	vmul.f32 $1.000000000e+02, v25;
	v26 =	vmul.f32 $1.000000000e+02, v26  }
0x341: {  	vm2 =	vge.f32 v21, v4;
	v27 =	vmul.f32 $1.000000000e+02, v27;
	v28 =	vmul.f32 $1.000000000e+02, v28  }
0x342: {  	vm1 =	vge.f32 v20, v4;
	v21 =	vmul.f32 $1.000000000e+02, v29;
	v29 =	vmul.f32 $1.000000000e+02, v31  }
0x343: {  	vm0 =	vge.f32 v19, v4;
	s22 =	sadd.s32 $0x80, s22;
	v20 =	vmul.f32 $1.000000000e+02, v30;
	v30 =	vmul.f32 $1.000000000e+02, v32  }
0x344: {  	s24 =	sand.u32 $0x7000, s23;
	vm3 =	vge.f32 v18, v4;
	s25 =	sand.u32 $0x380, s22;
	v19 =	vmul.f32 $1.000000000e+02, v33;
	v31 =	vmul.f32 $1.000000000e+02, v34  }
0x345: {  	vm4 =	vge.f32 v12, v4;
	s24 =	sor.u32 s25, s24;
	v18 =	vmul.f32 $1.000000000e+02, v35;
	v32 =	vmul.f32 $1.000000000e+02, v36  }
0x346: {  	vm5 =	vge.f32 v13, v4;
	v22 =	vtrunc.f32 v22;
	v33 =	vmul.f32 $1.000000000e+02, v37;
	v12 =	vld [tilespmem:s24+$0x8000]  }
0x347: {  	vm6 =	vge.f32 v15, v4;
	v23 =	vtrunc.f32 v23;
	v24 =	vtrunc.f32 v24;
	v13 =	vld [tilespmem:s24+$0x8010]  }
0x348: {  	vm7 =	vge.f32 v16, v4;
	v25 =	vtrunc.f32 v25;
	v26 =	vtrunc.f32 v26;
	v15 =	vld [tilespmem:s24+$0x8020]  }
0x349: {  	vm8 =	vge.f32 v17, v4;
	v27 =	vtrunc.f32 v27;
	v28 =	vtrunc.f32 v28;
	v16 =	vld [tilespmem:s24+$0x8030]  }
0x34a: {  	vm9 =	vge.f32 v14, v4;
	v34 =	vtrunc.f32 v21;
	v29 =	vtrunc.f32 v29;
	v17 =	vld [tilespmem:s24+$0x8040]  }
0x34b: {  	vm10 =	vge.f32 v10, v4;
	v35 =	vtrunc.f32 v20;
	v30 =	vtrunc.f32 v30;
	v14 =	vld [tilespmem:s24+$0x8050]  }
0x34c: {  	vm11 =	vge.f32 v9, v4;
	v36 =	vtrunc.f32 v19;
	v31 =	vtrunc.f32 v31;
	v10 =	vld [tilespmem:s24+$0x8060]  }
0x34d: {  	vm12 =	vge.f32 v8, v4;
	v19 =	vcvt.f32.s32 v22;
	v37 =	vtrunc.f32 v18;
	v9 =	vld [tilespmem:s24+$0x8070]  }
0x34e: {  	vm13 =	vge.f32 v11, v4;
	v8 =	vcvt.f32.s32 v23;
	v23 =	vtrunc.f32 v32;
	v18 =	vld [tilespmem:s24+$0x8400]  }
0x34f: {  	v21 =	vcvt.f32.s32 v24;
	v20 =	vshll.u32 v19, $0x4;
	v24 =	vtrunc.f32 v33;
	v11 =	vld [tilespmem:s24+$0x8410]  }
0x350: {  	v22 =	vcvt.f32.s32 v25;
	v8 =	vshll.u32 v8, $0x4;
	v25 =	vor.u32 v1, v20;
	v19 =	vld [tilespmem:s24+$0x8420]  }
0x351: {  	v26 =	vcvt.f32.s32 v26;
	v32 =	vshll.u32 v21, $0x4;
	v33 =	vor.u32 v1, v8;
	v20 =	vld [tilespmem:s24+$0x8430]  }
0x352: {  	v27 =	vcvt.f32.s32 v27;
	v8 =	vshll.u32 v22, $0x4;
	v32 =	vor.u32 v1, v32;
	v21 =	vld [tilespmem:s24+$0x8440]  }
0x353: {  	v28 =	vcvt.f32.s32 v28;
	v26 =	vshll.u32 v26, $0x4;
	v38 =	vor.u32 v1, v8;
	v22 =	vld [tilespmem:s24+$0x8450]  }
0x354: {  	v34 =	vcvt.f32.s32 v34;
	v27 =	vshll.u32 v27, $0x4;
	v26 =	vor.u32 v1, v26;
	v8 =	vld [tilespmem:s24+$0x8460]  }
0x355: {  	v29 =	vcvt.f32.s32 v29;
	v28 =	vshll.u32 v28, $0x4;
	[tilespmem:v25+s15+$0x0] =	vst.idx.add.f32.msk vm2, v3;
	v25 =	vor.u32 v1, v27  }
0x356: {  	v34 =	vshll.u32 v34, $0x4;
	v28 =	vor.u32 v1, v28;
	v27 =	vcvt.f32.s32 v35;
	[tilespmem:v33+s15+$0x0] =	vst.idx.add.f32.msk vm1, v3  }
0x357: {  	v30 =	vcvt.f32.s32 v30;
	v29 =	vshll.u32 v29, $0x4;
	[tilespmem:v32+s15+$0x0] =	vst.idx.add.f32.msk vm0, v3;
	v32 =	vor.u32 v1, v34  }
0x358: {  	v29 =	vor.u32 v1, v29;
	v33 =	vcvt.f32.s32 v36;
	v27 =	vshll.u32 v27, $0x4;
	[tilespmem:v38+s15+$0x0] =	vst.idx.add.f32.msk vm3, v3  }
0x359: {  	v31 =	vcvt.f32.s32 v31;
	v30 =	vshll.u32 v30, $0x4;
	[tilespmem:v26+s15+$0x0] =	vst.idx.add.f32.msk vm4, v3;
	v26 =	vor.u32 v1, v27  }
0x35a: {  	v33 =	vshll.u32 v33, $0x4;
	v27 =	vcvt.f32.s32 v37;
	[tilespmem:v25+s15+$0x0] =	vst.idx.add.f32.msk vm5, v3;
	v25 =	vor.u32 v1, v30  }
0x35b: {  	v23 =	vcvt.f32.s32 v23;
	v30 =	vshll.u32 v31, $0x4;
	[tilespmem:v28+s15+$0x0] =	vst.idx.add.f32.msk vm6, v3;
	v28 =	vor.u32 v1, v33  }
0x35c: {  	v24 =	vcvt.f32.s32 v24;
	v27 =	vshll.u32 v27, $0x4;
	v30 =	vor.u32 v1, v30;
	[tilespmem:v32+s15+$0x0] =	vst.idx.add.f32.msk vm7, v3  }
0x35d: {  	v23 =	vshll.u32 v23, $0x4;
	vm0 =	vge.f32 v6, v4;
	v6 =	vor.u32 v1, v27;
	[tilespmem:v29+s15+$0x0] =	vst.idx.add.f32.msk vm8, v3  }
0x35e: {  	v24 =	vshll.u32 v24, $0x4;
	vm1 =	vge.f32 v7, v4;
	v7 =	vor.u32 v1, v23;
	[tilespmem:v26+s15+$0x0] =	vst.idx.add.f32.msk vm9, v3  }
0x35f: {  	v24 =	vor.u32 v1, v24;
	v23 =	vsub.f32 v12, v4;
	[tilespmem:v25+s15+$0x0] =	vst.idx.add.f32.msk vm10, v3  }
0x360: {  	v26 =	vsub.f32 v15, v4;
	v25 =	vsub.f32 v13, v4;
	[tilespmem:v28+s15+$0x0] =	vst.idx.add.f32.msk vm11, v3  }
0x361: {  	v27 =	vsub.f32 v16, v4;
	v28 =	vsub.f32 v17, v4;
	[tilespmem:v30+s15+$0x0] =	vst.idx.add.f32.msk vm12, v3  }
0x362: {  	v29 =	vsub.f32 v14, v4;
	v30 =	vsub.f32 v10, v4;
	[tilespmem:v6+s15+$0x0] =	vst.idx.add.f32.msk vm13, v3  }
0x363: {  	v31 =	vsub.f32 v9, v4;
	v32 =	vsub.f32 v18, v4;
	[tilespmem:v7+s15+$0x0] =	vst.idx.add.f32.msk vm0, v3  }
0x364: {  	v7 =	vmul.f32 v23, v5;
	v23 =	vsub.f32 v11, v4;
	[tilespmem:v24+s15+$0x0] =	vst.idx.add.f32.msk vm1, v3  }
0x365: {  	v24 =	vmul.f32 v25, v5;
	v25 =	vmul.f32 v26, v5;
	v26 =	vsub.f32 v19, v4;
	v6 =	vld [tilespmem:s24+$0x8470]  }
0x366: {  	v33 =	vsub.f32 v20, v4;
	v27 =	vmul.f32 v27, v5;
	v28 =	vmul.f32 v28, v5  }
0x367: {  	v34 =	vsub.f32 v21, v4;
	v29 =	vmul.f32 v29, v5;
	v30 =	vmul.f32 v30, v5  }
0x368: {  	v35 =	vsub.f32 v22, v4;
	v31 =	vmul.f32 v31, v5;
	v32 =	vmul.f32 v32, v5  }
0x369: {  	v36 =	vsub.f32 v8, v4;
	v23 =	vmul.f32 v23, v5;
	v26 =	vmul.f32 v26, v5  }
0x36a: {  	v34 =	vmul.f32 v34, v5;
	v33 =	vmul.f32 v33, v5;
	v37 =	vsub.f32 v6, v4  }
0x36b: {  	v35 =	vmul.f32 v35, v5;
	v36 =	vmul.f32 v36, v5  }
0x36c: {  	v7 =	vmul.f32 $1.000000000e+02, v7;
	v37 =	vmul.f32 v37, v5  }
0x36d: {  	v24 =	vmul.f32 $1.000000000e+02, v24;
	v25 =	vmul.f32 $1.000000000e+02, v25  }
0x36e: {  	v27 =	vmul.f32 $1.000000000e+02, v27;
	v28 =	vmul.f32 $1.000000000e+02, v28  }
0x36f: {  	v29 =	vmul.f32 $1.000000000e+02, v29;
	vm13 =	vge.f32 v12, v4;
	v30 =	vmul.f32 $1.000000000e+02, v30  }
0x370: {  	vm12 =	vge.f32 v13, v4;
	v12 =	vmul.f32 $1.000000000e+02, v31;
	v31 =	vmul.f32 $1.000000000e+02, v32  }
0x371: {  	vm11 =	vge.f32 v15, v4;
	v13 =	vmul.f32 $1.000000000e+02, v23;
	v23 =	vmul.f32 $1.000000000e+02, v26  }
0x372: {  	vm9 =	vge.f32 v16, v4;
	v15 =	vmul.f32 $1.000000000e+02, v33;
	v26 =	vmul.f32 $1.000000000e+02, v34  }
0x373: {  	vm8 =	vge.f32 v17, v4;
	v16 =	vmul.f32 $1.000000000e+02, v35;
	v32 =	vmul.f32 $1.000000000e+02, v36  }
0x374: {  	vm6 =	vge.f32 v14, v4;
	v7 =	vtrunc.f32 v7;
	v17 =	vmul.f32 $1.000000000e+02, v37  }
0x375: {  	vm5 =	vge.f32 v10, v4;
	v14 =	vtrunc.f32 v24;
	v24 =	vtrunc.f32 v25  }
0x376: {  	vm3 =	vge.f32 v9, v4;
	v10 =	vtrunc.f32 v27;
	v25 =	vtrunc.f32 v28  }
0x377: {  	v9 =	vtrunc.f32 v29;
	vm1 =	vge.f32 v18, v4;
	v27 =	vtrunc.f32 v30  }
0x378: {  	vm0 =	vge.f32 v11, v4;
	v12 =	vtrunc.f32 v12;
	v18 =	vtrunc.f32 v31  }
0x379: {  	vm2 =	vge.f32 v19, v4;
	v11 =	vtrunc.f32 v13;
	v13 =	vtrunc.f32 v23  }
0x37a: {  	vm4 =	vge.f32 v20, v4;
	v15 =	vtrunc.f32 v15;
	v19 =	vtrunc.f32 v26  }
0x37b: {  	vm7 =	vge.f32 v21, v4;
	v16 =	vtrunc.f32 v16;
	v7 =	vcvt.f32.s32 v7  }
0x37c: {  	vm10 =	vge.f32 v22, v4;
	v20 =	vtrunc.f32 v32;
	v14 =	vcvt.f32.s32 v14  }
0x37d: {  	v21 =	vcvt.f32.s32 v24;
	v7 =	vshll.u32 v7, $0x4;
	v17 =	vtrunc.f32 v17  }
0x37e: {  	v10 =	vcvt.f32.s32 v10;
	v14 =	vshll.u32 v14, $0x4;
	v7 =	vor.u32 v1, v7  }
0x37f: {  	v22 =	vcvt.f32.s32 v25;
	v21 =	vshll.u32 v21, $0x4;
	v14 =	vor.u32 v1, v14  }
0x380: {  	v9 =	vcvt.f32.s32 v9;
	v10 =	vshll.u32 v10, $0x4;
	v21 =	vor.u32 v1, v21  }
0x381: {  	v10 =	vor.u32 v1, v10;
	v23 =	vcvt.f32.s32 v27;
	v22 =	vshll.u32 v22, $0x4  }
0x382: {  	v12 =	vcvt.f32.s32 v12;
	v9 =	vshll.u32 v9, $0x4;
	v22 =	vor.u32 v1, v22  }
0x383: {  	v18 =	vcvt.f32.s32 v18;
	v23 =	vshll.u32 v23, $0x4;
	[tilespmem:v7+s15+$0x0] =	vst.idx.add.f32.msk vm13, v3;
	v7 =	vor.u32 v1, v9  }
0x384: {  	v9 =	vcvt.f32.s32 v11;
	v11 =	vshll.u32 v12, $0x4;
	v12 =	vor.u32 v1, v23;
	[tilespmem:v14+s15+$0x0] =	vst.idx.add.f32.msk vm12, v3  }
0x385: {  	v13 =	vcvt.f32.s32 v13;
	v14 =	vshll.u32 v18, $0x4;
	v11 =	vor.u32 v1, v11;
	[tilespmem:v21+s15+$0x0] =	vst.idx.add.f32.msk vm11, v3  }
0x386: {  	v15 =	vcvt.f32.s32 v15;
	v9 =	vshll.u32 v9, $0x4;
	[tilespmem:v10+s15+$0x0] =	vst.idx.add.f32.msk vm9, v3;
	v10 =	vor.u32 v1, v14  }
0x387: {  	v13 =	vshll.u32 v13, $0x4;
	v14 =	vcvt.f32.s32 v19;
	v9 =	vor.u32 v1, v9;
	[tilespmem:v22+s15+$0x0] =	vst.idx.add.f32.msk vm8, v3  }
0x388: {  	v16 =	vcvt.f32.s32 v16;
	v15 =	vshll.u32 v15, $0x4;
	[tilespmem:v7+s15+$0x0] =	vst.idx.add.f32.msk vm6, v3;
	v7 =	vor.u32 v1, v13  }
0x389: {  	v13 =	vcvt.f32.s32 v20;
	v14 =	vshll.u32 v14, $0x4;
	[tilespmem:v12+s15+$0x0] =	vst.idx.add.f32.msk vm5, v3;
	v12 =	vor.u32 v1, v15  }
0x38a: {  	v16 =	vshll.u32 v16, $0x4;
	v15 =	vcvt.f32.s32 v17;
	[tilespmem:v11+s15+$0x0] =	vst.idx.add.f32.msk vm3, v3;
	v11 =	vor.u32 v1, v14  }
0x38b: {  	v13 =	vshll.u32 v13, $0x4;
	vm3 =	vge.f32 v8, v4;
	v8 =	vor.u32 v1, v16;
	[tilespmem:v10+s15+$0x0] =	vst.idx.add.f32.msk vm1, v3  }
0x38c: {  	v10 =	vshll.u32 v15, $0x4;
	vm1 =	vge.f32 v6, v4;
	v6 =	vor.u32 v1, v13;
	[tilespmem:v9+s15+$0x0] =	vst.idx.add.f32.msk vm0, v3  }
0x38d: {  	[tilespmem:v7+s15+$0x0] =	vst.idx.add.f32.msk vm2, v3;
	v7 =	vor.u32 v1, v10  }
0x38e: {  	[tilespmem:v12+s15+$0x0] =	vst.idx.add.f32.msk vm4, v3  }
0x38f: {  	[tilespmem:v11+s15+$0x0] =	vst.idx.add.f32.msk vm7, v3  }
0x390: {  	[tilespmem:v8+s15+$0x0] =	vst.idx.add.f32.msk vm10, v3  }
0x391: {  	[tilespmem:v6+s15+$0x0] =	vst.idx.add.f32.msk vm3, v3  }
0x392: {  	[tilespmem:v7+s15+$0x0] =	vst.idx.add.f32.msk vm1, v3  }
0x393: {  	v21 =	vld [tilespmem:s24+$0x8800]  }
0x394: {  	v20 =	vld [tilespmem:s24+$0x8810]  }
0x395: {  	v19 =	vld [tilespmem:s24+$0x8820]  }
0x396: {  	v18 =	vld [tilespmem:s24+$0x8830]  }
0x397: {  	v12 =	vld [tilespmem:s24+$0x8840]  }
0x398: {  	v13 =	vld [tilespmem:s24+$0x8850]  }
0x399: {  	v15 =	vld [tilespmem:s24+$0x8860]  }
0x39a: {  	v16 =	vld [tilespmem:s24+$0x8870]  }
0x39b: {  	v17 =	vld [tilespmem:s24+$0x8C00]  }
0x39c: {  	v14 =	vld [tilespmem:s24+$0x8C10]  }
0x39d: {  	v7 =	vsub.f32 v21, v4;
	v23 =	vsub.f32 v20, v4;
	v10 =	vld [tilespmem:s24+$0x8C20]  }
0x39e: {  	v24 =	vsub.f32 v19, v4;
	v25 =	vsub.f32 v18, v4;
	v9 =	vld [tilespmem:s24+$0x8C30]  }
0x39f: {  	v26 =	vsub.f32 v12, v4;
	v27 =	vsub.f32 v13, v4;
	v8 =	vld [tilespmem:s24+$0x8C40]  }
.Ltmp5:
0x3a0: {  	v28 =	vsub.f32 v15, v4;
	v29 =	vsub.f32 v16, v4;
	v11 =	vld [tilespmem:s24+$0x8C50];
	(pc) =	sbr.rel @p0 .LBB2_13-.Ltmp5, $4  }
0x3a1: {  	v22 =	vmul.f32 v7, v5;
	v31 =	vsub.f32 v17, v4;
	v6 =	vld [tilespmem:s24+$0x8C60];
	v30 =	vsub.f32 v14, v4  }
0x3a2: {  	v23 =	vmul.f32 v23, v5;
	v24 =	vmul.f32 v24, v5;
	v7 =	vld [tilespmem:s24+$0x8C70];
	v32 =	vsub.f32 v10, v4  }
0x3a3: {  	v25 =	vmul.f32 v25, v5;
	v26 =	vmul.f32 v26, v5;
	v33 =	vsub.f32 v9, v4  }
0x3a4: {  	s23 =	sadd.s32 $0x200, s23;
	v27 =	vmul.f32 v27, v5;
	v28 =	vmul.f32 v28, v5;
	v34 =	vsub.f32 v8, v4  }
0x3a5: {  	v29 =	vmul.f32 v29, v5;
	v31 =	vmul.f32 v31, v5  }
0x3a6: {  	v30 =	vmul.f32 v30, v5;
	v32 =	vmul.f32 v32, v5  }
0x3a7: {  	v33 =	vmul.f32 v33, v5;
	v22 =	vmul.f32 $1.000000000e+02, v22  }
0x3a8: {  	v23 =	vmul.f32 $1.000000000e+02, v23;
	v24 =	vmul.f32 $1.000000000e+02, v24  }
0x3a9: {  	v35 =	vsub.f32 v11, v4;
	v25 =	vmul.f32 $1.000000000e+02, v25;
	v26 =	vmul.f32 $1.000000000e+02, v26  }
0x3aa: {  	vm13 =	vge.f32 v21, v4;
	vm12 =	vge.f32 v20, v4;
	v34 =	vmul.f32 v34, v5  }
0x3ab: {  	vm11 =	vge.f32 v19, v4;
	v27 =	vmul.f32 $1.000000000e+02, v27;
	v28 =	vmul.f32 $1.000000000e+02, v28  }
0x3ac: {  	vm9 =	vge.f32 v18, v4;
	v35 =	vmul.f32 v35, v5;
	v54 =	vmul.f32 $1.000000000e+02, v29  }
0x3ad: {  	vm8 =	vge.f32 v12, v4;
	v55 =	vmul.f32 $1.000000000e+02, v31;
	v56 =	vmul.f32 $1.000000000e+02, v30  }
0x3ae: {  	v36 =	vsub.f32 v6, v4;
	v57 =	vmul.f32 $1.000000000e+02, v32;
	v58 =	vmul.f32 $1.000000000e+02, v33  }
0x3af: {  	vm6 =	vge.f32 v13, v4;
	v22 =	vtrunc.f32 v22;
	v63 =	vtrunc.f32 v23  }
0x3b0: {  	vm5 =	vge.f32 v15, v4;
	v33 =	vtrunc.f32 v24;
	v36 =	vmul.f32 v36, v5  }
0x3b1: {  	v37 =	vsub.f32 v7, v4;
	v59 =	vmul.f32 $1.000000000e+02, v34;
	v34 =	vtrunc.f32 v25  }
0x3b2: {  	vm3 =	vge.f32 v16, v4;
	v44 =	vcvt.f32.s32 v22;
	v45 =	vcvt.f32.s32 v63  }
0x3b3: {  	vm1 =	vge.f32 v17, v4;
	v47 =	vcvt.f32.s32 v33;
	v37 =	vmul.f32 v37, v5  }
0x3b4: {  	vm0 =	vge.f32 v14, v4;
	v60 =	vmul.f32 $1.000000000e+02, v35;
	v35 =	vtrunc.f32 v26  }
0x3b5: {  	vm2 =	vge.f32 v10, v4;
	v38 =	vtrunc.f32 v54;
	v39 =	vtrunc.f32 v55  }
0x3b6: {  	vm4 =	vge.f32 v9, v4;
	v40 =	vtrunc.f32 v56;
	v41 =	vtrunc.f32 v57  }
0x3b7: {  	vm7 =	vge.f32 v8, v4;
	v42 =	vtrunc.f32 v58;
	v15 =	vcvt.f32.s32 v34  }
0x3b8: {  	vm10 =	vge.f32 v11, v4;
	v61 =	vmul.f32 $1.000000000e+02, v36;
	v36 =	vtrunc.f32 v27  }
0x3b9: {  	v43 =	vtrunc.f32 v59;
	v9 =	vshll.u32 v44, $0x4;
	v8 =	vshll.u32 v45, $0x4  }
0x3ba: {  	v48 =	vcvt.f32.s32 v35;
	v11 =	vshll.u32 v47, $0x4;
	v17 =	vcvt.f32.s32 v38  }
0x3bb: {  	v21 =	vcvt.f32.s32 v39;
	v14 =	vcvt.f32.s32 v40;
	v9 =	vor.u32 v1, v9  }
0x3bc: {  	v62 =	vmul.f32 $1.000000000e+02, v37;
	v37 =	vtrunc.f32 v28;
	v8 =	vor.u32 v1, v8  }
0x3bd: {  	v16 =	vcvt.f32.s32 v36;
	v15 =	vshll.u32 v15, $0x4;
	v11 =	vor.u32 v1, v11  }
0x3be: {  	v49 =	vcvt.f32.s32 v37;
	v22 =	vshll.u32 v48, $0x4;
	v15 =	vor.u32 v1, v15  }
0x3bf: {  	v53 =	vcvt.f32.s32 v41;
	v16 =	vshll.u32 v16, $0x4;
	v22 =	vor.u32 v1, v22  }
0x3c0: {  	v10 =	vcvt.f32.s32 v42;
	v23 =	vshll.u32 v49, $0x4;
	v50 =	vor.u32 v1, v16;
	[tilespmem:v9+s15+$0x0] =	vst.idx.add.f32.msk vm13, v3  }
0x3c1: {  	v18 =	vtrunc.f32 v60;
	v51 =	vshll.u32 v17, $0x4;
	v52 =	vor.u32 v1, v23;
	[tilespmem:v8+s15+$0x0] =	vst.idx.add.f32.msk vm12, v3  }
0x3c2: {  	v57 =	vcvt.f32.s32 v43;
	v54 =	vshll.u32 v21, $0x4;
	v55 =	vor.u32 v1, v51;
	[tilespmem:v11+s15+$0x0] =	vst.idx.add.f32.msk vm11, v3  }
0x3c3: {  	v46 =	vtrunc.f32 v61;
	v14 =	vshll.u32 v14, $0x4;
	v56 =	vor.u32 v1, v54;
	[tilespmem:v15+s15+$0x0] =	vst.idx.add.f32.msk vm9, v3  }
0x3c4: {  	v17 =	vshll.u32 v53, $0x4;
	v18 =	vcvt.f32.s32 v18;
	v14 =	vor.u32 v1, v14;
	[tilespmem:v22+s15+$0x0] =	vst.idx.add.f32.msk vm8, v3  }
0x3c5: {  	v10 =	vshll.u32 v10, $0x4;
	v12 =	vtrunc.f32 v62;
	v58 =	vor.u32 v1, v17;
	[tilespmem:v50+s15+$0x0] =	vst.idx.add.f32.msk vm6, v3  }
0x3c6: {  	v13 =	vcvt.f32.s32 v46;
	v59 =	vor.u32 v1, v10;
	v16 =	vshll.u32 v57, $0x4;
	[tilespmem:v52+s15+$0x0] =	vst.idx.add.f32.msk vm5, v3  }
0x3c7: {  	v60 =	vcvt.f32.s32 v12;
	v61 =	vshll.u32 v18, $0x4;
	v62 =	vor.u32 v1, v16;
	[tilespmem:v55+s15+$0x0] =	vst.idx.add.f32.msk vm3, v3  }
0x3c8: {  	vm14 =	vge.f32 v6, v4;
	v13 =	vshll.u32 v13, $0x4;
	v6 =	vor.u32 v1, v61;
	[tilespmem:v56+s15+$0x0] =	vst.idx.add.f32.msk vm1, v3  }
0x3c9: {  	s21 =	sadd.s32 $0x1, s21;
	vm15 =	vge.f32 v7, v4;
	v10 =	vshll.u32 v60, $0x4;
	v7 =	vor.u32 v1, v13;
	[tilespmem:v14+s15+$0x0] =	vst.idx.add.f32.msk vm0, v3  }
0x3ca: {  	p0 =	sne.s32 s21, $0xC;
	v63 =	vor.u32 v1, v10;
	[tilespmem:v58+s15+$0x0] =	vst.idx.add.f32.msk vm2, v3  }
.Ltmp6:
0x3cb: {  	[tilespmem:v59+s15+$0x0] =	vst.idx.add.f32.msk vm4, v3;
	(pc) =	sbr.rel @p0 .LBB2_10-.Ltmp6, $4  }
0x3cc: {  	[tilespmem:v62+s15+$0x0] =	vst.idx.add.f32.msk vm7, v3  }
0x3cd: {  	[tilespmem:v6+s15+$0x0] =	vst.idx.add.f32.msk vm10, v3  }
0x3ce: {  	[tilespmem:v7+s15+$0x0] =	vst.idx.add.f32.msk vm14, v3  }
0x3cf: {  	[tilespmem:v63+s15+$0x0] =	vst.idx.add.f32.msk vm15, v3  }
0x3d0: {  	s19 =	sadd.s32 $0x1, s19  }
0x3d1: {  	p0 =	sne.s32 s19, s10  }
.Ltmp7:
0x3d2: {  	_ = 	snop;
	(pc) =	sbr.rel @p0 .LBB2_1-.Ltmp7, $4  }
0x3d3: {  	[hbm4b:s9+s17] =	stream.strided.scatter [tilespmem:s15], [sflag:$0x3], $0x680, s18, s17, $0x38;
	[tilespmem:$0x10700] =	vst v63  }
0x3d4: {  	_ =	swait.ge [sflag:s12], $0x680  }
0x3d5: {  	[sflag:s12] =	ssyncset.done $0x0  }
0x3d6: {  	[sflag:s12] =	ssyncadd.s32 $0xFFFFF980  }
0x3d7: {  	_ =	sfence.sel $0x180000  }
0x3d8: {  	[bflag:$0x0] =	sbarrier.arrive $0xFFFF  }
0x3d9: {  	p0 =	sne.s32 s3, $0x0;
	_ =	strace $0x90000047  }
0x3da: {  	s0 =	sadd.s32 @!p0 $0x100000, s0;
	[bflag:$0x2] =	sbarrier.arrive $0xFFFF  }
0x3db: {  	[sflag:s0] =	ssyncadd.tile.s32 @!p0 $0x1;
	_ =	shalt  }
.Lfunc_end2:
_tile_overlayer_lowered:
.L_overlay_start_2:
0x3dc: {  	(tag) =	ssettag $0x2  }
0x3dd: {  	s0 =	rddreg [dreg:$0x0];
	s2 =	stileid.u32  }
0x3de: {  	s1 =	rddreg [dreg:$0x1];
	p0 =	sne.s32 s2, $0x0  }
0x3df: {  	s3 =	rddreg [dreg:$0x2];
	[bflag:$0x3] =	sbarrier.arrive $0xFFFF;
	s2 =	simm.s32 @!p0 $0x1C03  }
0x3e0: {  	[timem:s3], [sflag:s2] =	dma.local @!p0 [hbm:s0], s1  }
0x3e1: {  	s0 =	simm.s32 @!p0 $0x3  }
0x3e2: {  	_ =	swait.ge @!p0 [sflag:s0], s1  }
0x3e3: {  	s1 =	ssub.s32 @!p0 $0x0, s1;
	[sflag:s0] =	ssyncset.done @!p0 $0x0  }
0x3e4: {  	[sflag:s0] =	ssyncadd.s32 @!p0 s1  }
0x3e5: {  	[bflag:$0x3] =	sbarrier.arrive $0xFFFF  }
0x3e6: {  	_ =	shalt  }

</sc_bundles>
